<compile_context>
chip_gen: v7x
topology: tpu7x:2x2x1
jax: 0.10.2.dev20260603
libtpu: 0.0.44.dev20260713+nightly
codegen_flags: <defaults>
</compile_context>

<pallas_src>
import jax
import jax.numpy as jnp
from jax import lax
from jax.experimental import pallas as pl
from jax.experimental.pallas import tpu as pltpu
from jax.experimental.pallas import tpu_sc as plsc

N = 10000
E = 320000
D = 128

NC = 2
NS = 16
NW = NC * NS
K = 96
CPT = 105
EPT = K * CPT
EPAD = EPT * NW
RPS = N // NS
NEG_SLOPE = 0.01

_SC_PARAMS = pltpu.CompilerParams(needs_layout_passes=False)


def _tc1_body(h_ref, wt_ref, aw_ref, z_ref, sl_ref, sr_ref):
    z = jnp.dot(h_ref[...], wt_ref[...], preferred_element_type=jnp.float32)
    z_ref[...] = z
    al = aw_ref[0, :D]
    ar = aw_ref[0, D:]
    sl_ref[...] = jnp.sum(z * al[None, :], axis=1)
    sr_ref[...] = jnp.sum(z * ar[None, :], axis=1)


def _tc1(h, wt, a_w):
    return pl.pallas_call(
        _tc1_body,
        out_shape=[
            jax.ShapeDtypeStruct((N, D), jnp.float32),
            jax.ShapeDtypeStruct((N,), jnp.float32),
            jax.ShapeDtypeStruct((N,), jnp.float32),
        ],
    )(h, wt, a_w)


def _sca_body(sl_hbm, sr_hbm, ef_hbm, zden_hbm,
              ex_hbm, den_hbm,
              sl_v, sr_v, src_v, dst_v, ex_v, den_v, mbuf_v):
    cid = lax.axis_index("c")
    sid = lax.axis_index("s")
    wid = sid * NC + cid

    pltpu.sync_copy(sl_hbm, sl_v)
    pltpu.sync_copy(sr_hbm, sr_v)
    pltpu.sync_copy(ef_hbm.at[0, wid], src_v)
    pltpu.sync_copy(ef_hbm.at[1, wid], dst_v)
    pltpu.sync_copy(zden_hbm, den_v)

    iota16 = lax.iota(jnp.int32, 16)

    def _mx(ref):
        def body(i, m):
            return jnp.maximum(m, ref[pl.ds(i * 16, 16)])
        m16 = lax.fori_loop(0, N // 16, body,
                            jnp.full((16,), -jnp.inf, jnp.float32))
        for sh in (8, 4, 2, 1):
            mbuf_v[pl.ds(0, 16)] = m16
            m16 = jnp.maximum(m16, plsc.load_gather(
                mbuf_v, [jnp.bitwise_xor(iota16, sh)]))
        return m16

    msum = _mx(sl_v) + _mx(sr_v)
    M = jnp.where(msum > 0, msum, NEG_SLOPE * msum)

    ebase = wid * EPT

    def pa(i, carry):
        s16 = src_v[pl.ds(i * 16, 16)]
        d16 = dst_v[pl.ds(i * 16, 16)]
        a = plsc.load_gather(sl_v, [s16])
        b = plsc.load_gather(sr_v, [d16])
        e = a + b
        e = jnp.where(e > 0, e, NEG_SLOPE * e)
        ex = jnp.exp(e - M)
        gid = ebase + i * 16 + iota16
        ex = jnp.where(gid < E, ex, 0.0)
        ex_v[pl.ds(i * 16, 16)] = ex
        plsc.addupdate_scatter(den_v, [d16], ex)
        return carry

    lax.fori_loop(0, EPT // 16, pa, 0)
    pltpu.sync_copy(ex_v, ex_hbm.at[wid])
    pltpu.sync_copy(den_v, den_hbm.at[wid])


def _sca(sl, sr, eflat, zden):
    mesh = plsc.VectorSubcoreMesh(core_axis_name="c", subcore_axis_name="s")
    f = pl.kernel(
        _sca_body,
        out_type=[
            jax.ShapeDtypeStruct((NW, EPT), jnp.float32),
            jax.ShapeDtypeStruct((NW, N), jnp.float32),
        ],
        mesh=mesh,
        compiler_params=_SC_PARAMS,
        scratch_types=[
            pltpu.VMEM((N,), jnp.float32),
            pltpu.VMEM((N,), jnp.float32),
            pltpu.VMEM((EPT,), jnp.int32),
            pltpu.VMEM((EPT,), jnp.int32),
            pltpu.VMEM((EPT,), jnp.float32),
            pltpu.VMEM((N,), jnp.float32),
            pltpu.VMEM((128,), jnp.float32),
        ],
    )
    return f(sl, sr, eflat, zden)


def _scb_body(z_hbm, exc_hbm, ef_hbm, dst3_hbm, zrow_hbm,
              part_hbm,
              src_v, rows0_v, rows1_v, rows2_v,
              dstb0_v, dstb1_v, dstb2_v, exb0_v, exb1_v, exb2_v,
              acc_sh, gsem0, gsem1, gsem2, isem0, isem1, isem2,
              ssem0, ssem1, ssem2):
    cid = lax.axis_index("c")
    sid = lax.axis_index("s")
    wid = sid * NC + cid
    rows = (rows0_v, rows1_v, rows2_v)
    dstb = (dstb0_v, dstb1_v, dstb2_v)
    exb = (exb0_v, exb1_v, exb2_v)
    gsems = (gsem0, gsem1, gsem2)
    isems = (isem0, isem1, isem2)
    ssems = (ssem0, ssem1, ssem2)

    pltpu.sync_copy(ef_hbm.at[0, wid], src_v)

    pltpu.sync_copy(zrow_hbm, rows0_v)
    base_row = sid * RPS
    for j in range(RPS // K):
        pltpu.sync_copy(rows0_v, acc_sh.at[pl.ds(base_row + j * K, K)])
    pltpu.sync_copy(rows0_v.at[pl.ds(0, RPS % K)],
                    acc_sh.at[pl.ds(base_row + (RPS // K) * K, RPS % K)])
    plsc.subcore_barrier()

    def _fetch(c, b):
        pltpu.async_copy(z_hbm.at[src_v.at[pl.ds(c * K, K)]], rows[b],
                         gsems[b])
        pltpu.async_copy(dst3_hbm.at[wid, c], dstb[b], isems[b])
        pltpu.async_copy(exc_hbm.at[wid, c], exb[b], isems[b])

    def _drain(c, b):
        pltpu.make_async_copy(z_hbm.at[src_v.at[pl.ds(c * K, K)]],
                              rows[b], gsems[b]).wait()
        pltpu.make_async_copy(dst3_hbm.at[wid, c], dstb[b],
                              isems[b]).wait()
        pltpu.make_async_copy(exc_hbm.at[wid, c], exb[b], isems[b]).wait()

    def _drain_scatter(b):
        pltpu.make_async_copy(rows[b], acc_sh.at[dstb[b]], ssems[b]).wait()

    _fetch(0, 0)

    def _process(c, b):
        _drain(c, b)

        @pl.when(c >= 2)
        def _():
            _drain_scatter((b + 1) % 3)

        @pl.when(c < CPT - 1)
        def _():
            _fetch(c + 1, (b + 1) % 3)

        def row(jj, carry2):
            for u in range(8):
                j = 8 * jj + u
                b16 = plsc.load_gather(
                    exb[b], [jnp.full((16,), j, jnp.int32)])
                for k in range(D // 16):
                    sl_ = pl.ds(k * 16, 16)
                    rows[b][j, sl_] = rows[b][j, sl_] * b16
            return carry2

        lax.fori_loop(0, K // 8, row, 0)
        pltpu.async_copy(rows[b], acc_sh.at[dstb[b]], ssems[b], add=True)

    def pb(c3, carry):
        for u in range(3):
            _process(3 * c3 + u, u)
        return carry

    lax.fori_loop(0, CPT // 3, pb, 0)
    _drain_scatter((CPT - 2) % 3)
    _drain_scatter((CPT - 1) % 3)

    plsc.subcore_barrier()
    pltpu.sync_copy(acc_sh.at[pl.ds(base_row, RPS)], part_hbm.at[cid, sid])


def _scb(z, exc, eflat, dst3, zrow):
    mesh = plsc.VectorSubcoreMesh(core_axis_name="c", subcore_axis_name="s")
    f = pl.kernel(
        _scb_body,
        out_type=jax.ShapeDtypeStruct((NC, NS, RPS, D), jnp.float32),
        mesh=mesh,
        compiler_params=_SC_PARAMS,
        scratch_types=[
            pltpu.VMEM((EPT,), jnp.int32),
            pltpu.VMEM((K, D), jnp.float32),
            pltpu.VMEM((K, D), jnp.float32),
            pltpu.VMEM((K, D), jnp.float32),
            pltpu.VMEM((K,), jnp.int32),
            pltpu.VMEM((K,), jnp.int32),
            pltpu.VMEM((K,), jnp.int32),
            pltpu.VMEM((K,), jnp.float32),
            pltpu.VMEM((K,), jnp.float32),
            pltpu.VMEM((K,), jnp.float32),
            pltpu.VMEM_SHARED((N, D), jnp.float32),
            pltpu.SemaphoreType.DMA,
            pltpu.SemaphoreType.DMA,
            pltpu.SemaphoreType.DMA,
            pltpu.SemaphoreType.DMA,
            pltpu.SemaphoreType.DMA,
            pltpu.SemaphoreType.DMA,
            pltpu.SemaphoreType.DMA,
            pltpu.SemaphoreType.DMA,
            pltpu.SemaphoreType.DMA,
        ],
    )
    return f(z, exc, eflat, dst3, zrow)


def _tc2_body(p_ref, d_ref, out_ref):
    d = jnp.sum(d_ref[...], axis=0)
    s = p_ref[0] + p_ref[1]
    out_ref[...] = s * (1.0 / jnp.maximum(d, 1e-9))[:, None]


def _tc2(p, den):
    return pl.pallas_call(
        _tc2_body,
        out_shape=jax.ShapeDtypeStruct((N, D), jnp.float32),
    )(p, den)


@jax.jit
def kernel(h, edge_index, W_fc, a_w):
    z, sl, sr = _tc1(h, W_fc.T, a_w)
    padv = jnp.arange(EPAD - E, dtype=jnp.int32) % N
    ef = jnp.concatenate(
        [edge_index, jnp.stack([padv, padv])], axis=1)
    eflat = ef.reshape(2, NW, EPT)
    zden = jnp.zeros((N,), jnp.float32)
    zrow = jnp.zeros((K, D), jnp.float32)
    dst3 = ef[1].reshape(NW, CPT, K)
    ex, den = _sca(sl, sr, eflat, zden)
    part = _scb(z, ex.reshape(NW, CPT, K), eflat, dst3, zrow)
    return _tc2(part.reshape(NC, N, D), den)

# --- scband reference (transcript-rebuilt; emitter-appended) ---
"""Pipeline reference for scband-gatlayer-82463372084005 (READ-ONLY COPY).

The authoritative reference and input builder live on the scoring server;
editing this copy changes nothing except your own understanding.
"""

import jax, jax.numpy as jnp
import numpy as np
import math

N = 10000
E = 320000
IN_DIM = 128
OUT_DIM = 128


def setup_inputs(seed: int = 0) -> dict:
    key = jax.random.key(seed)
    k1, k2, k3, k4 = jax.random.split(key, 4)
    h = jax.random.normal(k1, (N, IN_DIM), dtype=jnp.float32)
    edge_index = jax.random.randint(k2, (2, E), 0, N, dtype=jnp.int32)
    # xavier_normal_ with gain for relu: std = gain * sqrt(2 / (fan_in + fan_out))
    gain = math.sqrt(2.0)
    std_fc = gain * math.sqrt(2.0 / (IN_DIM + OUT_DIM))
    W_fc = jax.random.normal(k3, (OUT_DIM, IN_DIM), dtype=jnp.float32) * std_fc
    std_attn = gain * math.sqrt(2.0 / (2 * OUT_DIM + 1))
    a_w = jax.random.normal(k4, (1, 2 * OUT_DIM), dtype=jnp.float32) * std_attn
    return {"h": h, "edge_index": edge_index, "W_fc": W_fc, "a_w": a_w}


def reference(h, edge_index, W_fc, a_w):
    # z = self.fc(h)  (Linear, no bias)
    z = h @ W_fc.T  # [N, OUT_DIM]
    src = edge_index[0]
    dst = edge_index[1]
    # edge_attention: a = attn_fc(cat([z_src, z_dst])); e = leaky_relu(a)
    z2 = jnp.concatenate([z[src], z[dst]], axis=1)  # [E, 2*OUT_DIM]
    e = z2 @ a_w.T  # [E, 1]
    e = jax.nn.leaky_relu(e, negative_slope=0.01)[:, 0]  # [E]
    # reduce: softmax over incoming edges per dst node (segment softmax)
    m = jax.ops.segment_max(e, dst, num_segments=N)
    m = jnp.where(jnp.isfinite(m), m, 0.0)
    ex = jnp.exp(e - m[dst])
    denom = jax.ops.segment_sum(ex, dst, num_segments=N)
    alpha = ex / jnp.maximum(denom[dst], 1e-9)
    # h_out = sum(alpha * z_src) per dst
    out = jax.ops.segment_sum(alpha[:, None] * z[src], dst, num_segments=N)
    return out

if __name__ == "__main__":
    import jax
    _d = setup_inputs()
    print(jax.jit(kernel)(*tuple(_d.values())))

</pallas_src>

<mosaic_0001>
#map = affine_map<(d0, d1) -> (0)>
#map1 = affine_map<(d0, d1) -> (0, 0, 0)>
#map2 = affine_map<(d0, d1) -> (0, 0)>
module attributes {stable_mosaic.version = 14 : i64} {
  func.func @_sca_body(%arg0: i32, %arg1: i32, %arg2: memref<10000xf32, #tpu.memory_space<hbm>>, %arg3: memref<10000xf32, #tpu.memory_space<hbm>>, %arg4: memref<2x32x10080xi32, #tpu.memory_space<hbm>>, %arg5: memref<10000xf32, #tpu.memory_space<hbm>>, %arg6: memref<32x10080xf32, #tpu.memory_space<hbm>>, %arg7: memref<32x10000xf32, #tpu.memory_space<hbm>>, %arg8: memref<10000xf32, #tpu.memory_space<vmem>>, %arg9: memref<10000xf32, #tpu.memory_space<vmem>>, %arg10: memref<10080xi32, #tpu.memory_space<vmem>>, %arg11: memref<10080xi32, #tpu.memory_space<vmem>>, %arg12: memref<10080xf32, #tpu.memory_space<vmem>>, %arg13: memref<10000xf32, #tpu.memory_space<vmem>>, %arg14: memref<128xf32, #tpu.memory_space<vmem>>) attributes {dimension_semantics = [#tpu.dimension_semantics<core_parallel>, #tpu.dimension_semantics<subcore_parallel>], iteration_bounds = array<i64: 2, 16>, scalar_prefetch = 0 : i64, scratch_operands = 7 : i64, tpu.core_type = #tpu.core_type<sc_vector_subcore>, window_params = [{transform_indices = #map}, {transform_indices = #map}, {transform_indices = #map1}, {transform_indices = #map}, {transform_indices = #map2}, {transform_indices = #map2}]} {
    %mul3A = arith.constant 2 : i32
    %mul3A_0 = arith.muli %arg1, %mul3A : i32
    %add3A = arith.addi %mul3A_0, %arg0 : i32
    "tpu.region"() ({
      %run_scoped3A_82 = tpu.sem_alloc : memref<!tpu.dma_semaphore, #tpu.memory_space<semaphore_mem>>
      tpu.enqueue_dma source(%arg2 : memref<10000xf32, #tpu.memory_space<hbm>>) target(%arg8 : memref<10000xf32, #tpu.memory_space<vmem>>) target_semaphore(%run_scoped3A_82 : memref<!tpu.dma_semaphore, #tpu.memory_space<semaphore_mem>>)
      tpu.wait_dma2 semaphore(%run_scoped3A_82 : memref<!tpu.dma_semaphore, #tpu.memory_space<semaphore_mem>>) src(%arg2 : memref<10000xf32, #tpu.memory_space<hbm>>) dst(%arg8 : memref<10000xf32, #tpu.memory_space<vmem>>)
      tpu.yield
    }) : () -> ()
    "tpu.region"() ({
      %run_scoped3A_82 = tpu.sem_alloc : memref<!tpu.dma_semaphore, #tpu.memory_space<semaphore_mem>>
      tpu.enqueue_dma source(%arg3 : memref<10000xf32, #tpu.memory_space<hbm>>) target(%arg9 : memref<10000xf32, #tpu.memory_space<vmem>>) target_semaphore(%run_scoped3A_82 : memref<!tpu.dma_semaphore, #tpu.memory_space<semaphore_mem>>)
      tpu.wait_dma2 semaphore(%run_scoped3A_82 : memref<!tpu.dma_semaphore, #tpu.memory_space<semaphore_mem>>) src(%arg3 : memref<10000xf32, #tpu.memory_space<hbm>>) dst(%arg9 : memref<10000xf32, #tpu.memory_space<vmem>>)
      tpu.yield
    }) : () -> ()
    %run_scoped3A = arith.constant 0 : i32
    "tpu.region"() ({
      %run_scoped3A_82 = tpu.sem_alloc : memref<!tpu.dma_semaphore, #tpu.memory_space<semaphore_mem>>
      %dma_start3A = arith.constant 0 : i32
      %dma_start3A_83 = tpu.memref_slice %arg4[%run_scoped3A, %add3A, %dma_start3A] : memref<2x32x10080xi32, #tpu.memory_space<hbm>> -> memref<1x1x10080xi32, #tpu.memory_space<hbm>>
      %dma_start3A_84 = tpu.memref_squeeze %dma_start3A_83 : memref<1x1x10080xi32, #tpu.memory_space<hbm>> -> memref<10080xi32, #tpu.memory_space<hbm>>
      %dma_start3A_85 = arith.constant 0 : i32
      %dma_start3A_86 = tpu.memref_slice %arg4[%run_scoped3A, %add3A, %dma_start3A_85] : memref<2x32x10080xi32, #tpu.memory_space<hbm>> -> memref<1x1x10080xi32, #tpu.memory_space<hbm>>
      %dma_start3A_87 = tpu.memref_squeeze %dma_start3A_86 : memref<1x1x10080xi32, #tpu.memory_space<hbm>> -> memref<10080xi32, #tpu.memory_space<hbm>>
      tpu.enqueue_dma source(%dma_start3A_87 : memref<10080xi32, #tpu.memory_space<hbm>>) target(%arg10 : memref<10080xi32, #tpu.memory_space<vmem>>) target_semaphore(%run_scoped3A_82 : memref<!tpu.dma_semaphore, #tpu.memory_space<semaphore_mem>>)
      %dma_wait3A = arith.constant 0 : i32
      %dma_wait3A_88 = tpu.memref_slice %arg4[%run_scoped3A, %add3A, %dma_wait3A] : memref<2x32x10080xi32, #tpu.memory_space<hbm>> -> memref<1x1x10080xi32, #tpu.memory_space<hbm>>
      %dma_wait3A_89 = tpu.memref_squeeze %dma_wait3A_88 : memref<1x1x10080xi32, #tpu.memory_space<hbm>> -> memref<10080xi32, #tpu.memory_space<hbm>>
      %dma_wait3A_90 = arith.constant 0 : i32
      %dma_wait3A_91 = tpu.memref_slice %arg4[%run_scoped3A, %add3A, %dma_wait3A_90] : memref<2x32x10080xi32, #tpu.memory_space<hbm>> -> memref<1x1x10080xi32, #tpu.memory_space<hbm>>
      %dma_wait3A_92 = tpu.memref_squeeze %dma_wait3A_91 : memref<1x1x10080xi32, #tpu.memory_space<hbm>> -> memref<10080xi32, #tpu.memory_space<hbm>>
      tpu.wait_dma2 semaphore(%run_scoped3A_82 : memref<!tpu.dma_semaphore, #tpu.memory_space<semaphore_mem>>) src(%dma_wait3A_92 : memref<10080xi32, #tpu.memory_space<hbm>>) dst(%arg10 : memref<10080xi32, #tpu.memory_space<vmem>>)
      tpu.yield
    }) : () -> ()
    %run_scoped3A_1 = arith.constant 1 : i32
    "tpu.region"() ({
      %run_scoped3A_82 = tpu.sem_alloc : memref<!tpu.dma_semaphore, #tpu.memory_space<semaphore_mem>>
      %dma_start3A = arith.constant 0 : i32
      %dma_start3A_83 = tpu.memref_slice %arg4[%run_scoped3A_1, %add3A, %dma_start3A] : memref<2x32x10080xi32, #tpu.memory_space<hbm>> -> memref<1x1x10080xi32, #tpu.memory_space<hbm>>
      %dma_start3A_84 = tpu.memref_squeeze %dma_start3A_83 : memref<1x1x10080xi32, #tpu.memory_space<hbm>> -> memref<10080xi32, #tpu.memory_space<hbm>>
      %dma_start3A_85 = arith.constant 0 : i32
      %dma_start3A_86 = tpu.memref_slice %arg4[%run_scoped3A_1, %add3A, %dma_start3A_85] : memref<2x32x10080xi32, #tpu.memory_space<hbm>> -> memref<1x1x10080xi32, #tpu.memory_space<hbm>>
      %dma_start3A_87 = tpu.memref_squeeze %dma_start3A_86 : memref<1x1x10080xi32, #tpu.memory_space<hbm>> -> memref<10080xi32, #tpu.memory_space<hbm>>
      tpu.enqueue_dma source(%dma_start3A_87 : memref<10080xi32, #tpu.memory_space<hbm>>) target(%arg11 : memref<10080xi32, #tpu.memory_space<vmem>>) target_semaphore(%run_scoped3A_82 : memref<!tpu.dma_semaphore, #tpu.memory_space<semaphore_mem>>)
      %dma_wait3A = arith.constant 0 : i32
      %dma_wait3A_88 = tpu.memref_slice %arg4[%run_scoped3A_1, %add3A, %dma_wait3A] : memref<2x32x10080xi32, #tpu.memory_space<hbm>> -> memref<1x1x10080xi32, #tpu.memory_space<hbm>>
      %dma_wait3A_89 = tpu.memref_squeeze %dma_wait3A_88 : memref<1x1x10080xi32, #tpu.memory_space<hbm>> -> memref<10080xi32, #tpu.memory_space<hbm>>
      %dma_wait3A_90 = arith.constant 0 : i32
      %dma_wait3A_91 = tpu.memref_slice %arg4[%run_scoped3A_1, %add3A, %dma_wait3A_90] : memref<2x32x10080xi32, #tpu.memory_space<hbm>> -> memref<1x1x10080xi32, #tpu.memory_space<hbm>>
      %dma_wait3A_92 = tpu.memref_squeeze %dma_wait3A_91 : memref<1x1x10080xi32, #tpu.memory_space<hbm>> -> memref<10080xi32, #tpu.memory_space<hbm>>
      tpu.wait_dma2 semaphore(%run_scoped3A_82 : memref<!tpu.dma_semaphore, #tpu.memory_space<semaphore_mem>>) src(%dma_wait3A_92 : memref<10080xi32, #tpu.memory_space<hbm>>) dst(%arg11 : memref<10080xi32, #tpu.memory_space<vmem>>)
      tpu.yield
    }) : () -> ()
    "tpu.region"() ({
      %run_scoped3A_82 = tpu.sem_alloc : memref<!tpu.dma_semaphore, #tpu.memory_space<semaphore_mem>>
      tpu.enqueue_dma source(%arg5 : memref<10000xf32, #tpu.memory_space<hbm>>) target(%arg13 : memref<10000xf32, #tpu.memory_space<vmem>>) target_semaphore(%run_scoped3A_82 : memref<!tpu.dma_semaphore, #tpu.memory_space<semaphore_mem>>)
      tpu.wait_dma2 semaphore(%run_scoped3A_82 : memref<!tpu.dma_semaphore, #tpu.memory_space<semaphore_mem>>) src(%arg5 : memref<10000xf32, #tpu.memory_space<hbm>>) dst(%arg13 : memref<10000xf32, #tpu.memory_space<vmem>>)
      tpu.yield
    }) : () -> ()
    %iota3A = tpu.iota {dimensions = array<i32: 0>} : vector<16xi32>
    %broadcast_in_dim3A = arith.constant 0xFF800000 : f32
    %broadcast_in_dim3A_2 = vector.broadcast %broadcast_in_dim3A : f32 to vector<16xf32>
    %scan3A = arith.constant 0 : i32
    %scan3A_3 = arith.constant 625 : i32
    %scan3A_4 = arith.addi %scan3A, %scan3A_3 : i32
    %scan3A_5 = arith.constant 1 : i32
    %scan3A_6 = scf.for %scan3A_82 = %scan3A to %scan3A_4 step %scan3A_5 iter_args(%scan3A_83 = %broadcast_in_dim3A_2) -> (vector<16xf32>)  : i32 {
      %mul3A_84 = arith.constant 16 : i32
      %mul3A_85 = arith.muli %scan3A_82, %mul3A_84 : i32
      %get3A = arith.index_cast %mul3A_85 : i32 to index
      %get3A_86 = tpu.vector_load %arg8[%get3A] {strides = array<i32>} : memref<10000xf32, #tpu.memory_space<vmem>>, vector<16xf32>,
      %max3A_87 = arith.maximumf %scan3A_83, %get3A_86 : vector<16xf32>
      scf.yield %max3A_87 : vector<16xf32>
    }
    %scan3A_7 = arith.constant 625 : i32
    %swap3A = arith.constant 0 : index
    %swap3A_8 = tpu.vector_load %arg14[%swap3A] {strides = array<i32>} : memref<128xf32, #tpu.memory_space<vmem>>, vector<16xf32>,
    tpu.vector_store %arg14[%swap3A], %scan3A_6 {strides = array<i32>} : memref<128xf32, #tpu.memory_space<vmem>>, vector<16xf32>,
    %xor3A = arith.constant 8 : i32
    %xor3A_9 = vector.broadcast %xor3A : i32 to vector<16xi32>
    %xor3A_10 = arith.xori %iota3A, %xor3A_9 : vector<16xi32>
    %gather3A = tpu.vector_load_idx %arg14[%xor3A_10] : memref<128xf32, #tpu.memory_space<vmem>>[vector<16xi32>], vector<16xf32>,
    %max3A = arith.maximumf %scan3A_6, %gather3A : vector<16xf32>
    %swap3A_11 = arith.constant 0 : index
    %swap3A_12 = tpu.vector_load %arg14[%swap3A_11] {strides = array<i32>} : memref<128xf32, #tpu.memory_space<vmem>>, vector<16xf32>,
    tpu.vector_store %arg14[%swap3A_11], %max3A {strides = array<i32>} : memref<128xf32, #tpu.memory_space<vmem>>, vector<16xf32>,
    %xor3A_13 = arith.constant 4 : i32
    %xor3A_14 = vector.broadcast %xor3A_13 : i32 to vector<16xi32>
    %xor3A_15 = arith.xori %iota3A, %xor3A_14 : vector<16xi32>
    %gather3A_16 = tpu.vector_load_idx %arg14[%xor3A_15] : memref<128xf32, #tpu.memory_space<vmem>>[vector<16xi32>], vector<16xf32>,
    %max3A_17 = arith.maximumf %max3A, %gather3A_16 : vector<16xf32>
    %swap3A_18 = arith.constant 0 : index
    %swap3A_19 = tpu.vector_load %arg14[%swap3A_18] {strides = array<i32>} : memref<128xf32, #tpu.memory_space<vmem>>, vector<16xf32>,
    tpu.vector_store %arg14[%swap3A_18], %max3A_17 {strides = array<i32>} : memref<128xf32, #tpu.memory_space<vmem>>, vector<16xf32>,
    %xor3A_20 = arith.constant 2 : i32
    %xor3A_21 = vector.broadcast %xor3A_20 : i32 to vector<16xi32>
    %xor3A_22 = arith.xori %iota3A, %xor3A_21 : vector<16xi32>
    %gather3A_23 = tpu.vector_load_idx %arg14[%xor3A_22] : memref<128xf32, #tpu.memory_space<vmem>>[vector<16xi32>], vector<16xf32>,
    %max3A_24 = arith.maximumf %max3A_17, %gather3A_23 : vector<16xf32>
    %swap3A_25 = arith.constant 0 : index
    %swap3A_26 = tpu.vector_load %arg14[%swap3A_25] {strides = array<i32>} : memref<128xf32, #tpu.memory_space<vmem>>, vector<16xf32>,
    tpu.vector_store %arg14[%swap3A_25], %max3A_24 {strides = array<i32>} : memref<128xf32, #tpu.memory_space<vmem>>, vector<16xf32>,
    %xor3A_27 = arith.constant 1 : i32
    %xor3A_28 = vector.broadcast %xor3A_27 : i32 to vector<16xi32>
    %xor3A_29 = arith.xori %iota3A, %xor3A_28 : vector<16xi32>
    %gather3A_30 = tpu.vector_load_idx %arg14[%xor3A_29] : memref<128xf32, #tpu.memory_space<vmem>>[vector<16xi32>], vector<16xf32>,
    %max3A_31 = arith.maximumf %max3A_24, %gather3A_30 : vector<16xf32>
    %broadcast_in_dim3A_32 = arith.constant 0xFF800000 : f32
    %broadcast_in_dim3A_33 = vector.broadcast %broadcast_in_dim3A_32 : f32 to vector<16xf32>
    %scan3A_34 = arith.constant 0 : i32
    %scan3A_35 = arith.constant 625 : i32
    %scan3A_36 = arith.addi %scan3A_34, %scan3A_35 : i32
    %scan3A_37 = arith.constant 1 : i32
    %scan3A_38 = scf.for %scan3A_82 = %scan3A_34 to %scan3A_36 step %scan3A_37 iter_args(%scan3A_83 = %broadcast_in_dim3A_33) -> (vector<16xf32>)  : i32 {
      %mul3A_84 = arith.constant 16 : i32
      %mul3A_85 = arith.muli %scan3A_82, %mul3A_84 : i32
      %get3A = arith.index_cast %mul3A_85 : i32 to index
      %get3A_86 = tpu.vector_load %arg9[%get3A] {strides = array<i32>} : memref<10000xf32, #tpu.memory_space<vmem>>, vector<16xf32>,
      %max3A_87 = arith.maximumf %scan3A_83, %get3A_86 : vector<16xf32>
      scf.yield %max3A_87 : vector<16xf32>
    }
    %scan3A_39 = arith.constant 625 : i32
    %swap3A_40 = arith.constant 0 : index
    %swap3A_41 = tpu.vector_load %arg14[%swap3A_40] {strides = array<i32>} : memref<128xf32, #tpu.memory_space<vmem>>, vector<16xf32>,
    tpu.vector_store %arg14[%swap3A_40], %scan3A_38 {strides = array<i32>} : memref<128xf32, #tpu.memory_space<vmem>>, vector<16xf32>,
    %xor3A_42 = arith.constant 8 : i32
    %xor3A_43 = vector.broadcast %xor3A_42 : i32 to vector<16xi32>
    %xor3A_44 = arith.xori %iota3A, %xor3A_43 : vector<16xi32>
    %gather3A_45 = tpu.vector_load_idx %arg14[%xor3A_44] : memref<128xf32, #tpu.memory_space<vmem>>[vector<16xi32>], vector<16xf32>,
    %max3A_46 = arith.maximumf %scan3A_38, %gather3A_45 : vector<16xf32>
    %swap3A_47 = arith.constant 0 : index
    %swap3A_48 = tpu.vector_load %arg14[%swap3A_47] {strides = array<i32>} : memref<128xf32, #tpu.memory_space<vmem>>, vector<16xf32>,
    tpu.vector_store %arg14[%swap3A_47], %max3A_46 {strides = array<i32>} : memref<128xf32, #tpu.memory_space<vmem>>, vector<16xf32>,
    %xor3A_49 = arith.constant 4 : i32
    %xor3A_50 = vector.broadcast %xor3A_49 : i32 to vector<16xi32>
    %xor3A_51 = arith.xori %iota3A, %xor3A_50 : vector<16xi32>
    %gather3A_52 = tpu.vector_load_idx %arg14[%xor3A_51] : memref<128xf32, #tpu.memory_space<vmem>>[vector<16xi32>], vector<16xf32>,
    %max3A_53 = arith.maximumf %max3A_46, %gather3A_52 : vector<16xf32>
    %swap3A_54 = arith.constant 0 : index
    %swap3A_55 = tpu.vector_load %arg14[%swap3A_54] {strides = array<i32>} : memref<128xf32, #tpu.memory_space<vmem>>, vector<16xf32>,
    tpu.vector_store %arg14[%swap3A_54], %max3A_53 {strides = array<i32>} : memref<128xf32, #tpu.memory_space<vmem>>, vector<16xf32>,
    %xor3A_56 = arith.constant 2 : i32
    %xor3A_57 = vector.broadcast %xor3A_56 : i32 to vector<16xi32>
    %xor3A_58 = arith.xori %iota3A, %xor3A_57 : vector<16xi32>
    %gather3A_59 = tpu.vector_load_idx %arg14[%xor3A_58] : memref<128xf32, #tpu.memory_space<vmem>>[vector<16xi32>], vector<16xf32>,
    %max3A_60 = arith.maximumf %max3A_53, %gather3A_59 : vector<16xf32>
    %swap3A_61 = arith.constant 0 : index
    %swap3A_62 = tpu.vector_load %arg14[%swap3A_61] {strides = array<i32>} : memref<128xf32, #tpu.memory_space<vmem>>, vector<16xf32>,
    tpu.vector_store %arg14[%swap3A_61], %max3A_60 {strides = array<i32>} : memref<128xf32, #tpu.memory_space<vmem>>, vector<16xf32>,
    %xor3A_63 = arith.constant 1 : i32
    %xor3A_64 = vector.broadcast %xor3A_63 : i32 to vector<16xi32>
    %xor3A_65 = arith.xori %iota3A, %xor3A_64 : vector<16xi32>
    %gather3A_66 = tpu.vector_load_idx %arg14[%xor3A_65] : memref<128xf32, #tpu.memory_space<vmem>>[vector<16xi32>], vector<16xf32>,
    %max3A_67 = arith.maximumf %max3A_60, %gather3A_66 : vector<16xf32>
    %add3A_68 = arith.addf %max3A_31, %max3A_67 : vector<16xf32>
    %gt3A = arith.constant 0.000000e+00 : f32
    %gt3A_69 = vector.broadcast %gt3A : f32 to vector<16xf32>
    %gt3A_70 = arith.cmpf ogt, %add3A_68, %gt3A_69 : vector<16xf32>
    %mul3A_71 = arith.constant 0.00999999977 : f32
    %mul3A_72 = vector.broadcast %mul3A_71 : f32 to vector<16xf32>
    %mul3A_73 = arith.mulf %mul3A_72, %add3A_68 : vector<16xf32>
    %select_n3A = arith.select %gt3A_70, %add3A_68, %mul3A_73 : vector<16xi1>, vector<16xf32>
    %mul3A_74 = arith.constant 10080 : i32
    %mul3A_75 = arith.muli %add3A, %mul3A_74 : i32
    %scan3A_76 = arith.constant 0 : i32
    %scan3A_77 = arith.constant 0 : i32
    %scan3A_78 = arith.constant 630 : i32
    %scan3A_79 = arith.addi %scan3A_77, %scan3A_78 : i32
    %scan3A_80 = arith.constant 1 : i32
    scf.for %scan3A_82 = %scan3A_77 to %scan3A_79 step %scan3A_80  : i32 {
      %mul3A_83 = arith.constant 16 : i32
      %mul3A_84 = arith.muli %scan3A_82, %mul3A_83 : i32
      %get3A = arith.index_cast %mul3A_84 : i32 to index
      %get3A_85 = tpu.vector_load %arg10[%get3A] {strides = array<i32>} : memref<10080xi32, #tpu.memory_space<vmem>>, vector<16xi32>,
      %mul3A_86 = arith.constant 16 : i32
      %mul3A_87 = arith.muli %scan3A_82, %mul3A_86 : i32
      %get3A_88 = arith.index_cast %mul3A_87 : i32 to index
      %get3A_89 = tpu.vector_load %arg11[%get3A_88] {strides = array<i32>} : memref<10080xi32, #tpu.memory_space<vmem>>, vector<16xi32>,
      %gather3A_90 = tpu.vector_load_idx %arg8[%get3A_85] : memref<10000xf32, #tpu.memory_space<vmem>>[vector<16xi32>], vector<16xf32>,
      %gather3A_91 = tpu.vector_load_idx %arg9[%get3A_89] : memref<10000xf32, #tpu.memory_space<vmem>>[vector<16xi32>], vector<16xf32>,
      %add3A_92 = arith.addf %gather3A_90, %gather3A_91 : vector<16xf32>
      %gt3A_93 = arith.constant 0.000000e+00 : f32
      %gt3A_94 = vector.broadcast %gt3A_93 : f32 to vector<16xf32>
      %gt3A_95 = arith.cmpf ogt, %add3A_92, %gt3A_94 : vector<16xf32>
      %mul3A_96 = arith.constant 0.00999999977 : f32
      %mul3A_97 = vector.broadcast %mul3A_96 : f32 to vector<16xf32>
      %mul3A_98 = arith.mulf %mul3A_97, %add3A_92 : vector<16xf32>
      %select_n3A_99 = arith.select %gt3A_95, %add3A_92, %mul3A_98 : vector<16xi1>, vector<16xf32>
      %sub3A = arith.subf %select_n3A_99, %select_n3A : vector<16xf32>
      %exp3A = math.exp %sub3A : vector<16xf32>
      %mul3A_100 = arith.constant 16 : i32
      %mul3A_101 = arith.muli %scan3A_82, %mul3A_100 : i32
      %add3A_102 = arith.addi %mul3A_75, %mul3A_101 : i32
      %add3A_103 = vector.broadcast %add3A_102 : i32 to vector<16xi32>
      %add3A_104 = arith.addi %add3A_103, %iota3A : vector<16xi32>
      %lt3A = arith.constant 320000 : i32
      %lt3A_105 = vector.broadcast %lt3A : i32 to vector<16xi32>
      %lt3A_106 = arith.cmpi slt, %add3A_104, %lt3A_105 : vector<16xi32>
      %jit3A = arith.constant 0.000000e+00 : f32
      %broadcast_in_dim3A_107 = vector.broadcast %jit3A : f32 to vector<16xf32>
      %select_n3A_108 = arith.select %lt3A_106, %exp3A, %broadcast_in_dim3A_107 : vector<16xi1>, vector<16xf32>
      %mul3A_109 = arith.constant 16 : i32
      %mul3A_110 = arith.muli %scan3A_82, %mul3A_109 : i32
      %swap3A_111 = arith.index_cast %mul3A_110 : i32 to index
      %swap3A_112 = tpu.vector_load %arg12[%swap3A_111] {strides = array<i32>} : memref<10080xf32, #tpu.memory_space<vmem>>, vector<16xf32>,
      tpu.vector_store %arg12[%swap3A_111], %select_n3A_108 {strides = array<i32>} : memref<10080xf32, #tpu.memory_space<vmem>>, vector<16xf32>,
      tpu.vector_store_idx %arg13[%get3A_89], %select_n3A_108 {add = true} : memref<10000xf32, #tpu.memory_space<vmem>>[vector<16xi32>], vector<16xf32>,
    }
    %scan3A_81 = arith.constant 630 : i32
    "tpu.region"() ({
      %run_scoped3A_82 = tpu.sem_alloc : memref<!tpu.dma_semaphore, #tpu.memory_space<semaphore_mem>>
      %dma_start3A = arith.constant 0 : i32
      %dma_start3A_83 = tpu.memref_slice %arg6[%add3A, %dma_start3A] : memref<32x10080xf32, #tpu.memory_space<hbm>> -> memref<1x10080xf32, #tpu.memory_space<hbm>>
      %dma_start3A_84 = tpu.memref_squeeze %dma_start3A_83 : memref<1x10080xf32, #tpu.memory_space<hbm>> -> memref<10080xf32, #tpu.memory_space<hbm>>
      %dma_start3A_85 = arith.constant 0 : i32
      %dma_start3A_86 = tpu.memref_slice %arg6[%add3A, %dma_start3A_85] : memref<32x10080xf32, #tpu.memory_space<hbm>> -> memref<1x10080xf32, #tpu.memory_space<hbm>>
      %dma_start3A_87 = tpu.memref_squeeze %dma_start3A_86 : memref<1x10080xf32, #tpu.memory_space<hbm>> -> memref<10080xf32, #tpu.memory_space<hbm>>
      tpu.enqueue_dma source(%arg12 : memref<10080xf32, #tpu.memory_space<vmem>>) target(%dma_start3A_87 : memref<10080xf32, #tpu.memory_space<hbm>>) target_semaphore(%run_scoped3A_82 : memref<!tpu.dma_semaphore, #tpu.memory_space<semaphore_mem>>)
      %dma_wait3A = arith.constant 0 : i32
      %dma_wait3A_88 = tpu.memref_slice %arg6[%add3A, %dma_wait3A] : memref<32x10080xf32, #tpu.memory_space<hbm>> -> memref<1x10080xf32, #tpu.memory_space<hbm>>
      %dma_wait3A_89 = tpu.memref_squeeze %dma_wait3A_88 : memref<1x10080xf32, #tpu.memory_space<hbm>> -> memref<10080xf32, #tpu.memory_space<hbm>>
      %dma_wait3A_90 = arith.constant 0 : i32
      %dma_wait3A_91 = tpu.memref_slice %arg6[%add3A, %dma_wait3A_90] : memref<32x10080xf32, #tpu.memory_space<hbm>> -> memref<1x10080xf32, #tpu.memory_space<hbm>>
      %dma_wait3A_92 = tpu.memref_squeeze %dma_wait3A_91 : memref<1x10080xf32, #tpu.memory_space<hbm>> -> memref<10080xf32, #tpu.memory_space<hbm>>
      tpu.wait_dma2 semaphore(%run_scoped3A_82 : memref<!tpu.dma_semaphore, #tpu.memory_space<semaphore_mem>>) src(%arg12 : memref<10080xf32, #tpu.memory_space<vmem>>) dst(%dma_wait3A_92 : memref<10080xf32, #tpu.memory_space<hbm>>)
      tpu.yield
    }) : () -> ()
    "tpu.region"() ({
      %run_scoped3A_82 = tpu.sem_alloc : memref<!tpu.dma_semaphore, #tpu.memory_space<semaphore_mem>>
      %dma_start3A = arith.constant 0 : i32
      %dma_start3A_83 = tpu.memref_slice %arg7[%add3A, %dma_start3A] : memref<32x10000xf32, #tpu.memory_space<hbm>> -> memref<1x10000xf32, #tpu.memory_space<hbm>>
      %dma_start3A_84 = tpu.memref_squeeze %dma_start3A_83 : memref<1x10000xf32, #tpu.memory_space<hbm>> -> memref<10000xf32, #tpu.memory_space<hbm>>
      %dma_start3A_85 = arith.constant 0 : i32
      %dma_start3A_86 = tpu.memref_slice %arg7[%add3A, %dma_start3A_85] : memref<32x10000xf32, #tpu.memory_space<hbm>> -> memref<1x10000xf32, #tpu.memory_space<hbm>>
      %dma_start3A_87 = tpu.memref_squeeze %dma_start3A_86 : memref<1x10000xf32, #tpu.memory_space<hbm>> -> memref<10000xf32, #tpu.memory_space<hbm>>
      tpu.enqueue_dma source(%arg13 : memref<10000xf32, #tpu.memory_space<vmem>>) target(%dma_start3A_87 : memref<10000xf32, #tpu.memory_space<hbm>>) target_semaphore(%run_scoped3A_82 : memref<!tpu.dma_semaphore, #tpu.memory_space<semaphore_mem>>)
      %dma_wait3A = arith.constant 0 : i32
      %dma_wait3A_88 = tpu.memref_slice %arg7[%add3A, %dma_wait3A] : memref<32x10000xf32, #tpu.memory_space<hbm>> -> memref<1x10000xf32, #tpu.memory_space<hbm>>
      %dma_wait3A_89 = tpu.memref_squeeze %dma_wait3A_88 : memref<1x10000xf32, #tpu.memory_space<hbm>> -> memref<10000xf32, #tpu.memory_space<hbm>>
      %dma_wait3A_90 = arith.constant 0 : i32
      %dma_wait3A_91 = tpu.memref_slice %arg7[%add3A, %dma_wait3A_90] : memref<32x10000xf32, #tpu.memory_space<hbm>> -> memref<1x10000xf32, #tpu.memory_space<hbm>>
      %dma_wait3A_92 = tpu.memref_squeeze %dma_wait3A_91 : memref<1x10000xf32, #tpu.memory_space<hbm>> -> memref<10000xf32, #tpu.memory_space<hbm>>
      tpu.wait_dma2 semaphore(%run_scoped3A_82 : memref<!tpu.dma_semaphore, #tpu.memory_space<semaphore_mem>>) src(%arg13 : memref<10000xf32, #tpu.memory_space<vmem>>) dst(%dma_wait3A_92 : memref<10000xf32, #tpu.memory_space<hbm>>)
      tpu.yield
    }) : () -> ()
    return
  }
}

#map = affine_map<(d0, d1) -> (0, 0)>
#map1 = affine_map<(d0, d1) -> (0, 0, 0)>
#map2 = affine_map<(d0, d1) -> (0, 0, 0, 0)>
module attributes {stable_mosaic.version = 14 : i64} {
  func.func @_scb_body(%arg0: i32, %arg1: i32, %arg2: memref<10000x128xf32, #tpu.memory_space<hbm>>, %arg3: memref<32x105x96xf32, #tpu.memory_space<hbm>>, %arg4: memref<2x32x10080xi32, #tpu.memory_space<hbm>>, %arg5: memref<32x105x96xi32, #tpu.memory_space<hbm>>, %arg6: memref<96x128xf32, #tpu.memory_space<hbm>>, %arg7: memref<2x16x625x128xf32, #tpu.memory_space<hbm>>, %arg8: memref<10080xi32, #tpu.memory_space<vmem>>, %arg9: memref<96x128xf32, #tpu.memory_space<vmem>>, %arg10: memref<96x128xf32, #tpu.memory_space<vmem>>, %arg11: memref<96x128xf32, #tpu.memory_space<vmem>>, %arg12: memref<96xi32, #tpu.memory_space<vmem>>, %arg13: memref<96xi32, #tpu.memory_space<vmem>>, %arg14: memref<96xi32, #tpu.memory_space<vmem>>, %arg15: memref<96xf32, #tpu.memory_space<vmem>>, %arg16: memref<96xf32, #tpu.memory_space<vmem>>, %arg17: memref<96xf32, #tpu.memory_space<vmem>>, %arg18: memref<10000x128xf32, #tpu.memory_space<vmem_shared>>, %arg19: memref<!tpu.dma_semaphore, #tpu.memory_space<semaphore_mem>>, %arg20: memref<!tpu.dma_semaphore, #tpu.memory_space<semaphore_mem>>, %arg21: memref<!tpu.dma_semaphore, #tpu.memory_space<semaphore_mem>>, %arg22: memref<!tpu.dma_semaphore, #tpu.memory_space<semaphore_mem>>, %arg23: memref<!tpu.dma_semaphore, #tpu.memory_space<semaphore_mem>>, %arg24: memref<!tpu.dma_semaphore, #tpu.memory_space<semaphore_mem>>, %arg25: memref<!tpu.dma_semaphore, #tpu.memory_space<semaphore_mem>>, %arg26: memref<!tpu.dma_semaphore, #tpu.memory_space<semaphore_mem>>, %arg27: memref<!tpu.dma_semaphore, #tpu.memory_space<semaphore_mem>>) attributes {dimension_semantics = [#tpu.dimension_semantics<core_parallel>, #tpu.dimension_semantics<subcore_parallel>], iteration_bounds = array<i64: 2, 16>, scalar_prefetch = 0 : i64, scratch_operands = 20 : i64, tpu.core_type = #tpu.core_type<sc_vector_subcore>, window_params = [{transform_indices = #map}, {transform_indices = #map1}, {transform_indices = #map1}, {transform_indices = #map1}, {transform_indices = #map}, {transform_indices = #map2}]} {
    %mul3A = arith.constant 2 : i32
    %mul3A_0 = arith.muli %arg1, %mul3A : i32
    %add3A = arith.addi %mul3A_0, %arg0 : i32
    %run_scoped3A = arith.constant 0 : i32
    "tpu.region"() ({
      %run_scoped3A_46 = tpu.sem_alloc : memref<!tpu.dma_semaphore, #tpu.memory_space<semaphore_mem>>
      %dma_start3A_47 = arith.constant 0 : i32
      %dma_start3A_48 = tpu.memref_slice %arg4[%run_scoped3A, %add3A, %dma_start3A_47] : memref<2x32x10080xi32, #tpu.memory_space<hbm>> -> memref<1x1x10080xi32, #tpu.memory_space<hbm>>
      %dma_start3A_49 = tpu.memref_squeeze %dma_start3A_48 : memref<1x1x10080xi32, #tpu.memory_space<hbm>> -> memref<10080xi32, #tpu.memory_space<hbm>>
      %dma_start3A_50 = arith.constant 0 : i32
      %dma_start3A_51 = tpu.memref_slice %arg4[%run_scoped3A, %add3A, %dma_start3A_50] : memref<2x32x10080xi32, #tpu.memory_space<hbm>> -> memref<1x1x10080xi32, #tpu.memory_space<hbm>>
      %dma_start3A_52 = tpu.memref_squeeze %dma_start3A_51 : memref<1x1x10080xi32, #tpu.memory_space<hbm>> -> memref<10080xi32, #tpu.memory_space<hbm>>
      tpu.enqueue_dma source(%dma_start3A_52 : memref<10080xi32, #tpu.memory_space<hbm>>) target(%arg8 : memref<10080xi32, #tpu.memory_space<vmem>>) target_semaphore(%run_scoped3A_46 : memref<!tpu.dma_semaphore, #tpu.memory_space<semaphore_mem>>)
      %dma_wait3A_53 = arith.constant 0 : i32
      %dma_wait3A_54 = tpu.memref_slice %arg4[%run_scoped3A, %add3A, %dma_wait3A_53] : memref<2x32x10080xi32, #tpu.memory_space<hbm>> -> memref<1x1x10080xi32, #tpu.memory_space<hbm>>
      %dma_wait3A_55 = tpu.memref_squeeze %dma_wait3A_54 : memref<1x1x10080xi32, #tpu.memory_space<hbm>> -> memref<10080xi32, #tpu.memory_space<hbm>>
      %dma_wait3A_56 = arith.constant 0 : i32
      %dma_wait3A_57 = tpu.memref_slice %arg4[%run_scoped3A, %add3A, %dma_wait3A_56] : memref<2x32x10080xi32, #tpu.memory_space<hbm>> -> memref<1x1x10080xi32, #tpu.memory_space<hbm>>
      %dma_wait3A_58 = tpu.memref_squeeze %dma_wait3A_57 : memref<1x1x10080xi32, #tpu.memory_space<hbm>> -> memref<10080xi32, #tpu.memory_space<hbm>>
      tpu.wait_dma2 semaphore(%run_scoped3A_46 : memref<!tpu.dma_semaphore, #tpu.memory_space<semaphore_mem>>) src(%dma_wait3A_58 : memref<10080xi32, #tpu.memory_space<hbm>>) dst(%arg8 : memref<10080xi32, #tpu.memory_space<vmem>>)
      tpu.yield
    }) : () -> ()
    "tpu.region"() ({
      %run_scoped3A_46 = tpu.sem_alloc : memref<!tpu.dma_semaphore, #tpu.memory_space<semaphore_mem>>
      tpu.enqueue_dma source(%arg6 : memref<96x128xf32, #tpu.memory_space<hbm>>) target(%arg9 : memref<96x128xf32, #tpu.memory_space<vmem>>) target_semaphore(%run_scoped3A_46 : memref<!tpu.dma_semaphore, #tpu.memory_space<semaphore_mem>>)
      tpu.wait_dma2 semaphore(%run_scoped3A_46 : memref<!tpu.dma_semaphore, #tpu.memory_space<semaphore_mem>>) src(%arg6 : memref<96x128xf32, #tpu.memory_space<hbm>>) dst(%arg9 : memref<96x128xf32, #tpu.memory_space<vmem>>)
      tpu.yield
    }) : () -> ()
    %mul3A_1 = arith.constant 625 : i32
    %mul3A_2 = arith.muli %arg1, %mul3A_1 : i32
    %add3A_3 = arith.constant 0 : i32
    %add3A_4 = arith.addi %mul3A_2, %add3A_3 : i32
    "tpu.region"() ({
      %run_scoped3A_46 = tpu.sem_alloc : memref<!tpu.dma_semaphore, #tpu.memory_space<semaphore_mem>>
      %dma_start3A_47 = arith.constant 0 : i32
      %dma_start3A_48 = tpu.memref_slice %arg18[%add3A_4, %dma_start3A_47] : memref<10000x128xf32, #tpu.memory_space<vmem_shared>> -> memref<96x128xf32, #tpu.memory_space<vmem_shared>>
      %dma_start3A_49 = arith.constant 0 : i32
      %dma_start3A_50 = tpu.memref_slice %arg18[%add3A_4, %dma_start3A_49] : memref<10000x128xf32, #tpu.memory_space<vmem_shared>> -> memref<96x128xf32, #tpu.memory_space<vmem_shared>>
      tpu.enqueue_dma source(%arg9 : memref<96x128xf32, #tpu.memory_space<vmem>>) target(%dma_start3A_50 : memref<96x128xf32, #tpu.memory_space<vmem_shared>>) target_semaphore(%run_scoped3A_46 : memref<!tpu.dma_semaphore, #tpu.memory_space<semaphore_mem>>)
      %dma_wait3A_51 = arith.constant 0 : i32
      %dma_wait3A_52 = tpu.memref_slice %arg18[%add3A_4, %dma_wait3A_51] : memref<10000x128xf32, #tpu.memory_space<vmem_shared>> -> memref<96x128xf32, #tpu.memory_space<vmem_shared>>
      %dma_wait3A_53 = arith.constant 0 : i32
      %dma_wait3A_54 = tpu.memref_slice %arg18[%add3A_4, %dma_wait3A_53] : memref<10000x128xf32, #tpu.memory_space<vmem_shared>> -> memref<96x128xf32, #tpu.memory_space<vmem_shared>>
      tpu.wait_dma2 semaphore(%run_scoped3A_46 : memref<!tpu.dma_semaphore, #tpu.memory_space<semaphore_mem>>) src(%arg9 : memref<96x128xf32, #tpu.memory_space<vmem>>) dst(%dma_wait3A_54 : memref<96x128xf32, #tpu.memory_space<vmem_shared>>)
      tpu.yield
    }) : () -> ()
    %add3A_5 = arith.constant 96 : i32
    %add3A_6 = arith.addi %mul3A_2, %add3A_5 : i32
    "tpu.region"() ({
      %run_scoped3A_46 = tpu.sem_alloc : memref<!tpu.dma_semaphore, #tpu.memory_space<semaphore_mem>>
      %dma_start3A_47 = arith.constant 0 : i32
      %dma_start3A_48 = tpu.memref_slice %arg18[%add3A_6, %dma_start3A_47] : memref<10000x128xf32, #tpu.memory_space<vmem_shared>> -> memref<96x128xf32, #tpu.memory_space<vmem_shared>>
      %dma_start3A_49 = arith.constant 0 : i32
      %dma_start3A_50 = tpu.memref_slice %arg18[%add3A_6, %dma_start3A_49] : memref<10000x128xf32, #tpu.memory_space<vmem_shared>> -> memref<96x128xf32, #tpu.memory_space<vmem_shared>>
      tpu.enqueue_dma source(%arg9 : memref<96x128xf32, #tpu.memory_space<vmem>>) target(%dma_start3A_50 : memref<96x128xf32, #tpu.memory_space<vmem_shared>>) target_semaphore(%run_scoped3A_46 : memref<!tpu.dma_semaphore, #tpu.memory_space<semaphore_mem>>)
      %dma_wait3A_51 = arith.constant 0 : i32
      %dma_wait3A_52 = tpu.memref_slice %arg18[%add3A_6, %dma_wait3A_51] : memref<10000x128xf32, #tpu.memory_space<vmem_shared>> -> memref<96x128xf32, #tpu.memory_space<vmem_shared>>
      %dma_wait3A_53 = arith.constant 0 : i32
      %dma_wait3A_54 = tpu.memref_slice %arg18[%add3A_6, %dma_wait3A_53] : memref<10000x128xf32, #tpu.memory_space<vmem_shared>> -> memref<96x128xf32, #tpu.memory_space<vmem_shared>>
      tpu.wait_dma2 semaphore(%run_scoped3A_46 : memref<!tpu.dma_semaphore, #tpu.memory_space<semaphore_mem>>) src(%arg9 : memref<96x128xf32, #tpu.memory_space<vmem>>) dst(%dma_wait3A_54 : memref<96x128xf32, #tpu.memory_space<vmem_shared>>)
      tpu.yield
    }) : () -> ()
    %add3A_7 = arith.constant 192 : i32
    %add3A_8 = arith.addi %mul3A_2, %add3A_7 : i32
    "tpu.region"() ({
      %run_scoped3A_46 = tpu.sem_alloc : memref<!tpu.dma_semaphore, #tpu.memory_space<semaphore_mem>>
      %dma_start3A_47 = arith.constant 0 : i32
      %dma_start3A_48 = tpu.memref_slice %arg18[%add3A_8, %dma_start3A_47] : memref<10000x128xf32, #tpu.memory_space<vmem_shared>> -> memref<96x128xf32, #tpu.memory_space<vmem_shared>>
      %dma_start3A_49 = arith.constant 0 : i32
      %dma_start3A_50 = tpu.memref_slice %arg18[%add3A_8, %dma_start3A_49] : memref<10000x128xf32, #tpu.memory_space<vmem_shared>> -> memref<96x128xf32, #tpu.memory_space<vmem_shared>>
      tpu.enqueue_dma source(%arg9 : memref<96x128xf32, #tpu.memory_space<vmem>>) target(%dma_start3A_50 : memref<96x128xf32, #tpu.memory_space<vmem_shared>>) target_semaphore(%run_scoped3A_46 : memref<!tpu.dma_semaphore, #tpu.memory_space<semaphore_mem>>)
      %dma_wait3A_51 = arith.constant 0 : i32
      %dma_wait3A_52 = tpu.memref_slice %arg18[%add3A_8, %dma_wait3A_51] : memref<10000x128xf32, #tpu.memory_space<vmem_shared>> -> memref<96x128xf32, #tpu.memory_space<vmem_shared>>
      %dma_wait3A_53 = arith.constant 0 : i32
      %dma_wait3A_54 = tpu.memref_slice %arg18[%add3A_8, %dma_wait3A_53] : memref<10000x128xf32, #tpu.memory_space<vmem_shared>> -> memref<96x128xf32, #tpu.memory_space<vmem_shared>>
      tpu.wait_dma2 semaphore(%run_scoped3A_46 : memref<!tpu.dma_semaphore, #tpu.memory_space<semaphore_mem>>) src(%arg9 : memref<96x128xf32, #tpu.memory_space<vmem>>) dst(%dma_wait3A_54 : memref<96x128xf32, #tpu.memory_space<vmem_shared>>)
      tpu.yield
    }) : () -> ()
    %add3A_9 = arith.constant 288 : i32
    %add3A_10 = arith.addi %mul3A_2, %add3A_9 : i32
    "tpu.region"() ({
      %run_scoped3A_46 = tpu.sem_alloc : memref<!tpu.dma_semaphore, #tpu.memory_space<semaphore_mem>>
      %dma_start3A_47 = arith.constant 0 : i32
      %dma_start3A_48 = tpu.memref_slice %arg18[%add3A_10, %dma_start3A_47] : memref<10000x128xf32, #tpu.memory_space<vmem_shared>> -> memref<96x128xf32, #tpu.memory_space<vmem_shared>>
      %dma_start3A_49 = arith.constant 0 : i32
      %dma_start3A_50 = tpu.memref_slice %arg18[%add3A_10, %dma_start3A_49] : memref<10000x128xf32, #tpu.memory_space<vmem_shared>> -> memref<96x128xf32, #tpu.memory_space<vmem_shared>>
      tpu.enqueue_dma source(%arg9 : memref<96x128xf32, #tpu.memory_space<vmem>>) target(%dma_start3A_50 : memref<96x128xf32, #tpu.memory_space<vmem_shared>>) target_semaphore(%run_scoped3A_46 : memref<!tpu.dma_semaphore, #tpu.memory_space<semaphore_mem>>)
      %dma_wait3A_51 = arith.constant 0 : i32
      %dma_wait3A_52 = tpu.memref_slice %arg18[%add3A_10, %dma_wait3A_51] : memref<10000x128xf32, #tpu.memory_space<vmem_shared>> -> memref<96x128xf32, #tpu.memory_space<vmem_shared>>
      %dma_wait3A_53 = arith.constant 0 : i32
      %dma_wait3A_54 = tpu.memref_slice %arg18[%add3A_10, %dma_wait3A_53] : memref<10000x128xf32, #tpu.memory_space<vmem_shared>> -> memref<96x128xf32, #tpu.memory_space<vmem_shared>>
      tpu.wait_dma2 semaphore(%run_scoped3A_46 : memref<!tpu.dma_semaphore, #tpu.memory_space<semaphore_mem>>) src(%arg9 : memref<96x128xf32, #tpu.memory_space<vmem>>) dst(%dma_wait3A_54 : memref<96x128xf32, #tpu.memory_space<vmem_shared>>)
      tpu.yield
    }) : () -> ()
    %add3A_11 = arith.constant 384 : i32
    %add3A_12 = arith.addi %mul3A_2, %add3A_11 : i32
    "tpu.region"() ({
      %run_scoped3A_46 = tpu.sem_alloc : memref<!tpu.dma_semaphore, #tpu.memory_space<semaphore_mem>>
      %dma_start3A_47 = arith.constant 0 : i32
      %dma_start3A_48 = tpu.memref_slice %arg18[%add3A_12, %dma_start3A_47] : memref<10000x128xf32, #tpu.memory_space<vmem_shared>> -> memref<96x128xf32, #tpu.memory_space<vmem_shared>>
      %dma_start3A_49 = arith.constant 0 : i32
      %dma_start3A_50 = tpu.memref_slice %arg18[%add3A_12, %dma_start3A_49] : memref<10000x128xf32, #tpu.memory_space<vmem_shared>> -> memref<96x128xf32, #tpu.memory_space<vmem_shared>>
      tpu.enqueue_dma source(%arg9 : memref<96x128xf32, #tpu.memory_space<vmem>>) target(%dma_start3A_50 : memref<96x128xf32, #tpu.memory_space<vmem_shared>>) target_semaphore(%run_scoped3A_46 : memref<!tpu.dma_semaphore, #tpu.memory_space<semaphore_mem>>)
      %dma_wait3A_51 = arith.constant 0 : i32
      %dma_wait3A_52 = tpu.memref_slice %arg18[%add3A_12, %dma_wait3A_51] : memref<10000x128xf32, #tpu.memory_space<vmem_shared>> -> memref<96x128xf32, #tpu.memory_space<vmem_shared>>
      %dma_wait3A_53 = arith.constant 0 : i32
      %dma_wait3A_54 = tpu.memref_slice %arg18[%add3A_12, %dma_wait3A_53] : memref<10000x128xf32, #tpu.memory_space<vmem_shared>> -> memref<96x128xf32, #tpu.memory_space<vmem_shared>>
      tpu.wait_dma2 semaphore(%run_scoped3A_46 : memref<!tpu.dma_semaphore, #tpu.memory_space<semaphore_mem>>) src(%arg9 : memref<96x128xf32, #tpu.memory_space<vmem>>) dst(%dma_wait3A_54 : memref<96x128xf32, #tpu.memory_space<vmem_shared>>)
      tpu.yield
    }) : () -> ()
    %add3A_13 = arith.constant 480 : i32
    %add3A_14 = arith.addi %mul3A_2, %add3A_13 : i32
    "tpu.region"() ({
      %run_scoped3A_46 = tpu.sem_alloc : memref<!tpu.dma_semaphore, #tpu.memory_space<semaphore_mem>>
      %dma_start3A_47 = arith.constant 0 : i32
      %dma_start3A_48 = tpu.memref_slice %arg18[%add3A_14, %dma_start3A_47] : memref<10000x128xf32, #tpu.memory_space<vmem_shared>> -> memref<96x128xf32, #tpu.memory_space<vmem_shared>>
      %dma_start3A_49 = arith.constant 0 : i32
      %dma_start3A_50 = tpu.memref_slice %arg18[%add3A_14, %dma_start3A_49] : memref<10000x128xf32, #tpu.memory_space<vmem_shared>> -> memref<96x128xf32, #tpu.memory_space<vmem_shared>>
      tpu.enqueue_dma source(%arg9 : memref<96x128xf32, #tpu.memory_space<vmem>>) target(%dma_start3A_50 : memref<96x128xf32, #tpu.memory_space<vmem_shared>>) target_semaphore(%run_scoped3A_46 : memref<!tpu.dma_semaphore, #tpu.memory_space<semaphore_mem>>)
      %dma_wait3A_51 = arith.constant 0 : i32
      %dma_wait3A_52 = tpu.memref_slice %arg18[%add3A_14, %dma_wait3A_51] : memref<10000x128xf32, #tpu.memory_space<vmem_shared>> -> memref<96x128xf32, #tpu.memory_space<vmem_shared>>
      %dma_wait3A_53 = arith.constant 0 : i32
      %dma_wait3A_54 = tpu.memref_slice %arg18[%add3A_14, %dma_wait3A_53] : memref<10000x128xf32, #tpu.memory_space<vmem_shared>> -> memref<96x128xf32, #tpu.memory_space<vmem_shared>>
      tpu.wait_dma2 semaphore(%run_scoped3A_46 : memref<!tpu.dma_semaphore, #tpu.memory_space<semaphore_mem>>) src(%arg9 : memref<96x128xf32, #tpu.memory_space<vmem>>) dst(%dma_wait3A_54 : memref<96x128xf32, #tpu.memory_space<vmem_shared>>)
      tpu.yield
    }) : () -> ()
    %add3A_15 = arith.constant 576 : i32
    %add3A_16 = arith.addi %mul3A_2, %add3A_15 : i32
    "tpu.region"() ({
      %run_scoped3A_46 = tpu.sem_alloc : memref<!tpu.dma_semaphore, #tpu.memory_space<semaphore_mem>>
      %dma_start3A_47 = arith.constant 0 : i32
      %dma_start3A_48 = arith.constant 0 : i32
      %dma_start3A_49 = tpu.memref_slice %arg9[%dma_start3A_47, %dma_start3A_48] : memref<96x128xf32, #tpu.memory_space<vmem>> -> memref<49x128xf32, #tpu.memory_space<vmem>>
      %dma_start3A_50 = arith.constant 0 : i32
      %dma_start3A_51 = tpu.memref_slice %arg18[%add3A_16, %dma_start3A_50] : memref<10000x128xf32, #tpu.memory_space<vmem_shared>> -> memref<49x128xf32, #tpu.memory_space<vmem_shared>>
      %dma_start3A_52 = arith.constant 0 : i32
      %dma_start3A_53 = tpu.memref_slice %arg18[%add3A_16, %dma_start3A_52] : memref<10000x128xf32, #tpu.memory_space<vmem_shared>> -> memref<49x128xf32, #tpu.memory_space<vmem_shared>>
      %dma_start3A_54 = arith.constant 0 : i32
      %dma_start3A_55 = arith.constant 0 : i32
      %dma_start3A_56 = tpu.memref_slice %arg9[%dma_start3A_54, %dma_start3A_55] : memref<96x128xf32, #tpu.memory_space<vmem>> -> memref<49x128xf32, #tpu.memory_space<vmem>>
      tpu.enqueue_dma source(%dma_start3A_56 : memref<49x128xf32, #tpu.memory_space<vmem>>) target(%dma_start3A_53 : memref<49x128xf32, #tpu.memory_space<vmem_shared>>) target_semaphore(%run_scoped3A_46 : memref<!tpu.dma_semaphore, #tpu.memory_space<semaphore_mem>>)
      %dma_wait3A_57 = arith.constant 0 : i32
      %dma_wait3A_58 = arith.constant 0 : i32
      %dma_wait3A_59 = tpu.memref_slice %arg9[%dma_wait3A_57, %dma_wait3A_58] : memref<96x128xf32, #tpu.memory_space<vmem>> -> memref<49x128xf32, #tpu.memory_space<vmem>>
      %dma_wait3A_60 = arith.constant 0 : i32
      %dma_wait3A_61 = tpu.memref_slice %arg18[%add3A_16, %dma_wait3A_60] : memref<10000x128xf32, #tpu.memory_space<vmem_shared>> -> memref<49x128xf32, #tpu.memory_space<vmem_shared>>
      %dma_wait3A_62 = arith.constant 0 : i32
      %dma_wait3A_63 = tpu.memref_slice %arg18[%add3A_16, %dma_wait3A_62] : memref<10000x128xf32, #tpu.memory_space<vmem_shared>> -> memref<49x128xf32, #tpu.memory_space<vmem_shared>>
      %dma_wait3A_64 = arith.constant 0 : i32
      %dma_wait3A_65 = arith.constant 0 : i32
      %dma_wait3A_66 = tpu.memref_slice %arg9[%dma_wait3A_64, %dma_wait3A_65] : memref<96x128xf32, #tpu.memory_space<vmem>> -> memref<49x128xf32, #tpu.memory_space<vmem>>
      tpu.wait_dma2 semaphore(%run_scoped3A_46 : memref<!tpu.dma_semaphore, #tpu.memory_space<semaphore_mem>>) src(%dma_wait3A_66 : memref<49x128xf32, #tpu.memory_space<vmem>>) dst(%dma_wait3A_63 : memref<49x128xf32, #tpu.memory_space<vmem_shared>>)
      tpu.yield
    }) : () -> ()
    %barrier3A = arith.constant 0 : index
    tpu.barrier barrier_id(%barrier3A)
    %dma_start3A = arith.constant 0 : i32
    %dma_start3A_17 = tpu.memref_slice %arg8[%dma_start3A] : memref<10080xi32, #tpu.memory_space<vmem>> -> memref<96xi32, #tpu.memory_space<vmem>>
    %dma_start3A_18 = arith.constant 0 : i32
    %dma_start3A_19 = arith.constant 0 : i32
    %dma_start3A_20 = tpu.memref_slice %arg2[%dma_start3A_18, %dma_start3A_19] : memref<10000x128xf32, #tpu.memory_space<hbm>> -> memref<10000x128xf32, #tpu.memory_space<hbm>>
    tpu.enqueue_indirect_dma source(%dma_start3A_20 : memref<10000x128xf32, #tpu.memory_space<hbm>>) target(%arg9 : memref<96x128xf32, #tpu.memory_space<vmem>>) offsets(%dma_start3A_17 : memref<96xi32, #tpu.memory_space<vmem>>) semaphore(%arg19 : memref<!tpu.dma_semaphore, #tpu.memory_space<semaphore_mem>>)
    %dma_start3A_21 = arith.constant 0 : i32
    %dma_start3A_22 = arith.constant 0 : i32
    %dma_start3A_23 = tpu.memref_slice %arg5[%add3A, %dma_start3A_21, %dma_start3A_22] : memref<32x105x96xi32, #tpu.memory_space<hbm>> -> memref<1x1x96xi32, #tpu.memory_space<hbm>>
    %dma_start3A_24 = tpu.memref_squeeze %dma_start3A_23 : memref<1x1x96xi32, #tpu.memory_space<hbm>> -> memref<96xi32, #tpu.memory_space<hbm>>
    %dma_start3A_25 = arith.constant 0 : i32
    %dma_start3A_26 = tpu.memref_slice %arg5[%add3A, %dma_start3A_21, %dma_start3A_25] : memref<32x105x96xi32, #tpu.memory_space<hbm>> -> memref<1x1x96xi32, #tpu.memory_space<hbm>>
    %dma_start3A_27 = tpu.memref_squeeze %dma_start3A_26 : memref<1x1x96xi32, #tpu.memory_space<hbm>> -> memref<96xi32, #tpu.memory_space<hbm>>
    tpu.enqueue_dma source(%dma_start3A_27 : memref<96xi32, #tpu.memory_space<hbm>>) target(%arg12 : memref<96xi32, #tpu.memory_space<vmem>>) target_semaphore(%arg22 : memref<!tpu.dma_semaphore, #tpu.memory_space<semaphore_mem>>)
    %dma_start3A_28 = arith.constant 0 : i32
    %dma_start3A_29 = arith.constant 0 : i32
    %dma_start3A_30 = tpu.memref_slice %arg3[%add3A, %dma_start3A_28, %dma_start3A_29] : memref<32x105x96xf32, #tpu.memory_space<hbm>> -> memref<1x1x96xf32, #tpu.memory_space<hbm>>
    %dma_start3A_31 = tpu.memref_squeeze %dma_start3A_30 : memref<1x1x96xf32, #tpu.memory_space<hbm>> -> memref<96xf32, #tpu.memory_space<hbm>>
    %dma_start3A_32 = arith.constant 0 : i32
    %dma_start3A_33 = tpu.memref_slice %arg3[%add3A, %dma_start3A_28, %dma_start3A_32] : memref<32x105x96xf32, #tpu.memory_space<hbm>> -> memref<1x1x96xf32, #tpu.memory_space<hbm>>
    %dma_start3A_34 = tpu.memref_squeeze %dma_start3A_33 : memref<1x1x96xf32, #tpu.memory_space<hbm>> -> memref<96xf32, #tpu.memory_space<hbm>>
    tpu.enqueue_dma source(%dma_start3A_34 : memref<96xf32, #tpu.memory_space<hbm>>) target(%arg15 : memref<96xf32, #tpu.memory_space<vmem>>) target_semaphore(%arg22 : memref<!tpu.dma_semaphore, #tpu.memory_space<semaphore_mem>>)
    %scan3A = arith.constant 0 : i32
    %scan3A_35 = arith.constant 0 : i32
    %scan3A_36 = arith.constant 35 : i32
    %scan3A_37 = arith.addi %scan3A_35, %scan3A_36 : i32
    %scan3A_38 = arith.constant 1 : i32
    scf.for %scan3A_46 = %scan3A_35 to %scan3A_37 step %scan3A_38  : i32 {
      %mul3A_47 = arith.constant 3 : i32
      %mul3A_48 = arith.muli %mul3A_47, %scan3A_46 : i32
      %add3A_49 = arith.constant 0 : i32
      %add3A_50 = arith.addi %mul3A_48, %add3A_49 : i32
      %mul3A_51 = arith.constant 96 : i32
      %mul3A_52 = arith.muli %add3A_50, %mul3A_51 : i32
      %dma_wait3A_53 = tpu.memref_slice %arg8[%mul3A_52] : memref<10080xi32, #tpu.memory_space<vmem>> -> memref<96xi32, #tpu.memory_space<vmem>>
      %dma_wait3A_54 = arith.constant 0 : i32
      %dma_wait3A_55 = arith.constant 0 : i32
      %dma_wait3A_56 = tpu.memref_slice %arg2[%dma_wait3A_54, %dma_wait3A_55] : memref<10000x128xf32, #tpu.memory_space<hbm>> -> memref<10000x128xf32, #tpu.memory_space<hbm>>
      tpu.wait_indirect_dma semaphore(%arg19 : memref<!tpu.dma_semaphore, #tpu.memory_space<semaphore_mem>>) src(%dma_wait3A_56 : memref<10000x128xf32, #tpu.memory_space<hbm>>) dst(%arg9 : memref<96x128xf32, #tpu.memory_space<vmem>>)
      %dma_wait3A_57 = arith.constant 0 : i32
      %dma_wait3A_58 = tpu.memref_slice %arg5[%add3A, %add3A_50, %dma_wait3A_57] : memref<32x105x96xi32, #tpu.memory_space<hbm>> -> memref<1x1x96xi32, #tpu.memory_space<hbm>>
      %dma_wait3A_59 = tpu.memref_squeeze %dma_wait3A_58 : memref<1x1x96xi32, #tpu.memory_space<hbm>> -> memref<96xi32, #tpu.memory_space<hbm>>
      %dma_wait3A_60 = arith.constant 0 : i32
      %dma_wait3A_61 = tpu.memref_slice %arg5[%add3A, %add3A_50, %dma_wait3A_60] : memref<32x105x96xi32, #tpu.memory_space<hbm>> -> memref<1x1x96xi32, #tpu.memory_space<hbm>>
      %dma_wait3A_62 = tpu.memref_squeeze %dma_wait3A_61 : memref<1x1x96xi32, #tpu.memory_space<hbm>> -> memref<96xi32, #tpu.memory_space<hbm>>
      tpu.wait_dma2 semaphore(%arg22 : memref<!tpu.dma_semaphore, #tpu.memory_space<semaphore_mem>>) src(%dma_wait3A_62 : memref<96xi32, #tpu.memory_space<hbm>>) dst(%arg12 : memref<96xi32, #tpu.memory_space<vmem>>)
      %dma_wait3A_63 = arith.constant 0 : i32
      %dma_wait3A_64 = tpu.memref_slice %arg3[%add3A, %add3A_50, %dma_wait3A_63] : memref<32x105x96xf32, #tpu.memory_space<hbm>> -> memref<1x1x96xf32, #tpu.memory_space<hbm>>
      %dma_wait3A_65 = tpu.memref_squeeze %dma_wait3A_64 : memref<1x1x96xf32, #tpu.memory_space<hbm>> -> memref<96xf32, #tpu.memory_space<hbm>>
      %dma_wait3A_66 = arith.constant 0 : i32
      %dma_wait3A_67 = tpu.memref_slice %arg3[%add3A, %add3A_50, %dma_wait3A_66] : memref<32x105x96xf32, #tpu.memory_space<hbm>> -> memref<1x1x96xf32, #tpu.memory_space<hbm>>
      %dma_wait3A_68 = tpu.memref_squeeze %dma_wait3A_67 : memref<1x1x96xf32, #tpu.memory_space<hbm>> -> memref<96xf32, #tpu.memory_space<hbm>>
      tpu.wait_dma2 semaphore(%arg22 : memref<!tpu.dma_semaphore, #tpu.memory_space<semaphore_mem>>) src(%dma_wait3A_68 : memref<96xf32, #tpu.memory_space<hbm>>) dst(%arg15 : memref<96xf32, #tpu.memory_space<vmem>>)
      %ge3A = arith.constant 2 : i32
      %ge3A_69 = arith.cmpi sge, %add3A_50, %ge3A : i32
      %convert_element_type3A = arith.extui %ge3A_69 : i1 to i32
      %cond3A = arith.constant 0 : i32
      %cond3A_70 = arith.cmpi ne, %convert_element_type3A, %cond3A : i32
      scf.if %cond3A_70 {
        %dma_wait3A_166 = arith.constant 0 : i32
        %dma_wait3A_167 = arith.constant 0 : i32
        %dma_wait3A_168 = tpu.memref_slice %arg18[%dma_wait3A_166, %dma_wait3A_167] : memref<10000x128xf32, #tpu.memory_space<vmem_shared>> -> memref<10000x128xf32, #tpu.memory_space<vmem_shared>>
        tpu.wait_indirect_dma semaphore(%arg26 : memref<!tpu.dma_semaphore, #tpu.memory_space<semaphore_mem>>) src(%arg10 : memref<96x128xf32, #tpu.memory_space<vmem>>) dst(%dma_wait3A_168 : memref<10000x128xf32, #tpu.memory_space<vmem_shared>>)
      } else {
      }
      %lt3A = arith.constant 104 : i32
      %lt3A_71 = arith.cmpi slt, %add3A_50, %lt3A : i32
      %convert_element_type3A_72 = arith.extui %lt3A_71 : i1 to i32
      %cond3A_73 = arith.constant 0 : i32
      %cond3A_74 = arith.cmpi ne, %convert_element_type3A_72, %cond3A_73 : i32
      scf.if %cond3A_74 {
        %add3A_166 = arith.constant 1 : i32
        %add3A_167 = arith.addi %add3A_50, %add3A_166 : i32
        %mul3A_168 = arith.constant 96 : i32
        %mul3A_169 = arith.muli %add3A_167, %mul3A_168 : i32
        %dma_start3A_170 = tpu.memref_slice %arg8[%mul3A_169] : memref<10080xi32, #tpu.memory_space<vmem>> -> memref<96xi32, #tpu.memory_space<vmem>>
        %dma_start3A_171 = arith.constant 0 : i32
        %dma_start3A_172 = arith.constant 0 : i32
        %dma_start3A_173 = tpu.memref_slice %arg2[%dma_start3A_171, %dma_start3A_172] : memref<10000x128xf32, #tpu.memory_space<hbm>> -> memref<10000x128xf32, #tpu.memory_space<hbm>>
        tpu.enqueue_indirect_dma source(%dma_start3A_173 : memref<10000x128xf32, #tpu.memory_space<hbm>>) target(%arg10 : memref<96x128xf32, #tpu.memory_space<vmem>>) offsets(%dma_start3A_170 : memref<96xi32, #tpu.memory_space<vmem>>) semaphore(%arg20 : memref<!tpu.dma_semaphore, #tpu.memory_space<semaphore_mem>>)
        %dma_start3A_174 = arith.constant 0 : i32
        %dma_start3A_175 = tpu.memref_slice %arg5[%add3A, %add3A_167, %dma_start3A_174] : memref<32x105x96xi32, #tpu.memory_space<hbm>> -> memref<1x1x96xi32, #tpu.memory_space<hbm>>
        %dma_start3A_176 = tpu.memref_squeeze %dma_start3A_175 : memref<1x1x96xi32, #tpu.memory_space<hbm>> -> memref<96xi32, #tpu.memory_space<hbm>>
        %dma_start3A_177 = arith.constant 0 : i32
        %dma_start3A_178 = tpu.memref_slice %arg5[%add3A, %add3A_167, %dma_start3A_177] : memref<32x105x96xi32, #tpu.memory_space<hbm>> -> memref<1x1x96xi32, #tpu.memory_space<hbm>>
        %dma_start3A_179 = tpu.memref_squeeze %dma_start3A_178 : memref<1x1x96xi32, #tpu.memory_space<hbm>> -> memref<96xi32, #tpu.memory_space<hbm>>
        tpu.enqueue_dma source(%dma_start3A_179 : memref<96xi32, #tpu.memory_space<hbm>>) target(%arg13 : memref<96xi32, #tpu.memory_space<vmem>>) target_semaphore(%arg23 : memref<!tpu.dma_semaphore, #tpu.memory_space<semaphore_mem>>)
        %dma_start3A_180 = arith.constant 0 : i32
        %dma_start3A_181 = tpu.memref_slice %arg3[%add3A, %add3A_167, %dma_start3A_180] : memref<32x105x96xf32, #tpu.memory_space<hbm>> -> memref<1x1x96xf32, #tpu.memory_space<hbm>>
        %dma_start3A_182 = tpu.memref_squeeze %dma_start3A_181 : memref<1x1x96xf32, #tpu.memory_space<hbm>> -> memref<96xf32, #tpu.memory_space<hbm>>
        %dma_start3A_183 = arith.constant 0 : i32
        %dma_start3A_184 = tpu.memref_slice %arg3[%add3A, %add3A_167, %dma_start3A_183] : memref<32x105x96xf32, #tpu.memory_space<hbm>> -> memref<1x1x96xf32, #tpu.memory_space<hbm>>
        %dma_start3A_185 = tpu.memref_squeeze %dma_start3A_184 : memref<1x1x96xf32, #tpu.memory_space<hbm>> -> memref<96xf32, #tpu.memory_space<hbm>>
        tpu.enqueue_dma source(%dma_start3A_185 : memref<96xf32, #tpu.memory_space<hbm>>) target(%arg16 : memref<96xf32, #tpu.memory_space<vmem>>) target_semaphore(%arg23 : memref<!tpu.dma_semaphore, #tpu.memory_space<semaphore_mem>>)
      } else {
      }
      %scan3A_75 = arith.constant 0 : i32
      %scan3A_76 = arith.constant 0 : i32
      %scan3A_77 = arith.constant 12 : i32
      %scan3A_78 = arith.addi %scan3A_76, %scan3A_77 : i32
      %scan3A_79 = arith.constant 1 : i32
      scf.for %scan3A_166 = %scan3A_76 to %scan3A_78 step %scan3A_79  : i32 {
        %mul3A_167 = arith.constant 8 : i32
        %mul3A_168 = arith.muli %mul3A_167, %scan3A_166 : i32
        %add3A_169 = arith.constant 0 : i32
        %add3A_170 = arith.addi %mul3A_168, %add3A_169 : i32
        %broadcast_in_dim3A = vector.broadcast %add3A_170 : i32 to vector<16xi32>
        %gather3A = tpu.vector_load_idx %arg15[%broadcast_in_dim3A] : memref<96xf32, #tpu.memory_space<vmem>>[vector<16xi32>], vector<16xf32>,
        %get3A = arith.index_cast %add3A_170 : i32 to index
        %get3A_171 = arith.constant 0 : index
        %get3A_172 = tpu.vector_load %arg9[%get3A, %get3A_171] {strides = array<i32>} : memref<96x128xf32, #tpu.memory_space<vmem>>, vector<16xf32>,
        %mul3A_173 = arith.mulf %get3A_172, %gather3A : vector<16xf32>
        %swap3A = arith.index_cast %add3A_170 : i32 to index
        %swap3A_174 = arith.constant 0 : index
        %swap3A_175 = tpu.vector_load %arg9[%swap3A, %swap3A_174] {strides = array<i32>} : memref<96x128xf32, #tpu.memory_space<vmem>>, vector<16xf32>,
        tpu.vector_store %arg9[%swap3A, %swap3A_174], %mul3A_173 {strides = array<i32>} : memref<96x128xf32, #tpu.memory_space<vmem>>, vector<16xf32>,
        %get3A_176 = arith.index_cast %add3A_170 : i32 to index
        %get3A_177 = arith.constant 16 : index
        %get3A_178 = tpu.vector_load %arg9[%get3A_176, %get3A_177] {strides = array<i32>} : memref<96x128xf32, #tpu.memory_space<vmem>>, vector<16xf32>,
        %mul3A_179 = arith.mulf %get3A_178, %gather3A : vector<16xf32>
        %swap3A_180 = arith.index_cast %add3A_170 : i32 to index
        %swap3A_181 = arith.constant 16 : index
        %swap3A_182 = tpu.vector_load %arg9[%swap3A_180, %swap3A_181] {strides = array<i32>} : memref<96x128xf32, #tpu.memory_space<vmem>>, vector<16xf32>,
        tpu.vector_store %arg9[%swap3A_180, %swap3A_181], %mul3A_179 {strides = array<i32>} : memref<96x128xf32, #tpu.memory_space<vmem>>, vector<16xf32>,
        %get3A_183 = arith.index_cast %add3A_170 : i32 to index
        %get3A_184 = arith.constant 32 : index
        %get3A_185 = tpu.vector_load %arg9[%get3A_183, %get3A_184] {strides = array<i32>} : memref<96x128xf32, #tpu.memory_space<vmem>>, vector<16xf32>,
        %mul3A_186 = arith.mulf %get3A_185, %gather3A : vector<16xf32>
        %swap3A_187 = arith.index_cast %add3A_170 : i32 to index
        %swap3A_188 = arith.constant 32 : index
        %swap3A_189 = tpu.vector_load %arg9[%swap3A_187, %swap3A_188] {strides = array<i32>} : memref<96x128xf32, #tpu.memory_space<vmem>>, vector<16xf32>,
        tpu.vector_store %arg9[%swap3A_187, %swap3A_188], %mul3A_186 {strides = array<i32>} : memref<96x128xf32, #tpu.memory_space<vmem>>, vector<16xf32>,
        %get3A_190 = arith.index_cast %add3A_170 : i32 to index
        %get3A_191 = arith.constant 48 : index
        %get3A_192 = tpu.vector_load %arg9[%get3A_190, %get3A_191] {strides = array<i32>} : memref<96x128xf32, #tpu.memory_space<vmem>>, vector<16xf32>,
        %mul3A_193 = arith.mulf %get3A_192, %gather3A : vector<16xf32>
        %swap3A_194 = arith.index_cast %add3A_170 : i32 to index
        %swap3A_195 = arith.constant 48 : index
        %swap3A_196 = tpu.vector_load %arg9[%swap3A_194, %swap3A_195] {strides = array<i32>} : memref<96x128xf32, #tpu.memory_space<vmem>>, vector<16xf32>,
        tpu.vector_store %arg9[%swap3A_194, %swap3A_195], %mul3A_193 {strides = array<i32>} : memref<96x128xf32, #tpu.memory_space<vmem>>, vector<16xf32>,
        %get3A_197 = arith.index_cast %add3A_170 : i32 to index
        %get3A_198 = arith.constant 64 : index
        %get3A_199 = tpu.vector_load %arg9[%get3A_197, %get3A_198] {strides = array<i32>} : memref<96x128xf32, #tpu.memory_space<vmem>>, vector<16xf32>,
        %mul3A_200 = arith.mulf %get3A_199, %gather3A : vector<16xf32>
        %swap3A_201 = arith.index_cast %add3A_170 : i32 to index
        %swap3A_202 = arith.constant 64 : index
        %swap3A_203 = tpu.vector_load %arg9[%swap3A_201, %swap3A_202] {strides = array<i32>} : memref<96x128xf32, #tpu.memory_space<vmem>>, vector<16xf32>,
        tpu.vector_store %arg9[%swap3A_201, %swap3A_202], %mul3A_200 {strides = array<i32>} : memref<96x128xf32, #tpu.memory_space<vmem>>, vector<16xf32>,
        %get3A_204 = arith.index_cast %add3A_170 : i32 to index
        %get3A_205 = arith.constant 80 : index
        %get3A_206 = tpu.vector_load %arg9[%get3A_204, %get3A_205] {strides = array<i32>} : memref<96x128xf32, #tpu.memory_space<vmem>>, vector<16xf32>,
        %mul3A_207 = arith.mulf %get3A_206, %gather3A : vector<16xf32>
        %swap3A_208 = arith.index_cast %add3A_170 : i32 to index
        %swap3A_209 = arith.constant 80 : index
        %swap3A_210 = tpu.vector_load %arg9[%swap3A_208, %swap3A_209] {strides = array<i32>} : memref<96x128xf32, #tpu.memory_space<vmem>>, vector<16xf32>,
        tpu.vector_store %arg9[%swap3A_208, %swap3A_209], %mul3A_207 {strides = array<i32>} : memref<96x128xf32, #tpu.memory_space<vmem>>, vector<16xf32>,
        %get3A_211 = arith.index_cast %add3A_170 : i32 to index
        %get3A_212 = arith.constant 96 : index
        %get3A_213 = tpu.vector_load %arg9[%get3A_211, %get3A_212] {strides = array<i32>} : memref<96x128xf32, #tpu.memory_space<vmem>>, vector<16xf32>,
        %mul3A_214 = arith.mulf %get3A_213, %gather3A : vector<16xf32>
        %swap3A_215 = arith.index_cast %add3A_170 : i32 to index
        %swap3A_216 = arith.constant 96 : index
        %swap3A_217 = tpu.vector_load %arg9[%swap3A_215, %swap3A_216] {strides = array<i32>} : memref<96x128xf32, #tpu.memory_space<vmem>>, vector<16xf32>,
        tpu.vector_store %arg9[%swap3A_215, %swap3A_216], %mul3A_214 {strides = array<i32>} : memref<96x128xf32, #tpu.memory_space<vmem>>, vector<16xf32>,
        %get3A_218 = arith.index_cast %add3A_170 : i32 to index
        %get3A_219 = arith.constant 112 : index
        %get3A_220 = tpu.vector_load %arg9[%get3A_218, %get3A_219] {strides = array<i32>} : memref<96x128xf32, #tpu.memory_space<vmem>>, vector<16xf32>,
        %mul3A_221 = arith.mulf %get3A_220, %gather3A : vector<16xf32>
        %swap3A_222 = arith.index_cast %add3A_170 : i32 to index
        %swap3A_223 = arith.constant 112 : index
        %swap3A_224 = tpu.vector_load %arg9[%swap3A_222, %swap3A_223] {strides = array<i32>} : memref<96x128xf32, #tpu.memory_space<vmem>>, vector<16xf32>,
        tpu.vector_store %arg9[%swap3A_222, %swap3A_223], %mul3A_221 {strides = array<i32>} : memref<96x128xf32, #tpu.memory_space<vmem>>, vector<16xf32>,
        %mul3A_225 = arith.constant 8 : i32
        %mul3A_226 = arith.muli %mul3A_225, %scan3A_166 : i32
        %add3A_227 = arith.constant 1 : i32
        %add3A_228 = arith.addi %mul3A_226, %add3A_227 : i32
        %broadcast_in_dim3A_229 = vector.broadcast %add3A_228 : i32 to vector<16xi32>
        %gather3A_230 = tpu.vector_load_idx %arg15[%broadcast_in_dim3A_229] : memref<96xf32, #tpu.memory_space<vmem>>[vector<16xi32>], vector<16xf32>,
        %get3A_231 = arith.index_cast %add3A_228 : i32 to index
        %get3A_232 = arith.constant 0 : index
        %get3A_233 = tpu.vector_load %arg9[%get3A_231, %get3A_232] {strides = array<i32>} : memref<96x128xf32, #tpu.memory_space<vmem>>, vector<16xf32>,
        %mul3A_234 = arith.mulf %get3A_233, %gather3A_230 : vector<16xf32>
        %swap3A_235 = arith.index_cast %add3A_228 : i32 to index
        %swap3A_236 = arith.constant 0 : index
        %swap3A_237 = tpu.vector_load %arg9[%swap3A_235, %swap3A_236] {strides = array<i32>} : memref<96x128xf32, #tpu.memory_space<vmem>>, vector<16xf32>,
        tpu.vector_store %arg9[%swap3A_235, %swap3A_236], %mul3A_234 {strides = array<i32>} : memref<96x128xf32, #tpu.memory_space<vmem>>, vector<16xf32>,
        %get3A_238 = arith.index_cast %add3A_228 : i32 to index
        %get3A_239 = arith.constant 16 : index
        %get3A_240 = tpu.vector_load %arg9[%get3A_238, %get3A_239] {strides = array<i32>} : memref<96x128xf32, #tpu.memory_space<vmem>>, vector<16xf32>,
        %mul3A_241 = arith.mulf %get3A_240, %gather3A_230 : vector<16xf32>
        %swap3A_242 = arith.index_cast %add3A_228 : i32 to index
        %swap3A_243 = arith.constant 16 : index
        %swap3A_244 = tpu.vector_load %arg9[%swap3A_242, %swap3A_243] {strides = array<i32>} : memref<96x128xf32, #tpu.memory_space<vmem>>, vector<16xf32>,
        tpu.vector_store %arg9[%swap3A_242, %swap3A_243], %mul3A_241 {strides = array<i32>} : memref<96x128xf32, #tpu.memory_space<vmem>>, vector<16xf32>,
        %get3A_245 = arith.index_cast %add3A_228 : i32 to index
        %get3A_246 = arith.constant 32 : index
        %get3A_247 = tpu.vector_load %arg9[%get3A_245, %get3A_246] {strides = array<i32>} : memref<96x128xf32, #tpu.memory_space<vmem>>, vector<16xf32>,
        %mul3A_248 = arith.mulf %get3A_247, %gather3A_230 : vector<16xf32>
        %swap3A_249 = arith.index_cast %add3A_228 : i32 to index
        %swap3A_250 = arith.constant 32 : index
        %swap3A_251 = tpu.vector_load %arg9[%swap3A_249, %swap3A_250] {strides = array<i32>} : memref<96x128xf32, #tpu.memory_space<vmem>>, vector<16xf32>,
        tpu.vector_store %arg9[%swap3A_249, %swap3A_250], %mul3A_248 {strides = array<i32>} : memref<96x128xf32, #tpu.memory_space<vmem>>, vector<16xf32>,
        %get3A_252 = arith.index_cast %add3A_228 : i32 to index
        %get3A_253 = arith.constant 48 : index
        %get3A_254 = tpu.vector_load %arg9[%get3A_252, %get3A_253] {strides = array<i32>} : memref<96x128xf32, #tpu.memory_space<vmem>>, vector<16xf32>,
        %mul3A_255 = arith.mulf %get3A_254, %gather3A_230 : vector<16xf32>
        %swap3A_256 = arith.index_cast %add3A_228 : i32 to index
        %swap3A_257 = arith.constant 48 : index
        %swap3A_258 = tpu.vector_load %arg9[%swap3A_256, %swap3A_257] {strides = array<i32>} : memref<96x128xf32, #tpu.memory_space<vmem>>, vector<16xf32>,
        tpu.vector_store %arg9[%swap3A_256, %swap3A_257], %mul3A_255 {strides = array<i32>} : memref<96x128xf32, #tpu.memory_space<vmem>>, vector<16xf32>,
        %get3A_259 = arith.index_cast %add3A_228 : i32 to index
        %get3A_260 = arith.constant 64 : index
        %get3A_261 = tpu.vector_load %arg9[%get3A_259, %get3A_260] {strides = array<i32>} : memref<96x128xf32, #tpu.memory_space<vmem>>, vector<16xf32>,
        %mul3A_262 = arith.mulf %get3A_261, %gather3A_230 : vector<16xf32>
        %swap3A_263 = arith.index_cast %add3A_228 : i32 to index
        %swap3A_264 = arith.constant 64 : index
        %swap3A_265 = tpu.vector_load %arg9[%swap3A_263, %swap3A_264] {strides = array<i32>} : memref<96x128xf32, #tpu.memory_space<vmem>>, vector<16xf32>,
        tpu.vector_store %arg9[%swap3A_263, %swap3A_264], %mul3A_262 {strides = array<i32>} : memref<96x128xf32, #tpu.memory_space<vmem>>, vector<16xf32>,
        %get3A_266 = arith.index_cast %add3A_228 : i32 to index
        %get3A_267 = arith.constant 80 : index
        %get3A_268 = tpu.vector_load %arg9[%get3A_266, %get3A_267] {strides = array<i32>} : memref<96x128xf32, #tpu.memory_space<vmem>>, vector<16xf32>,
        %mul3A_269 = arith.mulf %get3A_268, %gather3A_230 : vector<16xf32>
        %swap3A_270 = arith.index_cast %add3A_228 : i32 to index
        %swap3A_271 = arith.constant 80 : index
        %swap3A_272 = tpu.vector_load %arg9[%swap3A_270, %swap3A_271] {strides = array<i32>} : memref<96x128xf32, #tpu.memory_space<vmem>>, vector<16xf32>,
        tpu.vector_store %arg9[%swap3A_270, %swap3A_271], %mul3A_269 {strides = array<i32>} : memref<96x128xf32, #tpu.memory_space<vmem>>, vector<16xf32>,
        %get3A_273 = arith.index_cast %add3A_228 : i32 to index
        %get3A_274 = arith.constant 96 : index
        %get3A_275 = tpu.vector_load %arg9[%get3A_273, %get3A_274] {strides = array<i32>} : memref<96x128xf32, #tpu.memory_space<vmem>>, vector<16xf32>,
        %mul3A_276 = arith.mulf %get3A_275, %gather3A_230 : vector<16xf32>
        %swap3A_277 = arith.index_cast %add3A_228 : i32 to index
        %swap3A_278 = arith.constant 96 : index
        %swap3A_279 = tpu.vector_load %arg9[%swap3A_277, %swap3A_278] {strides = array<i32>} : memref<96x128xf32, #tpu.memory_space<vmem>>, vector<16xf32>,
        tpu.vector_store %arg9[%swap3A_277, %swap3A_278], %mul3A_276 {strides = array<i32>} : memref<96x128xf32, #tpu.memory_space<vmem>>, vector<16xf32>,
        %get3A_280 = arith.index_cast %add3A_228 : i32 to index
        %get3A_281 = arith.constant 112 : index
        %get3A_282 = tpu.vector_load %arg9[%get3A_280, %get3A_281] {strides = array<i32>} : memref<96x128xf32, #tpu.memory_space<vmem>>, vector<16xf32>,
        %mul3A_283 = arith.mulf %get3A_282, %gather3A_230 : vector<16xf32>
        %swap3A_284 = arith.index_cast %add3A_228 : i32 to index
        %swap3A_285 = arith.constant 112 : index
        %swap3A_286 = tpu.vector_load %arg9[%swap3A_284, %swap3A_285] {strides = array<i32>} : memref<96x128xf32, #tpu.memory_space<vmem>>, vector<16xf32>,
        tpu.vector_store %arg9[%swap3A_284, %swap3A_285], %mul3A_283 {strides = array<i32>} : memref<96x128xf32, #tpu.memory_space<vmem>>, vector<16xf32>,
        %mul3A_287 = arith.constant 8 : i32
        %mul3A_288 = arith.muli %mul3A_287, %scan3A_166 : i32
        %add3A_289 = arith.constant 2 : i32
        %add3A_290 = arith.addi %mul3A_288, %add3A_289 : i32
        %broadcast_in_dim3A_291 = vector.broadcast %add3A_290 : i32 to vector<16xi32>
        %gather3A_292 = tpu.vector_load_idx %arg15[%broadcast_in_dim3A_291] : memref<96xf32, #tpu.memory_space<vmem>>[vector<16xi32>], vector<16xf32>,
        %get3A_293 = arith.index_cast %add3A_290 : i32 to index
        %get3A_294 = arith.constant 0 : index
        %get3A_295 = tpu.vector_load %arg9[%get3A_293, %get3A_294] {strides = array<i32>} : memref<96x128xf32, #tpu.memory_space<vmem>>, vector<16xf32>,
        %mul3A_296 = arith.mulf %get3A_295, %gather3A_292 : vector<16xf32>
        %swap3A_297 = arith.index_cast %add3A_290 : i32 to index
        %swap3A_298 = arith.constant 0 : index
        %swap3A_299 = tpu.vector_load %arg9[%swap3A_297, %swap3A_298] {strides = array<i32>} : memref<96x128xf32, #tpu.memory_space<vmem>>, vector<16xf32>,
        tpu.vector_store %arg9[%swap3A_297, %swap3A_298], %mul3A_296 {strides = array<i32>} : memref<96x128xf32, #tpu.memory_space<vmem>>, vector<16xf32>,
        %get3A_300 = arith.index_cast %add3A_290 : i32 to index
        %get3A_301 = arith.constant 16 : index
        %get3A_302 = tpu.vector_load %arg9[%get3A_300, %get3A_301] {strides = array<i32>} : memref<96x128xf32, #tpu.memory_space<vmem>>, vector<16xf32>,
        %mul3A_303 = arith.mulf %get3A_302, %gather3A_292 : vector<16xf32>
        %swap3A_304 = arith.index_cast %add3A_290 : i32 to index
        %swap3A_305 = arith.constant 16 : index
        %swap3A_306 = tpu.vector_load %arg9[%swap3A_304, %swap3A_305] {strides = array<i32>} : memref<96x128xf32, #tpu.memory_space<vmem>>, vector<16xf32>,
        tpu.vector_store %arg9[%swap3A_304, %swap3A_305], %mul3A_303 {strides = array<i32>} : memref<96x128xf32, #tpu.memory_space<vmem>>, vector<16xf32>,
        %get3A_307 = arith.index_cast %add3A_290 : i32 to index
        %get3A_308 = arith.constant 32 : index
        %get3A_309 = tpu.vector_load %arg9[%get3A_307, %get3A_308] {strides = array<i32>} : memref<96x128xf32, #tpu.memory_space<vmem>>, vector<16xf32>,
        %mul3A_310 = arith.mulf %get3A_309, %gather3A_292 : vector<16xf32>
        %swap3A_311 = arith.index_cast %add3A_290 : i32 to index
        %swap3A_312 = arith.constant 32 : index
        %swap3A_313 = tpu.vector_load %arg9[%swap3A_311, %swap3A_312] {strides = array<i32>} : memref<96x128xf32, #tpu.memory_space<vmem>>, vector<16xf32>,
        tpu.vector_store %arg9[%swap3A_311, %swap3A_312], %mul3A_310 {strides = array<i32>} : memref<96x128xf32, #tpu.memory_space<vmem>>, vector<16xf32>,
        %get3A_314 = arith.index_cast %add3A_290 : i32 to index
        %get3A_315 = arith.constant 48 : index
        %get3A_316 = tpu.vector_load %arg9[%get3A_314, %get3A_315] {strides = array<i32>} : memref<96x128xf32, #tpu.memory_space<vmem>>, vector<16xf32>,
        %mul3A_317 = arith.mulf %get3A_316, %gather3A_292 : vector<16xf32>
        %swap3A_318 = arith.index_cast %add3A_290 : i32 to index
        %swap3A_319 = arith.constant 48 : index
        %swap3A_320 = tpu.vector_load %arg9[%swap3A_318, %swap3A_319] {strides = array<i32>} : memref<96x128xf32, #tpu.memory_space<vmem>>, vector<16xf32>,
        tpu.vector_store %arg9[%swap3A_318, %swap3A_319], %mul3A_317 {strides = array<i32>} : memref<96x128xf32, #tpu.memory_space<vmem>>, vector<16xf32>,
        %get3A_321 = arith.index_cast %add3A_290 : i32 to index
        %get3A_322 = arith.constant 64 : index
        %get3A_323 = tpu.vector_load %arg9[%get3A_321, %get3A_322] {strides = array<i32>} : memref<96x128xf32, #tpu.memory_space<vmem>>, vector<16xf32>,
        %mul3A_324 = arith.mulf %get3A_323, %gather3A_292 : vector<16xf32>
        %swap3A_325 = arith.index_cast %add3A_290 : i32 to index
        %swap3A_326 = arith.constant 64 : index
        %swap3A_327 = tpu.vector_load %arg9[%swap3A_325, %swap3A_326] {strides = array<i32>} : memref<96x128xf32, #tpu.memory_space<vmem>>, vector<16xf32>,
        tpu.vector_store %arg9[%swap3A_325, %swap3A_326], %mul3A_324 {strides = array<i32>} : memref<96x128xf32, #tpu.memory_space<vmem>>, vector<16xf32>,
        %get3A_328 = arith.index_cast %add3A_290 : i32 to index
        %get3A_329 = arith.constant 80 : index
        %get3A_330 = tpu.vector_load %arg9[%get3A_328, %get3A_329] {strides = array<i32>} : memref<96x128xf32, #tpu.memory_space<vmem>>, vector<16xf32>,
        %mul3A_331 = arith.mulf %get3A_330, %gather3A_292 : vector<16xf32>
        %swap3A_332 = arith.index_cast %add3A_290 : i32 to index
        %swap3A_333 = arith.constant 80 : index
        %swap3A_334 = tpu.vector_load %arg9[%swap3A_332, %swap3A_333] {strides = array<i32>} : memref<96x128xf32, #tpu.memory_space<vmem>>, vector<16xf32>,
        tpu.vector_store %arg9[%swap3A_332, %swap3A_333], %mul3A_331 {strides = array<i32>} : memref<96x128xf32, #tpu.memory_space<vmem>>, vector<16xf32>,
        %get3A_335 = arith.index_cast %add3A_290 : i32 to index
        %get3A_336 = arith.constant 96 : index
        %get3A_337 = tpu.vector_load %arg9[%get3A_335, %get3A_336] {strides = array<i32>} : memref<96x128xf32, #tpu.memory_space<vmem>>, vector<16xf32>,
        %mul3A_338 = arith.mulf %get3A_337, %gather3A_292 : vector<16xf32>
        %swap3A_339 = arith.index_cast %add3A_290 : i32 to index
        %swap3A_340 = arith.constant 96 : index
        %swap3A_341 = tpu.vector_load %arg9[%swap3A_339, %swap3A_340] {strides = array<i32>} : memref<96x128xf32, #tpu.memory_space<vmem>>, vector<16xf32>,
        tpu.vector_store %arg9[%swap3A_339, %swap3A_340], %mul3A_338 {strides = array<i32>} : memref<96x128xf32, #tpu.memory_space<vmem>>, vector<16xf32>,
        %get3A_342 = arith.index_cast %add3A_290 : i32 to index
        %get3A_343 = arith.constant 112 : index
        %get3A_344 = tpu.vector_load %arg9[%get3A_342, %get3A_343] {strides = array<i32>} : memref<96x128xf32, #tpu.memory_space<vmem>>, vector<16xf32>,
        %mul3A_345 = arith.mulf %get3A_344, %gather3A_292 : vector<16xf32>
        %swap3A_346 = arith.index_cast %add3A_290 : i32 to index
        %swap3A_347 = arith.constant 112 : index
        %swap3A_348 = tpu.vector_load %arg9[%swap3A_346, %swap3A_347] {strides = array<i32>} : memref<96x128xf32, #tpu.memory_space<vmem>>, vector<16xf32>,
        tpu.vector_store %arg9[%swap3A_346, %swap3A_347], %mul3A_345 {strides = array<i32>} : memref<96x128xf32, #tpu.memory_space<vmem>>, vector<16xf32>,
        %mul3A_349 = arith.constant 8 : i32
        %mul3A_350 = arith.muli %mul3A_349, %scan3A_166 : i32
        %add3A_351 = arith.constant 3 : i32
        %add3A_352 = arith.addi %mul3A_350, %add3A_351 : i32
        %broadcast_in_dim3A_353 = vector.broadcast %add3A_352 : i32 to vector<16xi32>
        %gather3A_354 = tpu.vector_load_idx %arg15[%broadcast_in_dim3A_353] : memref<96xf32, #tpu.memory_space<vmem>>[vector<16xi32>], vector<16xf32>,
        %get3A_355 = arith.index_cast %add3A_352 : i32 to index
        %get3A_356 = arith.constant 0 : index
        %get3A_357 = tpu.vector_load %arg9[%get3A_355, %get3A_356] {strides = array<i32>} : memref<96x128xf32, #tpu.memory_space<vmem>>, vector<16xf32>,
        %mul3A_358 = arith.mulf %get3A_357, %gather3A_354 : vector<16xf32>
        %swap3A_359 = arith.index_cast %add3A_352 : i32 to index
        %swap3A_360 = arith.constant 0 : index
        %swap3A_361 = tpu.vector_load %arg9[%swap3A_359, %swap3A_360] {strides = array<i32>} : memref<96x128xf32, #tpu.memory_space<vmem>>, vector<16xf32>,
        tpu.vector_store %arg9[%swap3A_359, %swap3A_360], %mul3A_358 {strides = array<i32>} : memref<96x128xf32, #tpu.memory_space<vmem>>, vector<16xf32>,
        %get3A_362 = arith.index_cast %add3A_352 : i32 to index
        %get3A_363 = arith.constant 16 : index
        %get3A_364 = tpu.vector_load %arg9[%get3A_362, %get3A_363] {strides = array<i32>} : memref<96x128xf32, #tpu.memory_space<vmem>>, vector<16xf32>,
        %mul3A_365 = arith.mulf %get3A_364, %gather3A_354 : vector<16xf32>
        %swap3A_366 = arith.index_cast %add3A_352 : i32 to index
        %swap3A_367 = arith.constant 16 : index
        %swap3A_368 = tpu.vector_load %arg9[%swap3A_366, %swap3A_367] {strides = array<i32>} : memref<96x128xf32, #tpu.memory_space<vmem>>, vector<16xf32>,
        tpu.vector_store %arg9[%swap3A_366, %swap3A_367], %mul3A_365 {strides = array<i32>} : memref<96x128xf32, #tpu.memory_space<vmem>>, vector<16xf32>,
        %get3A_369 = arith.index_cast %add3A_352 : i32 to index
        %get3A_370 = arith.constant 32 : index
        %get3A_371 = tpu.vector_load %arg9[%get3A_369, %get3A_370] {strides = array<i32>} : memref<96x128xf32, #tpu.memory_space<vmem>>, vector<16xf32>,
        %mul3A_372 = arith.mulf %get3A_371, %gather3A_354 : vector<16xf32>
        %swap3A_373 = arith.index_cast %add3A_352 : i32 to index
        %swap3A_374 = arith.constant 32 : index
        %swap3A_375 = tpu.vector_load %arg9[%swap3A_373, %swap3A_374] {strides = array<i32>} : memref<96x128xf32, #tpu.memory_space<vmem>>, vector<16xf32>,
        tpu.vector_store %arg9[%swap3A_373, %swap3A_374], %mul3A_372 {strides = array<i32>} : memref<96x128xf32, #tpu.memory_space<vmem>>, vector<16xf32>,
        %get3A_376 = arith.index_cast %add3A_352 : i32 to index
        %get3A_377 = arith.constant 48 : index
        %get3A_378 = tpu.vector_load %arg9[%get3A_376, %get3A_377] {strides = array<i32>} : memref<96x128xf32, #tpu.memory_space<vmem>>, vector<16xf32>,
        %mul3A_379 = arith.mulf %get3A_378, %gather3A_354 : vector<16xf32>
        %swap3A_380 = arith.index_cast %add3A_352 : i32 to index
        %swap3A_381 = arith.constant 48 : index
        %swap3A_382 = tpu.vector_load %arg9[%swap3A_380, %swap3A_381] {strides = array<i32>} : memref<96x128xf32, #tpu.memory_space<vmem>>, vector<16xf32>,
        tpu.vector_store %arg9[%swap3A_380, %swap3A_381], %mul3A_379 {strides = array<i32>} : memref<96x128xf32, #tpu.memory_space<vmem>>, vector<16xf32>,
        %get3A_383 = arith.index_cast %add3A_352 : i32 to index
        %get3A_384 = arith.constant 64 : index
        %get3A_385 = tpu.vector_load %arg9[%get3A_383, %get3A_384] {strides = array<i32>} : memref<96x128xf32, #tpu.memory_space<vmem>>, vector<16xf32>,
        %mul3A_386 = arith.mulf %get3A_385, %gather3A_354 : vector<16xf32>
        %swap3A_387 = arith.index_cast %add3A_352 : i32 to index
        %swap3A_388 = arith.constant 64 : index
        %swap3A_389 = tpu.vector_load %arg9[%swap3A_387, %swap3A_388] {strides = array<i32>} : memref<96x128xf32, #tpu.memory_space<vmem>>, vector<16xf32>,
        tpu.vector_store %arg9[%swap3A_387, %swap3A_388], %mul3A_386 {strides = array<i32>} : memref<96x128xf32, #tpu.memory_space<vmem>>, vector<16xf32>,
        %get3A_390 = arith.index_cast %add3A_352 : i32 to index
        %get3A_391 = arith.constant 80 : index
        %get3A_392 = tpu.vector_load %arg9[%get3A_390, %get3A_391] {strides = array<i32>} : memref<96x128xf32, #tpu.memory_space<vmem>>, vector<16xf32>,
        %mul3A_393 = arith.mulf %get3A_392, %gather3A_354 : vector<16xf32>
        %swap3A_394 = arith.index_cast %add3A_352 : i32 to index
        %swap3A_395 = arith.constant 80 : index
        %swap3A_396 = tpu.vector_load %arg9[%swap3A_394, %swap3A_395] {strides = array<i32>} : memref<96x128xf32, #tpu.memory_space<vmem>>, vector<16xf32>,
        tpu.vector_store %arg9[%swap3A_394, %swap3A_395], %mul3A_393 {strides = array<i32>} : memref<96x128xf32, #tpu.memory_space<vmem>>, vector<16xf32>,
        %get3A_397 = arith.index_cast %add3A_352 : i32 to index
        %get3A_398 = arith.constant 96 : index
        %get3A_399 = tpu.vector_load %arg9[%get3A_397, %get3A_398] {strides = array<i32>} : memref<96x128xf32, #tpu.memory_space<vmem>>, vector<16xf32>,
        %mul3A_400 = arith.mulf %get3A_399, %gather3A_354 : vector<16xf32>
        %swap3A_401 = arith.index_cast %add3A_352 : i32 to index
        %swap3A_402 = arith.constant 96 : index
        %swap3A_403 = tpu.vector_load %arg9[%swap3A_401, %swap3A_402] {strides = array<i32>} : memref<96x128xf32, #tpu.memory_space<vmem>>, vector<16xf32>,
        tpu.vector_store %arg9[%swap3A_401, %swap3A_402], %mul3A_400 {strides = array<i32>} : memref<96x128xf32, #tpu.memory_space<vmem>>, vector<16xf32>,
        %get3A_404 = arith.index_cast %add3A_352 : i32 to index
        %get3A_405 = arith.constant 112 : index
        %get3A_406 = tpu.vector_load %arg9[%get3A_404, %get3A_405] {strides = array<i32>} : memref<96x128xf32, #tpu.memory_space<vmem>>, vector<16xf32>,
        %mul3A_407 = arith.mulf %get3A_406, %gather3A_354 : vector<16xf32>
        %swap3A_408 = arith.index_cast %add3A_352 : i32 to index
        %swap3A_409 = arith.constant 112 : index
        %swap3A_410 = tpu.vector_load %arg9[%swap3A_408, %swap3A_409] {strides = array<i32>} : memref<96x128xf32, #tpu.memory_space<vmem>>, vector<16xf32>,
        tpu.vector_store %arg9[%swap3A_408, %swap3A_409], %mul3A_407 {strides = array<i32>} : memref<96x128xf32, #tpu.memory_space<vmem>>, vector<16xf32>,
        %mul3A_411 = arith.constant 8 : i32
        %mul3A_412 = arith.muli %mul3A_411, %scan3A_166 : i32
        %add3A_413 = arith.constant 4 : i32
        %add3A_414 = arith.addi %mul3A_412, %add3A_413 : i32
        %broadcast_in_dim3A_415 = vector.broadcast %add3A_414 : i32 to vector<16xi32>
        %gather3A_416 = tpu.vector_load_idx %arg15[%broadcast_in_dim3A_415] : memref<96xf32, #tpu.memory_space<vmem>>[vector<16xi32>], vector<16xf32>,
        %get3A_417 = arith.index_cast %add3A_414 : i32 to index
        %get3A_418 = arith.constant 0 : index
        %get3A_419 = tpu.vector_load %arg9[%get3A_417, %get3A_418] {strides = array<i32>} : memref<96x128xf32, #tpu.memory_space<vmem>>, vector<16xf32>,
        %mul3A_420 = arith.mulf %get3A_419, %gather3A_416 : vector<16xf32>
        %swap3A_421 = arith.index_cast %add3A_414 : i32 to index
        %swap3A_422 = arith.constant 0 : index
        %swap3A_423 = tpu.vector_load %arg9[%swap3A_421, %swap3A_422] {strides = array<i32>} : memref<96x128xf32, #tpu.memory_space<vmem>>, vector<16xf32>,
        tpu.vector_store %arg9[%swap3A_421, %swap3A_422], %mul3A_420 {strides = array<i32>} : memref<96x128xf32, #tpu.memory_space<vmem>>, vector<16xf32>,
        %get3A_424 = arith.index_cast %add3A_414 : i32 to index
        %get3A_425 = arith.constant 16 : index
        %get3A_426 = tpu.vector_load %arg9[%get3A_424, %get3A_425] {strides = array<i32>} : memref<96x128xf32, #tpu.memory_space<vmem>>, vector<16xf32>,
        %mul3A_427 = arith.mulf %get3A_426, %gather3A_416 : vector<16xf32>
        %swap3A_428 = arith.index_cast %add3A_414 : i32 to index
        %swap3A_429 = arith.constant 16 : index
        %swap3A_430 = tpu.vector_load %arg9[%swap3A_428, %swap3A_429] {strides = array<i32>} : memref<96x128xf32, #tpu.memory_space<vmem>>, vector<16xf32>,
        tpu.vector_store %arg9[%swap3A_428, %swap3A_429], %mul3A_427 {strides = array<i32>} : memref<96x128xf32, #tpu.memory_space<vmem>>, vector<16xf32>,
        %get3A_431 = arith.index_cast %add3A_414 : i32 to index
        %get3A_432 = arith.constant 32 : index
        %get3A_433 = tpu.vector_load %arg9[%get3A_431, %get3A_432] {strides = array<i32>} : memref<96x128xf32, #tpu.memory_space<vmem>>, vector<16xf32>,
        %mul3A_434 = arith.mulf %get3A_433, %gather3A_416 : vector<16xf32>
        %swap3A_435 = arith.index_cast %add3A_414 : i32 to index
        %swap3A_436 = arith.constant 32 : index
        %swap3A_437 = tpu.vector_load %arg9[%swap3A_435, %swap3A_436] {strides = array<i32>} : memref<96x128xf32, #tpu.memory_space<vmem>>, vector<16xf32>,
        tpu.vector_store %arg9[%swap3A_435, %swap3A_436], %mul3A_434 {strides = array<i32>} : memref<96x128xf32, #tpu.memory_space<vmem>>, vector<16xf32>,
        %get3A_438 = arith.index_cast %add3A_414 : i32 to index
        %get3A_439 = arith.constant 48 : index
        %get3A_440 = tpu.vector_load %arg9[%get3A_438, %get3A_439] {strides = array<i32>} : memref<96x128xf32, #tpu.memory_space<vmem>>, vector<16xf32>,
        %mul3A_441 = arith.mulf %get3A_440, %gather3A_416 : vector<16xf32>
        %swap3A_442 = arith.index_cast %add3A_414 : i32 to index
        %swap3A_443 = arith.constant 48 : index
        %swap3A_444 = tpu.vector_load %arg9[%swap3A_442, %swap3A_443] {strides = array<i32>} : memref<96x128xf32, #tpu.memory_space<vmem>>, vector<16xf32>,
        tpu.vector_store %arg9[%swap3A_442, %swap3A_443], %mul3A_441 {strides = array<i32>} : memref<96x128xf32, #tpu.memory_space<vmem>>, vector<16xf32>,
        %get3A_445 = arith.index_cast %add3A_414 : i32 to index
        %get3A_446 = arith.constant 64 : index
        %get3A_447 = tpu.vector_load %arg9[%get3A_445, %get3A_446] {strides = array<i32>} : memref<96x128xf32, #tpu.memory_space<vmem>>, vector<16xf32>,
        %mul3A_448 = arith.mulf %get3A_447, %gather3A_416 : vector<16xf32>
        %swap3A_449 = arith.index_cast %add3A_414 : i32 to index
        %swap3A_450 = arith.constant 64 : index
        %swap3A_451 = tpu.vector_load %arg9[%swap3A_449, %swap3A_450] {strides = array<i32>} : memref<96x128xf32, #tpu.memory_space<vmem>>, vector<16xf32>,
        tpu.vector_store %arg9[%swap3A_449, %swap3A_450], %mul3A_448 {strides = array<i32>} : memref<96x128xf32, #tpu.memory_space<vmem>>, vector<16xf32>,
        %get3A_452 = arith.index_cast %add3A_414 : i32 to index
        %get3A_453 = arith.constant 80 : index
        %get3A_454 = tpu.vector_load %arg9[%get3A_452, %get3A_453] {strides = array<i32>} : memref<96x128xf32, #tpu.memory_space<vmem>>, vector<16xf32>,
        %mul3A_455 = arith.mulf %get3A_454, %gather3A_416 : vector<16xf32>
        %swap3A_456 = arith.index_cast %add3A_414 : i32 to index
        %swap3A_457 = arith.constant 80 : index
        %swap3A_458 = tpu.vector_load %arg9[%swap3A_456, %swap3A_457] {strides = array<i32>} : memref<96x128xf32, #tpu.memory_space<vmem>>, vector<16xf32>,
        tpu.vector_store %arg9[%swap3A_456, %swap3A_457], %mul3A_455 {strides = array<i32>} : memref<96x128xf32, #tpu.memory_space<vmem>>, vector<16xf32>,
        %get3A_459 = arith.index_cast %add3A_414 : i32 to index
        %get3A_460 = arith.constant 96 : index
        %get3A_461 = tpu.vector_load %arg9[%get3A_459, %get3A_460] {strides = array<i32>} : memref<96x128xf32, #tpu.memory_space<vmem>>, vector<16xf32>,
        %mul3A_462 = arith.mulf %get3A_461, %gather3A_416 : vector<16xf32>
        %swap3A_463 = arith.index_cast %add3A_414 : i32 to index
        %swap3A_464 = arith.constant 96 : index
        %swap3A_465 = tpu.vector_load %arg9[%swap3A_463, %swap3A_464] {strides = array<i32>} : memref<96x128xf32, #tpu.memory_space<vmem>>, vector<16xf32>,
        tpu.vector_store %arg9[%swap3A_463, %swap3A_464], %mul3A_462 {strides = array<i32>} : memref<96x128xf32, #tpu.memory_space<vmem>>, vector<16xf32>,
        %get3A_466 = arith.index_cast %add3A_414 : i32 to index
        %get3A_467 = arith.constant 112 : index
        %get3A_468 = tpu.vector_load %arg9[%get3A_466, %get3A_467] {strides = array<i32>} : memref<96x128xf32, #tpu.memory_space<vmem>>, vector<16xf32>,
        %mul3A_469 = arith.mulf %get3A_468, %gather3A_416 : vector<16xf32>
        %swap3A_470 = arith.index_cast %add3A_414 : i32 to index
        %swap3A_471 = arith.constant 112 : index
        %swap3A_472 = tpu.vector_load %arg9[%swap3A_470, %swap3A_471] {strides = array<i32>} : memref<96x128xf32, #tpu.memory_space<vmem>>, vector<16xf32>,
        tpu.vector_store %arg9[%swap3A_470, %swap3A_471], %mul3A_469 {strides = array<i32>} : memref<96x128xf32, #tpu.memory_space<vmem>>, vector<16xf32>,
        %mul3A_473 = arith.constant 8 : i32
        %mul3A_474 = arith.muli %mul3A_473, %scan3A_166 : i32
        %add3A_475 = arith.constant 5 : i32
        %add3A_476 = arith.addi %mul3A_474, %add3A_475 : i32
        %broadcast_in_dim3A_477 = vector.broadcast %add3A_476 : i32 to vector<16xi32>
        %gather3A_478 = tpu.vector_load_idx %arg15[%broadcast_in_dim3A_477] : memref<96xf32, #tpu.memory_space<vmem>>[vector<16xi32>], vector<16xf32>,
        %get3A_479 = arith.index_cast %add3A_476 : i32 to index
        %get3A_480 = arith.constant 0 : index
        %get3A_481 = tpu.vector_load %arg9[%get3A_479, %get3A_480] {strides = array<i32>} : memref<96x128xf32, #tpu.memory_space<vmem>>, vector<16xf32>,
        %mul3A_482 = arith.mulf %get3A_481, %gather3A_478 : vector<16xf32>
        %swap3A_483 = arith.index_cast %add3A_476 : i32 to index
        %swap3A_484 = arith.constant 0 : index
        %swap3A_485 = tpu.vector_load %arg9[%swap3A_483, %swap3A_484] {strides = array<i32>} : memref<96x128xf32, #tpu.memory_space<vmem>>, vector<16xf32>,
        tpu.vector_store %arg9[%swap3A_483, %swap3A_484], %mul3A_482 {strides = array<i32>} : memref<96x128xf32, #tpu.memory_space<vmem>>, vector<16xf32>,
        %get3A_486 = arith.index_cast %add3A_476 : i32 to index
        %get3A_487 = arith.constant 16 : index
        %get3A_488 = tpu.vector_load %arg9[%get3A_486, %get3A_487] {strides = array<i32>} : memref<96x128xf32, #tpu.memory_space<vmem>>, vector<16xf32>,
        %mul3A_489 = arith.mulf %get3A_488, %gather3A_478 : vector<16xf32>
        %swap3A_490 = arith.index_cast %add3A_476 : i32 to index
        %swap3A_491 = arith.constant 16 : index
        %swap3A_492 = tpu.vector_load %arg9[%swap3A_490, %swap3A_491] {strides = array<i32>} : memref<96x128xf32, #tpu.memory_space<vmem>>, vector<16xf32>,
        tpu.vector_store %arg9[%swap3A_490, %swap3A_491], %mul3A_489 {strides = array<i32>} : memref<96x128xf32, #tpu.memory_space<vmem>>, vector<16xf32>,
        %get3A_493 = arith.index_cast %add3A_476 : i32 to index
        %get3A_494 = arith.constant 32 : index
        %get3A_495 = tpu.vector_load %arg9[%get3A_493, %get3A_494] {strides = array<i32>} : memref<96x128xf32, #tpu.memory_space<vmem>>, vector<16xf32>,
        %mul3A_496 = arith.mulf %get3A_495, %gather3A_478 : vector<16xf32>
        %swap3A_497 = arith.index_cast %add3A_476 : i32 to index
        %swap3A_498 = arith.constant 32 : index
        %swap3A_499 = tpu.vector_load %arg9[%swap3A_497, %swap3A_498] {strides = array<i32>} : memref<96x128xf32, #tpu.memory_space<vmem>>, vector<16xf32>,
        tpu.vector_store %arg9[%swap3A_497, %swap3A_498], %mul3A_496 {strides = array<i32>} : memref<96x128xf32, #tpu.memory_space<vmem>>, vector<16xf32>,
        %get3A_500 = arith.index_cast %add3A_476 : i32 to index
        %get3A_501 = arith.constant 48 : index
        %get3A_502 = tpu.vector_load %arg9[%get3A_500, %get3A_501] {strides = array<i32>} : memref<96x128xf32, #tpu.memory_space<vmem>>, vector<16xf32>,
        %mul3A_503 = arith.mulf %get3A_502, %gather3A_478 : vector<16xf32>
        %swap3A_504 = arith.index_cast %add3A_476 : i32 to index
        %swap3A_505 = arith.constant 48 : index
        %swap3A_506 = tpu.vector_load %arg9[%swap3A_504, %swap3A_505] {strides = array<i32>} : memref<96x128xf32, #tpu.memory_space<vmem>>, vector<16xf32>,
        tpu.vector_store %arg9[%swap3A_504, %swap3A_505], %mul3A_503 {strides = array<i32>} : memref<96x128xf32, #tpu.memory_space<vmem>>, vector<16xf32>,
        %get3A_507 = arith.index_cast %add3A_476 : i32 to index
        %get3A_508 = arith.constant 64 : index
        %get3A_509 = tpu.vector_load %arg9[%get3A_507, %get3A_508] {strides = array<i32>} : memref<96x128xf32, #tpu.memory_space<vmem>>, vector<16xf32>,
        %mul3A_510 = arith.mulf %get3A_509, %gather3A_478 : vector<16xf32>
        %swap3A_511 = arith.index_cast %add3A_476 : i32 to index
        %swap3A_512 = arith.constant 64 : index
        %swap3A_513 = tpu.vector_load %arg9[%swap3A_511, %swap3A_512] {strides = array<i32>} : memref<96x128xf32, #tpu.memory_space<vmem>>, vector<16xf32>,
        tpu.vector_store %arg9[%swap3A_511, %swap3A_512], %mul3A_510 {strides = array<i32>} : memref<96x128xf32, #tpu.memory_space<vmem>>, vector<16xf32>,
        %get3A_514 = arith.index_cast %add3A_476 : i32 to index
        %get3A_515 = arith.constant 80 : index
        %get3A_516 = tpu.vector_load %arg9[%get3A_514, %get3A_515] {strides = array<i32>} : memref<96x128xf32, #tpu.memory_space<vmem>>, vector<16xf32>,
        %mul3A_517 = arith.mulf %get3A_516, %gather3A_478 : vector<16xf32>
        %swap3A_518 = arith.index_cast %add3A_476 : i32 to index
        %swap3A_519 = arith.constant 80 : index
        %swap3A_520 = tpu.vector_load %arg9[%swap3A_518, %swap3A_519] {strides = array<i32>} : memref<96x128xf32, #tpu.memory_space<vmem>>, vector<16xf32>,
        tpu.vector_store %arg9[%swap3A_518, %swap3A_519], %mul3A_517 {strides = array<i32>} : memref<96x128xf32, #tpu.memory_space<vmem>>, vector<16xf32>,
        %get3A_521 = arith.index_cast %add3A_476 : i32 to index
        %get3A_522 = arith.constant 96 : index
        %get3A_523 = tpu.vector_load %arg9[%get3A_521, %get3A_522] {strides = array<i32>} : memref<96x128xf32, #tpu.memory_space<vmem>>, vector<16xf32>,
        %mul3A_524 = arith.mulf %get3A_523, %gather3A_478 : vector<16xf32>
        %swap3A_525 = arith.index_cast %add3A_476 : i32 to index
        %swap3A_526 = arith.constant 96 : index
        %swap3A_527 = tpu.vector_load %arg9[%swap3A_525, %swap3A_526] {strides = array<i32>} : memref<96x128xf32, #tpu.memory_space<vmem>>, vector<16xf32>,
        tpu.vector_store %arg9[%swap3A_525, %swap3A_526], %mul3A_524 {strides = array<i32>} : memref<96x128xf32, #tpu.memory_space<vmem>>, vector<16xf32>,
        %get3A_528 = arith.index_cast %add3A_476 : i32 to index
        %get3A_529 = arith.constant 112 : index
        %get3A_530 = tpu.vector_load %arg9[%get3A_528, %get3A_529] {strides = array<i32>} : memref<96x128xf32, #tpu.memory_space<vmem>>, vector<16xf32>,
        %mul3A_531 = arith.mulf %get3A_530, %gather3A_478 : vector<16xf32>
        %swap3A_532 = arith.index_cast %add3A_476 : i32 to index
        %swap3A_533 = arith.constant 112 : index
        %swap3A_534 = tpu.vector_load %arg9[%swap3A_532, %swap3A_533] {strides = array<i32>} : memref<96x128xf32, #tpu.memory_space<vmem>>, vector<16xf32>,
        tpu.vector_store %arg9[%swap3A_532, %swap3A_533], %mul3A_531 {strides = array<i32>} : memref<96x128xf32, #tpu.memory_space<vmem>>, vector<16xf32>,
        %mul3A_535 = arith.constant 8 : i32
        %mul3A_536 = arith.muli %mul3A_535, %scan3A_166 : i32
        %add3A_537 = arith.constant 6 : i32
        %add3A_538 = arith.addi %mul3A_536, %add3A_537 : i32
        %broadcast_in_dim3A_539 = vector.broadcast %add3A_538 : i32 to vector<16xi32>
        %gather3A_540 = tpu.vector_load_idx %arg15[%broadcast_in_dim3A_539] : memref<96xf32, #tpu.memory_space<vmem>>[vector<16xi32>], vector<16xf32>,
        %get3A_541 = arith.index_cast %add3A_538 : i32 to index
        %get3A_542 = arith.constant 0 : index
        %get3A_543 = tpu.vector_load %arg9[%get3A_541, %get3A_542] {strides = array<i32>} : memref<96x128xf32, #tpu.memory_space<vmem>>, vector<16xf32>,
        %mul3A_544 = arith.mulf %get3A_543, %gather3A_540 : vector<16xf32>
        %swap3A_545 = arith.index_cast %add3A_538 : i32 to index
        %swap3A_546 = arith.constant 0 : index
        %swap3A_547 = tpu.vector_load %arg9[%swap3A_545, %swap3A_546] {strides = array<i32>} : memref<96x128xf32, #tpu.memory_space<vmem>>, vector<16xf32>,
        tpu.vector_store %arg9[%swap3A_545, %swap3A_546], %mul3A_544 {strides = array<i32>} : memref<96x128xf32, #tpu.memory_space<vmem>>, vector<16xf32>,
        %get3A_548 = arith.index_cast %add3A_538 : i32 to index
        %get3A_549 = arith.constant 16 : index
        %get3A_550 = tpu.vector_load %arg9[%get3A_548, %get3A_549] {strides = array<i32>} : memref<96x128xf32, #tpu.memory_space<vmem>>, vector<16xf32>,
        %mul3A_551 = arith.mulf %get3A_550, %gather3A_540 : vector<16xf32>
        %swap3A_552 = arith.index_cast %add3A_538 : i32 to index
        %swap3A_553 = arith.constant 16 : index
        %swap3A_554 = tpu.vector_load %arg9[%swap3A_552, %swap3A_553] {strides = array<i32>} : memref<96x128xf32, #tpu.memory_space<vmem>>, vector<16xf32>,
        tpu.vector_store %arg9[%swap3A_552, %swap3A_553], %mul3A_551 {strides = array<i32>} : memref<96x128xf32, #tpu.memory_space<vmem>>, vector<16xf32>,
        %get3A_555 = arith.index_cast %add3A_538 : i32 to index
        %get3A_556 = arith.constant 32 : index
        %get3A_557 = tpu.vector_load %arg9[%get3A_555, %get3A_556] {strides = array<i32>} : memref<96x128xf32, #tpu.memory_space<vmem>>, vector<16xf32>,
        %mul3A_558 = arith.mulf %get3A_557, %gather3A_540 : vector<16xf32>
        %swap3A_559 = arith.index_cast %add3A_538 : i32 to index
        %swap3A_560 = arith.constant 32 : index
        %swap3A_561 = tpu.vector_load %arg9[%swap3A_559, %swap3A_560] {strides = array<i32>} : memref<96x128xf32, #tpu.memory_space<vmem>>, vector<16xf32>,
        tpu.vector_store %arg9[%swap3A_559, %swap3A_560], %mul3A_558 {strides = array<i32>} : memref<96x128xf32, #tpu.memory_space<vmem>>, vector<16xf32>,
        %get3A_562 = arith.index_cast %add3A_538 : i32 to index
        %get3A_563 = arith.constant 48 : index
        %get3A_564 = tpu.vector_load %arg9[%get3A_562, %get3A_563] {strides = array<i32>} : memref<96x128xf32, #tpu.memory_space<vmem>>, vector<16xf32>,
        %mul3A_565 = arith.mulf %get3A_564, %gather3A_540 : vector<16xf32>
        %swap3A_566 = arith.index_cast %add3A_538 : i32 to index
        %swap3A_567 = arith.constant 48 : index
        %swap3A_568 = tpu.vector_load %arg9[%swap3A_566, %swap3A_567] {strides = array<i32>} : memref<96x128xf32, #tpu.memory_space<vmem>>, vector<16xf32>,
        tpu.vector_store %arg9[%swap3A_566, %swap3A_567], %mul3A_565 {strides = array<i32>} : memref<96x128xf32, #tpu.memory_space<vmem>>, vector<16xf32>,
        %get3A_569 = arith.index_cast %add3A_538 : i32 to index
        %get3A_570 = arith.constant 64 : index
        %get3A_571 = tpu.vector_load %arg9[%get3A_569, %get3A_570] {strides = array<i32>} : memref<96x128xf32, #tpu.memory_space<vmem>>, vector<16xf32>,
        %mul3A_572 = arith.mulf %get3A_571, %gather3A_540 : vector<16xf32>
        %swap3A_573 = arith.index_cast %add3A_538 : i32 to index
        %swap3A_574 = arith.constant 64 : index
        %swap3A_575 = tpu.vector_load %arg9[%swap3A_573, %swap3A_574] {strides = array<i32>} : memref<96x128xf32, #tpu.memory_space<vmem>>, vector<16xf32>,
        tpu.vector_store %arg9[%swap3A_573, %swap3A_574], %mul3A_572 {strides = array<i32>} : memref<96x128xf32, #tpu.memory_space<vmem>>, vector<16xf32>,
        %get3A_576 = arith.index_cast %add3A_538 : i32 to index
        %get3A_577 = arith.constant 80 : index
        %get3A_578 = tpu.vector_load %arg9[%get3A_576, %get3A_577] {strides = array<i32>} : memref<96x128xf32, #tpu.memory_space<vmem>>, vector<16xf32>,
        %mul3A_579 = arith.mulf %get3A_578, %gather3A_540 : vector<16xf32>
        %swap3A_580 = arith.index_cast %add3A_538 : i32 to index
        %swap3A_581 = arith.constant 80 : index
        %swap3A_582 = tpu.vector_load %arg9[%swap3A_580, %swap3A_581] {strides = array<i32>} : memref<96x128xf32, #tpu.memory_space<vmem>>, vector<16xf32>,
        tpu.vector_store %arg9[%swap3A_580, %swap3A_581], %mul3A_579 {strides = array<i32>} : memref<96x128xf32, #tpu.memory_space<vmem>>, vector<16xf32>,
        %get3A_583 = arith.index_cast %add3A_538 : i32 to index
        %get3A_584 = arith.constant 96 : index
        %get3A_585 = tpu.vector_load %arg9[%get3A_583, %get3A_584] {strides = array<i32>} : memref<96x128xf32, #tpu.memory_space<vmem>>, vector<16xf32>,
        %mul3A_586 = arith.mulf %get3A_585, %gather3A_540 : vector<16xf32>
        %swap3A_587 = arith.index_cast %add3A_538 : i32 to index
        %swap3A_588 = arith.constant 96 : index
        %swap3A_589 = tpu.vector_load %arg9[%swap3A_587, %swap3A_588] {strides = array<i32>} : memref<96x128xf32, #tpu.memory_space<vmem>>, vector<16xf32>,
        tpu.vector_store %arg9[%swap3A_587, %swap3A_588], %mul3A_586 {strides = array<i32>} : memref<96x128xf32, #tpu.memory_space<vmem>>, vector<16xf32>,
        %get3A_590 = arith.index_cast %add3A_538 : i32 to index
        %get3A_591 = arith.constant 112 : index
        %get3A_592 = tpu.vector_load %arg9[%get3A_590, %get3A_591] {strides = array<i32>} : memref<96x128xf32, #tpu.memory_space<vmem>>, vector<16xf32>,
        %mul3A_593 = arith.mulf %get3A_592, %gather3A_540 : vector<16xf32>
        %swap3A_594 = arith.index_cast %add3A_538 : i32 to index
        %swap3A_595 = arith.constant 112 : index
        %swap3A_596 = tpu.vector_load %arg9[%swap3A_594, %swap3A_595] {strides = array<i32>} : memref<96x128xf32, #tpu.memory_space<vmem>>, vector<16xf32>,
        tpu.vector_store %arg9[%swap3A_594, %swap3A_595], %mul3A_593 {strides = array<i32>} : memref<96x128xf32, #tpu.memory_space<vmem>>, vector<16xf32>,
        %mul3A_597 = arith.constant 8 : i32
        %mul3A_598 = arith.muli %mul3A_597, %scan3A_166 : i32
        %add3A_599 = arith.constant 7 : i32
        %add3A_600 = arith.addi %mul3A_598, %add3A_599 : i32
        %broadcast_in_dim3A_601 = vector.broadcast %add3A_600 : i32 to vector<16xi32>
        %gather3A_602 = tpu.vector_load_idx %arg15[%broadcast_in_dim3A_601] : memref<96xf32, #tpu.memory_space<vmem>>[vector<16xi32>], vector<16xf32>,
        %get3A_603 = arith.index_cast %add3A_600 : i32 to index
        %get3A_604 = arith.constant 0 : index
        %get3A_605 = tpu.vector_load %arg9[%get3A_603, %get3A_604] {strides = array<i32>} : memref<96x128xf32, #tpu.memory_space<vmem>>, vector<16xf32>,
        %mul3A_606 = arith.mulf %get3A_605, %gather3A_602 : vector<16xf32>
        %swap3A_607 = arith.index_cast %add3A_600 : i32 to index
        %swap3A_608 = arith.constant 0 : index
        %swap3A_609 = tpu.vector_load %arg9[%swap3A_607, %swap3A_608] {strides = array<i32>} : memref<96x128xf32, #tpu.memory_space<vmem>>, vector<16xf32>,
        tpu.vector_store %arg9[%swap3A_607, %swap3A_608], %mul3A_606 {strides = array<i32>} : memref<96x128xf32, #tpu.memory_space<vmem>>, vector<16xf32>,
        %get3A_610 = arith.index_cast %add3A_600 : i32 to index
        %get3A_611 = arith.constant 16 : index
        %get3A_612 = tpu.vector_load %arg9[%get3A_610, %get3A_611] {strides = array<i32>} : memref<96x128xf32, #tpu.memory_space<vmem>>, vector<16xf32>,
        %mul3A_613 = arith.mulf %get3A_612, %gather3A_602 : vector<16xf32>
        %swap3A_614 = arith.index_cast %add3A_600 : i32 to index
        %swap3A_615 = arith.constant 16 : index
        %swap3A_616 = tpu.vector_load %arg9[%swap3A_614, %swap3A_615] {strides = array<i32>} : memref<96x128xf32, #tpu.memory_space<vmem>>, vector<16xf32>,
        tpu.vector_store %arg9[%swap3A_614, %swap3A_615], %mul3A_613 {strides = array<i32>} : memref<96x128xf32, #tpu.memory_space<vmem>>, vector<16xf32>,
        %get3A_617 = arith.index_cast %add3A_600 : i32 to index
        %get3A_618 = arith.constant 32 : index
        %get3A_619 = tpu.vector_load %arg9[%get3A_617, %get3A_618] {strides = array<i32>} : memref<96x128xf32, #tpu.memory_space<vmem>>, vector<16xf32>,
        %mul3A_620 = arith.mulf %get3A_619, %gather3A_602 : vector<16xf32>
        %swap3A_621 = arith.index_cast %add3A_600 : i32 to index
        %swap3A_622 = arith.constant 32 : index
        %swap3A_623 = tpu.vector_load %arg9[%swap3A_621, %swap3A_622] {strides = array<i32>} : memref<96x128xf32, #tpu.memory_space<vmem>>, vector<16xf32>,
        tpu.vector_store %arg9[%swap3A_621, %swap3A_622], %mul3A_620 {strides = array<i32>} : memref<96x128xf32, #tpu.memory_space<vmem>>, vector<16xf32>,
        %get3A_624 = arith.index_cast %add3A_600 : i32 to index
        %get3A_625 = arith.constant 48 : index
        %get3A_626 = tpu.vector_load %arg9[%get3A_624, %get3A_625] {strides = array<i32>} : memref<96x128xf32, #tpu.memory_space<vmem>>, vector<16xf32>,
        %mul3A_627 = arith.mulf %get3A_626, %gather3A_602 : vector<16xf32>
        %swap3A_628 = arith.index_cast %add3A_600 : i32 to index
        %swap3A_629 = arith.constant 48 : index
        %swap3A_630 = tpu.vector_load %arg9[%swap3A_628, %swap3A_629] {strides = array<i32>} : memref<96x128xf32, #tpu.memory_space<vmem>>, vector<16xf32>,
        tpu.vector_store %arg9[%swap3A_628, %swap3A_629], %mul3A_627 {strides = array<i32>} : memref<96x128xf32, #tpu.memory_space<vmem>>, vector<16xf32>,
        %get3A_631 = arith.index_cast %add3A_600 : i32 to index
        %get3A_632 = arith.constant 64 : index
        %get3A_633 = tpu.vector_load %arg9[%get3A_631, %get3A_632] {strides = array<i32>} : memref<96x128xf32, #tpu.memory_space<vmem>>, vector<16xf32>,
        %mul3A_634 = arith.mulf %get3A_633, %gather3A_602 : vector<16xf32>
        %swap3A_635 = arith.index_cast %add3A_600 : i32 to index
        %swap3A_636 = arith.constant 64 : index
        %swap3A_637 = tpu.vector_load %arg9[%swap3A_635, %swap3A_636] {strides = array<i32>} : memref<96x128xf32, #tpu.memory_space<vmem>>, vector<16xf32>,
        tpu.vector_store %arg9[%swap3A_635, %swap3A_636], %mul3A_634 {strides = array<i32>} : memref<96x128xf32, #tpu.memory_space<vmem>>, vector<16xf32>,
        %get3A_638 = arith.index_cast %add3A_600 : i32 to index
        %get3A_639 = arith.constant 80 : index
        %get3A_640 = tpu.vector_load %arg9[%get3A_638, %get3A_639] {strides = array<i32>} : memref<96x128xf32, #tpu.memory_space<vmem>>, vector<16xf32>,
        %mul3A_641 = arith.mulf %get3A_640, %gather3A_602 : vector<16xf32>
        %swap3A_642 = arith.index_cast %add3A_600 : i32 to index
        %swap3A_643 = arith.constant 80 : index
        %swap3A_644 = tpu.vector_load %arg9[%swap3A_642, %swap3A_643] {strides = array<i32>} : memref<96x128xf32, #tpu.memory_space<vmem>>, vector<16xf32>,
        tpu.vector_store %arg9[%swap3A_642, %swap3A_643], %mul3A_641 {strides = array<i32>} : memref<96x128xf32, #tpu.memory_space<vmem>>, vector<16xf32>,
        %get3A_645 = arith.index_cast %add3A_600 : i32 to index
        %get3A_646 = arith.constant 96 : index
        %get3A_647 = tpu.vector_load %arg9[%get3A_645, %get3A_646] {strides = array<i32>} : memref<96x128xf32, #tpu.memory_space<vmem>>, vector<16xf32>,
        %mul3A_648 = arith.mulf %get3A_647, %gather3A_602 : vector<16xf32>
        %swap3A_649 = arith.index_cast %add3A_600 : i32 to index
        %swap3A_650 = arith.constant 96 : index
        %swap3A_651 = tpu.vector_load %arg9[%swap3A_649, %swap3A_650] {strides = array<i32>} : memref<96x128xf32, #tpu.memory_space<vmem>>, vector<16xf32>,
        tpu.vector_store %arg9[%swap3A_649, %swap3A_650], %mul3A_648 {strides = array<i32>} : memref<96x128xf32, #tpu.memory_space<vmem>>, vector<16xf32>,
        %get3A_652 = arith.index_cast %add3A_600 : i32 to index
        %get3A_653 = arith.constant 112 : index
        %get3A_654 = tpu.vector_load %arg9[%get3A_652, %get3A_653] {strides = array<i32>} : memref<96x128xf32, #tpu.memory_space<vmem>>, vector<16xf32>,
        %mul3A_655 = arith.mulf %get3A_654, %gather3A_602 : vector<16xf32>
        %swap3A_656 = arith.index_cast %add3A_600 : i32 to index
        %swap3A_657 = arith.constant 112 : index
        %swap3A_658 = tpu.vector_load %arg9[%swap3A_656, %swap3A_657] {strides = array<i32>} : memref<96x128xf32, #tpu.memory_space<vmem>>, vector<16xf32>,
        tpu.vector_store %arg9[%swap3A_656, %swap3A_657], %mul3A_655 {strides = array<i32>} : memref<96x128xf32, #tpu.memory_space<vmem>>, vector<16xf32>,
      }
      %scan3A_80 = arith.constant 12 : i32
      %dma_start3A_81 = arith.constant 0 : i32
      %dma_start3A_82 = arith.constant 0 : i32
      %dma_start3A_83 = tpu.memref_slice %arg18[%dma_start3A_81, %dma_start3A_82] : memref<10000x128xf32, #tpu.memory_space<vmem_shared>> -> memref<10000x128xf32, #tpu.memory_space<vmem_shared>>
      tpu.enqueue_indirect_dma source(%arg9 : memref<96x128xf32, #tpu.memory_space<vmem>>) target(%dma_start3A_83 : memref<10000x128xf32, #tpu.memory_space<vmem_shared>>) offsets(%arg12 : memref<96xi32, #tpu.memory_space<vmem>>) semaphore(%arg25 : memref<!tpu.dma_semaphore, #tpu.memory_space<semaphore_mem>>) {add = true}
      %mul3A_84 = arith.constant 3 : i32
      %mul3A_85 = arith.muli %mul3A_84, %scan3A_46 : i32
      %add3A_86 = arith.constant 1 : i32
      %add3A_87 = arith.addi %mul3A_85, %add3A_86 : i32
      %mul3A_88 = arith.constant 96 : i32
      %mul3A_89 = arith.muli %add3A_87, %mul3A_88 : i32
      %dma_wait3A_90 = tpu.memref_slice %arg8[%mul3A_89] : memref<10080xi32, #tpu.memory_space<vmem>> -> memref<96xi32, #tpu.memory_space<vmem>>
      %dma_wait3A_91 = arith.constant 0 : i32
      %dma_wait3A_92 = arith.constant 0 : i32
      %dma_wait3A_93 = tpu.memref_slice %arg2[%dma_wait3A_91, %dma_wait3A_92] : memref<10000x128xf32, #tpu.memory_space<hbm>> -> memref<10000x128xf32, #tpu.memory_space<hbm>>
      tpu.wait_indirect_dma semaphore(%arg20 : memref<!tpu.dma_semaphore, #tpu.memory_space<semaphore_mem>>) src(%dma_wait3A_93 : memref<10000x128xf32, #tpu.memory_space<hbm>>) dst(%arg10 : memref<96x128xf32, #tpu.memory_space<vmem>>)
      %dma_wait3A_94 = arith.constant 0 : i32
      %dma_wait3A_95 = tpu.memref_slice %arg5[%add3A, %add3A_87, %dma_wait3A_94] : memref<32x105x96xi32, #tpu.memory_space<hbm>> -> memref<1x1x96xi32, #tpu.memory_space<hbm>>
      %dma_wait3A_96 = tpu.memref_squeeze %dma_wait3A_95 : memref<1x1x96xi32, #tpu.memory_space<hbm>> -> memref<96xi32, #tpu.memory_space<hbm>>
      %dma_wait3A_97 = arith.constant 0 : i32
      %dma_wait3A_98 = tpu.memref_slice %arg5[%add3A, %add3A_87, %dma_wait3A_97] : memref<32x105x96xi32, #tpu.memory_space<hbm>> -> memref<1x1x96xi32, #tpu.memory_space<hbm>>
      %dma_wait3A_99 = tpu.memref_squeeze %dma_wait3A_98 : memref<1x1x96xi32, #tpu.memory_space<hbm>> -> memref<96xi32, #tpu.memory_space<hbm>>
      tpu.wait_dma2 semaphore(%arg23 : memref<!tpu.dma_semaphore, #tpu.memory_space<semaphore_mem>>) src(%dma_wait3A_99 : memref<96xi32, #tpu.memory_space<hbm>>) dst(%arg13 : memref<96xi32, #tpu.memory_space<vmem>>)
      %dma_wait3A_100 = arith.constant 0 : i32
      %dma_wait3A_101 = tpu.memref_slice %arg3[%add3A, %add3A_87, %dma_wait3A_100] : memref<32x105x96xf32, #tpu.memory_space<hbm>> -> memref<1x1x96xf32, #tpu.memory_space<hbm>>
      %dma_wait3A_102 = tpu.memref_squeeze %dma_wait3A_101 : memref<1x1x96xf32, #tpu.memory_space<hbm>> -> memref<96xf32, #tpu.memory_space<hbm>>
      %dma_wait3A_103 = arith.constant 0 : i32
      %dma_wait3A_104 = tpu.memref_slice %arg3[%add3A, %add3A_87, %dma_wait3A_103] : memref<32x105x96xf32, #tpu.memory_space<hbm>> -> memref<1x1x96xf32, #tpu.memory_space<hbm>>
      %dma_wait3A_105 = tpu.memref_squeeze %dma_wait3A_104 : memref<1x1x96xf32, #tpu.memory_space<hbm>> -> memref<96xf32, #tpu.memory_space<hbm>>
      tpu.wait_dma2 semaphore(%arg23 : memref<!tpu.dma_semaphore, #tpu.memory_space<semaphore_mem>>) src(%dma_wait3A_105 : memref<96xf32, #tpu.memory_space<hbm>>) dst(%arg16 : memref<96xf32, #tpu.memory_space<vmem>>)
      %ge3A_106 = arith.constant 2 : i32
      %ge3A_107 = arith.cmpi sge, %add3A_87, %ge3A_106 : i32
      %convert_element_type3A_108 = arith.extui %ge3A_107 : i1 to i32
      %cond3A_109 = arith.constant 0 : i32
      %cond3A_110 = arith.cmpi ne, %convert_element_type3A_108, %cond3A_109 : i32
      scf.if %cond3A_110 {
        %dma_wait3A_166 = arith.constant 0 : i32
        %dma_wait3A_167 = arith.constant 0 : i32
        %dma_wait3A_168 = tpu.memref_slice %arg18[%dma_wait3A_166, %dma_wait3A_167] : memref<10000x128xf32, #tpu.memory_space<vmem_shared>> -> memref<10000x128xf32, #tpu.memory_space<vmem_shared>>
        tpu.wait_indirect_dma semaphore(%arg27 : memref<!tpu.dma_semaphore, #tpu.memory_space<semaphore_mem>>) src(%arg11 : memref<96x128xf32, #tpu.memory_space<vmem>>) dst(%dma_wait3A_168 : memref<10000x128xf32, #tpu.memory_space<vmem_shared>>)
      } else {
      }
      %lt3A_111 = arith.constant 104 : i32
      %lt3A_112 = arith.cmpi slt, %add3A_87, %lt3A_111 : i32
      %convert_element_type3A_113 = arith.extui %lt3A_112 : i1 to i32
      %cond3A_114 = arith.constant 0 : i32
      %cond3A_115 = arith.cmpi ne, %convert_element_type3A_113, %cond3A_114 : i32
      scf.if %cond3A_115 {
        %add3A_166 = arith.constant 1 : i32
        %add3A_167 = arith.addi %add3A_87, %add3A_166 : i32
        %mul3A_168 = arith.constant 96 : i32
        %mul3A_169 = arith.muli %add3A_167, %mul3A_168 : i32
        %dma_start3A_170 = tpu.memref_slice %arg8[%mul3A_169] : memref<10080xi32, #tpu.memory_space<vmem>> -> memref<96xi32, #tpu.memory_space<vmem>>
        %dma_start3A_171 = arith.constant 0 : i32
        %dma_start3A_172 = arith.constant 0 : i32
        %dma_start3A_173 = tpu.memref_slice %arg2[%dma_start3A_171, %dma_start3A_172] : memref<10000x128xf32, #tpu.memory_space<hbm>> -> memref<10000x128xf32, #tpu.memory_space<hbm>>
        tpu.enqueue_indirect_dma source(%dma_start3A_173 : memref<10000x128xf32, #tpu.memory_space<hbm>>) target(%arg11 : memref<96x128xf32, #tpu.memory_space<vmem>>) offsets(%dma_start3A_170 : memref<96xi32, #tpu.memory_space<vmem>>) semaphore(%arg21 : memref<!tpu.dma_semaphore, #tpu.memory_space<semaphore_mem>>)
        %dma_start3A_174 = arith.constant 0 : i32
        %dma_start3A_175 = tpu.memref_slice %arg5[%add3A, %add3A_167, %dma_start3A_174] : memref<32x105x96xi32, #tpu.memory_space<hbm>> -> memref<1x1x96xi32, #tpu.memory_space<hbm>>
        %dma_start3A_176 = tpu.memref_squeeze %dma_start3A_175 : memref<1x1x96xi32, #tpu.memory_space<hbm>> -> memref<96xi32, #tpu.memory_space<hbm>>
        %dma_start3A_177 = arith.constant 0 : i32
        %dma_start3A_178 = tpu.memref_slice %arg5[%add3A, %add3A_167, %dma_start3A_177] : memref<32x105x96xi32, #tpu.memory_space<hbm>> -> memref<1x1x96xi32, #tpu.memory_space<hbm>>
        %dma_start3A_179 = tpu.memref_squeeze %dma_start3A_178 : memref<1x1x96xi32, #tpu.memory_space<hbm>> -> memref<96xi32, #tpu.memory_space<hbm>>
        tpu.enqueue_dma source(%dma_start3A_179 : memref<96xi32, #tpu.memory_space<hbm>>) target(%arg14 : memref<96xi32, #tpu.memory_space<vmem>>) target_semaphore(%arg24 : memref<!tpu.dma_semaphore, #tpu.memory_space<semaphore_mem>>)
        %dma_start3A_180 = arith.constant 0 : i32
        %dma_start3A_181 = tpu.memref_slice %arg3[%add3A, %add3A_167, %dma_start3A_180] : memref<32x105x96xf32, #tpu.memory_space<hbm>> -> memref<1x1x96xf32, #tpu.memory_space<hbm>>
        %dma_start3A_182 = tpu.memref_squeeze %dma_start3A_181 : memref<1x1x96xf32, #tpu.memory_space<hbm>> -> memref<96xf32, #tpu.memory_space<hbm>>
        %dma_start3A_183 = arith.constant 0 : i32
        %dma_start3A_184 = tpu.memref_slice %arg3[%add3A, %add3A_167, %dma_start3A_183] : memref<32x105x96xf32, #tpu.memory_space<hbm>> -> memref<1x1x96xf32, #tpu.memory_space<hbm>>
        %dma_start3A_185 = tpu.memref_squeeze %dma_start3A_184 : memref<1x1x96xf32, #tpu.memory_space<hbm>> -> memref<96xf32, #tpu.memory_space<hbm>>
        tpu.enqueue_dma source(%dma_start3A_185 : memref<96xf32, #tpu.memory_space<hbm>>) target(%arg17 : memref<96xf32, #tpu.memory_space<vmem>>) target_semaphore(%arg24 : memref<!tpu.dma_semaphore, #tpu.memory_space<semaphore_mem>>)
      } else {
      }
      %scan3A_116 = arith.constant 0 : i32
      %scan3A_117 = arith.constant 0 : i32
      %scan3A_118 = arith.constant 12 : i32
      %scan3A_119 = arith.addi %scan3A_117, %scan3A_118 : i32
      %scan3A_120 = arith.constant 1 : i32
      scf.for %scan3A_166 = %scan3A_117 to %scan3A_119 step %scan3A_120  : i32 {
        %mul3A_167 = arith.constant 8 : i32
        %mul3A_168 = arith.muli %mul3A_167, %scan3A_166 : i32
        %add3A_169 = arith.constant 0 : i32
        %add3A_170 = arith.addi %mul3A_168, %add3A_169 : i32
        %broadcast_in_dim3A = vector.broadcast %add3A_170 : i32 to vector<16xi32>
        %gather3A = tpu.vector_load_idx %arg16[%broadcast_in_dim3A] : memref<96xf32, #tpu.memory_space<vmem>>[vector<16xi32>], vector<16xf32>,
        %get3A = arith.index_cast %add3A_170 : i32 to index
        %get3A_171 = arith.constant 0 : index
        %get3A_172 = tpu.vector_load %arg10[%get3A, %get3A_171] {strides = array<i32>} : memref<96x128xf32, #tpu.memory_space<vmem>>, vector<16xf32>,
        %mul3A_173 = arith.mulf %get3A_172, %gather3A : vector<16xf32>
        %swap3A = arith.index_cast %add3A_170 : i32 to index
        %swap3A_174 = arith.constant 0 : index
        %swap3A_175 = tpu.vector_load %arg10[%swap3A, %swap3A_174] {strides = array<i32>} : memref<96x128xf32, #tpu.memory_space<vmem>>, vector<16xf32>,
        tpu.vector_store %arg10[%swap3A, %swap3A_174], %mul3A_173 {strides = array<i32>} : memref<96x128xf32, #tpu.memory_space<vmem>>, vector<16xf32>,
        %get3A_176 = arith.index_cast %add3A_170 : i32 to index
        %get3A_177 = arith.constant 16 : index
        %get3A_178 = tpu.vector_load %arg10[%get3A_176, %get3A_177] {strides = array<i32>} : memref<96x128xf32, #tpu.memory_space<vmem>>, vector<16xf32>,
        %mul3A_179 = arith.mulf %get3A_178, %gather3A : vector<16xf32>
        %swap3A_180 = arith.index_cast %add3A_170 : i32 to index
        %swap3A_181 = arith.constant 16 : index
        %swap3A_182 = tpu.vector_load %arg10[%swap3A_180, %swap3A_181] {strides = array<i32>} : memref<96x128xf32, #tpu.memory_space<vmem>>, vector<16xf32>,
        tpu.vector_store %arg10[%swap3A_180, %swap3A_181], %mul3A_179 {strides = array<i32>} : memref<96x128xf32, #tpu.memory_space<vmem>>, vector<16xf32>,
        %get3A_183 = arith.index_cast %add3A_170 : i32 to index
        %get3A_184 = arith.constant 32 : index
        %get3A_185 = tpu.vector_load %arg10[%get3A_183, %get3A_184] {strides = array<i32>} : memref<96x128xf32, #tpu.memory_space<vmem>>, vector<16xf32>,
        %mul3A_186 = arith.mulf %get3A_185, %gather3A : vector<16xf32>
        %swap3A_187 = arith.index_cast %add3A_170 : i32 to index
        %swap3A_188 = arith.constant 32 : index
        %swap3A_189 = tpu.vector_load %arg10[%swap3A_187, %swap3A_188] {strides = array<i32>} : memref<96x128xf32, #tpu.memory_space<vmem>>, vector<16xf32>,
        tpu.vector_store %arg10[%swap3A_187, %swap3A_188], %mul3A_186 {strides = array<i32>} : memref<96x128xf32, #tpu.memory_space<vmem>>, vector<16xf32>,
        %get3A_190 = arith.index_cast %add3A_170 : i32 to index
        %get3A_191 = arith.constant 48 : index
        %get3A_192 = tpu.vector_load %arg10[%get3A_190, %get3A_191] {strides = array<i32>} : memref<96x128xf32, #tpu.memory_space<vmem>>, vector<16xf32>,
        %mul3A_193 = arith.mulf %get3A_192, %gather3A : vector<16xf32>
        %swap3A_194 = arith.index_cast %add3A_170 : i32 to index
        %swap3A_195 = arith.constant 48 : index
        %swap3A_196 = tpu.vector_load %arg10[%swap3A_194, %swap3A_195] {strides = array<i32>} : memref<96x128xf32, #tpu.memory_space<vmem>>, vector<16xf32>,
        tpu.vector_store %arg10[%swap3A_194, %swap3A_195], %mul3A_193 {strides = array<i32>} : memref<96x128xf32, #tpu.memory_space<vmem>>, vector<16xf32>,
        %get3A_197 = arith.index_cast %add3A_170 : i32 to index
        %get3A_198 = arith.constant 64 : index
        %get3A_199 = tpu.vector_load %arg10[%get3A_197, %get3A_198] {strides = array<i32>} : memref<96x128xf32, #tpu.memory_space<vmem>>, vector<16xf32>,
        %mul3A_200 = arith.mulf %get3A_199, %gather3A : vector<16xf32>
        %swap3A_201 = arith.index_cast %add3A_170 : i32 to index
        %swap3A_202 = arith.constant 64 : index
        %swap3A_203 = tpu.vector_load %arg10[%swap3A_201, %swap3A_202] {strides = array<i32>} : memref<96x128xf32, #tpu.memory_space<vmem>>, vector<16xf32>,
        tpu.vector_store %arg10[%swap3A_201, %swap3A_202], %mul3A_200 {strides = array<i32>} : memref<96x128xf32, #tpu.memory_space<vmem>>, vector<16xf32>,
        %get3A_204 = arith.index_cast %add3A_170 : i32 to index
        %get3A_205 = arith.constant 80 : index
        %get3A_206 = tpu.vector_load %arg10[%get3A_204, %get3A_205] {strides = array<i32>} : memref<96x128xf32, #tpu.memory_space<vmem>>, vector<16xf32>,
        %mul3A_207 = arith.mulf %get3A_206, %gather3A : vector<16xf32>
        %swap3A_208 = arith.index_cast %add3A_170 : i32 to index
        %swap3A_209 = arith.constant 80 : index
        %swap3A_210 = tpu.vector_load %arg10[%swap3A_208, %swap3A_209] {strides = array<i32>} : memref<96x128xf32, #tpu.memory_space<vmem>>, vector<16xf32>,
        tpu.vector_store %arg10[%swap3A_208, %swap3A_209], %mul3A_207 {strides = array<i32>} : memref<96x128xf32, #tpu.memory_space<vmem>>, vector<16xf32>,
        %get3A_211 = arith.index_cast %add3A_170 : i32 to index
        %get3A_212 = arith.constant 96 : index
        %get3A_213 = tpu.vector_load %arg10[%get3A_211, %get3A_212] {strides = array<i32>} : memref<96x128xf32, #tpu.memory_space<vmem>>, vector<16xf32>,
        %mul3A_214 = arith.mulf %get3A_213, %gather3A : vector<16xf32>
        %swap3A_215 = arith.index_cast %add3A_170 : i32 to index
        %swap3A_216 = arith.constant 96 : index
        %swap3A_217 = tpu.vector_load %arg10[%swap3A_215, %swap3A_216] {strides = array<i32>} : memref<96x128xf32, #tpu.memory_space<vmem>>, vector<16xf32>,
        tpu.vector_store %arg10[%swap3A_215, %swap3A_216], %mul3A_214 {strides = array<i32>} : memref<96x128xf32, #tpu.memory_space<vmem>>, vector<16xf32>,
        %get3A_218 = arith.index_cast %add3A_170 : i32 to index
        %get3A_219 = arith.constant 112 : index
        %get3A_220 = tpu.vector_load %arg10[%get3A_218, %get3A_219] {strides = array<i32>} : memref<96x128xf32, #tpu.memory_space<vmem>>, vector<16xf32>,
        %mul3A_221 = arith.mulf %get3A_220, %gather3A : vector<16xf32>
        %swap3A_222 = arith.index_cast %add3A_170 : i32 to index
        %swap3A_223 = arith.constant 112 : index
        %swap3A_224 = tpu.vector_load %arg10[%swap3A_222, %swap3A_223] {strides = array<i32>} : memref<96x128xf32, #tpu.memory_space<vmem>>, vector<16xf32>,
        tpu.vector_store %arg10[%swap3A_222, %swap3A_223], %mul3A_221 {strides = array<i32>} : memref<96x128xf32, #tpu.memory_space<vmem>>, vector<16xf32>,
        %mul3A_225 = arith.constant 8 : i32
        %mul3A_226 = arith.muli %mul3A_225, %scan3A_166 : i32
        %add3A_227 = arith.constant 1 : i32
        %add3A_228 = arith.addi %mul3A_226, %add3A_227 : i32
        %broadcast_in_dim3A_229 = vector.broadcast %add3A_228 : i32 to vector<16xi32>
        %gather3A_230 = tpu.vector_load_idx %arg16[%broadcast_in_dim3A_229] : memref<96xf32, #tpu.memory_space<vmem>>[vector<16xi32>], vector<16xf32>,
        %get3A_231 = arith.index_cast %add3A_228 : i32 to index
        %get3A_232 = arith.constant 0 : index
        %get3A_233 = tpu.vector_load %arg10[%get3A_231, %get3A_232] {strides = array<i32>} : memref<96x128xf32, #tpu.memory_space<vmem>>, vector<16xf32>,
        %mul3A_234 = arith.mulf %get3A_233, %gather3A_230 : vector<16xf32>
        %swap3A_235 = arith.index_cast %add3A_228 : i32 to index
        %swap3A_236 = arith.constant 0 : index
        %swap3A_237 = tpu.vector_load %arg10[%swap3A_235, %swap3A_236] {strides = array<i32>} : memref<96x128xf32, #tpu.memory_space<vmem>>, vector<16xf32>,
        tpu.vector_store %arg10[%swap3A_235, %swap3A_236], %mul3A_234 {strides = array<i32>} : memref<96x128xf32, #tpu.memory_space<vmem>>, vector<16xf32>,
        %get3A_238 = arith.index_cast %add3A_228 : i32 to index
        %get3A_239 = arith.constant 16 : index
        %get3A_240 = tpu.vector_load %arg10[%get3A_238, %get3A_239] {strides = array<i32>} : memref<96x128xf32, #tpu.memory_space<vmem>>, vector<16xf32>,
        %mul3A_241 = arith.mulf %get3A_240, %gather3A_230 : vector<16xf32>
        %swap3A_242 = arith.index_cast %add3A_228 : i32 to index
        %swap3A_243 = arith.constant 16 : index
        %swap3A_244 = tpu.vector_load %arg10[%swap3A_242, %swap3A_243] {strides = array<i32>} : memref<96x128xf32, #tpu.memory_space<vmem>>, vector<16xf32>,
        tpu.vector_store %arg10[%swap3A_242, %swap3A_243], %mul3A_241 {strides = array<i32>} : memref<96x128xf32, #tpu.memory_space<vmem>>, vector<16xf32>,
        %get3A_245 = arith.index_cast %add3A_228 : i32 to index
        %get3A_246 = arith.constant 32 : index
        %get3A_247 = tpu.vector_load %arg10[%get3A_245, %get3A_246] {strides = array<i32>} : memref<96x128xf32, #tpu.memory_space<vmem>>, vector<16xf32>,
        %mul3A_248 = arith.mulf %get3A_247, %gather3A_230 : vector<16xf32>
        %swap3A_249 = arith.index_cast %add3A_228 : i32 to index
        %swap3A_250 = arith.constant 32 : index
        %swap3A_251 = tpu.vector_load %arg10[%swap3A_249, %swap3A_250] {strides = array<i32>} : memref<96x128xf32, #tpu.memory_space<vmem>>, vector<16xf32>,
        tpu.vector_store %arg10[%swap3A_249, %swap3A_250], %mul3A_248 {strides = array<i32>} : memref<96x128xf32, #tpu.memory_space<vmem>>, vector<16xf32>,
        %get3A_252 = arith.index_cast %add3A_228 : i32 to index
        %get3A_253 = arith.constant 48 : index
        %get3A_254 = tpu.vector_load %arg10[%get3A_252, %get3A_253] {strides = array<i32>} : memref<96x128xf32, #tpu.memory_space<vmem>>, vector<16xf32>,
        %mul3A_255 = arith.mulf %get3A_254, %gather3A_230 : vector<16xf32>
        %swap3A_256 = arith.index_cast %add3A_228 : i32 to index
        %swap3A_257 = arith.constant 48 : index
        %swap3A_258 = tpu.vector_load %arg10[%swap3A_256, %swap3A_257] {strides = array<i32>} : memref<96x128xf32, #tpu.memory_space<vmem>>, vector<16xf32>,
        tpu.vector_store %arg10[%swap3A_256, %swap3A_257], %mul3A_255 {strides = array<i32>} : memref<96x128xf32, #tpu.memory_space<vmem>>, vector<16xf32>,
        %get3A_259 = arith.index_cast %add3A_228 : i32 to index
        %get3A_260 = arith.constant 64 : index
        %get3A_261 = tpu.vector_load %arg10[%get3A_259, %get3A_260] {strides = array<i32>} : memref<96x128xf32, #tpu.memory_space<vmem>>, vector<16xf32>,
        %mul3A_262 = arith.mulf %get3A_261, %gather3A_230 : vector<16xf32>
        %swap3A_263 = arith.index_cast %add3A_228 : i32 to index
        %swap3A_264 = arith.constant 64 : index
        %swap3A_265 = tpu.vector_load %arg10[%swap3A_263, %swap3A_264] {strides = array<i32>} : memref<96x128xf32, #tpu.memory_space<vmem>>, vector<16xf32>,
        tpu.vector_store %arg10[%swap3A_263, %swap3A_264], %mul3A_262 {strides = array<i32>} : memref<96x128xf32, #tpu.memory_space<vmem>>, vector<16xf32>,
        %get3A_266 = arith.index_cast %add3A_228 : i32 to index
        %get3A_267 = arith.constant 80 : index
        %get3A_268 = tpu.vector_load %arg10[%get3A_266, %get3A_267] {strides = array<i32>} : memref<96x128xf32, #tpu.memory_space<vmem>>, vector<16xf32>,
        %mul3A_269 = arith.mulf %get3A_268, %gather3A_230 : vector<16xf32>
        %swap3A_270 = arith.index_cast %add3A_228 : i32 to index
        %swap3A_271 = arith.constant 80 : index
        %swap3A_272 = tpu.vector_load %arg10[%swap3A_270, %swap3A_271] {strides = array<i32>} : memref<96x128xf32, #tpu.memory_space<vmem>>, vector<16xf32>,
        tpu.vector_store %arg10[%swap3A_270, %swap3A_271], %mul3A_269 {strides = array<i32>} : memref<96x128xf32, #tpu.memory_space<vmem>>, vector<16xf32>,
        %get3A_273 = arith.index_cast %add3A_228 : i32 to index
        %get3A_274 = arith.constant 96 : index
        %get3A_275 = tpu.vector_load %arg10[%get3A_273, %get3A_274] {strides = array<i32>} : memref<96x128xf32, #tpu.memory_space<vmem>>, vector<16xf32>,
        %mul3A_276 = arith.mulf %get3A_275, %gather3A_230 : vector<16xf32>
        %swap3A_277 = arith.index_cast %add3A_228 : i32 to index
        %swap3A_278 = arith.constant 96 : index
        %swap3A_279 = tpu.vector_load %arg10[%swap3A_277, %swap3A_278] {strides = array<i32>} : memref<96x128xf32, #tpu.memory_space<vmem>>, vector<16xf32>,
        tpu.vector_store %arg10[%swap3A_277, %swap3A_278], %mul3A_276 {strides = array<i32>} : memref<96x128xf32, #tpu.memory_space<vmem>>, vector<16xf32>,
        %get3A_280 = arith.index_cast %add3A_228 : i32 to index
        %get3A_281 = arith.constant 112 : index
        %get3A_282 = tpu.vector_load %arg10[%get3A_280, %get3A_281] {strides = array<i32>} : memref<96x128xf32, #tpu.memory_space<vmem>>, vector<16xf32>,
        %mul3A_283 = arith.mulf %get3A_282, %gather3A_230 : vector<16xf32>
        %swap3A_284 = arith.index_cast %add3A_228 : i32 to index
        %swap3A_285 = arith.constant 112 : index
        %swap3A_286 = tpu.vector_load %arg10[%swap3A_284, %swap3A_285] {strides = array<i32>} : memref<96x128xf32, #tpu.memory_space<vmem>>, vector<16xf32>,
        tpu.vector_store %arg10[%swap3A_284, %swap3A_285], %mul3A_283 {strides = array<i32>} : memref<96x128xf32, #tpu.memory_space<vmem>>, vector<16xf32>,
        %mul3A_287 = arith.constant 8 : i32
        %mul3A_288 = arith.muli %mul3A_287, %scan3A_166 : i32
        %add3A_289 = arith.constant 2 : i32
        %add3A_290 = arith.addi %mul3A_288, %add3A_289 : i32
        %broadcast_in_dim3A_291 = vector.broadcast %add3A_290 : i32 to vector<16xi32>
        %gather3A_292 = tpu.vector_load_idx %arg16[%broadcast_in_dim3A_291] : memref<96xf32, #tpu.memory_space<vmem>>[vector<16xi32>], vector<16xf32>,
        %get3A_293 = arith.index_cast %add3A_290 : i32 to index
        %get3A_294 = arith.constant 0 : index
        %get3A_295 = tpu.vector_load %arg10[%get3A_293, %get3A_294] {strides = array<i32>} : memref<96x128xf32, #tpu.memory_space<vmem>>, vector<16xf32>,
        %mul3A_296 = arith.mulf %get3A_295, %gather3A_292 : vector<16xf32>
        %swap3A_297 = arith.index_cast %add3A_290 : i32 to index
        %swap3A_298 = arith.constant 0 : index
        %swap3A_299 = tpu.vector_load %arg10[%swap3A_297, %swap3A_298] {strides = array<i32>} : memref<96x128xf32, #tpu.memory_space<vmem>>, vector<16xf32>,
        tpu.vector_store %arg10[%swap3A_297, %swap3A_298], %mul3A_296 {strides = array<i32>} : memref<96x128xf32, #tpu.memory_space<vmem>>, vector<16xf32>,
        %get3A_300 = arith.index_cast %add3A_290 : i32 to index
        %get3A_301 = arith.constant 16 : index
        %get3A_302 = tpu.vector_load %arg10[%get3A_300, %get3A_301] {strides = array<i32>} : memref<96x128xf32, #tpu.memory_space<vmem>>, vector<16xf32>,
        %mul3A_303 = arith.mulf %get3A_302, %gather3A_292 : vector<16xf32>
        %swap3A_304 = arith.index_cast %add3A_290 : i32 to index
        %swap3A_305 = arith.constant 16 : index
        %swap3A_306 = tpu.vector_load %arg10[%swap3A_304, %swap3A_305] {strides = array<i32>} : memref<96x128xf32, #tpu.memory_space<vmem>>, vector<16xf32>,
        tpu.vector_store %arg10[%swap3A_304, %swap3A_305], %mul3A_303 {strides = array<i32>} : memref<96x128xf32, #tpu.memory_space<vmem>>, vector<16xf32>,
        %get3A_307 = arith.index_cast %add3A_290 : i32 to index
        %get3A_308 = arith.constant 32 : index
        %get3A_309 = tpu.vector_load %arg10[%get3A_307, %get3A_308] {strides = array<i32>} : memref<96x128xf32, #tpu.memory_space<vmem>>, vector<16xf32>,
        %mul3A_310 = arith.mulf %get3A_309, %gather3A_292 : vector<16xf32>
        %swap3A_311 = arith.index_cast %add3A_290 : i32 to index
        %swap3A_312 = arith.constant 32 : index
        %swap3A_313 = tpu.vector_load %arg10[%swap3A_311, %swap3A_312] {strides = array<i32>} : memref<96x128xf32, #tpu.memory_space<vmem>>, vector<16xf32>,
        tpu.vector_store %arg10[%swap3A_311, %swap3A_312], %mul3A_310 {strides = array<i32>} : memref<96x128xf32, #tpu.memory_space<vmem>>, vector<16xf32>,
        %get3A_314 = arith.index_cast %add3A_290 : i32 to index
        %get3A_315 = arith.constant 48 : index
        %get3A_316 = tpu.vector_load %arg10[%get3A_314, %get3A_315] {strides = array<i32>} : memref<96x128xf32, #tpu.memory_space<vmem>>, vector<16xf32>,
        %mul3A_317 = arith.mulf %get3A_316, %gather3A_292 : vector<16xf32>
        %swap3A_318 = arith.index_cast %add3A_290 : i32 to index
        %swap3A_319 = arith.constant 48 : index
        %swap3A_320 = tpu.vector_load %arg10[%swap3A_318, %swap3A_319] {strides = array<i32>} : memref<96x128xf32, #tpu.memory_space<vmem>>, vector<16xf32>,
        tpu.vector_store %arg10[%swap3A_318, %swap3A_319], %mul3A_317 {strides = array<i32>} : memref<96x128xf32, #tpu.memory_space<vmem>>, vector<16xf32>,
        %get3A_321 = arith.index_cast %add3A_290 : i32 to index
        %get3A_322 = arith.constant 64 : index
        %get3A_323 = tpu.vector_load %arg10[%get3A_321, %get3A_322] {strides = array<i32>} : memref<96x128xf32, #tpu.memory_space<vmem>>, vector<16xf32>,
        %mul3A_324 = arith.mulf %get3A_323, %gather3A_292 : vector<16xf32>
        %swap3A_325 = arith.index_cast %add3A_290 : i32 to index
        %swap3A_326 = arith.constant 64 : index
        %swap3A_327 = tpu.vector_load %arg10[%swap3A_325, %swap3A_326] {strides = array<i32>} : memref<96x128xf32, #tpu.memory_space<vmem>>, vector<16xf32>,
        tpu.vector_store %arg10[%swap3A_325, %swap3A_326], %mul3A_324 {strides = array<i32>} : memref<96x128xf32, #tpu.memory_space<vmem>>, vector<16xf32>,
        %get3A_328 = arith.index_cast %add3A_290 : i32 to index
        %get3A_329 = arith.constant 80 : index
        %get3A_330 = tpu.vector_load %arg10[%get3A_328, %get3A_329] {strides = array<i32>} : memref<96x128xf32, #tpu.memory_space<vmem>>, vector<16xf32>,
        %mul3A_331 = arith.mulf %get3A_330, %gather3A_292 : vector<16xf32>
        %swap3A_332 = arith.index_cast %add3A_290 : i32 to index
        %swap3A_333 = arith.constant 80 : index
        %swap3A_334 = tpu.vector_load %arg10[%swap3A_332, %swap3A_333] {strides = array<i32>} : memref<96x128xf32, #tpu.memory_space<vmem>>, vector<16xf32>,
        tpu.vector_store %arg10[%swap3A_332, %swap3A_333], %mul3A_331 {strides = array<i32>} : memref<96x128xf32, #tpu.memory_space<vmem>>, vector<16xf32>,
        %get3A_335 = arith.index_cast %add3A_290 : i32 to index
        %get3A_336 = arith.constant 96 : index
        %get3A_337 = tpu.vector_load %arg10[%get3A_335, %get3A_336] {strides = array<i32>} : memref<96x128xf32, #tpu.memory_space<vmem>>, vector<16xf32>,
        %mul3A_338 = arith.mulf %get3A_337, %gather3A_292 : vector<16xf32>
        %swap3A_339 = arith.index_cast %add3A_290 : i32 to index
        %swap3A_340 = arith.constant 96 : index
        %swap3A_341 = tpu.vector_load %arg10[%swap3A_339, %swap3A_340] {strides = array<i32>} : memref<96x128xf32, #tpu.memory_space<vmem>>, vector<16xf32>,
        tpu.vector_store %arg10[%swap3A_339, %swap3A_340], %mul3A_338 {strides = array<i32>} : memref<96x128xf32, #tpu.memory_space<vmem>>, vector<16xf32>,
        %get3A_342 = arith.index_cast %add3A_290 : i32 to index
        %get3A_343 = arith.constant 112 : index
        %get3A_344 = tpu.vector_load %arg10[%get3A_342, %get3A_343] {strides = array<i32>} : memref<96x128xf32, #tpu.memory_space<vmem>>, vector<16xf32>,
        %mul3A_345 = arith.mulf %get3A_344, %gather3A_292 : vector<16xf32>
        %swap3A_346 = arith.index_cast %add3A_290 : i32 to index
        %swap3A_347 = arith.constant 112 : index
        %swap3A_348 = tpu.vector_load %arg10[%swap3A_346, %swap3A_347] {strides = array<i32>} : memref<96x128xf32, #tpu.memory_space<vmem>>, vector<16xf32>,
        tpu.vector_store %arg10[%swap3A_346, %swap3A_347], %mul3A_345 {strides = array<i32>} : memref<96x128xf32, #tpu.memory_space<vmem>>, vector<16xf32>,
        %mul3A_349 = arith.constant 8 : i32
        %mul3A_350 = arith.muli %mul3A_349, %scan3A_166 : i32
        %add3A_351 = arith.constant 3 : i32
        %add3A_352 = arith.addi %mul3A_350, %add3A_351 : i32
        %broadcast_in_dim3A_353 = vector.broadcast %add3A_352 : i32 to vector<16xi32>
        %gather3A_354 = tpu.vector_load_idx %arg16[%broadcast_in_dim3A_353] : memref<96xf32, #tpu.memory_space<vmem>>[vector<16xi32>], vector<16xf32>,
        %get3A_355 = arith.index_cast %add3A_352 : i32 to index
        %get3A_356 = arith.constant 0 : index
        %get3A_357 = tpu.vector_load %arg10[%get3A_355, %get3A_356] {strides = array<i32>} : memref<96x128xf32, #tpu.memory_space<vmem>>, vector<16xf32>,
        %mul3A_358 = arith.mulf %get3A_357, %gather3A_354 : vector<16xf32>
        %swap3A_359 = arith.index_cast %add3A_352 : i32 to index
        %swap3A_360 = arith.constant 0 : index
        %swap3A_361 = tpu.vector_load %arg10[%swap3A_359, %swap3A_360] {strides = array<i32>} : memref<96x128xf32, #tpu.memory_space<vmem>>, vector<16xf32>,
        tpu.vector_store %arg10[%swap3A_359, %swap3A_360], %mul3A_358 {strides = array<i32>} : memref<96x128xf32, #tpu.memory_space<vmem>>, vector<16xf32>,
        %get3A_362 = arith.index_cast %add3A_352 : i32 to index
        %get3A_363 = arith.constant 16 : index
        %get3A_364 = tpu.vector_load %arg10[%get3A_362, %get3A_363] {strides = array<i32>} : memref<96x128xf32, #tpu.memory_space<vmem>>, vector<16xf32>,
        %mul3A_365 = arith.mulf %get3A_364, %gather3A_354 : vector<16xf32>
        %swap3A_366 = arith.index_cast %add3A_352 : i32 to index
        %swap3A_367 = arith.constant 16 : index
        %swap3A_368 = tpu.vector_load %arg10[%swap3A_366, %swap3A_367] {strides = array<i32>} : memref<96x128xf32, #tpu.memory_space<vmem>>, vector<16xf32>,
        tpu.vector_store %arg10[%swap3A_366, %swap3A_367], %mul3A_365 {strides = array<i32>} : memref<96x128xf32, #tpu.memory_space<vmem>>, vector<16xf32>,
        %get3A_369 = arith.index_cast %add3A_352 : i32 to index
        %get3A_370 = arith.constant 32 : index
        %get3A_371 = tpu.vector_load %arg10[%get3A_369, %get3A_370] {strides = array<i32>} : memref<96x128xf32, #tpu.memory_space<vmem>>, vector<16xf32>,
        %mul3A_372 = arith.mulf %get3A_371, %gather3A_354 : vector<16xf32>
        %swap3A_373 = arith.index_cast %add3A_352 : i32 to index
        %swap3A_374 = arith.constant 32 : index
        %swap3A_375 = tpu.vector_load %arg10[%swap3A_373, %swap3A_374] {strides = array<i32>} : memref<96x128xf32, #tpu.memory_space<vmem>>, vector<16xf32>,
        tpu.vector_store %arg10[%swap3A_373, %swap3A_374], %mul3A_372 {strides = array<i32>} : memref<96x128xf32, #tpu.memory_space<vmem>>, vector<16xf32>,
        %get3A_376 = arith.index_cast %add3A_352 : i32 to index
        %get3A_377 = arith.constant 48 : index
        %get3A_378 = tpu.vector_load %arg10[%get3A_376, %get3A_377] {strides = array<i32>} : memref<96x128xf32, #tpu.memory_space<vmem>>, vector<16xf32>,
        %mul3A_379 = arith.mulf %get3A_378, %gather3A_354 : vector<16xf32>
        %swap3A_380 = arith.index_cast %add3A_352 : i32 to index
        %swap3A_381 = arith.constant 48 : index
        %swap3A_382 = tpu.vector_load %arg10[%swap3A_380, %swap3A_381] {strides = array<i32>} : memref<96x128xf32, #tpu.memory_space<vmem>>, vector<16xf32>,
        tpu.vector_store %arg10[%swap3A_380, %swap3A_381], %mul3A_379 {strides = array<i32>} : memref<96x128xf32, #tpu.memory_space<vmem>>, vector<16xf32>,
        %get3A_383 = arith.index_cast %add3A_352 : i32 to index
        %get3A_384 = arith.constant 64 : index
        %get3A_385 = tpu.vector_load %arg10[%get3A_383, %get3A_384] {strides = array<i32>} : memref<96x128xf32, #tpu.memory_space<vmem>>, vector<16xf32>,
        %mul3A_386 = arith.mulf %get3A_385, %gather3A_354 : vector<16xf32>
        %swap3A_387 = arith.index_cast %add3A_352 : i32 to index
        %swap3A_388 = arith.constant 64 : index
        %swap3A_389 = tpu.vector_load %arg10[%swap3A_387, %swap3A_388] {strides = array<i32>} : memref<96x128xf32, #tpu.memory_space<vmem>>, vector<16xf32>,
        tpu.vector_store %arg10[%swap3A_387, %swap3A_388], %mul3A_386 {strides = array<i32>} : memref<96x128xf32, #tpu.memory_space<vmem>>, vector<16xf32>,
        %get3A_390 = arith.index_cast %add3A_352 : i32 to index
        %get3A_391 = arith.constant 80 : index
        %get3A_392 = tpu.vector_load %arg10[%get3A_390, %get3A_391] {strides = array<i32>} : memref<96x128xf32, #tpu.memory_space<vmem>>, vector<16xf32>,
        %mul3A_393 = arith.mulf %get3A_392, %gather3A_354 : vector<16xf32>
        %swap3A_394 = arith.index_cast %add3A_352 : i32 to index
        %swap3A_395 = arith.constant 80 : index
        %swap3A_396 = tpu.vector_load %arg10[%swap3A_394, %swap3A_395] {strides = array<i32>} : memref<96x128xf32, #tpu.memory_space<vmem>>, vector<16xf32>,
        tpu.vector_store %arg10[%swap3A_394, %swap3A_395], %mul3A_393 {strides = array<i32>} : memref<96x128xf32, #tpu.memory_space<vmem>>, vector<16xf32>,
        %get3A_397 = arith.index_cast %add3A_352 : i32 to index
        %get3A_398 = arith.constant 96 : index
        %get3A_399 = tpu.vector_load %arg10[%get3A_397, %get3A_398] {strides = array<i32>} : memref<96x128xf32, #tpu.memory_space<vmem>>, vector<16xf32>,
        %mul3A_400 = arith.mulf %get3A_399, %gather3A_354 : vector<16xf32>
        %swap3A_401 = arith.index_cast %add3A_352 : i32 to index
        %swap3A_402 = arith.constant 96 : index
        %swap3A_403 = tpu.vector_load %arg10[%swap3A_401, %swap3A_402] {strides = array<i32>} : memref<96x128xf32, #tpu.memory_space<vmem>>, vector<16xf32>,
        tpu.vector_store %arg10[%swap3A_401, %swap3A_402], %mul3A_400 {strides = array<i32>} : memref<96x128xf32, #tpu.memory_space<vmem>>, vector<16xf32>,
        %get3A_404 = arith.index_cast %add3A_352 : i32 to index
        %get3A_405 = arith.constant 112 : index
        %get3A_406 = tpu.vector_load %arg10[%get3A_404, %get3A_405] {strides = array<i32>} : memref<96x128xf32, #tpu.memory_space<vmem>>, vector<16xf32>,
        %mul3A_407 = arith.mulf %get3A_406, %gather3A_354 : vector<16xf32>
        %swap3A_408 = arith.index_cast %add3A_352 : i32 to index
        %swap3A_409 = arith.constant 112 : index
        %swap3A_410 = tpu.vector_load %arg10[%swap3A_408, %swap3A_409] {strides = array<i32>} : memref<96x128xf32, #tpu.memory_space<vmem>>, vector<16xf32>,
        tpu.vector_store %arg10[%swap3A_408, %swap3A_409], %mul3A_407 {strides = array<i32>} : memref<96x128xf32, #tpu.memory_space<vmem>>, vector<16xf32>,
        %mul3A_411 = arith.constant 8 : i32
        %mul3A_412 = arith.muli %mul3A_411, %scan3A_166 : i32
        %add3A_413 = arith.constant 4 : i32
        %add3A_414 = arith.addi %mul3A_412, %add3A_413 : i32
        %broadcast_in_dim3A_415 = vector.broadcast %add3A_414 : i32 to vector<16xi32>
        %gather3A_416 = tpu.vector_load_idx %arg16[%broadcast_in_dim3A_415] : memref<96xf32, #tpu.memory_space<vmem>>[vector<16xi32>], vector<16xf32>,
        %get3A_417 = arith.index_cast %add3A_414 : i32 to index
        %get3A_418 = arith.constant 0 : index
        %get3A_419 = tpu.vector_load %arg10[%get3A_417, %get3A_418] {strides = array<i32>} : memref<96x128xf32, #tpu.memory_space<vmem>>, vector<16xf32>,
        %mul3A_420 = arith.mulf %get3A_419, %gather3A_416 : vector<16xf32>
        %swap3A_421 = arith.index_cast %add3A_414 : i32 to index
        %swap3A_422 = arith.constant 0 : index
        %swap3A_423 = tpu.vector_load %arg10[%swap3A_421, %swap3A_422] {strides = array<i32>} : memref<96x128xf32, #tpu.memory_space<vmem>>, vector<16xf32>,
        tpu.vector_store %arg10[%swap3A_421, %swap3A_422], %mul3A_420 {strides = array<i32>} : memref<96x128xf32, #tpu.memory_space<vmem>>, vector<16xf32>,
        %get3A_424 = arith.index_cast %add3A_414 : i32 to index
        %get3A_425 = arith.constant 16 : index
        %get3A_426 = tpu.vector_load %arg10[%get3A_424, %get3A_425] {strides = array<i32>} : memref<96x128xf32, #tpu.memory_space<vmem>>, vector<16xf32>,
        %mul3A_427 = arith.mulf %get3A_426, %gather3A_416 : vector<16xf32>
        %swap3A_428 = arith.index_cast %add3A_414 : i32 to index
        %swap3A_429 = arith.constant 16 : index
        %swap3A_430 = tpu.vector_load %arg10[%swap3A_428, %swap3A_429] {strides = array<i32>} : memref<96x128xf32, #tpu.memory_space<vmem>>, vector<16xf32>,
        tpu.vector_store %arg10[%swap3A_428, %swap3A_429], %mul3A_427 {strides = array<i32>} : memref<96x128xf32, #tpu.memory_space<vmem>>, vector<16xf32>,
        %get3A_431 = arith.index_cast %add3A_414 : i32 to index
        %get3A_432 = arith.constant 32 : index
        %get3A_433 = tpu.vector_load %arg10[%get3A_431, %get3A_432] {strides = array<i32>} : memref<96x128xf32, #tpu.memory_space<vmem>>, vector<16xf32>,
        %mul3A_434 = arith.mulf %get3A_433, %gather3A_416 : vector<16xf32>
        %swap3A_435 = arith.index_cast %add3A_414 : i32 to index
        %swap3A_436 = arith.constant 32 : index
        %swap3A_437 = tpu.vector_load %arg10[%swap3A_435, %swap3A_436] {strides = array<i32>} : memref<96x128xf32, #tpu.memory_space<vmem>>, vector<16xf32>,
        tpu.vector_store %arg10[%swap3A_435, %swap3A_436], %mul3A_434 {strides = array<i32>} : memref<96x128xf32, #tpu.memory_space<vmem>>, vector<16xf32>,
        %get3A_438 = arith.index_cast %add3A_414 : i32 to index
        %get3A_439 = arith.constant 48 : index
        %get3A_440 = tpu.vector_load %arg10[%get3A_438, %get3A_439] {strides = array<i32>} : memref<96x128xf32, #tpu.memory_space<vmem>>, vector<16xf32>,
        %mul3A_441 = arith.mulf %get3A_440, %gather3A_416 : vector<16xf32>
        %swap3A_442 = arith.index_cast %add3A_414 : i32 to index
        %swap3A_443 = arith.constant 48 : index
        %swap3A_444 = tpu.vector_load %arg10[%swap3A_442, %swap3A_443] {strides = array<i32>} : memref<96x128xf32, #tpu.memory_space<vmem>>, vector<16xf32>,
        tpu.vector_store %arg10[%swap3A_442, %swap3A_443], %mul3A_441 {strides = array<i32>} : memref<96x128xf32, #tpu.memory_space<vmem>>, vector<16xf32>,
        %get3A_445 = arith.index_cast %add3A_414 : i32 to index
        %get3A_446 = arith.constant 64 : index
        %get3A_447 = tpu.vector_load %arg10[%get3A_445, %get3A_446] {strides = array<i32>} : memref<96x128xf32, #tpu.memory_space<vmem>>, vector<16xf32>,
        %mul3A_448 = arith.mulf %get3A_447, %gather3A_416 : vector<16xf32>
        %swap3A_449 = arith.index_cast %add3A_414 : i32 to index
        %swap3A_450 = arith.constant 64 : index
        %swap3A_451 = tpu.vector_load %arg10[%swap3A_449, %swap3A_450] {strides = array<i32>} : memref<96x128xf32, #tpu.memory_space<vmem>>, vector<16xf32>,
        tpu.vector_store %arg10[%swap3A_449, %swap3A_450], %mul3A_448 {strides = array<i32>} : memref<96x128xf32, #tpu.memory_space<vmem>>, vector<16xf32>,
        %get3A_452 = arith.index_cast %add3A_414 : i32 to index
        %get3A_453 = arith.constant 80 : index
        %get3A_454 = tpu.vector_load %arg10[%get3A_452, %get3A_453] {strides = array<i32>} : memref<96x128xf32, #tpu.memory_space<vmem>>, vector<16xf32>,
        %mul3A_455 = arith.mulf %get3A_454, %gather3A_416 : vector<16xf32>
        %swap3A_456 = arith.index_cast %add3A_414 : i32 to index
        %swap3A_457 = arith.constant 80 : index
        %swap3A_458 = tpu.vector_load %arg10[%swap3A_456, %swap3A_457] {strides = array<i32>} : memref<96x128xf32, #tpu.memory_space<vmem>>, vector<16xf32>,
        tpu.vector_store %arg10[%swap3A_456, %swap3A_457], %mul3A_455 {strides = array<i32>} : memref<96x128xf32, #tpu.memory_space<vmem>>, vector<16xf32>,
        %get3A_459 = arith.index_cast %add3A_414 : i32 to index
        %get3A_460 = arith.constant 96 : index
        %get3A_461 = tpu.vector_load %arg10[%get3A_459, %get3A_460] {strides = array<i32>} : memref<96x128xf32, #tpu.memory_space<vmem>>, vector<16xf32>,
        %mul3A_462 = arith.mulf %get3A_461, %gather3A_416 : vector<16xf32>
        %swap3A_463 = arith.index_cast %add3A_414 : i32 to index
        %swap3A_464 = arith.constant 96 : index
        %swap3A_465 = tpu.vector_load %arg10[%swap3A_463, %swap3A_464] {strides = array<i32>} : memref<96x128xf32, #tpu.memory_space<vmem>>, vector<16xf32>,
        tpu.vector_store %arg10[%swap3A_463, %swap3A_464], %mul3A_462 {strides = array<i32>} : memref<96x128xf32, #tpu.memory_space<vmem>>, vector<16xf32>,
        %get3A_466 = arith.index_cast %add3A_414 : i32 to index
        %get3A_467 = arith.constant 112 : index
        %get3A_468 = tpu.vector_load %arg10[%get3A_466, %get3A_467] {strides = array<i32>} : memref<96x128xf32, #tpu.memory_space<vmem>>, vector<16xf32>,
        %mul3A_469 = arith.mulf %get3A_468, %gather3A_416 : vector<16xf32>
        %swap3A_470 = arith.index_cast %add3A_414 : i32 to index
        %swap3A_471 = arith.constant 112 : index
        %swap3A_472 = tpu.vector_load %arg10[%swap3A_470, %swap3A_471] {strides = array<i32>} : memref<96x128xf32, #tpu.memory_space<vmem>>, vector<16xf32>,
        tpu.vector_store %arg10[%swap3A_470, %swap3A_471], %mul3A_469 {strides = array<i32>} : memref<96x128xf32, #tpu.memory_space<vmem>>, vector<16xf32>,
        %mul3A_473 = arith.constant 8 : i32
        %mul3A_474 = arith.muli %mul3A_473, %scan3A_166 : i32
        %add3A_475 = arith.constant 5 : i32
        %add3A_476 = arith.addi %mul3A_474, %add3A_475 : i32
        %broadcast_in_dim3A_477 = vector.broadcast %add3A_476 : i32 to vector<16xi32>
        %gather3A_478 = tpu.vector_load_idx %arg16[%broadcast_in_dim3A_477] : memref<96xf32, #tpu.memory_space<vmem>>[vector<16xi32>], vector<16xf32>,
        %get3A_479 = arith.index_cast %add3A_476 : i32 to index
        %get3A_480 = arith.constant 0 : index
        %get3A_481 = tpu.vector_load %arg10[%get3A_479, %get3A_480] {strides = array<i32>} : memref<96x128xf32, #tpu.memory_space<vmem>>, vector<16xf32>,
        %mul3A_482 = arith.mulf %get3A_481, %gather3A_478 : vector<16xf32>
        %swap3A_483 = arith.index_cast %add3A_476 : i32 to index
        %swap3A_484 = arith.constant 0 : index
        %swap3A_485 = tpu.vector_load %arg10[%swap3A_483, %swap3A_484] {strides = array<i32>} : memref<96x128xf32, #tpu.memory_space<vmem>>, vector<16xf32>,
        tpu.vector_store %arg10[%swap3A_483, %swap3A_484], %mul3A_482 {strides = array<i32>} : memref<96x128xf32, #tpu.memory_space<vmem>>, vector<16xf32>,
        %get3A_486 = arith.index_cast %add3A_476 : i32 to index
        %get3A_487 = arith.constant 16 : index
        %get3A_488 = tpu.vector_load %arg10[%get3A_486, %get3A_487] {strides = array<i32>} : memref<96x128xf32, #tpu.memory_space<vmem>>, vector<16xf32>,
        %mul3A_489 = arith.mulf %get3A_488, %gather3A_478 : vector<16xf32>
        %swap3A_490 = arith.index_cast %add3A_476 : i32 to index
        %swap3A_491 = arith.constant 16 : index
        %swap3A_492 = tpu.vector_load %arg10[%swap3A_490, %swap3A_491] {strides = array<i32>} : memref<96x128xf32, #tpu.memory_space<vmem>>, vector<16xf32>,
        tpu.vector_store %arg10[%swap3A_490, %swap3A_491], %mul3A_489 {strides = array<i32>} : memref<96x128xf32, #tpu.memory_space<vmem>>, vector<16xf32>,
        %get3A_493 = arith.index_cast %add3A_476 : i32 to index
        %get3A_494 = arith.constant 32 : index
        %get3A_495 = tpu.vector_load %arg10[%get3A_493, %get3A_494] {strides = array<i32>} : memref<96x128xf32, #tpu.memory_space<vmem>>, vector<16xf32>,
        %mul3A_496 = arith.mulf %get3A_495, %gather3A_478 : vector<16xf32>
        %swap3A_497 = arith.index_cast %add3A_476 : i32 to index
        %swap3A_498 = arith.constant 32 : index
        %swap3A_499 = tpu.vector_load %arg10[%swap3A_497, %swap3A_498] {strides = array<i32>} : memref<96x128xf32, #tpu.memory_space<vmem>>, vector<16xf32>,
        tpu.vector_store %arg10[%swap3A_497, %swap3A_498], %mul3A_496 {strides = array<i32>} : memref<96x128xf32, #tpu.memory_space<vmem>>, vector<16xf32>,
        %get3A_500 = arith.index_cast %add3A_476 : i32 to index
        %get3A_501 = arith.constant 48 : index
        %get3A_502 = tpu.vector_load %arg10[%get3A_500, %get3A_501] {strides = array<i32>} : memref<96x128xf32, #tpu.memory_space<vmem>>, vector<16xf32>,
        %mul3A_503 = arith.mulf %get3A_502, %gather3A_478 : vector<16xf32>
        %swap3A_504 = arith.index_cast %add3A_476 : i32 to index
        %swap3A_505 = arith.constant 48 : index
        %swap3A_506 = tpu.vector_load %arg10[%swap3A_504, %swap3A_505] {strides = array<i32>} : memref<96x128xf32, #tpu.memory_space<vmem>>, vector<16xf32>,
        tpu.vector_store %arg10[%swap3A_504, %swap3A_505], %mul3A_503 {strides = array<i32>} : memref<96x128xf32, #tpu.memory_space<vmem>>, vector<16xf32>,
        %get3A_507 = arith.index_cast %add3A_476 : i32 to index
        %get3A_508 = arith.constant 64 : index
        %get3A_509 = tpu.vector_load %arg10[%get3A_507, %get3A_508] {strides = array<i32>} : memref<96x128xf32, #tpu.memory_space<vmem>>, vector<16xf32>,
        %mul3A_510 = arith.mulf %get3A_509, %gather3A_478 : vector<16xf32>
        %swap3A_511 = arith.index_cast %add3A_476 : i32 to index
        %swap3A_512 = arith.constant 64 : index
        %swap3A_513 = tpu.vector_load %arg10[%swap3A_511, %swap3A_512] {strides = array<i32>} : memref<96x128xf32, #tpu.memory_space<vmem>>, vector<16xf32>,
        tpu.vector_store %arg10[%swap3A_511, %swap3A_512], %mul3A_510 {strides = array<i32>} : memref<96x128xf32, #tpu.memory_space<vmem>>, vector<16xf32>,
        %get3A_514 = arith.index_cast %add3A_476 : i32 to index
        %get3A_515 = arith.constant 80 : index
        %get3A_516 = tpu.vector_load %arg10[%get3A_514, %get3A_515] {strides = array<i32>} : memref<96x128xf32, #tpu.memory_space<vmem>>, vector<16xf32>,
        %mul3A_517 = arith.mulf %get3A_516, %gather3A_478 : vector<16xf32>
        %swap3A_518 = arith.index_cast %add3A_476 : i32 to index
        %swap3A_519 = arith.constant 80 : index
        %swap3A_520 = tpu.vector_load %arg10[%swap3A_518, %swap3A_519] {strides = array<i32>} : memref<96x128xf32, #tpu.memory_space<vmem>>, vector<16xf32>,
        tpu.vector_store %arg10[%swap3A_518, %swap3A_519], %mul3A_517 {strides = array<i32>} : memref<96x128xf32, #tpu.memory_space<vmem>>, vector<16xf32>,
        %get3A_521 = arith.index_cast %add3A_476 : i32 to index
        %get3A_522 = arith.constant 96 : index
        %get3A_523 = tpu.vector_load %arg10[%get3A_521, %get3A_522] {strides = array<i32>} : memref<96x128xf32, #tpu.memory_space<vmem>>, vector<16xf32>,
        %mul3A_524 = arith.mulf %get3A_523, %gather3A_478 : vector<16xf32>
        %swap3A_525 = arith.index_cast %add3A_476 : i32 to index
        %swap3A_526 = arith.constant 96 : index
        %swap3A_527 = tpu.vector_load %arg10[%swap3A_525, %swap3A_526] {strides = array<i32>} : memref<96x128xf32, #tpu.memory_space<vmem>>, vector<16xf32>,
        tpu.vector_store %arg10[%swap3A_525, %swap3A_526], %mul3A_524 {strides = array<i32>} : memref<96x128xf32, #tpu.memory_space<vmem>>, vector<16xf32>,
        %get3A_528 = arith.index_cast %add3A_476 : i32 to index
        %get3A_529 = arith.constant 112 : index
        %get3A_530 = tpu.vector_load %arg10[%get3A_528, %get3A_529] {strides = array<i32>} : memref<96x128xf32, #tpu.memory_space<vmem>>, vector<16xf32>,
        %mul3A_531 = arith.mulf %get3A_530, %gather3A_478 : vector<16xf32>
        %swap3A_532 = arith.index_cast %add3A_476 : i32 to index
        %swap3A_533 = arith.constant 112 : index
        %swap3A_534 = tpu.vector_load %arg10[%swap3A_532, %swap3A_533] {strides = array<i32>} : memref<96x128xf32, #tpu.memory_space<vmem>>, vector<16xf32>,
        tpu.vector_store %arg10[%swap3A_532, %swap3A_533], %mul3A_531 {strides = array<i32>} : memref<96x128xf32, #tpu.memory_space<vmem>>, vector<16xf32>,
        %mul3A_535 = arith.constant 8 : i32
        %mul3A_536 = arith.muli %mul3A_535, %scan3A_166 : i32
        %add3A_537 = arith.constant 6 : i32
        %add3A_538 = arith.addi %mul3A_536, %add3A_537 : i32
        %broadcast_in_dim3A_539 = vector.broadcast %add3A_538 : i32 to vector<16xi32>
        %gather3A_540 = tpu.vector_load_idx %arg16[%broadcast_in_dim3A_539] : memref<96xf32, #tpu.memory_space<vmem>>[vector<16xi32>], vector<16xf32>,
        %get3A_541 = arith.index_cast %add3A_538 : i32 to index
        %get3A_542 = arith.constant 0 : index
        %get3A_543 = tpu.vector_load %arg10[%get3A_541, %get3A_542] {strides = array<i32>} : memref<96x128xf32, #tpu.memory_space<vmem>>, vector<16xf32>,
        %mul3A_544 = arith.mulf %get3A_543, %gather3A_540 : vector<16xf32>
        %swap3A_545 = arith.index_cast %add3A_538 : i32 to index
        %swap3A_546 = arith.constant 0 : index
        %swap3A_547 = tpu.vector_load %arg10[%swap3A_545, %swap3A_546] {strides = array<i32>} : memref<96x128xf32, #tpu.memory_space<vmem>>, vector<16xf32>,
        tpu.vector_store %arg10[%swap3A_545, %swap3A_546], %mul3A_544 {strides = array<i32>} : memref<96x128xf32, #tpu.memory_space<vmem>>, vector<16xf32>,
        %get3A_548 = arith.index_cast %add3A_538 : i32 to index
        %get3A_549 = arith.constant 16 : index
        %get3A_550 = tpu.vector_load %arg10[%get3A_548, %get3A_549] {strides = array<i32>} : memref<96x128xf32, #tpu.memory_space<vmem>>, vector<16xf32>,
        %mul3A_551 = arith.mulf %get3A_550, %gather3A_540 : vector<16xf32>
        %swap3A_552 = arith.index_cast %add3A_538 : i32 to index
        %swap3A_553 = arith.constant 16 : index
        %swap3A_554 = tpu.vector_load %arg10[%swap3A_552, %swap3A_553] {strides = array<i32>} : memref<96x128xf32, #tpu.memory_space<vmem>>, vector<16xf32>,
        tpu.vector_store %arg10[%swap3A_552, %swap3A_553], %mul3A_551 {strides = array<i32>} : memref<96x128xf32, #tpu.memory_space<vmem>>, vector<16xf32>,
        %get3A_555 = arith.index_cast %add3A_538 : i32 to index
        %get3A_556 = arith.constant 32 : index
        %get3A_557 = tpu.vector_load %arg10[%get3A_555, %get3A_556] {strides = array<i32>} : memref<96x128xf32, #tpu.memory_space<vmem>>, vector<16xf32>,
        %mul3A_558 = arith.mulf %get3A_557, %gather3A_540 : vector<16xf32>
        %swap3A_559 = arith.index_cast %add3A_538 : i32 to index
        %swap3A_560 = arith.constant 32 : index
        %swap3A_561 = tpu.vector_load %arg10[%swap3A_559, %swap3A_560] {strides = array<i32>} : memref<96x128xf32, #tpu.memory_space<vmem>>, vector<16xf32>,
        tpu.vector_store %arg10[%swap3A_559, %swap3A_560], %mul3A_558 {strides = array<i32>} : memref<96x128xf32, #tpu.memory_space<vmem>>, vector<16xf32>,
        %get3A_562 = arith.index_cast %add3A_538 : i32 to index
        %get3A_563 = arith.constant 48 : index
        %get3A_564 = tpu.vector_load %arg10[%get3A_562, %get3A_563] {strides = array<i32>} : memref<96x128xf32, #tpu.memory_space<vmem>>, vector<16xf32>,
        %mul3A_565 = arith.mulf %get3A_564, %gather3A_540 : vector<16xf32>
        %swap3A_566 = arith.index_cast %add3A_538 : i32 to index
        %swap3A_567 = arith.constant 48 : index
        %swap3A_568 = tpu.vector_load %arg10[%swap3A_566, %swap3A_567] {strides = array<i32>} : memref<96x128xf32, #tpu.memory_space<vmem>>, vector<16xf32>,
        tpu.vector_store %arg10[%swap3A_566, %swap3A_567], %mul3A_565 {strides = array<i32>} : memref<96x128xf32, #tpu.memory_space<vmem>>, vector<16xf32>,
        %get3A_569 = arith.index_cast %add3A_538 : i32 to index
        %get3A_570 = arith.constant 64 : index
        %get3A_571 = tpu.vector_load %arg10[%get3A_569, %get3A_570] {strides = array<i32>} : memref<96x128xf32, #tpu.memory_space<vmem>>, vector<16xf32>,
        %mul3A_572 = arith.mulf %get3A_571, %gather3A_540 : vector<16xf32>
        %swap3A_573 = arith.index_cast %add3A_538 : i32 to index
        %swap3A_574 = arith.constant 64 : index
        %swap3A_575 = tpu.vector_load %arg10[%swap3A_573, %swap3A_574] {strides = array<i32>} : memref<96x128xf32, #tpu.memory_space<vmem>>, vector<16xf32>,
        tpu.vector_store %arg10[%swap3A_573, %swap3A_574], %mul3A_572 {strides = array<i32>} : memref<96x128xf32, #tpu.memory_space<vmem>>, vector<16xf32>,
        %get3A_576 = arith.index_cast %add3A_538 : i32 to index
        %get3A_577 = arith.constant 80 : index
        %get3A_578 = tpu.vector_load %arg10[%get3A_576, %get3A_577] {strides = array<i32>} : memref<96x128xf32, #tpu.memory_space<vmem>>, vector<16xf32>,
        %mul3A_579 = arith.mulf %get3A_578, %gather3A_540 : vector<16xf32>
        %swap3A_580 = arith.index_cast %add3A_538 : i32 to index
        %swap3A_581 = arith.constant 80 : index
        %swap3A_582 = tpu.vector_load %arg10[%swap3A_580, %swap3A_581] {strides = array<i32>} : memref<96x128xf32, #tpu.memory_space<vmem>>, vector<16xf32>,
        tpu.vector_store %arg10[%swap3A_580, %swap3A_581], %mul3A_579 {strides = array<i32>} : memref<96x128xf32, #tpu.memory_space<vmem>>, vector<16xf32>,
        %get3A_583 = arith.index_cast %add3A_538 : i32 to index
        %get3A_584 = arith.constant 96 : index
        %get3A_585 = tpu.vector_load %arg10[%get3A_583, %get3A_584] {strides = array<i32>} : memref<96x128xf32, #tpu.memory_space<vmem>>, vector<16xf32>,
        %mul3A_586 = arith.mulf %get3A_585, %gather3A_540 : vector<16xf32>
        %swap3A_587 = arith.index_cast %add3A_538 : i32 to index
        %swap3A_588 = arith.constant 96 : index
        %swap3A_589 = tpu.vector_load %arg10[%swap3A_587, %swap3A_588] {strides = array<i32>} : memref<96x128xf32, #tpu.memory_space<vmem>>, vector<16xf32>,
        tpu.vector_store %arg10[%swap3A_587, %swap3A_588], %mul3A_586 {strides = array<i32>} : memref<96x128xf32, #tpu.memory_space<vmem>>, vector<16xf32>,
        %get3A_590 = arith.index_cast %add3A_538 : i32 to index
        %get3A_591 = arith.constant 112 : index
        %get3A_592 = tpu.vector_load %arg10[%get3A_590, %get3A_591] {strides = array<i32>} : memref<96x128xf32, #tpu.memory_space<vmem>>, vector<16xf32>,
        %mul3A_593 = arith.mulf %get3A_592, %gather3A_540 : vector<16xf32>
        %swap3A_594 = arith.index_cast %add3A_538 : i32 to index
        %swap3A_595 = arith.constant 112 : index
        %swap3A_596 = tpu.vector_load %arg10[%swap3A_594, %swap3A_595] {strides = array<i32>} : memref<96x128xf32, #tpu.memory_space<vmem>>, vector<16xf32>,
        tpu.vector_store %arg10[%swap3A_594, %swap3A_595], %mul3A_593 {strides = array<i32>} : memref<96x128xf32, #tpu.memory_space<vmem>>, vector<16xf32>,
        %mul3A_597 = arith.constant 8 : i32
        %mul3A_598 = arith.muli %mul3A_597, %scan3A_166 : i32
        %add3A_599 = arith.constant 7 : i32
        %add3A_600 = arith.addi %mul3A_598, %add3A_599 : i32
        %broadcast_in_dim3A_601 = vector.broadcast %add3A_600 : i32 to vector<16xi32>
        %gather3A_602 = tpu.vector_load_idx %arg16[%broadcast_in_dim3A_601] : memref<96xf32, #tpu.memory_space<vmem>>[vector<16xi32>], vector<16xf32>,
        %get3A_603 = arith.index_cast %add3A_600 : i32 to index
        %get3A_604 = arith.constant 0 : index
        %get3A_605 = tpu.vector_load %arg10[%get3A_603, %get3A_604] {strides = array<i32>} : memref<96x128xf32, #tpu.memory_space<vmem>>, vector<16xf32>,
        %mul3A_606 = arith.mulf %get3A_605, %gather3A_602 : vector<16xf32>
        %swap3A_607 = arith.index_cast %add3A_600 : i32 to index
        %swap3A_608 = arith.constant 0 : index
        %swap3A_609 = tpu.vector_load %arg10[%swap3A_607, %swap3A_608] {strides = array<i32>} : memref<96x128xf32, #tpu.memory_space<vmem>>, vector<16xf32>,
        tpu.vector_store %arg10[%swap3A_607, %swap3A_608], %mul3A_606 {strides = array<i32>} : memref<96x128xf32, #tpu.memory_space<vmem>>, vector<16xf32>,
        %get3A_610 = arith.index_cast %add3A_600 : i32 to index
        %get3A_611 = arith.constant 16 : index
        %get3A_612 = tpu.vector_load %arg10[%get3A_610, %get3A_611] {strides = array<i32>} : memref<96x128xf32, #tpu.memory_space<vmem>>, vector<16xf32>,
        %mul3A_613 = arith.mulf %get3A_612, %gather3A_602 : vector<16xf32>
        %swap3A_614 = arith.index_cast %add3A_600 : i32 to index
        %swap3A_615 = arith.constant 16 : index
        %swap3A_616 = tpu.vector_load %arg10[%swap3A_614, %swap3A_615] {strides = array<i32>} : memref<96x128xf32, #tpu.memory_space<vmem>>, vector<16xf32>,
        tpu.vector_store %arg10[%swap3A_614, %swap3A_615], %mul3A_613 {strides = array<i32>} : memref<96x128xf32, #tpu.memory_space<vmem>>, vector<16xf32>,
        %get3A_617 = arith.index_cast %add3A_600 : i32 to index
        %get3A_618 = arith.constant 32 : index
        %get3A_619 = tpu.vector_load %arg10[%get3A_617, %get3A_618] {strides = array<i32>} : memref<96x128xf32, #tpu.memory_space<vmem>>, vector<16xf32>,
        %mul3A_620 = arith.mulf %get3A_619, %gather3A_602 : vector<16xf32>
        %swap3A_621 = arith.index_cast %add3A_600 : i32 to index
        %swap3A_622 = arith.constant 32 : index
        %swap3A_623 = tpu.vector_load %arg10[%swap3A_621, %swap3A_622] {strides = array<i32>} : memref<96x128xf32, #tpu.memory_space<vmem>>, vector<16xf32>,
        tpu.vector_store %arg10[%swap3A_621, %swap3A_622], %mul3A_620 {strides = array<i32>} : memref<96x128xf32, #tpu.memory_space<vmem>>, vector<16xf32>,
        %get3A_624 = arith.index_cast %add3A_600 : i32 to index
        %get3A_625 = arith.constant 48 : index
        %get3A_626 = tpu.vector_load %arg10[%get3A_624, %get3A_625] {strides = array<i32>} : memref<96x128xf32, #tpu.memory_space<vmem>>, vector<16xf32>,
        %mul3A_627 = arith.mulf %get3A_626, %gather3A_602 : vector<16xf32>
        %swap3A_628 = arith.index_cast %add3A_600 : i32 to index
        %swap3A_629 = arith.constant 48 : index
        %swap3A_630 = tpu.vector_load %arg10[%swap3A_628, %swap3A_629] {strides = array<i32>} : memref<96x128xf32, #tpu.memory_space<vmem>>, vector<16xf32>,
        tpu.vector_store %arg10[%swap3A_628, %swap3A_629], %mul3A_627 {strides = array<i32>} : memref<96x128xf32, #tpu.memory_space<vmem>>, vector<16xf32>,
        %get3A_631 = arith.index_cast %add3A_600 : i32 to index
        %get3A_632 = arith.constant 64 : index
        %get3A_633 = tpu.vector_load %arg10[%get3A_631, %get3A_632] {strides = array<i32>} : memref<96x128xf32, #tpu.memory_space<vmem>>, vector<16xf32>,
        %mul3A_634 = arith.mulf %get3A_633, %gather3A_602 : vector<16xf32>
        %swap3A_635 = arith.index_cast %add3A_600 : i32 to index
        %swap3A_636 = arith.constant 64 : index
        %swap3A_637 = tpu.vector_load %arg10[%swap3A_635, %swap3A_636] {strides = array<i32>} : memref<96x128xf32, #tpu.memory_space<vmem>>, vector<16xf32>,
        tpu.vector_store %arg10[%swap3A_635, %swap3A_636], %mul3A_634 {strides = array<i32>} : memref<96x128xf32, #tpu.memory_space<vmem>>, vector<16xf32>,
        %get3A_638 = arith.index_cast %add3A_600 : i32 to index
        %get3A_639 = arith.constant 80 : index
        %get3A_640 = tpu.vector_load %arg10[%get3A_638, %get3A_639] {strides = array<i32>} : memref<96x128xf32, #tpu.memory_space<vmem>>, vector<16xf32>,
        %mul3A_641 = arith.mulf %get3A_640, %gather3A_602 : vector<16xf32>
        %swap3A_642 = arith.index_cast %add3A_600 : i32 to index
        %swap3A_643 = arith.constant 80 : index
        %swap3A_644 = tpu.vector_load %arg10[%swap3A_642, %swap3A_643] {strides = array<i32>} : memref<96x128xf32, #tpu.memory_space<vmem>>, vector<16xf32>,
        tpu.vector_store %arg10[%swap3A_642, %swap3A_643], %mul3A_641 {strides = array<i32>} : memref<96x128xf32, #tpu.memory_space<vmem>>, vector<16xf32>,
        %get3A_645 = arith.index_cast %add3A_600 : i32 to index
        %get3A_646 = arith.constant 96 : index
        %get3A_647 = tpu.vector_load %arg10[%get3A_645, %get3A_646] {strides = array<i32>} : memref<96x128xf32, #tpu.memory_space<vmem>>, vector<16xf32>,
        %mul3A_648 = arith.mulf %get3A_647, %gather3A_602 : vector<16xf32>
        %swap3A_649 = arith.index_cast %add3A_600 : i32 to index
        %swap3A_650 = arith.constant 96 : index
        %swap3A_651 = tpu.vector_load %arg10[%swap3A_649, %swap3A_650] {strides = array<i32>} : memref<96x128xf32, #tpu.memory_space<vmem>>, vector<16xf32>,
        tpu.vector_store %arg10[%swap3A_649, %swap3A_650], %mul3A_648 {strides = array<i32>} : memref<96x128xf32, #tpu.memory_space<vmem>>, vector<16xf32>,
        %get3A_652 = arith.index_cast %add3A_600 : i32 to index
        %get3A_653 = arith.constant 112 : index
        %get3A_654 = tpu.vector_load %arg10[%get3A_652, %get3A_653] {strides = array<i32>} : memref<96x128xf32, #tpu.memory_space<vmem>>, vector<16xf32>,
        %mul3A_655 = arith.mulf %get3A_654, %gather3A_602 : vector<16xf32>
        %swap3A_656 = arith.index_cast %add3A_600 : i32 to index
        %swap3A_657 = arith.constant 112 : index
        %swap3A_658 = tpu.vector_load %arg10[%swap3A_656, %swap3A_657] {strides = array<i32>} : memref<96x128xf32, #tpu.memory_space<vmem>>, vector<16xf32>,
        tpu.vector_store %arg10[%swap3A_656, %swap3A_657], %mul3A_655 {strides = array<i32>} : memref<96x128xf32, #tpu.memory_space<vmem>>, vector<16xf32>,
      }
      %scan3A_121 = arith.constant 12 : i32
      %dma_start3A_122 = arith.constant 0 : i32
      %dma_start3A_123 = arith.constant 0 : i32
      %dma_start3A_124 = tpu.memref_slice %arg18[%dma_start3A_122, %dma_start3A_123] : memref<10000x128xf32, #tpu.memory_space<vmem_shared>> -> memref<10000x128xf32, #tpu.memory_space<vmem_shared>>
      tpu.enqueue_indirect_dma source(%arg10 : memref<96x128xf32, #tpu.memory_space<vmem>>) target(%dma_start3A_124 : memref<10000x128xf32, #tpu.memory_space<vmem_shared>>) offsets(%arg13 : memref<96xi32, #tpu.memory_space<vmem>>) semaphore(%arg26 : memref<!tpu.dma_semaphore, #tpu.memory_space<semaphore_mem>>) {add = true}
      %mul3A_125 = arith.constant 3 : i32
      %mul3A_126 = arith.muli %mul3A_125, %scan3A_46 : i32
      %add3A_127 = arith.constant 2 : i32
      %add3A_128 = arith.addi %mul3A_126, %add3A_127 : i32
      %mul3A_129 = arith.constant 96 : i32
      %mul3A_130 = arith.muli %add3A_128, %mul3A_129 : i32
      %dma_wait3A_131 = tpu.memref_slice %arg8[%mul3A_130] : memref<10080xi32, #tpu.memory_space<vmem>> -> memref<96xi32, #tpu.memory_space<vmem>>
      %dma_wait3A_132 = arith.constant 0 : i32
      %dma_wait3A_133 = arith.constant 0 : i32
      %dma_wait3A_134 = tpu.memref_slice %arg2[%dma_wait3A_132, %dma_wait3A_133] : memref<10000x128xf32, #tpu.memory_space<hbm>> -> memref<10000x128xf32, #tpu.memory_space<hbm>>
      tpu.wait_indirect_dma semaphore(%arg21 : memref<!tpu.dma_semaphore, #tpu.memory_space<semaphore_mem>>) src(%dma_wait3A_134 : memref<10000x128xf32, #tpu.memory_space<hbm>>) dst(%arg11 : memref<96x128xf32, #tpu.memory_space<vmem>>)
      %dma_wait3A_135 = arith.constant 0 : i32
      %dma_wait3A_136 = tpu.memref_slice %arg5[%add3A, %add3A_128, %dma_wait3A_135] : memref<32x105x96xi32, #tpu.memory_space<hbm>> -> memref<1x1x96xi32, #tpu.memory_space<hbm>>
      %dma_wait3A_137 = tpu.memref_squeeze %dma_wait3A_136 : memref<1x1x96xi32, #tpu.memory_space<hbm>> -> memref<96xi32, #tpu.memory_space<hbm>>
      %dma_wait3A_138 = arith.constant 0 : i32
      %dma_wait3A_139 = tpu.memref_slice %arg5[%add3A, %add3A_128, %dma_wait3A_138] : memref<32x105x96xi32, #tpu.memory_space<hbm>> -> memref<1x1x96xi32, #tpu.memory_space<hbm>>
      %dma_wait3A_140 = tpu.memref_squeeze %dma_wait3A_139 : memref<1x1x96xi32, #tpu.memory_space<hbm>> -> memref<96xi32, #tpu.memory_space<hbm>>
      tpu.wait_dma2 semaphore(%arg24 : memref<!tpu.dma_semaphore, #tpu.memory_space<semaphore_mem>>) src(%dma_wait3A_140 : memref<96xi32, #tpu.memory_space<hbm>>) dst(%arg14 : memref<96xi32, #tpu.memory_space<vmem>>)
      %dma_wait3A_141 = arith.constant 0 : i32
      %dma_wait3A_142 = tpu.memref_slice %arg3[%add3A, %add3A_128, %dma_wait3A_141] : memref<32x105x96xf32, #tpu.memory_space<hbm>> -> memref<1x1x96xf32, #tpu.memory_space<hbm>>
      %dma_wait3A_143 = tpu.memref_squeeze %dma_wait3A_142 : memref<1x1x96xf32, #tpu.memory_space<hbm>> -> memref<96xf32, #tpu.memory_space<hbm>>
      %dma_wait3A_144 = arith.constant 0 : i32
      %dma_wait3A_145 = tpu.memref_slice %arg3[%add3A, %add3A_128, %dma_wait3A_144] : memref<32x105x96xf32, #tpu.memory_space<hbm>> -> memref<1x1x96xf32, #tpu.memory_space<hbm>>
      %dma_wait3A_146 = tpu.memref_squeeze %dma_wait3A_145 : memref<1x1x96xf32, #tpu.memory_space<hbm>> -> memref<96xf32, #tpu.memory_space<hbm>>
      tpu.wait_dma2 semaphore(%arg24 : memref<!tpu.dma_semaphore, #tpu.memory_space<semaphore_mem>>) src(%dma_wait3A_146 : memref<96xf32, #tpu.memory_space<hbm>>) dst(%arg17 : memref<96xf32, #tpu.memory_space<vmem>>)
      %ge3A_147 = arith.constant 2 : i32
      %ge3A_148 = arith.cmpi sge, %add3A_128, %ge3A_147 : i32
      %convert_element_type3A_149 = arith.extui %ge3A_148 : i1 to i32
      %cond3A_150 = arith.constant 0 : i32
      %cond3A_151 = arith.cmpi ne, %convert_element_type3A_149, %cond3A_150 : i32
      scf.if %cond3A_151 {
        %dma_wait3A_166 = arith.constant 0 : i32
        %dma_wait3A_167 = arith.constant 0 : i32
        %dma_wait3A_168 = tpu.memref_slice %arg18[%dma_wait3A_166, %dma_wait3A_167] : memref<10000x128xf32, #tpu.memory_space<vmem_shared>> -> memref<10000x128xf32, #tpu.memory_space<vmem_shared>>
        tpu.wait_indirect_dma semaphore(%arg25 : memref<!tpu.dma_semaphore, #tpu.memory_space<semaphore_mem>>) src(%arg9 : memref<96x128xf32, #tpu.memory_space<vmem>>) dst(%dma_wait3A_168 : memref<10000x128xf32, #tpu.memory_space<vmem_shared>>)
      } else {
      }
      %lt3A_152 = arith.constant 104 : i32
      %lt3A_153 = arith.cmpi slt, %add3A_128, %lt3A_152 : i32
      %convert_element_type3A_154 = arith.extui %lt3A_153 : i1 to i32
      %cond3A_155 = arith.constant 0 : i32
      %cond3A_156 = arith.cmpi ne, %convert_element_type3A_154, %cond3A_155 : i32
      scf.if %cond3A_156 {
        %add3A_166 = arith.constant 1 : i32
        %add3A_167 = arith.addi %add3A_128, %add3A_166 : i32
        %mul3A_168 = arith.constant 96 : i32
        %mul3A_169 = arith.muli %add3A_167, %mul3A_168 : i32
        %dma_start3A_170 = tpu.memref_slice %arg8[%mul3A_169] : memref<10080xi32, #tpu.memory_space<vmem>> -> memref<96xi32, #tpu.memory_space<vmem>>
        %dma_start3A_171 = arith.constant 0 : i32
        %dma_start3A_172 = arith.constant 0 : i32
        %dma_start3A_173 = tpu.memref_slice %arg2[%dma_start3A_171, %dma_start3A_172] : memref<10000x128xf32, #tpu.memory_space<hbm>> -> memref<10000x128xf32, #tpu.memory_space<hbm>>
        tpu.enqueue_indirect_dma source(%dma_start3A_173 : memref<10000x128xf32, #tpu.memory_space<hbm>>) target(%arg9 : memref<96x128xf32, #tpu.memory_space<vmem>>) offsets(%dma_start3A_170 : memref<96xi32, #tpu.memory_space<vmem>>) semaphore(%arg19 : memref<!tpu.dma_semaphore, #tpu.memory_space<semaphore_mem>>)
        %dma_start3A_174 = arith.constant 0 : i32
        %dma_start3A_175 = tpu.memref_slice %arg5[%add3A, %add3A_167, %dma_start3A_174] : memref<32x105x96xi32, #tpu.memory_space<hbm>> -> memref<1x1x96xi32, #tpu.memory_space<hbm>>
        %dma_start3A_176 = tpu.memref_squeeze %dma_start3A_175 : memref<1x1x96xi32, #tpu.memory_space<hbm>> -> memref<96xi32, #tpu.memory_space<hbm>>
        %dma_start3A_177 = arith.constant 0 : i32
        %dma_start3A_178 = tpu.memref_slice %arg5[%add3A, %add3A_167, %dma_start3A_177] : memref<32x105x96xi32, #tpu.memory_space<hbm>> -> memref<1x1x96xi32, #tpu.memory_space<hbm>>
        %dma_start3A_179 = tpu.memref_squeeze %dma_start3A_178 : memref<1x1x96xi32, #tpu.memory_space<hbm>> -> memref<96xi32, #tpu.memory_space<hbm>>
        tpu.enqueue_dma source(%dma_start3A_179 : memref<96xi32, #tpu.memory_space<hbm>>) target(%arg12 : memref<96xi32, #tpu.memory_space<vmem>>) target_semaphore(%arg22 : memref<!tpu.dma_semaphore, #tpu.memory_space<semaphore_mem>>)
        %dma_start3A_180 = arith.constant 0 : i32
        %dma_start3A_181 = tpu.memref_slice %arg3[%add3A, %add3A_167, %dma_start3A_180] : memref<32x105x96xf32, #tpu.memory_space<hbm>> -> memref<1x1x96xf32, #tpu.memory_space<hbm>>
        %dma_start3A_182 = tpu.memref_squeeze %dma_start3A_181 : memref<1x1x96xf32, #tpu.memory_space<hbm>> -> memref<96xf32, #tpu.memory_space<hbm>>
        %dma_start3A_183 = arith.constant 0 : i32
        %dma_start3A_184 = tpu.memref_slice %arg3[%add3A, %add3A_167, %dma_start3A_183] : memref<32x105x96xf32, #tpu.memory_space<hbm>> -> memref<1x1x96xf32, #tpu.memory_space<hbm>>
        %dma_start3A_185 = tpu.memref_squeeze %dma_start3A_184 : memref<1x1x96xf32, #tpu.memory_space<hbm>> -> memref<96xf32, #tpu.memory_space<hbm>>
        tpu.enqueue_dma source(%dma_start3A_185 : memref<96xf32, #tpu.memory_space<hbm>>) target(%arg15 : memref<96xf32, #tpu.memory_space<vmem>>) target_semaphore(%arg22 : memref<!tpu.dma_semaphore, #tpu.memory_space<semaphore_mem>>)
      } else {
      }
      %scan3A_157 = arith.constant 0 : i32
      %scan3A_158 = arith.constant 0 : i32
      %scan3A_159 = arith.constant 12 : i32
      %scan3A_160 = arith.addi %scan3A_158, %scan3A_159 : i32
      %scan3A_161 = arith.constant 1 : i32
      scf.for %scan3A_166 = %scan3A_158 to %scan3A_160 step %scan3A_161  : i32 {
        %mul3A_167 = arith.constant 8 : i32
        %mul3A_168 = arith.muli %mul3A_167, %scan3A_166 : i32
        %add3A_169 = arith.constant 0 : i32
        %add3A_170 = arith.addi %mul3A_168, %add3A_169 : i32
        %broadcast_in_dim3A = vector.broadcast %add3A_170 : i32 to vector<16xi32>
        %gather3A = tpu.vector_load_idx %arg17[%broadcast_in_dim3A] : memref<96xf32, #tpu.memory_space<vmem>>[vector<16xi32>], vector<16xf32>,
        %get3A = arith.index_cast %add3A_170 : i32 to index
        %get3A_171 = arith.constant 0 : index
        %get3A_172 = tpu.vector_load %arg11[%get3A, %get3A_171] {strides = array<i32>} : memref<96x128xf32, #tpu.memory_space<vmem>>, vector<16xf32>,
        %mul3A_173 = arith.mulf %get3A_172, %gather3A : vector<16xf32>
        %swap3A = arith.index_cast %add3A_170 : i32 to index
        %swap3A_174 = arith.constant 0 : index
        %swap3A_175 = tpu.vector_load %arg11[%swap3A, %swap3A_174] {strides = array<i32>} : memref<96x128xf32, #tpu.memory_space<vmem>>, vector<16xf32>,
        tpu.vector_store %arg11[%swap3A, %swap3A_174], %mul3A_173 {strides = array<i32>} : memref<96x128xf32, #tpu.memory_space<vmem>>, vector<16xf32>,
        %get3A_176 = arith.index_cast %add3A_170 : i32 to index
        %get3A_177 = arith.constant 16 : index
        %get3A_178 = tpu.vector_load %arg11[%get3A_176, %get3A_177] {strides = array<i32>} : memref<96x128xf32, #tpu.memory_space<vmem>>, vector<16xf32>,
        %mul3A_179 = arith.mulf %get3A_178, %gather3A : vector<16xf32>
        %swap3A_180 = arith.index_cast %add3A_170 : i32 to index
        %swap3A_181 = arith.constant 16 : index
        %swap3A_182 = tpu.vector_load %arg11[%swap3A_180, %swap3A_181] {strides = array<i32>} : memref<96x128xf32, #tpu.memory_space<vmem>>, vector<16xf32>,
        tpu.vector_store %arg11[%swap3A_180, %swap3A_181], %mul3A_179 {strides = array<i32>} : memref<96x128xf32, #tpu.memory_space<vmem>>, vector<16xf32>,
        %get3A_183 = arith.index_cast %add3A_170 : i32 to index
        %get3A_184 = arith.constant 32 : index
        %get3A_185 = tpu.vector_load %arg11[%get3A_183, %get3A_184] {strides = array<i32>} : memref<96x128xf32, #tpu.memory_space<vmem>>, vector<16xf32>,
        %mul3A_186 = arith.mulf %get3A_185, %gather3A : vector<16xf32>
        %swap3A_187 = arith.index_cast %add3A_170 : i32 to index
        %swap3A_188 = arith.constant 32 : index
        %swap3A_189 = tpu.vector_load %arg11[%swap3A_187, %swap3A_188] {strides = array<i32>} : memref<96x128xf32, #tpu.memory_space<vmem>>, vector<16xf32>,
        tpu.vector_store %arg11[%swap3A_187, %swap3A_188], %mul3A_186 {strides = array<i32>} : memref<96x128xf32, #tpu.memory_space<vmem>>, vector<16xf32>,
        %get3A_190 = arith.index_cast %add3A_170 : i32 to index
        %get3A_191 = arith.constant 48 : index
        %get3A_192 = tpu.vector_load %arg11[%get3A_190, %get3A_191] {strides = array<i32>} : memref<96x128xf32, #tpu.memory_space<vmem>>, vector<16xf32>,
        %mul3A_193 = arith.mulf %get3A_192, %gather3A : vector<16xf32>
        %swap3A_194 = arith.index_cast %add3A_170 : i32 to index
        %swap3A_195 = arith.constant 48 : index
        %swap3A_196 = tpu.vector_load %arg11[%swap3A_194, %swap3A_195] {strides = array<i32>} : memref<96x128xf32, #tpu.memory_space<vmem>>, vector<16xf32>,
        tpu.vector_store %arg11[%swap3A_194, %swap3A_195], %mul3A_193 {strides = array<i32>} : memref<96x128xf32, #tpu.memory_space<vmem>>, vector<16xf32>,
        %get3A_197 = arith.index_cast %add3A_170 : i32 to index
        %get3A_198 = arith.constant 64 : index
        %get3A_199 = tpu.vector_load %arg11[%get3A_197, %get3A_198] {strides = array<i32>} : memref<96x128xf32, #tpu.memory_space<vmem>>, vector<16xf32>,
        %mul3A_200 = arith.mulf %get3A_199, %gather3A : vector<16xf32>
        %swap3A_201 = arith.index_cast %add3A_170 : i32 to index
        %swap3A_202 = arith.constant 64 : index
        %swap3A_203 = tpu.vector_load %arg11[%swap3A_201, %swap3A_202] {strides = array<i32>} : memref<96x128xf32, #tpu.memory_space<vmem>>, vector<16xf32>,
        tpu.vector_store %arg11[%swap3A_201, %swap3A_202], %mul3A_200 {strides = array<i32>} : memref<96x128xf32, #tpu.memory_space<vmem>>, vector<16xf32>,
        %get3A_204 = arith.index_cast %add3A_170 : i32 to index
        %get3A_205 = arith.constant 80 : index
        %get3A_206 = tpu.vector_load %arg11[%get3A_204, %get3A_205] {strides = array<i32>} : memref<96x128xf32, #tpu.memory_space<vmem>>, vector<16xf32>,
        %mul3A_207 = arith.mulf %get3A_206, %gather3A : vector<16xf32>
        %swap3A_208 = arith.index_cast %add3A_170 : i32 to index
        %swap3A_209 = arith.constant 80 : index
        %swap3A_210 = tpu.vector_load %arg11[%swap3A_208, %swap3A_209] {strides = array<i32>} : memref<96x128xf32, #tpu.memory_space<vmem>>, vector<16xf32>,
        tpu.vector_store %arg11[%swap3A_208, %swap3A_209], %mul3A_207 {strides = array<i32>} : memref<96x128xf32, #tpu.memory_space<vmem>>, vector<16xf32>,
        %get3A_211 = arith.index_cast %add3A_170 : i32 to index
        %get3A_212 = arith.constant 96 : index
        %get3A_213 = tpu.vector_load %arg11[%get3A_211, %get3A_212] {strides = array<i32>} : memref<96x128xf32, #tpu.memory_space<vmem>>, vector<16xf32>,
        %mul3A_214 = arith.mulf %get3A_213, %gather3A : vector<16xf32>
        %swap3A_215 = arith.index_cast %add3A_170 : i32 to index
        %swap3A_216 = arith.constant 96 : index
        %swap3A_217 = tpu.vector_load %arg11[%swap3A_215, %swap3A_216] {strides = array<i32>} : memref<96x128xf32, #tpu.memory_space<vmem>>, vector<16xf32>,
        tpu.vector_store %arg11[%swap3A_215, %swap3A_216], %mul3A_214 {strides = array<i32>} : memref<96x128xf32, #tpu.memory_space<vmem>>, vector<16xf32>,
        %get3A_218 = arith.index_cast %add3A_170 : i32 to index
        %get3A_219 = arith.constant 112 : index
        %get3A_220 = tpu.vector_load %arg11[%get3A_218, %get3A_219] {strides = array<i32>} : memref<96x128xf32, #tpu.memory_space<vmem>>, vector<16xf32>,
        %mul3A_221 = arith.mulf %get3A_220, %gather3A : vector<16xf32>
        %swap3A_222 = arith.index_cast %add3A_170 : i32 to index
        %swap3A_223 = arith.constant 112 : index
        %swap3A_224 = tpu.vector_load %arg11[%swap3A_222, %swap3A_223] {strides = array<i32>} : memref<96x128xf32, #tpu.memory_space<vmem>>, vector<16xf32>,
        tpu.vector_store %arg11[%swap3A_222, %swap3A_223], %mul3A_221 {strides = array<i32>} : memref<96x128xf32, #tpu.memory_space<vmem>>, vector<16xf32>,
        %mul3A_225 = arith.constant 8 : i32
        %mul3A_226 = arith.muli %mul3A_225, %scan3A_166 : i32
        %add3A_227 = arith.constant 1 : i32
        %add3A_228 = arith.addi %mul3A_226, %add3A_227 : i32
        %broadcast_in_dim3A_229 = vector.broadcast %add3A_228 : i32 to vector<16xi32>
        %gather3A_230 = tpu.vector_load_idx %arg17[%broadcast_in_dim3A_229] : memref<96xf32, #tpu.memory_space<vmem>>[vector<16xi32>], vector<16xf32>,
        %get3A_231 = arith.index_cast %add3A_228 : i32 to index
        %get3A_232 = arith.constant 0 : index
        %get3A_233 = tpu.vector_load %arg11[%get3A_231, %get3A_232] {strides = array<i32>} : memref<96x128xf32, #tpu.memory_space<vmem>>, vector<16xf32>,
        %mul3A_234 = arith.mulf %get3A_233, %gather3A_230 : vector<16xf32>
        %swap3A_235 = arith.index_cast %add3A_228 : i32 to index
        %swap3A_236 = arith.constant 0 : index
        %swap3A_237 = tpu.vector_load %arg11[%swap3A_235, %swap3A_236] {strides = array<i32>} : memref<96x128xf32, #tpu.memory_space<vmem>>, vector<16xf32>,
        tpu.vector_store %arg11[%swap3A_235, %swap3A_236], %mul3A_234 {strides = array<i32>} : memref<96x128xf32, #tpu.memory_space<vmem>>, vector<16xf32>,
        %get3A_238 = arith.index_cast %add3A_228 : i32 to index
        %get3A_239 = arith.constant 16 : index
        %get3A_240 = tpu.vector_load %arg11[%get3A_238, %get3A_239] {strides = array<i32>} : memref<96x128xf32, #tpu.memory_space<vmem>>, vector<16xf32>,
        %mul3A_241 = arith.mulf %get3A_240, %gather3A_230 : vector<16xf32>
        %swap3A_242 = arith.index_cast %add3A_228 : i32 to index
        %swap3A_243 = arith.constant 16 : index
        %swap3A_244 = tpu.vector_load %arg11[%swap3A_242, %swap3A_243] {strides = array<i32>} : memref<96x128xf32, #tpu.memory_space<vmem>>, vector<16xf32>,
        tpu.vector_store %arg11[%swap3A_242, %swap3A_243], %mul3A_241 {strides = array<i32>} : memref<96x128xf32, #tpu.memory_space<vmem>>, vector<16xf32>,
        %get3A_245 = arith.index_cast %add3A_228 : i32 to index
        %get3A_246 = arith.constant 32 : index
        %get3A_247 = tpu.vector_load %arg11[%get3A_245, %get3A_246] {strides = array<i32>} : memref<96x128xf32, #tpu.memory_space<vmem>>, vector<16xf32>,
        %mul3A_248 = arith.mulf %get3A_247, %gather3A_230 : vector<16xf32>
        %swap3A_249 = arith.index_cast %add3A_228 : i32 to index
        %swap3A_250 = arith.constant 32 : index
        %swap3A_251 = tpu.vector_load %arg11[%swap3A_249, %swap3A_250] {strides = array<i32>} : memref<96x128xf32, #tpu.memory_space<vmem>>, vector<16xf32>,
        tpu.vector_store %arg11[%swap3A_249, %swap3A_250], %mul3A_248 {strides = array<i32>} : memref<96x128xf32, #tpu.memory_space<vmem>>, vector<16xf32>,
        %get3A_252 = arith.index_cast %add3A_228 : i32 to index
        %get3A_253 = arith.constant 48 : index
        %get3A_254 = tpu.vector_load %arg11[%get3A_252, %get3A_253] {strides = array<i32>} : memref<96x128xf32, #tpu.memory_space<vmem>>, vector<16xf32>,
        %mul3A_255 = arith.mulf %get3A_254, %gather3A_230 : vector<16xf32>
        %swap3A_256 = arith.index_cast %add3A_228 : i32 to index
        %swap3A_257 = arith.constant 48 : index
        %swap3A_258 = tpu.vector_load %arg11[%swap3A_256, %swap3A_257] {strides = array<i32>} : memref<96x128xf32, #tpu.memory_space<vmem>>, vector<16xf32>,
        tpu.vector_store %arg11[%swap3A_256, %swap3A_257], %mul3A_255 {strides = array<i32>} : memref<96x128xf32, #tpu.memory_space<vmem>>, vector<16xf32>,
        %get3A_259 = arith.index_cast %add3A_228 : i32 to index
        %get3A_260 = arith.constant 64 : index
        %get3A_261 = tpu.vector_load %arg11[%get3A_259, %get3A_260] {strides = array<i32>} : memref<96x128xf32, #tpu.memory_space<vmem>>, vector<16xf32>,
        %mul3A_262 = arith.mulf %get3A_261, %gather3A_230 : vector<16xf32>
        %swap3A_263 = arith.index_cast %add3A_228 : i32 to index
        %swap3A_264 = arith.constant 64 : index
        %swap3A_265 = tpu.vector_load %arg11[%swap3A_263, %swap3A_264] {strides = array<i32>} : memref<96x128xf32, #tpu.memory_space<vmem>>, vector<16xf32>,
        tpu.vector_store %arg11[%swap3A_263, %swap3A_264], %mul3A_262 {strides = array<i32>} : memref<96x128xf32, #tpu.memory_space<vmem>>, vector<16xf32>,
        %get3A_266 = arith.index_cast %add3A_228 : i32 to index
        %get3A_267 = arith.constant 80 : index
        %get3A_268 = tpu.vector_load %arg11[%get3A_266, %get3A_267] {strides = array<i32>} : memref<96x128xf32, #tpu.memory_space<vmem>>, vector<16xf32>,
        %mul3A_269 = arith.mulf %get3A_268, %gather3A_230 : vector<16xf32>
        %swap3A_270 = arith.index_cast %add3A_228 : i32 to index
        %swap3A_271 = arith.constant 80 : index
        %swap3A_272 = tpu.vector_load %arg11[%swap3A_270, %swap3A_271] {strides = array<i32>} : memref<96x128xf32, #tpu.memory_space<vmem>>, vector<16xf32>,
        tpu.vector_store %arg11[%swap3A_270, %swap3A_271], %mul3A_269 {strides = array<i32>} : memref<96x128xf32, #tpu.memory_space<vmem>>, vector<16xf32>,
        %get3A_273 = arith.index_cast %add3A_228 : i32 to index
        %get3A_274 = arith.constant 96 : index
        %get3A_275 = tpu.vector_load %arg11[%get3A_273, %get3A_274] {strides = array<i32>} : memref<96x128xf32, #tpu.memory_space<vmem>>, vector<16xf32>,
        %mul3A_276 = arith.mulf %get3A_275, %gather3A_230 : vector<16xf32>
        %swap3A_277 = arith.index_cast %add3A_228 : i32 to index
        %swap3A_278 = arith.constant 96 : index
        %swap3A_279 = tpu.vector_load %arg11[%swap3A_277, %swap3A_278] {strides = array<i32>} : memref<96x128xf32, #tpu.memory_space<vmem>>, vector<16xf32>,
        tpu.vector_store %arg11[%swap3A_277, %swap3A_278], %mul3A_276 {strides = array<i32>} : memref<96x128xf32, #tpu.memory_space<vmem>>, vector<16xf32>,
        %get3A_280 = arith.index_cast %add3A_228 : i32 to index
        %get3A_281 = arith.constant 112 : index
        %get3A_282 = tpu.vector_load %arg11[%get3A_280, %get3A_281] {strides = array<i32>} : memref<96x128xf32, #tpu.memory_space<vmem>>, vector<16xf32>,
        %mul3A_283 = arith.mulf %get3A_282, %gather3A_230 : vector<16xf32>
        %swap3A_284 = arith.index_cast %add3A_228 : i32 to index
        %swap3A_285 = arith.constant 112 : index
        %swap3A_286 = tpu.vector_load %arg11[%swap3A_284, %swap3A_285] {strides = array<i32>} : memref<96x128xf32, #tpu.memory_space<vmem>>, vector<16xf32>,
        tpu.vector_store %arg11[%swap3A_284, %swap3A_285], %mul3A_283 {strides = array<i32>} : memref<96x128xf32, #tpu.memory_space<vmem>>, vector<16xf32>,
        %mul3A_287 = arith.constant 8 : i32
        %mul3A_288 = arith.muli %mul3A_287, %scan3A_166 : i32
        %add3A_289 = arith.constant 2 : i32
        %add3A_290 = arith.addi %mul3A_288, %add3A_289 : i32
        %broadcast_in_dim3A_291 = vector.broadcast %add3A_290 : i32 to vector<16xi32>
        %gather3A_292 = tpu.vector_load_idx %arg17[%broadcast_in_dim3A_291] : memref<96xf32, #tpu.memory_space<vmem>>[vector<16xi32>], vector<16xf32>,
        %get3A_293 = arith.index_cast %add3A_290 : i32 to index
        %get3A_294 = arith.constant 0 : index
        %get3A_295 = tpu.vector_load %arg11[%get3A_293, %get3A_294] {strides = array<i32>} : memref<96x128xf32, #tpu.memory_space<vmem>>, vector<16xf32>,
        %mul3A_296 = arith.mulf %get3A_295, %gather3A_292 : vector<16xf32>
        %swap3A_297 = arith.index_cast %add3A_290 : i32 to index
        %swap3A_298 = arith.constant 0 : index
        %swap3A_299 = tpu.vector_load %arg11[%swap3A_297, %swap3A_298] {strides = array<i32>} : memref<96x128xf32, #tpu.memory_space<vmem>>, vector<16xf32>,
        tpu.vector_store %arg11[%swap3A_297, %swap3A_298], %mul3A_296 {strides = array<i32>} : memref<96x128xf32, #tpu.memory_space<vmem>>, vector<16xf32>,
        %get3A_300 = arith.index_cast %add3A_290 : i32 to index
        %get3A_301 = arith.constant 16 : index
        %get3A_302 = tpu.vector_load %arg11[%get3A_300, %get3A_301] {strides = array<i32>} : memref<96x128xf32, #tpu.memory_space<vmem>>, vector<16xf32>,
        %mul3A_303 = arith.mulf %get3A_302, %gather3A_292 : vector<16xf32>
        %swap3A_304 = arith.index_cast %add3A_290 : i32 to index
        %swap3A_305 = arith.constant 16 : index
        %swap3A_306 = tpu.vector_load %arg11[%swap3A_304, %swap3A_305] {strides = array<i32>} : memref<96x128xf32, #tpu.memory_space<vmem>>, vector<16xf32>,
        tpu.vector_store %arg11[%swap3A_304, %swap3A_305], %mul3A_303 {strides = array<i32>} : memref<96x128xf32, #tpu.memory_space<vmem>>, vector<16xf32>,
        %get3A_307 = arith.index_cast %add3A_290 : i32 to index
        %get3A_308 = arith.constant 32 : index
        %get3A_309 = tpu.vector_load %arg11[%get3A_307, %get3A_308] {strides = array<i32>} : memref<96x128xf32, #tpu.memory_space<vmem>>, vector<16xf32>,
        %mul3A_310 = arith.mulf %get3A_309, %gather3A_292 : vector<16xf32>
        %swap3A_311 = arith.index_cast %add3A_290 : i32 to index
        %swap3A_312 = arith.constant 32 : index
        %swap3A_313 = tpu.vector_load %arg11[%swap3A_311, %swap3A_312] {strides = array<i32>} : memref<96x128xf32, #tpu.memory_space<vmem>>, vector<16xf32>,
        tpu.vector_store %arg11[%swap3A_311, %swap3A_312], %mul3A_310 {strides = array<i32>} : memref<96x128xf32, #tpu.memory_space<vmem>>, vector<16xf32>,
        %get3A_314 = arith.index_cast %add3A_290 : i32 to index
        %get3A_315 = arith.constant 48 : index
        %get3A_316 = tpu.vector_load %arg11[%get3A_314, %get3A_315] {strides = array<i32>} : memref<96x128xf32, #tpu.memory_space<vmem>>, vector<16xf32>,
        %mul3A_317 = arith.mulf %get3A_316, %gather3A_292 : vector<16xf32>
        %swap3A_318 = arith.index_cast %add3A_290 : i32 to index
        %swap3A_319 = arith.constant 48 : index
        %swap3A_320 = tpu.vector_load %arg11[%swap3A_318, %swap3A_319] {strides = array<i32>} : memref<96x128xf32, #tpu.memory_space<vmem>>, vector<16xf32>,
        tpu.vector_store %arg11[%swap3A_318, %swap3A_319], %mul3A_317 {strides = array<i32>} : memref<96x128xf32, #tpu.memory_space<vmem>>, vector<16xf32>,
        %get3A_321 = arith.index_cast %add3A_290 : i32 to index
        %get3A_322 = arith.constant 64 : index
        %get3A_323 = tpu.vector_load %arg11[%get3A_321, %get3A_322] {strides = array<i32>} : memref<96x128xf32, #tpu.memory_space<vmem>>, vector<16xf32>,
        %mul3A_324 = arith.mulf %get3A_323, %gather3A_292 : vector<16xf32>
        %swap3A_325 = arith.index_cast %add3A_290 : i32 to index
        %swap3A_326 = arith.constant 64 : index
        %swap3A_327 = tpu.vector_load %arg11[%swap3A_325, %swap3A_326] {strides = array<i32>} : memref<96x128xf32, #tpu.memory_space<vmem>>, vector<16xf32>,
        tpu.vector_store %arg11[%swap3A_325, %swap3A_326], %mul3A_324 {strides = array<i32>} : memref<96x128xf32, #tpu.memory_space<vmem>>, vector<16xf32>,
        %get3A_328 = arith.index_cast %add3A_290 : i32 to index
        %get3A_329 = arith.constant 80 : index
        %get3A_330 = tpu.vector_load %arg11[%get3A_328, %get3A_329] {strides = array<i32>} : memref<96x128xf32, #tpu.memory_space<vmem>>, vector<16xf32>,
        %mul3A_331 = arith.mulf %get3A_330, %gather3A_292 : vector<16xf32>
        %swap3A_332 = arith.index_cast %add3A_290 : i32 to index
        %swap3A_333 = arith.constant 80 : index
        %swap3A_334 = tpu.vector_load %arg11[%swap3A_332, %swap3A_333] {strides = array<i32>} : memref<96x128xf32, #tpu.memory_space<vmem>>, vector<16xf32>,
        tpu.vector_store %arg11[%swap3A_332, %swap3A_333], %mul3A_331 {strides = array<i32>} : memref<96x128xf32, #tpu.memory_space<vmem>>, vector<16xf32>,
        %get3A_335 = arith.index_cast %add3A_290 : i32 to index
        %get3A_336 = arith.constant 96 : index
        %get3A_337 = tpu.vector_load %arg11[%get3A_335, %get3A_336] {strides = array<i32>} : memref<96x128xf32, #tpu.memory_space<vmem>>, vector<16xf32>,
        %mul3A_338 = arith.mulf %get3A_337, %gather3A_292 : vector<16xf32>
        %swap3A_339 = arith.index_cast %add3A_290 : i32 to index
        %swap3A_340 = arith.constant 96 : index
        %swap3A_341 = tpu.vector_load %arg11[%swap3A_339, %swap3A_340] {strides = array<i32>} : memref<96x128xf32, #tpu.memory_space<vmem>>, vector<16xf32>,
        tpu.vector_store %arg11[%swap3A_339, %swap3A_340], %mul3A_338 {strides = array<i32>} : memref<96x128xf32, #tpu.memory_space<vmem>>, vector<16xf32>,
        %get3A_342 = arith.index_cast %add3A_290 : i32 to index
        %get3A_343 = arith.constant 112 : index
        %get3A_344 = tpu.vector_load %arg11[%get3A_342, %get3A_343] {strides = array<i32>} : memref<96x128xf32, #tpu.memory_space<vmem>>, vector<16xf32>,
        %mul3A_345 = arith.mulf %get3A_344, %gather3A_292 : vector<16xf32>
        %swap3A_346 = arith.index_cast %add3A_290 : i32 to index
        %swap3A_347 = arith.constant 112 : index
        %swap3A_348 = tpu.vector_load %arg11[%swap3A_346, %swap3A_347] {strides = array<i32>} : memref<96x128xf32, #tpu.memory_space<vmem>>, vector<16xf32>,
        tpu.vector_store %arg11[%swap3A_346, %swap3A_347], %mul3A_345 {strides = array<i32>} : memref<96x128xf32, #tpu.memory_space<vmem>>, vector<16xf32>,
        %mul3A_349 = arith.constant 8 : i32
        %mul3A_350 = arith.muli %mul3A_349, %scan3A_166 : i32
        %add3A_351 = arith.constant 3 : i32
        %add3A_352 = arith.addi %mul3A_350, %add3A_351 : i32
        %broadcast_in_dim3A_353 = vector.broadcast %add3A_352 : i32 to vector<16xi32>
        %gather3A_354 = tpu.vector_load_idx %arg17[%broadcast_in_dim3A_353] : memref<96xf32, #tpu.memory_space<vmem>>[vector<16xi32>], vector<16xf32>,
        %get3A_355 = arith.index_cast %add3A_352 : i32 to index
        %get3A_356 = arith.constant 0 : index
        %get3A_357 = tpu.vector_load %arg11[%get3A_355, %get3A_356] {strides = array<i32>} : memref<96x128xf32, #tpu.memory_space<vmem>>, vector<16xf32>,
        %mul3A_358 = arith.mulf %get3A_357, %gather3A_354 : vector<16xf32>
        %swap3A_359 = arith.index_cast %add3A_352 : i32 to index
        %swap3A_360 = arith.constant 0 : index
        %swap3A_361 = tpu.vector_load %arg11[%swap3A_359, %swap3A_360] {strides = array<i32>} : memref<96x128xf32, #tpu.memory_space<vmem>>, vector<16xf32>,
        tpu.vector_store %arg11[%swap3A_359, %swap3A_360], %mul3A_358 {strides = array<i32>} : memref<96x128xf32, #tpu.memory_space<vmem>>, vector<16xf32>,
        %get3A_362 = arith.index_cast %add3A_352 : i32 to index
        %get3A_363 = arith.constant 16 : index
        %get3A_364 = tpu.vector_load %arg11[%get3A_362, %get3A_363] {strides = array<i32>} : memref<96x128xf32, #tpu.memory_space<vmem>>, vector<16xf32>,
        %mul3A_365 = arith.mulf %get3A_364, %gather3A_354 : vector<16xf32>
        %swap3A_366 = arith.index_cast %add3A_352 : i32 to index
        %swap3A_367 = arith.constant 16 : index
        %swap3A_368 = tpu.vector_load %arg11[%swap3A_366, %swap3A_367] {strides = array<i32>} : memref<96x128xf32, #tpu.memory_space<vmem>>, vector<16xf32>,
        tpu.vector_store %arg11[%swap3A_366, %swap3A_367], %mul3A_365 {strides = array<i32>} : memref<96x128xf32, #tpu.memory_space<vmem>>, vector<16xf32>,
        %get3A_369 = arith.index_cast %add3A_352 : i32 to index
        %get3A_370 = arith.constant 32 : index
        %get3A_371 = tpu.vector_load %arg11[%get3A_369, %get3A_370] {strides = array<i32>} : memref<96x128xf32, #tpu.memory_space<vmem>>, vector<16xf32>,
        %mul3A_372 = arith.mulf %get3A_371, %gather3A_354 : vector<16xf32>
        %swap3A_373 = arith.index_cast %add3A_352 : i32 to index
        %swap3A_374 = arith.constant 32 : index
        %swap3A_375 = tpu.vector_load %arg11[%swap3A_373, %swap3A_374] {strides = array<i32>} : memref<96x128xf32, #tpu.memory_space<vmem>>, vector<16xf32>,
        tpu.vector_store %arg11[%swap3A_373, %swap3A_374], %mul3A_372 {strides = array<i32>} : memref<96x128xf32, #tpu.memory_space<vmem>>, vector<16xf32>,
        %get3A_376 = arith.index_cast %add3A_352 : i32 to index
        %get3A_377 = arith.constant 48 : index
        %get3A_378 = tpu.vector_load %arg11[%get3A_376, %get3A_377] {strides = array<i32>} : memref<96x128xf32, #tpu.memory_space<vmem>>, vector<16xf32>,
        %mul3A_379 = arith.mulf %get3A_378, %gather3A_354 : vector<16xf32>
        %swap3A_380 = arith.index_cast %add3A_352 : i32 to index
        %swap3A_381 = arith.constant 48 : index
        %swap3A_382 = tpu.vector_load %arg11[%swap3A_380, %swap3A_381] {strides = array<i32>} : memref<96x128xf32, #tpu.memory_space<vmem>>, vector<16xf32>,
        tpu.vector_store %arg11[%swap3A_380, %swap3A_381], %mul3A_379 {strides = array<i32>} : memref<96x128xf32, #tpu.memory_space<vmem>>, vector<16xf32>,
        %get3A_383 = arith.index_cast %add3A_352 : i32 to index
        %get3A_384 = arith.constant 64 : index
        %get3A_385 = tpu.vector_load %arg11[%get3A_383, %get3A_384] {strides = array<i32>} : memref<96x128xf32, #tpu.memory_space<vmem>>, vector<16xf32>,
        %mul3A_386 = arith.mulf %get3A_385, %gather3A_354 : vector<16xf32>
        %swap3A_387 = arith.index_cast %add3A_352 : i32 to index
        %swap3A_388 = arith.constant 64 : index
        %swap3A_389 = tpu.vector_load %arg11[%swap3A_387, %swap3A_388] {strides = array<i32>} : memref<96x128xf32, #tpu.memory_space<vmem>>, vector<16xf32>,
        tpu.vector_store %arg11[%swap3A_387, %swap3A_388], %mul3A_386 {strides = array<i32>} : memref<96x128xf32, #tpu.memory_space<vmem>>, vector<16xf32>,
        %get3A_390 = arith.index_cast %add3A_352 : i32 to index
        %get3A_391 = arith.constant 80 : index
        %get3A_392 = tpu.vector_load %arg11[%get3A_390, %get3A_391] {strides = array<i32>} : memref<96x128xf32, #tpu.memory_space<vmem>>, vector<16xf32>,
        %mul3A_393 = arith.mulf %get3A_392, %gather3A_354 : vector<16xf32>
        %swap3A_394 = arith.index_cast %add3A_352 : i32 to index
        %swap3A_395 = arith.constant 80 : index
        %swap3A_396 = tpu.vector_load %arg11[%swap3A_394, %swap3A_395] {strides = array<i32>} : memref<96x128xf32, #tpu.memory_space<vmem>>, vector<16xf32>,
        tpu.vector_store %arg11[%swap3A_394, %swap3A_395], %mul3A_393 {strides = array<i32>} : memref<96x128xf32, #tpu.memory_space<vmem>>, vector<16xf32>,
        %get3A_397 = arith.index_cast %add3A_352 : i32 to index
        %get3A_398 = arith.constant 96 : index
        %get3A_399 = tpu.vector_load %arg11[%get3A_397, %get3A_398] {strides = array<i32>} : memref<96x128xf32, #tpu.memory_space<vmem>>, vector<16xf32>,
        %mul3A_400 = arith.mulf %get3A_399, %gather3A_354 : vector<16xf32>
        %swap3A_401 = arith.index_cast %add3A_352 : i32 to index
        %swap3A_402 = arith.constant 96 : index
        %swap3A_403 = tpu.vector_load %arg11[%swap3A_401, %swap3A_402] {strides = array<i32>} : memref<96x128xf32, #tpu.memory_space<vmem>>, vector<16xf32>,
        tpu.vector_store %arg11[%swap3A_401, %swap3A_402], %mul3A_400 {strides = array<i32>} : memref<96x128xf32, #tpu.memory_space<vmem>>, vector<16xf32>,
        %get3A_404 = arith.index_cast %add3A_352 : i32 to index
        %get3A_405 = arith.constant 112 : index
        %get3A_406 = tpu.vector_load %arg11[%get3A_404, %get3A_405] {strides = array<i32>} : memref<96x128xf32, #tpu.memory_space<vmem>>, vector<16xf32>,
        %mul3A_407 = arith.mulf %get3A_406, %gather3A_354 : vector<16xf32>
        %swap3A_408 = arith.index_cast %add3A_352 : i32 to index
        %swap3A_409 = arith.constant 112 : index
        %swap3A_410 = tpu.vector_load %arg11[%swap3A_408, %swap3A_409] {strides = array<i32>} : memref<96x128xf32, #tpu.memory_space<vmem>>, vector<16xf32>,
        tpu.vector_store %arg11[%swap3A_408, %swap3A_409], %mul3A_407 {strides = array<i32>} : memref<96x128xf32, #tpu.memory_space<vmem>>, vector<16xf32>,
        %mul3A_411 = arith.constant 8 : i32
        %mul3A_412 = arith.muli %mul3A_411, %scan3A_166 : i32
        %add3A_413 = arith.constant 4 : i32
        %add3A_414 = arith.addi %mul3A_412, %add3A_413 : i32
        %broadcast_in_dim3A_415 = vector.broadcast %add3A_414 : i32 to vector<16xi32>
        %gather3A_416 = tpu.vector_load_idx %arg17[%broadcast_in_dim3A_415] : memref<96xf32, #tpu.memory_space<vmem>>[vector<16xi32>], vector<16xf32>,
        %get3A_417 = arith.index_cast %add3A_414 : i32 to index
        %get3A_418 = arith.constant 0 : index
        %get3A_419 = tpu.vector_load %arg11[%get3A_417, %get3A_418] {strides = array<i32>} : memref<96x128xf32, #tpu.memory_space<vmem>>, vector<16xf32>,
        %mul3A_420 = arith.mulf %get3A_419, %gather3A_416 : vector<16xf32>
        %swap3A_421 = arith.index_cast %add3A_414 : i32 to index
        %swap3A_422 = arith.constant 0 : index
        %swap3A_423 = tpu.vector_load %arg11[%swap3A_421, %swap3A_422] {strides = array<i32>} : memref<96x128xf32, #tpu.memory_space<vmem>>, vector<16xf32>,
        tpu.vector_store %arg11[%swap3A_421, %swap3A_422], %mul3A_420 {strides = array<i32>} : memref<96x128xf32, #tpu.memory_space<vmem>>, vector<16xf32>,
        %get3A_424 = arith.index_cast %add3A_414 : i32 to index
        %get3A_425 = arith.constant 16 : index
        %get3A_426 = tpu.vector_load %arg11[%get3A_424, %get3A_425] {strides = array<i32>} : memref<96x128xf32, #tpu.memory_space<vmem>>, vector<16xf32>,
        %mul3A_427 = arith.mulf %get3A_426, %gather3A_416 : vector<16xf32>
        %swap3A_428 = arith.index_cast %add3A_414 : i32 to index
        %swap3A_429 = arith.constant 16 : index
        %swap3A_430 = tpu.vector_load %arg11[%swap3A_428, %swap3A_429] {strides = array<i32>} : memref<96x128xf32, #tpu.memory_space<vmem>>, vector<16xf32>,
        tpu.vector_store %arg11[%swap3A_428, %swap3A_429], %mul3A_427 {strides = array<i32>} : memref<96x128xf32, #tpu.memory_space<vmem>>, vector<16xf32>,
        %get3A_431 = arith.index_cast %add3A_414 : i32 to index
        %get3A_432 = arith.constant 32 : index
        %get3A_433 = tpu.vector_load %arg11[%get3A_431, %get3A_432] {strides = array<i32>} : memref<96x128xf32, #tpu.memory_space<vmem>>, vector<16xf32>,
        %mul3A_434 = arith.mulf %get3A_433, %gather3A_416 : vector<16xf32>
        %swap3A_435 = arith.index_cast %add3A_414 : i32 to index
        %swap3A_436 = arith.constant 32 : index
        %swap3A_437 = tpu.vector_load %arg11[%swap3A_435, %swap3A_436] {strides = array<i32>} : memref<96x128xf32, #tpu.memory_space<vmem>>, vector<16xf32>,
        tpu.vector_store %arg11[%swap3A_435, %swap3A_436], %mul3A_434 {strides = array<i32>} : memref<96x128xf32, #tpu.memory_space<vmem>>, vector<16xf32>,
        %get3A_438 = arith.index_cast %add3A_414 : i32 to index
        %get3A_439 = arith.constant 48 : index
        %get3A_440 = tpu.vector_load %arg11[%get3A_438, %get3A_439] {strides = array<i32>} : memref<96x128xf32, #tpu.memory_space<vmem>>, vector<16xf32>,
        %mul3A_441 = arith.mulf %get3A_440, %gather3A_416 : vector<16xf32>
        %swap3A_442 = arith.index_cast %add3A_414 : i32 to index
        %swap3A_443 = arith.constant 48 : index
        %swap3A_444 = tpu.vector_load %arg11[%swap3A_442, %swap3A_443] {strides = array<i32>} : memref<96x128xf32, #tpu.memory_space<vmem>>, vector<16xf32>,
        tpu.vector_store %arg11[%swap3A_442, %swap3A_443], %mul3A_441 {strides = array<i32>} : memref<96x128xf32, #tpu.memory_space<vmem>>, vector<16xf32>,
        %get3A_445 = arith.index_cast %add3A_414 : i32 to index
        %get3A_446 = arith.constant 64 : index
        %get3A_447 = tpu.vector_load %arg11[%get3A_445, %get3A_446] {strides = array<i32>} : memref<96x128xf32, #tpu.memory_space<vmem>>, vector<16xf32>,
        %mul3A_448 = arith.mulf %get3A_447, %gather3A_416 : vector<16xf32>
        %swap3A_449 = arith.index_cast %add3A_414 : i32 to index
        %swap3A_450 = arith.constant 64 : index
        %swap3A_451 = tpu.vector_load %arg11[%swap3A_449, %swap3A_450] {strides = array<i32>} : memref<96x128xf32, #tpu.memory_space<vmem>>, vector<16xf32>,
        tpu.vector_store %arg11[%swap3A_449, %swap3A_450], %mul3A_448 {strides = array<i32>} : memref<96x128xf32, #tpu.memory_space<vmem>>, vector<16xf32>,
        %get3A_452 = arith.index_cast %add3A_414 : i32 to index
        %get3A_453 = arith.constant 80 : index
        %get3A_454 = tpu.vector_load %arg11[%get3A_452, %get3A_453] {strides = array<i32>} : memref<96x128xf32, #tpu.memory_space<vmem>>, vector<16xf32>,
        %mul3A_455 = arith.mulf %get3A_454, %gather3A_416 : vector<16xf32>
        %swap3A_456 = arith.index_cast %add3A_414 : i32 to index
        %swap3A_457 = arith.constant 80 : index
        %swap3A_458 = tpu.vector_load %arg11[%swap3A_456, %swap3A_457] {strides = array<i32>} : memref<96x128xf32, #tpu.memory_space<vmem>>, vector<16xf32>,
        tpu.vector_store %arg11[%swap3A_456, %swap3A_457], %mul3A_455 {strides = array<i32>} : memref<96x128xf32, #tpu.memory_space<vmem>>, vector<16xf32>,
        %get3A_459 = arith.index_cast %add3A_414 : i32 to index
        %get3A_460 = arith.constant 96 : index
        %get3A_461 = tpu.vector_load %arg11[%get3A_459, %get3A_460] {strides = array<i32>} : memref<96x128xf32, #tpu.memory_space<vmem>>, vector<16xf32>,
        %mul3A_462 = arith.mulf %get3A_461, %gather3A_416 : vector<16xf32>
        %swap3A_463 = arith.index_cast %add3A_414 : i32 to index
        %swap3A_464 = arith.constant 96 : index
        %swap3A_465 = tpu.vector_load %arg11[%swap3A_463, %swap3A_464] {strides = array<i32>} : memref<96x128xf32, #tpu.memory_space<vmem>>, vector<16xf32>,
        tpu.vector_store %arg11[%swap3A_463, %swap3A_464], %mul3A_462 {strides = array<i32>} : memref<96x128xf32, #tpu.memory_space<vmem>>, vector<16xf32>,
        %get3A_466 = arith.index_cast %add3A_414 : i32 to index
        %get3A_467 = arith.constant 112 : index
        %get3A_468 = tpu.vector_load %arg11[%get3A_466, %get3A_467] {strides = array<i32>} : memref<96x128xf32, #tpu.memory_space<vmem>>, vector<16xf32>,
        %mul3A_469 = arith.mulf %get3A_468, %gather3A_416 : vector<16xf32>
        %swap3A_470 = arith.index_cast %add3A_414 : i32 to index
        %swap3A_471 = arith.constant 112 : index
        %swap3A_472 = tpu.vector_load %arg11[%swap3A_470, %swap3A_471] {strides = array<i32>} : memref<96x128xf32, #tpu.memory_space<vmem>>, vector<16xf32>,
        tpu.vector_store %arg11[%swap3A_470, %swap3A_471], %mul3A_469 {strides = array<i32>} : memref<96x128xf32, #tpu.memory_space<vmem>>, vector<16xf32>,
        %mul3A_473 = arith.constant 8 : i32
        %mul3A_474 = arith.muli %mul3A_473, %scan3A_166 : i32
        %add3A_475 = arith.constant 5 : i32
        %add3A_476 = arith.addi %mul3A_474, %add3A_475 : i32
        %broadcast_in_dim3A_477 = vector.broadcast %add3A_476 : i32 to vector<16xi32>
        %gather3A_478 = tpu.vector_load_idx %arg17[%broadcast_in_dim3A_477] : memref<96xf32, #tpu.memory_space<vmem>>[vector<16xi32>], vector<16xf32>,
        %get3A_479 = arith.index_cast %add3A_476 : i32 to index
        %get3A_480 = arith.constant 0 : index
        %get3A_481 = tpu.vector_load %arg11[%get3A_479, %get3A_480] {strides = array<i32>} : memref<96x128xf32, #tpu.memory_space<vmem>>, vector<16xf32>,
        %mul3A_482 = arith.mulf %get3A_481, %gather3A_478 : vector<16xf32>
        %swap3A_483 = arith.index_cast %add3A_476 : i32 to index
        %swap3A_484 = arith.constant 0 : index
        %swap3A_485 = tpu.vector_load %arg11[%swap3A_483, %swap3A_484] {strides = array<i32>} : memref<96x128xf32, #tpu.memory_space<vmem>>, vector<16xf32>,
        tpu.vector_store %arg11[%swap3A_483, %swap3A_484], %mul3A_482 {strides = array<i32>} : memref<96x128xf32, #tpu.memory_space<vmem>>, vector<16xf32>,
        %get3A_486 = arith.index_cast %add3A_476 : i32 to index
        %get3A_487 = arith.constant 16 : index
        %get3A_488 = tpu.vector_load %arg11[%get3A_486, %get3A_487] {strides = array<i32>} : memref<96x128xf32, #tpu.memory_space<vmem>>, vector<16xf32>,
        %mul3A_489 = arith.mulf %get3A_488, %gather3A_478 : vector<16xf32>
        %swap3A_490 = arith.index_cast %add3A_476 : i32 to index
        %swap3A_491 = arith.constant 16 : index
        %swap3A_492 = tpu.vector_load %arg11[%swap3A_490, %swap3A_491] {strides = array<i32>} : memref<96x128xf32, #tpu.memory_space<vmem>>, vector<16xf32>,
        tpu.vector_store %arg11[%swap3A_490, %swap3A_491], %mul3A_489 {strides = array<i32>} : memref<96x128xf32, #tpu.memory_space<vmem>>, vector<16xf32>,
        %get3A_493 = arith.index_cast %add3A_476 : i32 to index
        %get3A_494 = arith.constant 32 : index
        %get3A_495 = tpu.vector_load %arg11[%get3A_493, %get3A_494] {strides = array<i32>} : memref<96x128xf32, #tpu.memory_space<vmem>>, vector<16xf32>,
        %mul3A_496 = arith.mulf %get3A_495, %gather3A_478 : vector<16xf32>
        %swap3A_497 = arith.index_cast %add3A_476 : i32 to index
        %swap3A_498 = arith.constant 32 : index
        %swap3A_499 = tpu.vector_load %arg11[%swap3A_497, %swap3A_498] {strides = array<i32>} : memref<96x128xf32, #tpu.memory_space<vmem>>, vector<16xf32>,
        tpu.vector_store %arg11[%swap3A_497, %swap3A_498], %mul3A_496 {strides = array<i32>} : memref<96x128xf32, #tpu.memory_space<vmem>>, vector<16xf32>,
        %get3A_500 = arith.index_cast %add3A_476 : i32 to index
        %get3A_501 = arith.constant 48 : index
        %get3A_502 = tpu.vector_load %arg11[%get3A_500, %get3A_501] {strides = array<i32>} : memref<96x128xf32, #tpu.memory_space<vmem>>, vector<16xf32>,
        %mul3A_503 = arith.mulf %get3A_502, %gather3A_478 : vector<16xf32>
        %swap3A_504 = arith.index_cast %add3A_476 : i32 to index
        %swap3A_505 = arith.constant 48 : index
        %swap3A_506 = tpu.vector_load %arg11[%swap3A_504, %swap3A_505] {strides = array<i32>} : memref<96x128xf32, #tpu.memory_space<vmem>>, vector<16xf32>,
        tpu.vector_store %arg11[%swap3A_504, %swap3A_505], %mul3A_503 {strides = array<i32>} : memref<96x128xf32, #tpu.memory_space<vmem>>, vector<16xf32>,
        %get3A_507 = arith.index_cast %add3A_476 : i32 to index
        %get3A_508 = arith.constant 64 : index
        %get3A_509 = tpu.vector_load %arg11[%get3A_507, %get3A_508] {strides = array<i32>} : memref<96x128xf32, #tpu.memory_space<vmem>>, vector<16xf32>,
        %mul3A_510 = arith.mulf %get3A_509, %gather3A_478 : vector<16xf32>
        %swap3A_511 = arith.index_cast %add3A_476 : i32 to index
        %swap3A_512 = arith.constant 64 : index
        %swap3A_513 = tpu.vector_load %arg11[%swap3A_511, %swap3A_512] {strides = array<i32>} : memref<96x128xf32, #tpu.memory_space<vmem>>, vector<16xf32>,
        tpu.vector_store %arg11[%swap3A_511, %swap3A_512], %mul3A_510 {strides = array<i32>} : memref<96x128xf32, #tpu.memory_space<vmem>>, vector<16xf32>,
        %get3A_514 = arith.index_cast %add3A_476 : i32 to index
        %get3A_515 = arith.constant 80 : index
        %get3A_516 = tpu.vector_load %arg11[%get3A_514, %get3A_515] {strides = array<i32>} : memref<96x128xf32, #tpu.memory_space<vmem>>, vector<16xf32>,
        %mul3A_517 = arith.mulf %get3A_516, %gather3A_478 : vector<16xf32>
        %swap3A_518 = arith.index_cast %add3A_476 : i32 to index
        %swap3A_519 = arith.constant 80 : index
        %swap3A_520 = tpu.vector_load %arg11[%swap3A_518, %swap3A_519] {strides = array<i32>} : memref<96x128xf32, #tpu.memory_space<vmem>>, vector<16xf32>,
        tpu.vector_store %arg11[%swap3A_518, %swap3A_519], %mul3A_517 {strides = array<i32>} : memref<96x128xf32, #tpu.memory_space<vmem>>, vector<16xf32>,
        %get3A_521 = arith.index_cast %add3A_476 : i32 to index
        %get3A_522 = arith.constant 96 : index
        %get3A_523 = tpu.vector_load %arg11[%get3A_521, %get3A_522] {strides = array<i32>} : memref<96x128xf32, #tpu.memory_space<vmem>>, vector<16xf32>,
        %mul3A_524 = arith.mulf %get3A_523, %gather3A_478 : vector<16xf32>
        %swap3A_525 = arith.index_cast %add3A_476 : i32 to index
        %swap3A_526 = arith.constant 96 : index
        %swap3A_527 = tpu.vector_load %arg11[%swap3A_525, %swap3A_526] {strides = array<i32>} : memref<96x128xf32, #tpu.memory_space<vmem>>, vector<16xf32>,
        tpu.vector_store %arg11[%swap3A_525, %swap3A_526], %mul3A_524 {strides = array<i32>} : memref<96x128xf32, #tpu.memory_space<vmem>>, vector<16xf32>,
        %get3A_528 = arith.index_cast %add3A_476 : i32 to index
        %get3A_529 = arith.constant 112 : index
        %get3A_530 = tpu.vector_load %arg11[%get3A_528, %get3A_529] {strides = array<i32>} : memref<96x128xf32, #tpu.memory_space<vmem>>, vector<16xf32>,
        %mul3A_531 = arith.mulf %get3A_530, %gather3A_478 : vector<16xf32>
        %swap3A_532 = arith.index_cast %add3A_476 : i32 to index
        %swap3A_533 = arith.constant 112 : index
        %swap3A_534 = tpu.vector_load %arg11[%swap3A_532, %swap3A_533] {strides = array<i32>} : memref<96x128xf32, #tpu.memory_space<vmem>>, vector<16xf32>,
        tpu.vector_store %arg11[%swap3A_532, %swap3A_533], %mul3A_531 {strides = array<i32>} : memref<96x128xf32, #tpu.memory_space<vmem>>, vector<16xf32>,
        %mul3A_535 = arith.constant 8 : i32
        %mul3A_536 = arith.muli %mul3A_535, %scan3A_166 : i32
        %add3A_537 = arith.constant 6 : i32
        %add3A_538 = arith.addi %mul3A_536, %add3A_537 : i32
        %broadcast_in_dim3A_539 = vector.broadcast %add3A_538 : i32 to vector<16xi32>
        %gather3A_540 = tpu.vector_load_idx %arg17[%broadcast_in_dim3A_539] : memref<96xf32, #tpu.memory_space<vmem>>[vector<16xi32>], vector<16xf32>,
        %get3A_541 = arith.index_cast %add3A_538 : i32 to index
        %get3A_542 = arith.constant 0 : index
        %get3A_543 = tpu.vector_load %arg11[%get3A_541, %get3A_542] {strides = array<i32>} : memref<96x128xf32, #tpu.memory_space<vmem>>, vector<16xf32>,
        %mul3A_544 = arith.mulf %get3A_543, %gather3A_540 : vector<16xf32>
        %swap3A_545 = arith.index_cast %add3A_538 : i32 to index
        %swap3A_546 = arith.constant 0 : index
        %swap3A_547 = tpu.vector_load %arg11[%swap3A_545, %swap3A_546] {strides = array<i32>} : memref<96x128xf32, #tpu.memory_space<vmem>>, vector<16xf32>,
        tpu.vector_store %arg11[%swap3A_545, %swap3A_546], %mul3A_544 {strides = array<i32>} : memref<96x128xf32, #tpu.memory_space<vmem>>, vector<16xf32>,
        %get3A_548 = arith.index_cast %add3A_538 : i32 to index
        %get3A_549 = arith.constant 16 : index
        %get3A_550 = tpu.vector_load %arg11[%get3A_548, %get3A_549] {strides = array<i32>} : memref<96x128xf32, #tpu.memory_space<vmem>>, vector<16xf32>,
        %mul3A_551 = arith.mulf %get3A_550, %gather3A_540 : vector<16xf32>
        %swap3A_552 = arith.index_cast %add3A_538 : i32 to index
        %swap3A_553 = arith.constant 16 : index
        %swap3A_554 = tpu.vector_load %arg11[%swap3A_552, %swap3A_553] {strides = array<i32>} : memref<96x128xf32, #tpu.memory_space<vmem>>, vector<16xf32>,
        tpu.vector_store %arg11[%swap3A_552, %swap3A_553], %mul3A_551 {strides = array<i32>} : memref<96x128xf32, #tpu.memory_space<vmem>>, vector<16xf32>,
        %get3A_555 = arith.index_cast %add3A_538 : i32 to index
        %get3A_556 = arith.constant 32 : index
        %get3A_557 = tpu.vector_load %arg11[%get3A_555, %get3A_556] {strides = array<i32>} : memref<96x128xf32, #tpu.memory_space<vmem>>, vector<16xf32>,
        %mul3A_558 = arith.mulf %get3A_557, %gather3A_540 : vector<16xf32>
        %swap3A_559 = arith.index_cast %add3A_538 : i32 to index
        %swap3A_560 = arith.constant 32 : index
        %swap3A_561 = tpu.vector_load %arg11[%swap3A_559, %swap3A_560] {strides = array<i32>} : memref<96x128xf32, #tpu.memory_space<vmem>>, vector<16xf32>,
        tpu.vector_store %arg11[%swap3A_559, %swap3A_560], %mul3A_558 {strides = array<i32>} : memref<96x128xf32, #tpu.memory_space<vmem>>, vector<16xf32>,
        %get3A_562 = arith.index_cast %add3A_538 : i32 to index
        %get3A_563 = arith.constant 48 : index
        %get3A_564 = tpu.vector_load %arg11[%get3A_562, %get3A_563] {strides = array<i32>} : memref<96x128xf32, #tpu.memory_space<vmem>>, vector<16xf32>,
        %mul3A_565 = arith.mulf %get3A_564, %gather3A_540 : vector<16xf32>
        %swap3A_566 = arith.index_cast %add3A_538 : i32 to index
        %swap3A_567 = arith.constant 48 : index
        %swap3A_568 = tpu.vector_load %arg11[%swap3A_566, %swap3A_567] {strides = array<i32>} : memref<96x128xf32, #tpu.memory_space<vmem>>, vector<16xf32>,
        tpu.vector_store %arg11[%swap3A_566, %swap3A_567], %mul3A_565 {strides = array<i32>} : memref<96x128xf32, #tpu.memory_space<vmem>>, vector<16xf32>,
        %get3A_569 = arith.index_cast %add3A_538 : i32 to index
        %get3A_570 = arith.constant 64 : index
        %get3A_571 = tpu.vector_load %arg11[%get3A_569, %get3A_570] {strides = array<i32>} : memref<96x128xf32, #tpu.memory_space<vmem>>, vector<16xf32>,
        %mul3A_572 = arith.mulf %get3A_571, %gather3A_540 : vector<16xf32>
        %swap3A_573 = arith.index_cast %add3A_538 : i32 to index
        %swap3A_574 = arith.constant 64 : index
        %swap3A_575 = tpu.vector_load %arg11[%swap3A_573, %swap3A_574] {strides = array<i32>} : memref<96x128xf32, #tpu.memory_space<vmem>>, vector<16xf32>,
        tpu.vector_store %arg11[%swap3A_573, %swap3A_574], %mul3A_572 {strides = array<i32>} : memref<96x128xf32, #tpu.memory_space<vmem>>, vector<16xf32>,
        %get3A_576 = arith.index_cast %add3A_538 : i32 to index
        %get3A_577 = arith.constant 80 : index
        %get3A_578 = tpu.vector_load %arg11[%get3A_576, %get3A_577] {strides = array<i32>} : memref<96x128xf32, #tpu.memory_space<vmem>>, vector<16xf32>,
        %mul3A_579 = arith.mulf %get3A_578, %gather3A_540 : vector<16xf32>
        %swap3A_580 = arith.index_cast %add3A_538 : i32 to index
        %swap3A_581 = arith.constant 80 : index
        %swap3A_582 = tpu.vector_load %arg11[%swap3A_580, %swap3A_581] {strides = array<i32>} : memref<96x128xf32, #tpu.memory_space<vmem>>, vector<16xf32>,
        tpu.vector_store %arg11[%swap3A_580, %swap3A_581], %mul3A_579 {strides = array<i32>} : memref<96x128xf32, #tpu.memory_space<vmem>>, vector<16xf32>,
        %get3A_583 = arith.index_cast %add3A_538 : i32 to index
        %get3A_584 = arith.constant 96 : index
        %get3A_585 = tpu.vector_load %arg11[%get3A_583, %get3A_584] {strides = array<i32>} : memref<96x128xf32, #tpu.memory_space<vmem>>, vector<16xf32>,
        %mul3A_586 = arith.mulf %get3A_585, %gather3A_540 : vector<16xf32>
        %swap3A_587 = arith.index_cast %add3A_538 : i32 to index
        %swap3A_588 = arith.constant 96 : index
        %swap3A_589 = tpu.vector_load %arg11[%swap3A_587, %swap3A_588] {strides = array<i32>} : memref<96x128xf32, #tpu.memory_space<vmem>>, vector<16xf32>,
        tpu.vector_store %arg11[%swap3A_587, %swap3A_588], %mul3A_586 {strides = array<i32>} : memref<96x128xf32, #tpu.memory_space<vmem>>, vector<16xf32>,
        %get3A_590 = arith.index_cast %add3A_538 : i32 to index
        %get3A_591 = arith.constant 112 : index
        %get3A_592 = tpu.vector_load %arg11[%get3A_590, %get3A_591] {strides = array<i32>} : memref<96x128xf32, #tpu.memory_space<vmem>>, vector<16xf32>,
        %mul3A_593 = arith.mulf %get3A_592, %gather3A_540 : vector<16xf32>
        %swap3A_594 = arith.index_cast %add3A_538 : i32 to index
        %swap3A_595 = arith.constant 112 : index
        %swap3A_596 = tpu.vector_load %arg11[%swap3A_594, %swap3A_595] {strides = array<i32>} : memref<96x128xf32, #tpu.memory_space<vmem>>, vector<16xf32>,
        tpu.vector_store %arg11[%swap3A_594, %swap3A_595], %mul3A_593 {strides = array<i32>} : memref<96x128xf32, #tpu.memory_space<vmem>>, vector<16xf32>,
        %mul3A_597 = arith.constant 8 : i32
        %mul3A_598 = arith.muli %mul3A_597, %scan3A_166 : i32
        %add3A_599 = arith.constant 7 : i32
        %add3A_600 = arith.addi %mul3A_598, %add3A_599 : i32
        %broadcast_in_dim3A_601 = vector.broadcast %add3A_600 : i32 to vector<16xi32>
        %gather3A_602 = tpu.vector_load_idx %arg17[%broadcast_in_dim3A_601] : memref<96xf32, #tpu.memory_space<vmem>>[vector<16xi32>], vector<16xf32>,
        %get3A_603 = arith.index_cast %add3A_600 : i32 to index
        %get3A_604 = arith.constant 0 : index
        %get3A_605 = tpu.vector_load %arg11[%get3A_603, %get3A_604] {strides = array<i32>} : memref<96x128xf32, #tpu.memory_space<vmem>>, vector<16xf32>,
        %mul3A_606 = arith.mulf %get3A_605, %gather3A_602 : vector<16xf32>
        %swap3A_607 = arith.index_cast %add3A_600 : i32 to index
        %swap3A_608 = arith.constant 0 : index
        %swap3A_609 = tpu.vector_load %arg11[%swap3A_607, %swap3A_608] {strides = array<i32>} : memref<96x128xf32, #tpu.memory_space<vmem>>, vector<16xf32>,
        tpu.vector_store %arg11[%swap3A_607, %swap3A_608], %mul3A_606 {strides = array<i32>} : memref<96x128xf32, #tpu.memory_space<vmem>>, vector<16xf32>,
        %get3A_610 = arith.index_cast %add3A_600 : i32 to index
        %get3A_611 = arith.constant 16 : index
        %get3A_612 = tpu.vector_load %arg11[%get3A_610, %get3A_611] {strides = array<i32>} : memref<96x128xf32, #tpu.memory_space<vmem>>, vector<16xf32>,
        %mul3A_613 = arith.mulf %get3A_612, %gather3A_602 : vector<16xf32>
        %swap3A_614 = arith.index_cast %add3A_600 : i32 to index
        %swap3A_615 = arith.constant 16 : index
        %swap3A_616 = tpu.vector_load %arg11[%swap3A_614, %swap3A_615] {strides = array<i32>} : memref<96x128xf32, #tpu.memory_space<vmem>>, vector<16xf32>,
        tpu.vector_store %arg11[%swap3A_614, %swap3A_615], %mul3A_613 {strides = array<i32>} : memref<96x128xf32, #tpu.memory_space<vmem>>, vector<16xf32>,
        %get3A_617 = arith.index_cast %add3A_600 : i32 to index
        %get3A_618 = arith.constant 32 : index
        %get3A_619 = tpu.vector_load %arg11[%get3A_617, %get3A_618] {strides = array<i32>} : memref<96x128xf32, #tpu.memory_space<vmem>>, vector<16xf32>,
        %mul3A_620 = arith.mulf %get3A_619, %gather3A_602 : vector<16xf32>
        %swap3A_621 = arith.index_cast %add3A_600 : i32 to index
        %swap3A_622 = arith.constant 32 : index
        %swap3A_623 = tpu.vector_load %arg11[%swap3A_621, %swap3A_622] {strides = array<i32>} : memref<96x128xf32, #tpu.memory_space<vmem>>, vector<16xf32>,
        tpu.vector_store %arg11[%swap3A_621, %swap3A_622], %mul3A_620 {strides = array<i32>} : memref<96x128xf32, #tpu.memory_space<vmem>>, vector<16xf32>,
        %get3A_624 = arith.index_cast %add3A_600 : i32 to index
        %get3A_625 = arith.constant 48 : index
        %get3A_626 = tpu.vector_load %arg11[%get3A_624, %get3A_625] {strides = array<i32>} : memref<96x128xf32, #tpu.memory_space<vmem>>, vector<16xf32>,
        %mul3A_627 = arith.mulf %get3A_626, %gather3A_602 : vector<16xf32>
        %swap3A_628 = arith.index_cast %add3A_600 : i32 to index
        %swap3A_629 = arith.constant 48 : index
        %swap3A_630 = tpu.vector_load %arg11[%swap3A_628, %swap3A_629] {strides = array<i32>} : memref<96x128xf32, #tpu.memory_space<vmem>>, vector<16xf32>,
        tpu.vector_store %arg11[%swap3A_628, %swap3A_629], %mul3A_627 {strides = array<i32>} : memref<96x128xf32, #tpu.memory_space<vmem>>, vector<16xf32>,
        %get3A_631 = arith.index_cast %add3A_600 : i32 to index
        %get3A_632 = arith.constant 64 : index
        %get3A_633 = tpu.vector_load %arg11[%get3A_631, %get3A_632] {strides = array<i32>} : memref<96x128xf32, #tpu.memory_space<vmem>>, vector<16xf32>,
        %mul3A_634 = arith.mulf %get3A_633, %gather3A_602 : vector<16xf32>
        %swap3A_635 = arith.index_cast %add3A_600 : i32 to index
        %swap3A_636 = arith.constant 64 : index
        %swap3A_637 = tpu.vector_load %arg11[%swap3A_635, %swap3A_636] {strides = array<i32>} : memref<96x128xf32, #tpu.memory_space<vmem>>, vector<16xf32>,
        tpu.vector_store %arg11[%swap3A_635, %swap3A_636], %mul3A_634 {strides = array<i32>} : memref<96x128xf32, #tpu.memory_space<vmem>>, vector<16xf32>,
        %get3A_638 = arith.index_cast %add3A_600 : i32 to index
        %get3A_639 = arith.constant 80 : index
        %get3A_640 = tpu.vector_load %arg11[%get3A_638, %get3A_639] {strides = array<i32>} : memref<96x128xf32, #tpu.memory_space<vmem>>, vector<16xf32>,
        %mul3A_641 = arith.mulf %get3A_640, %gather3A_602 : vector<16xf32>
        %swap3A_642 = arith.index_cast %add3A_600 : i32 to index
        %swap3A_643 = arith.constant 80 : index
        %swap3A_644 = tpu.vector_load %arg11[%swap3A_642, %swap3A_643] {strides = array<i32>} : memref<96x128xf32, #tpu.memory_space<vmem>>, vector<16xf32>,
        tpu.vector_store %arg11[%swap3A_642, %swap3A_643], %mul3A_641 {strides = array<i32>} : memref<96x128xf32, #tpu.memory_space<vmem>>, vector<16xf32>,
        %get3A_645 = arith.index_cast %add3A_600 : i32 to index
        %get3A_646 = arith.constant 96 : index
        %get3A_647 = tpu.vector_load %arg11[%get3A_645, %get3A_646] {strides = array<i32>} : memref<96x128xf32, #tpu.memory_space<vmem>>, vector<16xf32>,
        %mul3A_648 = arith.mulf %get3A_647, %gather3A_602 : vector<16xf32>
        %swap3A_649 = arith.index_cast %add3A_600 : i32 to index
        %swap3A_650 = arith.constant 96 : index
        %swap3A_651 = tpu.vector_load %arg11[%swap3A_649, %swap3A_650] {strides = array<i32>} : memref<96x128xf32, #tpu.memory_space<vmem>>, vector<16xf32>,
        tpu.vector_store %arg11[%swap3A_649, %swap3A_650], %mul3A_648 {strides = array<i32>} : memref<96x128xf32, #tpu.memory_space<vmem>>, vector<16xf32>,
        %get3A_652 = arith.index_cast %add3A_600 : i32 to index
        %get3A_653 = arith.constant 112 : index
        %get3A_654 = tpu.vector_load %arg11[%get3A_652, %get3A_653] {strides = array<i32>} : memref<96x128xf32, #tpu.memory_space<vmem>>, vector<16xf32>,
        %mul3A_655 = arith.mulf %get3A_654, %gather3A_602 : vector<16xf32>
        %swap3A_656 = arith.index_cast %add3A_600 : i32 to index
        %swap3A_657 = arith.constant 112 : index
        %swap3A_658 = tpu.vector_load %arg11[%swap3A_656, %swap3A_657] {strides = array<i32>} : memref<96x128xf32, #tpu.memory_space<vmem>>, vector<16xf32>,
        tpu.vector_store %arg11[%swap3A_656, %swap3A_657], %mul3A_655 {strides = array<i32>} : memref<96x128xf32, #tpu.memory_space<vmem>>, vector<16xf32>,
      }
      %scan3A_162 = arith.constant 12 : i32
      %dma_start3A_163 = arith.constant 0 : i32
      %dma_start3A_164 = arith.constant 0 : i32
      %dma_start3A_165 = tpu.memref_slice %arg18[%dma_start3A_163, %dma_start3A_164] : memref<10000x128xf32, #tpu.memory_space<vmem_shared>> -> memref<10000x128xf32, #tpu.memory_space<vmem_shared>>
      tpu.enqueue_indirect_dma source(%arg11 : memref<96x128xf32, #tpu.memory_space<vmem>>) target(%dma_start3A_165 : memref<10000x128xf32, #tpu.memory_space<vmem_shared>>) offsets(%arg14 : memref<96xi32, #tpu.memory_space<vmem>>) semaphore(%arg27 : memref<!tpu.dma_semaphore, #tpu.memory_space<semaphore_mem>>) {add = true}
    }
    %scan3A_39 = arith.constant 35 : i32
    %dma_wait3A = arith.constant 0 : i32
    %dma_wait3A_40 = arith.constant 0 : i32
    %dma_wait3A_41 = tpu.memref_slice %arg18[%dma_wait3A, %dma_wait3A_40] : memref<10000x128xf32, #tpu.memory_space<vmem_shared>> -> memref<10000x128xf32, #tpu.memory_space<vmem_shared>>
    tpu.wait_indirect_dma semaphore(%arg26 : memref<!tpu.dma_semaphore, #tpu.memory_space<semaphore_mem>>) src(%arg10 : memref<96x128xf32, #tpu.memory_space<vmem>>) dst(%dma_wait3A_41 : memref<10000x128xf32, #tpu.memory_space<vmem_shared>>)
    %dma_wait3A_42 = arith.constant 0 : i32
    %dma_wait3A_43 = arith.constant 0 : i32
    %dma_wait3A_44 = tpu.memref_slice %arg18[%dma_wait3A_42, %dma_wait3A_43] : memref<10000x128xf32, #tpu.memory_space<vmem_shared>> -> memref<10000x128xf32, #tpu.memory_space<vmem_shared>>
    tpu.wait_indirect_dma semaphore(%arg27 : memref<!tpu.dma_semaphore, #tpu.memory_space<semaphore_mem>>) src(%arg11 : memref<96x128xf32, #tpu.memory_space<vmem>>) dst(%dma_wait3A_44 : memref<10000x128xf32, #tpu.memory_space<vmem_shared>>)
    %barrier3A_45 = arith.constant 0 : index
    tpu.barrier barrier_id(%barrier3A_45)
    "tpu.region"() ({
      %run_scoped3A_46 = tpu.sem_alloc : memref<!tpu.dma_semaphore, #tpu.memory_space<semaphore_mem>>
      %dma_start3A_47 = arith.constant 0 : i32
      %dma_start3A_48 = arith.constant 0 : i32
      %dma_start3A_49 = tpu.memref_slice %arg7[%arg0, %arg1, %dma_start3A_47, %dma_start3A_48] : memref<2x16x625x128xf32, #tpu.memory_space<hbm>> -> memref<1x1x625x128xf32, #tpu.memory_space<hbm>>
      %dma_start3A_50 = tpu.memref_squeeze %dma_start3A_49 : memref<1x1x625x128xf32, #tpu.memory_space<hbm>> -> memref<625x128xf32, #tpu.memory_space<hbm>>
      %dma_start3A_51 = arith.constant 0 : i32
      %dma_start3A_52 = tpu.memref_slice %arg18[%mul3A_2, %dma_start3A_51] : memref<10000x128xf32, #tpu.memory_space<vmem_shared>> -> memref<625x128xf32, #tpu.memory_space<vmem_shared>>
      tpu.enqueue_dma source(%dma_start3A_52 : memref<625x128xf32, #tpu.memory_space<vmem_shared>>) target(%dma_start3A_50 : memref<625x128xf32, #tpu.memory_space<hbm>>) target_semaphore(%run_scoped3A_46 : memref<!tpu.dma_semaphore, #tpu.memory_space<semaphore_mem>>)
      %dma_wait3A_53 = arith.constant 0 : i32
      %dma_wait3A_54 = arith.constant 0 : i32
      %dma_wait3A_55 = tpu.memref_slice %arg7[%arg0, %arg1, %dma_wait3A_53, %dma_wait3A_54] : memref<2x16x625x128xf32, #tpu.memory_space<hbm>> -> memref<1x1x625x128xf32, #tpu.memory_space<hbm>>
      %dma_wait3A_56 = tpu.memref_squeeze %dma_wait3A_55 : memref<1x1x625x128xf32, #tpu.memory_space<hbm>> -> memref<625x128xf32, #tpu.memory_space<hbm>>
      %dma_wait3A_57 = arith.constant 0 : i32
      %dma_wait3A_58 = tpu.memref_slice %arg18[%mul3A_2, %dma_wait3A_57] : memref<10000x128xf32, #tpu.memory_space<vmem_shared>> -> memref<625x128xf32, #tpu.memory_space<vmem_shared>>
      tpu.wait_dma2 semaphore(%run_scoped3A_46 : memref<!tpu.dma_semaphore, #tpu.memory_space<semaphore_mem>>) src(%dma_wait3A_58 : memref<625x128xf32, #tpu.memory_space<vmem_shared>>) dst(%dma_wait3A_56 : memref<625x128xf32, #tpu.memory_space<hbm>>)
      tpu.yield
    }) : () -> ()
    return
  }
}

module attributes {stable_mosaic.version = 14 : i64} {
  func.func @_tc1_body(%arg0: memref<10000x128xf32, #tpu.memory_space<vmem>>, %arg1: memref<128x128xf32, #tpu.memory_space<vmem>>, %arg2: memref<1x256xf32, #tpu.memory_space<vmem>>, %arg3: memref<10000x128xf32, #tpu.memory_space<vmem>>, %arg4: memref<10000xf32, #tpu.memory_space<vmem>>, %arg5: memref<10000xf32, #tpu.memory_space<vmem>>) attributes {dimension_semantics = [], scalar_prefetch = 0 : i64, scratch_operands = 0 : i64, tpu.core_type = #tpu.core_type<tc>} {
    %get3A = arith.constant 0 : index
    %get3A_0 = arith.constant 0 : index
    %get3A_1 = vector.load %arg0[%get3A, %get3A_0] : memref<10000x128xf32, #tpu.memory_space<vmem>>, vector<10000x128xf32>
    %get3A_2 = arith.constant 0 : index
    %get3A_3 = arith.constant 0 : index
    %get3A_4 = vector.load %arg1[%get3A_2, %get3A_3] : memref<128x128xf32, #tpu.memory_space<vmem>>, vector<128x128xf32>
    %dot_general3A = arith.constant dense<0.000000e+00> : vector<10000x128xf32>
    %dot_general3A_5 = tpu.matmul %get3A_1, %get3A_4, %dot_general3A {dimension_numbers = #tpu.dot_dimension_numbers<[1], [0], [0], [1], [0, 0, 1, 1], [], []>, transpose_lhs_hint = false} : vector<10000x128xf32>, vector<128x128xf32>, vector<10000x128xf32> -> vector<10000x128xf32>
    %swap3A = arith.constant 0 : index
    %swap3A_6 = arith.constant 0 : index
    %swap3A_7 = vector.load %arg3[%swap3A, %swap3A_6] : memref<10000x128xf32, #tpu.memory_space<vmem>>, vector<10000x128xf32>
    tpu.vector_store %arg3[%swap3A, %swap3A_6], %dot_general3A_5 {strides = array<i32>} : memref<10000x128xf32, #tpu.memory_space<vmem>>, vector<10000x128xf32>,
    %get3A_8 = arith.constant 0 : index
    %get3A_9 = arith.constant 0 : index
    %get3A_10 = vector.load %arg2[%get3A_8, %get3A_9] : memref<1x256xf32, #tpu.memory_space<vmem>>, vector<1x128xf32>
    %get3A_11 = vector.shape_cast %get3A_10 : vector<1x128xf32> to vector<128xf32>
    %get3A_12 = arith.constant 0 : index
    %get3A_13 = arith.constant 128 : index
    %get3A_14 = vector.load %arg2[%get3A_12, %get3A_13] : memref<1x256xf32, #tpu.memory_space<vmem>>, vector<1x128xf32>
    %get3A_15 = vector.shape_cast %get3A_14 : vector<1x128xf32> to vector<128xf32>
    %broadcast_in_dim3A = vector.shape_cast %get3A_11 : vector<128xf32> to vector<1x128xf32>
    %mul3A = vector.broadcast %broadcast_in_dim3A : vector<1x128xf32> to vector<10000x128xf32>
    %mul3A_16 = arith.mulf %dot_general3A_5, %mul3A : vector<10000x128xf32>
    %reduce_sum3A = arith.constant dense<0.000000e+00> : vector<10000xf32>
    %reduce_sum3A_17 = vector.multi_reduction <add>, %mul3A_16, %reduce_sum3A [1] : vector<10000x128xf32> to vector<10000xf32>
    %swap3A_18 = arith.constant 0 : index
    %swap3A_19 = vector.load %arg4[%swap3A_18] : memref<10000xf32, #tpu.memory_space<vmem>>, vector<10000xf32>
    tpu.vector_store %arg4[%swap3A_18], %reduce_sum3A_17 {strides = array<i32>} : memref<10000xf32, #tpu.memory_space<vmem>>, vector<10000xf32>,
    %broadcast_in_dim3A_20 = vector.shape_cast %get3A_15 : vector<128xf32> to vector<1x128xf32>
    %mul3A_21 = vector.broadcast %broadcast_in_dim3A_20 : vector<1x128xf32> to vector<10000x128xf32>
    %mul3A_22 = arith.mulf %dot_general3A_5, %mul3A_21 : vector<10000x128xf32>
    %reduce_sum3A_23 = arith.constant dense<0.000000e+00> : vector<10000xf32>
    %reduce_sum3A_24 = vector.multi_reduction <add>, %mul3A_22, %reduce_sum3A_23 [1] : vector<10000x128xf32> to vector<10000xf32>
    %swap3A_25 = arith.constant 0 : index
    %swap3A_26 = vector.load %arg5[%swap3A_25] : memref<10000xf32, #tpu.memory_space<vmem>>, vector<10000xf32>
    tpu.vector_store %arg5[%swap3A_25], %reduce_sum3A_24 {strides = array<i32>} : memref<10000xf32, #tpu.memory_space<vmem>>, vector<10000xf32>,
    return
  }
}

module attributes {stable_mosaic.version = 14 : i64} {
  func.func @_tc2_body(%arg0: memref<2x10000x128xf32, #tpu.memory_space<vmem>>, %arg1: memref<32x10000xf32, #tpu.memory_space<vmem>>, %arg2: memref<10000x128xf32, #tpu.memory_space<vmem>>) attributes {dimension_semantics = [], scalar_prefetch = 0 : i64, scratch_operands = 0 : i64, tpu.core_type = #tpu.core_type<tc>} {
    %get3A = arith.constant 0 : index
    %get3A_0 = arith.constant 0 : index
    %get3A_1 = vector.load %arg1[%get3A, %get3A_0] : memref<32x10000xf32, #tpu.memory_space<vmem>>, vector<32x10000xf32>
    %reduce_sum3A = arith.constant dense<0.000000e+00> : vector<10000xf32>
    %reduce_sum3A_2 = vector.multi_reduction <add>, %get3A_1, %reduce_sum3A [0] : vector<32x10000xf32> to vector<10000xf32>
    %get3A_3 = arith.constant 0 : index
    %get3A_4 = arith.constant 0 : index
    %get3A_5 = arith.constant 0 : index
    %get3A_6 = vector.load %arg0[%get3A_3, %get3A_4, %get3A_5] : memref<2x10000x128xf32, #tpu.memory_space<vmem>>, vector<1x10000x128xf32>
    %get3A_7 = vector.shape_cast %get3A_6 : vector<1x10000x128xf32> to vector<10000x128xf32>
    %get3A_8 = arith.constant 1 : index
    %get3A_9 = arith.constant 0 : index
    %get3A_10 = arith.constant 0 : index
    %get3A_11 = vector.load %arg0[%get3A_8, %get3A_9, %get3A_10] : memref<2x10000x128xf32, #tpu.memory_space<vmem>>, vector<1x10000x128xf32>
    %get3A_12 = vector.shape_cast %get3A_11 : vector<1x10000x128xf32> to vector<10000x128xf32>
    %add3A = arith.addf %get3A_7, %get3A_12 : vector<10000x128xf32>
    %max3A = arith.constant 9.99999971E-10 : f32
    %max3A_13 = vector.broadcast %max3A : f32 to vector<10000xf32>
    %max3A_14 = arith.maximumf %reduce_sum3A_2, %max3A_13 : vector<10000xf32>
    %div3A = arith.constant 1.000000e+00 : f32
    %div3A_15 = vector.broadcast %div3A : f32 to vector<10000xf32>
    %div3A_16 = arith.divf %div3A_15, %max3A_14 : vector<10000xf32>
    %broadcast_in_dim3A = vector.shape_cast %div3A_16 : vector<10000xf32> to vector<10000x1xf32>
    %mul3A = vector.broadcast %broadcast_in_dim3A : vector<10000x1xf32> to vector<10000x128xf32>
    %mul3A_17 = arith.mulf %add3A, %mul3A : vector<10000x128xf32>
    %swap3A = arith.constant 0 : index
    %swap3A_18 = arith.constant 0 : index
    %swap3A_19 = vector.load %arg2[%swap3A, %swap3A_18] : memref<10000x128xf32, #tpu.memory_space<vmem>>, vector<10000x128xf32>
    tpu.vector_store %arg2[%swap3A, %swap3A_18], %mul3A_17 {strides = array<i32>} : memref<10000x128xf32, #tpu.memory_space<vmem>>, vector<10000x128xf32>,
    return
  }
}

</mosaic_0001>

<sc_bundles>
// kernel: kernel.6.cloned.1.call-start
scs
__scs_entry_jumppad:
0x0: {  	(pc) =	sbr.rel $0x88, $3  }
0x1: {  	(tag) =	ssettag $0x0;
	lr =	simm.s32 $0x1  }
0x2: {  	[smem:$0x3F9D] =	sst lr;
	_ =	strace $0xD0000000  }
0x3: {  	_ = 	snop  }
0x4: {  	_ = 	snop  }
0x5: {  	_ = 	snop  }
0x6: {  	_ = 	snop  }
0x7: {  	_ = 	snop  }
__scs_overlays_trampoline_lowered:
0x8: {  	[smem:$0x3FAC] =	sst s0  }
0x9: {  	[smem:$0x3FAD] =	sst s1  }
0xa: {  	[smem:$0x3FAE] =	sst s2  }
0xb: {  	[smem:$0x3FAF] =	sst s3  }
0xc: {  	[smem:$0x3FB0] =	sst s4  }
0xd: {  	[smem:$0x3FB1] =	sst s5  }
0xe: {  	[smem:$0x3FB2] =	sst s6  }
0xf: {  	[smem:$0x3FB3] =	sst s7  }
0x10: {  	[smem:$0x3FB4] =	sst s8  }
0x11: {  	[smem:$0x3FB5] =	sst s9;
	s0 =	simm.s32 @!p0 $0x0  }
0x12: {  	s1 =	sld [smem:$0x3F9B];
	s0 =	simm.s32 @p0 $0x1  }
0x13: {  	[smem:$0x3FB6] =	sst s0;
	s0 =	simm.s32 @!p1 $0x0  }
0x14: {  	s2 =	sld [smem:$0x3F9A];
	s0 =	simm.s32 @p1 $0x1  }
0x15: {  	[smem:$0x3FB7] =	sst s0;
	s0 =	simm.s32 @!p2 $0x0  }
0x16: {  	s3 =	sld [smem:$0x3FDB];
	s0 =	simm.s32 @p2 $0x1  }
0x17: {  	s4 =	simm.s32 $0x1BF5;
	[smem:$0x3FB9] =	sst s0  }
0x18: {  	s0 =	sld [smem:$0x3F9C];
	_ =	swait.ge [sflag:s4], $0x0  }
0x19: {  	s7 =	sld [smem:$0x3F9D]  }
0x1a: {  	s8 =	sadd.s32 $0xFFFFE003, lr  }
0x1b: {  	s9 =	sadd.s32 $0xFFFFFEF7, lr;
	s5 =	simm.s32 $0xFFFFFFFF;
	p2 =	slt.u32 s8, $0xFFFFF086  }
0x1c: {  	p1 =	slt.u32 s9, $0xF7A;
	s5 =	simm.s32 @!p2 $0x0  }
0x1d: {  	s5 =	simm.s32 @p1 $0x1;
	p0 =	seq.s32 s7, s2  }
0x1e: {  	s7 =	smul.u32 @!p0 $0xF7A, s2;
	p2 =	seq.s32 @!p0 s5, $0x0  }
0x1f: {  	s9 =	smul.u32 $0xF7A, s1;
	s8 =	simm.s32 @!p0 $0x1BF5;
	p2 =	por !p2, p0  }
0x20: {  	[sflag:s8] =	ssyncset.s32 @!p0 $0xFFFFF086;
	s6 =	sadd.s32 @!p0 s3, s7;
	s7 =	simm.s32 @!p0 $0x108  }
0x21: {  	s3 =	sadd.s32 s3, s9;
	s6 =	sadd.s32 @!p0 $0x88, s6;
	s7 =	simm.s32 @p2 $0x1082  }
0x22: {  	[simem:s7], [sflag:s8] =	dma.local @!p0 [hbm:s6], $0xF7A  }
0x23: {  	s9 =	sor.u32 $0xD0000000, s2;
	s6 =	simm.s32 $0x108;
	_ =	swait.ge @!p0 [sflag:s8], $0x0  }
0x24: {  	s3 =	sadd.s32 $0x88, s3;
	s6 =	simm.s32 @!p1 $0x1082;
	[sflag:s4] =	ssyncset.s32 $0xFFFFF086  }
0x25: {  	[simem:s6], [sflag:s4] =	dma.local [hbm:s3], $0xF7A  }
0x26: {  	[smem:$0x3F9D] =	sst s1;
	(tag) =	ssettag s2;
	_ =	strace s9  }
0x27: {  	s1 =	sld [smem:$0x3FAD]  }
0x28: {  	s2 =	sld [smem:$0x3FAE]  }
0x29: {  	s4 =	sld [smem:$0x3FB0]  }
0x2a: {  	p0 =	seq.s32 s5, $0x0;
	s5 =	sld [smem:$0x3FB1]  }
0x2b: {  	s6 =	sld [smem:$0x3FB2]  }
0x2c: {  	s7 =	sld [smem:$0x3FB3]  }
0x2d: {  	s3 =	simm.s32 $0x108;
	s8 =	sld [smem:$0x3FB4]  }
0x2e: {  	s3 =	simm.s32 @!p0 $0x1082;
	s9 =	sld [smem:$0x3FB5]  }
0x2f: {  	lr =	sadd.s32 s0, s3;
	s0 =	sld [smem:$0x3FAC]  }
0x30: {  	s3 =	sld [smem:$0x3FAF]  }
0x31: {  	[smem:$0x3FB8] =	sst s10  }
0x32: {  	s10 =	sld [smem:$0x3FB6];
	_ =	sdelay $0x3  }
0x33: {  	p0 =	seq.s32 s10, $0x1;
	s10 =	sld [smem:$0x3FB8];
	_ =	sdelay $0x3  }
0x34: {  	[smem:$0x3FB8] =	sst s10  }
0x35: {  	s10 =	sld [smem:$0x3FB7];
	_ =	sdelay $0x3  }
0x36: {  	p1 =	seq.s32 s10, $0x1;
	s10 =	sld [smem:$0x3FB8];
	_ =	sdelay $0x3  }
0x37: {  	[smem:$0x3FB8] =	sst s10  }
0x38: {  	s10 =	sld [smem:$0x3FB9]  }
0x39: {  	_ = 	snop;
	(pc) =	sbr.ind lr, $3  }
0x3a: {  	_ = 	snop  }
0x3b: {  	_ = 	snop  }
0x3c: {  	p2 =	seq.s32 s10, $0x1;
	s10 =	sld [smem:$0x3FB8]  }
0x3d: {  	_ =	shalt  }
0x3e: {  	_ =	shalt  }
0x3f: {  	_ =	shalt  }
0x40: {  	_ =	shalt  }
0x41: {  	_ =	shalt  }
0x42: {  	_ =	shalt  }
0x43: {  	_ =	shalt  }
0x44: {  	_ =	shalt  }
0x45: {  	_ =	shalt  }
0x46: {  	_ =	shalt  }
0x47: {  	_ =	shalt  }
0x48: {  	_ =	shalt  }
0x49: {  	_ =	shalt  }
0x4a: {  	_ =	shalt  }
0x4b: {  	_ =	shalt  }
0x4c: {  	_ =	shalt  }
0x4d: {  	_ =	shalt  }
0x4e: {  	_ =	shalt  }
0x4f: {  	_ =	shalt  }
0x50: {  	_ =	shalt  }
0x51: {  	_ =	shalt  }
0x52: {  	_ =	shalt  }
0x53: {  	_ =	shalt  }
0x54: {  	_ =	shalt  }
0x55: {  	_ =	shalt  }
0x56: {  	_ =	shalt  }
0x57: {  	_ =	shalt  }
0x58: {  	_ =	shalt  }
0x59: {  	_ =	shalt  }
0x5a: {  	_ =	shalt  }
0x5b: {  	_ =	shalt  }
0x5c: {  	_ =	shalt  }
0x5d: {  	_ =	shalt  }
0x5e: {  	_ =	shalt  }
0x5f: {  	_ =	shalt  }
0x60: {  	_ =	shalt  }
0x61: {  	_ =	shalt  }
0x62: {  	_ =	shalt  }
0x63: {  	_ =	shalt  }
0x64: {  	_ =	shalt  }
0x65: {  	_ =	shalt  }
0x66: {  	_ =	shalt  }
0x67: {  	_ =	shalt  }
0x68: {  	_ =	shalt  }
0x69: {  	_ =	shalt  }
0x6a: {  	_ =	shalt  }
0x6b: {  	_ =	shalt  }
0x6c: {  	_ =	shalt  }
0x6d: {  	_ =	shalt  }
0x6e: {  	_ =	shalt  }
0x6f: {  	_ =	shalt  }
0x70: {  	_ =	shalt  }
0x71: {  	_ =	shalt  }
0x72: {  	_ =	shalt  }
0x73: {  	_ =	shalt  }
0x74: {  	_ =	shalt  }
0x75: {  	_ =	shalt  }
0x76: {  	_ =	shalt  }
0x77: {  	_ =	shalt  }
0x78: {  	_ =	shalt  }
0x79: {  	_ =	shalt  }
0x7a: {  	_ =	shalt  }
0x7b: {  	_ =	shalt  }
0x7c: {  	_ =	shalt  }
0x7d: {  	_ =	shalt  }
0x7e: {  	_ =	shalt  }
0x7f: {  	_ =	shalt  }
0x80: {  	_ =	shalt  }
0x81: {  	_ =	shalt  }
0x82: {  	_ =	shalt  }
0x83: {  	_ =	shalt  }
0x84: {  	_ =	shalt  }
0x85: {  	_ =	shalt  }
0x86: {  	_ =	shalt  }
0x87: {  	_ =	shalt  }
.Lfunc_end0:
.L_simem_size_0:
called_computation_lowered:
.L_overlay_start_0:
0x88: {  	s2 =	sld [smem:$0x3FD9]  }
0x89: {  	s3 =	sld [smem:$0x3FFE];
	_ =	sdelay $0x1  }
0x8a: {  	s1 =	srdreg.scid  }
0x8b: {  	s0 =	sand.u32 $0x1, s1  }
0x8c: {  	s16 =	sshll.u32 s0, $0xA;
	s2 =	sadd.s32 s3, s2  }
0x8d: {  	s2 =	sadd.s32 s2, s16  }
0x8e: {  	[smem:$0x3FC4] =	sst s2  }
0x8f: {  	_ = 	snop  }
0x90: {  	(tm) =	ssettm $0x1  }
0x91: {  	s17 =	sld [smem:$0x3FFB];
	_ =	sdelay $0x3  }
0x92: {  	_ =	strace s17  }
0x93: {  	s2 =	sld [smem:$0x3FFC];
	_ =	sdelay $0x3  }
0x94: {  	_ =	strace s2  }
0x95: {  	s2 =	sld [smem:$0x3FFD];
	_ =	sdelay $0x3  }
0x96: {  	_ =	strace s2  }
0x97: {  	_ =	strace $0x8FFFFFFF  }
0x98: {  	s18 =	sld [smem:$0x3FDB];
	_ =	sdelay $0x1  }
0x99: {  	s19 =	simm.s32 $_scs_section_size  }
0x9a: {  	s4 =	simm.s32 $_size__tile_overlayer_lowered;
	s5 =	simm.s32 $_tile_overlayer_lowered  }
0x9b: {  	s22 =	simm.s32 $0x1BFF;
	s21 =	sshll.u32 s5, $0x1;
	s2 =	sadd.s32 s19, s18  }
0x9c: {  	s6 =	simm.s32 $0x0;
	s20 =	sshll.u32 s4, $0x1;
	s4 =	sadd.s32 s21, s2  }
0x9d: {  	[timem:s6], [sflag:s22] =	dma.local [hbm:s4], s20  }
0x9e: {  	_ =	swait.ge [sflag:s22], s20  }
0x9f: {  	s3 =	ssub.s32 $0x0, s20;
	[sflag:s22] =	ssyncset.done $0x0  }
0xa0: {  	[sflag:s22] =	ssyncadd.s32 s3;
	_ =	sdelay $0x1  }
0xa1: {  	s23 =	simm.s32 $0x1B8B  }
0xa2: {  	_ =	swait.ge [sflag:s23], $0x1  }
0xa3: {  	[sflag:s23] =	ssyncset.done $0x0  }
0xa4: {  	s25 =	simm.s32 $0x1B8E;
	s24 =	sld [smem:$0x3FFE];
	[sflag:s23] =	ssyncadd.s32 $0xFFFFFFFF  }
0xa5: {  	s26 =	simm.s32 $execute0_lowered;
	[smem:$0x3FD2] =	sst s25  }
0xa6: {  	s4 =	sshll.u32 s26, $0x1;
	_ =	strace $0x80000046;
	[dreg:$0x1] =	wrdreg $0xFFFFFFFF  }
0xa7: {  	s28 =	simm.s32 $_size_execute0_lowered;
	s2 =	sadd.s32 s2, s4;
	[dreg:$0x0] =	wrdreg $0x0  }
0xa8: {  	s4 =	sshll.u32 s28, $0x1;
	[dreg:$0x2] =	wrdreg s2  }
0xa9: {  	[dreg:$0x3] =	wrdreg s4  }
0xaa: {  	[dreg:$0x4] =	wrdreg $0xC0  }
0xab: {  	_ =	task [dreg:s6], $0x5FFFF  }
0xac: {  	[dreg:$0x1] =	wrdreg $0xFFFFFFFF  }
0xad: {  	[dreg:$0x0] =	wrdreg $0x60  }
0xae: {  	[dreg:$0x2] =	wrdreg s24  }
0xaf: {  	[dreg:$0x3] =	wrdreg $0x9  }
0xb0: {  	_ =	task.clear_ibuf [dreg:s6], $0x4FFFF;
	_ =	strace $0x90000046  }
0xb1: {  	s29 =	simm.s32 $0x9;
	_ =	strace $0x80000048  }
0xb2: {  	_ =	swait.ge [sflag:s29], $0x1  }
0xb3: {  	[sflag:s29] =	ssyncadd.s32 $0xFFFFFFFF  }
0xb4: {  	_ =	strace $0x90000048  }
0xb5: {  	_ =	sfence  }
0xb6: {  	s30 =	sld [smem:$0x0];
	_ =	sdelay $0x2  }
0xb7: {  	s31 =	sshll.u32 s1, $0xD;
	s1 =	sshrl.u32 s1, $0x2  }
0xb8: {  	s3 =	sand.u32 $0x4000, s31;
	s1 =	sadd.s32 s1, s30  }
0xb9: {  	s0 =	sor.u32 s3, s0;
	s1 =	sshll.u32 s1, $0x11  }
0xba: {  	s0 =	sor.u32 s1, s0  }
0xbb: {  	s0 =	sadd.s32 $0x8F2B, s0  }
0xbc: {  	[sflag:s0] =	ssyncadd.remote.s32 $0x1  }
0xbd: {  	_ =	sfence.sel $0xFFFF  }
0xbe: {  	[dreg:$0x0] =	wrdreg $0xFFFFFFFF;
	(pc) =	sbr.abs _section_cstart, $3  }
0xbf: {  	[dreg:$0x1] =	wrdreg $0xFFFFFFFF  }
0xc0: {  	_ =	task.clear_ibuf [dreg:s6], $0x2FFFF;
	_ =	strace $0x9FFFFFFF  }
0xc1: {  	(tm) =	ssettm $0x7FFFFFFF  }
tec
execute0_lowered:
.L_overlay_start_1:
0x0: {  	(tag) =	ssettag $0x1  }
0x1: {  	s6 =	rddreg [dreg:$0x0]  }
0x2: {  	s0 =	rddreg [dreg:$0x1]  }
0x3: {  	s2 =	simm.s32 $0x0;
	s3 =	srdreg.scid;
	s1 =	stileid.u32;
	v0 =	vimm.s32 $0xFEDCBA98;
	v1 =	vimm.s32 $0x76543210  }
0x4: {  	v2 =	vimm.s32 $0xBA98FEDC;
	s15 =	simm.s32 $0x400;
	s16 =	simm.s32 $0x4F00;
	s17 =	simm.s32 $0x7680  }
0x5: {  	v3 =	vimm.s32 $0x32107654;
	s18 =	simm.s32 $0xC580;
	s19 =	simm.s32 $0xED00;
	s20 =	simm.s32 $0x9E00  }
0x6: {  	v4 =	vimm.s32 $0xDCFE98BA;
	v5 =	vimm.s32 $0x54761032;
	s21 =	simm.s32 $0x0;
	[smem:$0x7FF] =	sst s2;
	s7 =	sand.u32 $0x1, s3  }
0x7: {  	v6 =	vimm.s32 $0xEFCDAB89;
	v7 =	vimm.s32 $0x67452301;
	s4 =	sshrl.u32 s1, $0x2;
	s5 =	sshll.u32 s1, $0x8;
	s3 =	sadd.s32 $0x15800, s6  }
0x8: {  	v0 =	vunpack.c.l.s4.s8 v0;
	s30 =	sadd.s32 $0x1C00, s6;
	v1 =	vunpack.c.l.s4.s8 v1;
	v2 =	vunpack.c.l.s4.s8 v2;
	s13 =	smul.u32 $0x4EC0, s1;
	s8 =	sshll.u32 s7, $0x7  }
0x9: {  	v3 =	vunpack.c.l.s4.s8 v3;
	v4 =	vunpack.c.l.s4.s8 v4;
	v5 =	vunpack.c.l.s4.s8 v5;
	_ =	strace $0x80000047;
	s9 =	smul.u32 $0x13C00, s4;
	s5 =	sor.u32 s8, s5  }
0xa: {  	v6 =	vunpack.c.l.s4.s8 v6;
	v7 =	vunpack.c.l.s4.s8 v7;
	s4 =	sadd.s32 $0x15E00, s6;
	s11 =	ssub.s32 $0x2, s7;
	v0 =	vunpack.c.0.s8.s32 v0;
	s5 =	sand.u32 $0x380, s5  }
0xb: {  	s14 =	smul.u32 $0x2760, s7;
	s31 =	sshrl.u32 s11, $0x1;
	v2 =	vunpack.c.0.s8.s32 v2;
	v3 =	vunpack.c.0.s8.s32 v3;
	v4 =	vunpack.c.0.s8.s32 v4;
	s9 =	sor.u32 s9, s5  }
0xc: {  	v5 =	vunpack.c.0.s8.s32 v5;
	v6 =	vunpack.c.0.s8.s32 v6;
	v7 =	vunpack.c.0.s8.s32 v7;
	s11 =	ssub.s32 s11, s31;
	s5 =	sadd.s32 $0x16400, s6;
	s10 =	sshrl.u32 s9, $0x3  }
0xd: {  	v1 =	vunpack.c.0.s8.s32 v1;
	v2 =	vcombine.low v3, v2;
	s9 =	sadd.s32 $0x4F000, s9;
	s12 =	sadd.s32 s10, s6;
	s6 =	sadd.s32 s30, s10  }
0xe: {  	v3 =	vcombine.low v5, v4;
	v4 =	vcombine.low v7, v6;
	v0 =	vand.u32 $0xF, v0;
	s9 =	sshrl.u32 s9, $0x3;
	s10 =	smax.u32 s11, $0x1;
	s11 =	sadd.s32 s14, s13  }
0xf: {  	v0 =	vcombine.low v0, v1;
	s13 =	simm.s32 $0x2780;
	s14 =	simm.s32 $0x80;
	s7 =	sadd.s32 s30, s9  }
0x10: {  	v1 =	vand.u32 $0xF, v2;
	v2 =	vand.u32 $0xF, v3;
	v3 =	vand.u32 $0xF, v4;
	s8 =	sadd.s32 $0x16A00, s12;
	s9 =	sadd.s32 $0x20800, s12;
	s12 =	simm.s32 $0x1  }
.LBB2_1:
0x11: {  	[tilespmem:s2], [sflag:$0x1] =	stream.linear.gather [hbm4b:s3+s2], $0x2780, $0x38;
	[tilespmem:$0xED80] =	vst v63  }
0x12: {  	_ =	swait.ge [sflag:s12], $0x2780  }
0x13: {  	[sflag:s12] =	ssyncset.done $0x0  }
0x14: {  	[sflag:s12] =	ssyncadd.s32 $0xFFFFD880  }
0x15: {  	[tilespmem:s13], [sflag:$0x1] =	stream.linear.gather [hbm4b:s4+s2], $0x2780, $0x38;
	[tilespmem:$0xED80] =	vst v63  }
0x16: {  	_ =	swait.ge [sflag:s12], $0x2780  }
0x17: {  	[sflag:s12] =	ssyncset.done $0x0  }
0x18: {  	[sflag:s12] =	ssyncadd.s32 $0xFFFFD880  }
0x19: {  	[tilespmem:s16], [sflag:$0x1] =	stream.strided.gather [hbm4b:s6+s14], $0x2780, s15, s14, $0x38;
	[tilespmem:$0xED80] =	vst v63  }
0x1a: {  	_ =	swait.ge [sflag:s12], $0x2780  }
0x1b: {  	[sflag:s12] =	ssyncset.done $0x0  }
0x1c: {  	[sflag:s12] =	ssyncadd.s32 $0xFFFFD880  }
0x1d: {  	[tilespmem:s17], [sflag:$0x1] =	stream.strided.gather [hbm4b:s7+s14], $0x2780, s15, s14, $0x38;
	[tilespmem:$0xED80] =	vst v63  }
0x1e: {  	_ =	swait.ge [sflag:s12], $0x2780  }
0x1f: {  	[sflag:s12] =	ssyncset.done $0x0  }
0x20: {  	[sflag:s12] =	ssyncadd.s32 $0xFFFFD880  }
0x21: {  	[tilespmem:s18], [sflag:$0x1] =	stream.linear.gather [hbm4b:s5+s2], $0x2780, $0x38;
	[tilespmem:$0xED80] =	vst v63  }
0x22: {  	_ =	swait.ge [sflag:s12], $0x2780  }
0x23: {  	[sflag:s12] =	ssyncset.done $0x0  }
0x24: {  	s23 =	simm.s32 $0x0;
	[sflag:s12] =	ssyncadd.s32 $0xFFFFD880  }
0x25: {  	v4 =	vimm.f32 $-Inf;
	s22 =	simm.s32 $0x40;
	v5 =	vld [tilespmem:s23+$0x0]  }
.LBB2_2:
0x26: {  	p0 =	sne.s32 s22, $0x9C00  }
.Ltmp0:
0x27: {  	_ = 	snop;
	(pc) =	sbr.rel @p0 .LBB2_2-.Ltmp0, $3  }
0x28: {  	_ =	sdelay $0x1  }
0x29: {  	s23 =	sshra.s32 s22, $0x2;
	s22 =	sadd.s32 $0x40, s22;
	v4 =	vmax.f32 v4, v5  }
0x2a: {  	v5 =	vld [tilespmem:s23+$0x0]  }
0x2b: {  	_ =	sdelay $0x3  }
0x2c: {  	v4 =	vmax.f32 v4, v5  }
0x2d: {  	[tilespmem:$0xED00] =	vst v4  }
0x2e: {  	v5 =	vld.idx.msk [tilespmem:v0+s19+$0x0], $0xffff;
	_ =	sdelay $0x4  }
0x2f: {  	v4 =	vmax.f32 v4, v5  }
0x30: {  	[tilespmem:$0xED00] =	vst v4  }
0x31: {  	v5 =	vld.idx.msk [tilespmem:v1+s19+$0x0], $0xffff;
	_ =	sdelay $0x4  }
0x32: {  	v4 =	vmax.f32 v4, v5  }
0x33: {  	[tilespmem:$0xED00] =	vst v4  }
0x34: {  	v5 =	vld.idx.msk [tilespmem:v2+s19+$0x0], $0xffff;
	_ =	sdelay $0x4  }
0x35: {  	v4 =	vmax.f32 v4, v5  }
0x36: {  	[tilespmem:$0xED00] =	vst v4  }
0x37: {  	s23 =	simm.s32 $0x0;
	v5 =	vld.idx.msk [tilespmem:v3+s19+$0x0], $0xffff  }
0x38: {  	v6 =	vimm.f32 $-Inf;
	s22 =	simm.s32 $0x40;
	v7 =	vld [tilespmem:s23+$0x2780]  }
.LBB2_4:
0x39: {  	p0 =	sne.s32 s22, $0x9C00  }
.Ltmp1:
0x3a: {  	_ = 	snop;
	(pc) =	sbr.rel @p0 .LBB2_4-.Ltmp1, $3  }
0x3b: {  	_ =	sdelay $0x1  }
0x3c: {  	s23 =	sshra.s32 s22, $0x2;
	s22 =	sadd.s32 $0x40, s22;
	v6 =	vmax.f32 v6, v7  }
0x3d: {  	v7 =	vld [tilespmem:s23+$0x2780]  }
0x3e: {  	_ =	sdelay $0x3  }
0x3f: {  	v6 =	vmax.f32 v6, v7  }
0x40: {  	[tilespmem:$0xED00] =	vst v6  }
0x41: {  	v7 =	vld.idx.msk [tilespmem:v0+s19+$0x0], $0xffff;
	_ =	sdelay $0x4  }
0x42: {  	v6 =	vmax.f32 v6, v7  }
0x43: {  	[tilespmem:$0xED00] =	vst v6  }
0x44: {  	v7 =	vld.idx.msk [tilespmem:v1+s19+$0x0], $0xffff;
	_ =	sdelay $0x4  }
0x45: {  	v6 =	vmax.f32 v6, v7  }
0x46: {  	[tilespmem:$0xED00] =	vst v6  }
0x47: {  	v7 =	vld.idx.msk [tilespmem:v2+s19+$0x0], $0xffff;
	_ =	sdelay $0x4  }
0x48: {  	v6 =	vmax.f32 v6, v7  }
0x49: {  	s22 =	simm.s32 $0x0;
	[tilespmem:$0xED00] =	vst v6  }
0x4a: {  	v7 =	vld [tilespmem:s22+$0x7680]  }
0x4b: {  	v8 =	vld [tilespmem:s22+$0x4F00];
	_ =	sdelay $0x5  }
0x4c: {  	v9 =	vld.idx.msk [tilespmem:v3+s19+$0x0], $0xffff  }
0x4d: {  	v10 =	vld.idx.msk [tilespmem:v7+s13+$0x0], $0xffff  }
0x4e: {  	v8 =	vld.idx.msk [tilespmem:v8+s2+$0x0], $0xffff;
	_ =	sdelay $0x3  }
0x4f: {  	v4 =	vmax.f32 v4, v5;
	v5 =	vmax.f32 v6, v9  }
0x50: {  	v4 =	vadd.f32 v5, v4;
	v5 =	vadd.f32 v10, v8;
	_ =	sdelay $0x1  }
0x51: {  	v6 =	vmul.f32 $9.999999770e-03, v4;
	v8 =	vmul.f32 $9.999999770e-03, v5  }
0x52: {  	vm0 =	vgt.f32 v4, $0.0e+00;
	vm1 =	vgt.f32 v5, $0.0e+00  }
0x53: {  	v4 =	vsel vm0, v4, v6;
	v5 =	vsel vm1, v5, v8  }
0x54: {  	v5 =	vsub.f32 v5, v4;
	_ =	sdelay $0x1  }
0x55: {  	v5 =	vmul.f32 $1.442695020e+00, v5;
	_ =	sdelay $0x1  }
0x56: {  	(erf) = vpow2.f32 v5;
	_ =	sdelay $0x8  }
0x57: {  	p0 =	slt.u32 s11, $0x4E200;
	v5 =	vpop (erf)  }
0x58: {  	v5 =	vpsel !p0, $0x0, v5  }
0x59: {  	[tilespmem:s22+$0x9E00] =	vst v5  }
0x5a: {  	s22 =	simm.s32 $0x10;
	[tilespmem:v7+s18+$0x0] =	vst.idx.add.f32.msk $0xffff, v5  }
0x5b: {  	v5 =	vld [tilespmem:s22+$0x7680]  }
0x5c: {  	s24 =	simm.s32 $0x80;
	s23 =	smov.u32 s11;
	v6 =	vld [tilespmem:s22+$0x4F00]  }
.LBB2_6:
0x5d: {  	p0 =	sne.s32 s24, $0x9D40;
	_ =	sdelay $0x5  }
0x5e: {  	v7 =	vld.idx.msk [tilespmem:v5+s13+$0x0], $0xffff  }
0x5f: {  	v6 =	vld.idx.msk [tilespmem:v6+s2+$0x0], $0xffff;
	_ =	sdelay $0x5  }
0x60: {  	v6 =	vadd.f32 v7, v6;
	_ =	sdelay $0x1  }
0x61: {  	v7 =	vmul.f32 $9.999999770e-03, v6  }
0x62: {  	vm0 =	vgt.f32 v6, $0.0e+00  }
0x63: {  	v6 =	vsel vm0, v6, v7  }
0x64: {  	v6 =	vsub.f32 v6, v4;
	_ =	sdelay $0x1  }
0x65: {  	v6 =	vmul.f32 $1.442695020e+00, v6;
	_ =	sdelay $0x1  }
0x66: {  	(erf) = vpow2.f32 v6;
	_ =	sdelay $0x7  }
0x67: {  	s23 =	sadd.s32 $0x10, s23  }
0x68: {  	p1 =	slt.u32 s23, $0x4E200;
	v6 =	vpop (erf)  }
.Ltmp2:
0x69: {  	v6 =	vpsel !p1, $0x0, v6;
	(pc) =	sbr.rel @p0 .LBB2_6-.Ltmp2, $4  }
0x6a: {  	[tilespmem:s22+$0x9E00] =	vst v6  }
0x6b: {  	s22 =	sshra.s32 s24, $0x2;
	[tilespmem:v5+s18+$0x0] =	vst.idx.add.f32.msk $0xffff, v6  }
0x6c: {  	v5 =	vld [tilespmem:s22+$0x7680]  }
0x6d: {  	s24 =	sadd.s32 $0x40, s24;
	v6 =	vld [tilespmem:s22+$0x4F00]  }
0x6e: {  	_ =	sdelay $0x6  }
0x6f: {  	v7 =	vld.idx.msk [tilespmem:v5+s13+$0x0], $0xffff  }
0x70: {  	v6 =	vld.idx.msk [tilespmem:v6+s2+$0x0], $0xffff;
	_ =	sdelay $0x4  }
0x71: {  	v6 =	vadd.f32 v7, v6;
	_ =	sdelay $0x1  }
0x72: {  	v7 =	vmul.f32 $9.999999770e-03, v6  }
0x73: {  	vm0 =	vgt.f32 v6, $0.0e+00  }
0x74: {  	v6 =	vsel vm0, v6, v7  }
0x75: {  	v4 =	vsub.f32 v6, v4;
	_ =	sdelay $0x1  }
0x76: {  	v4 =	vmul.f32 $1.442695020e+00, v4;
	_ =	sdelay $0x1  }
0x77: {  	(erf) = vpow2.f32 v4;
	_ =	sdelay $0x7  }
0x78: {  	s23 =	sadd.s32 $0x10, s23  }
0x79: {  	p0 =	slt.u32 s23, $0x4E200;
	v4 =	vpop (erf)  }
0x7a: {  	v4 =	vpsel !p0, $0x0, v4  }
0x7b: {  	[tilespmem:s22+$0x9E00] =	vst v4  }
0x7c: {  	[tilespmem:v5+s18+$0x0] =	vst.idx.add.f32.msk $0xffff, v4  }
0x7d: {  	[hbm4b:s8+s14] =	stream.strided.scatter [tilespmem:s20], [sflag:$0x1], $0x2780, s15, s14, $0x38;
	[tilespmem:$0xED80] =	vst v63  }
0x7e: {  	s21 =	sadd.s32 $0x1, s21;
	_ =	swait.ge [sflag:s12], $0x2780  }
0x7f: {  	p0 =	sne.s32 s21, s10;
	[sflag:s12] =	ssyncset.done $0x0  }
.Ltmp3:
0x80: {  	[sflag:s12] =	ssyncadd.s32 $0xFFFFD880;
	(pc) =	sbr.rel @p0 .LBB2_1-.Ltmp3, $4  }
0x81: {  	[hbm4b:s9+s14] =	stream.strided.scatter [tilespmem:s18], [sflag:$0x1], $0x2780, s15, s14, $0x38;
	[tilespmem:$0xED80] =	vst v63  }
0x82: {  	_ =	swait.ge [sflag:s12], $0x2780  }
0x83: {  	[sflag:s12] =	ssyncset.done $0x0  }
0x84: {  	[sflag:s12] =	ssyncadd.s32 $0xFFFFD880  }
0x85: {  	_ =	sfence.sel $0x180000  }
0x86: {  	[bflag:$0x0] =	sbarrier.arrive $0xFFFF  }
0x87: {  	p0 =	sne.s32 s1, $0x0;
	_ =	strace $0x90000047  }
0x88: {  	s0 =	sadd.s32 @!p0 $0x100000, s0;
	[bflag:$0x2] =	sbarrier.arrive $0xFFFF  }
0x89: {  	[sflag:s0] =	ssyncadd.tile.s32 @!p0 $0x1;
	_ =	shalt  }
.Lfunc_end2:
_tile_overlayer_lowered:
.L_overlay_start_2:
0x8a: {  	(tag) =	ssettag $0x2  }
0x8b: {  	s0 =	rddreg [dreg:$0x0];
	s2 =	stileid.u32  }
0x8c: {  	s1 =	rddreg [dreg:$0x1];
	p0 =	sne.s32 s2, $0x0  }
0x8d: {  	s3 =	rddreg [dreg:$0x2];
	[bflag:$0x3] =	sbarrier.arrive $0xFFFF;
	s2 =	simm.s32 @!p0 $0x1C01  }
0x8e: {  	[timem:s3], [sflag:s2] =	dma.local @!p0 [hbm:s0], s1  }
0x8f: {  	s0 =	simm.s32 @!p0 $0x1  }
0x90: {  	_ =	swait.ge @!p0 [sflag:s0], s1  }
0x91: {  	s1 =	ssub.s32 @!p0 $0x0, s1;
	[sflag:s0] =	ssyncset.done @!p0 $0x0  }
0x92: {  	[sflag:s0] =	ssyncadd.s32 @!p0 s1  }
0x93: {  	[bflag:$0x3] =	sbarrier.arrive $0xFFFF  }
0x94: {  	_ =	shalt  }

// kernel: kernel.9.cloned.1.call-start
scs
__scs_entry_jumppad:
0x0: {  	(pc) =	sbr.rel $0x88, $3  }
0x1: {  	(tag) =	ssettag $0x0;
	lr =	simm.s32 $0x1  }
0x2: {  	[smem:$0x3F9D] =	sst lr;
	_ =	strace $0xD0000000  }
0x3: {  	_ = 	snop  }
0x4: {  	_ = 	snop  }
0x5: {  	_ = 	snop  }
0x6: {  	_ = 	snop  }
0x7: {  	_ = 	snop  }
__scs_overlays_trampoline_lowered:
0x8: {  	[smem:$0x3FAC] =	sst s0  }
0x9: {  	[smem:$0x3FAD] =	sst s1  }
0xa: {  	[smem:$0x3FAE] =	sst s2  }
0xb: {  	[smem:$0x3FAF] =	sst s3  }
0xc: {  	[smem:$0x3FB0] =	sst s4  }
0xd: {  	[smem:$0x3FB1] =	sst s5  }
0xe: {  	[smem:$0x3FB2] =	sst s6  }
0xf: {  	[smem:$0x3FB3] =	sst s7  }
0x10: {  	[smem:$0x3FB4] =	sst s8  }
0x11: {  	[smem:$0x3FB5] =	sst s9;
	s0 =	simm.s32 @!p0 $0x0  }
0x12: {  	s1 =	sld [smem:$0x3F9B];
	s0 =	simm.s32 @p0 $0x1  }
0x13: {  	[smem:$0x3FB6] =	sst s0;
	s0 =	simm.s32 @!p1 $0x0  }
0x14: {  	s2 =	sld [smem:$0x3F9A];
	s0 =	simm.s32 @p1 $0x1  }
0x15: {  	[smem:$0x3FB7] =	sst s0;
	s0 =	simm.s32 @!p2 $0x0  }
0x16: {  	s3 =	sld [smem:$0x3FDB];
	s0 =	simm.s32 @p2 $0x1  }
0x17: {  	s4 =	simm.s32 $0x1BF5;
	[smem:$0x3FB9] =	sst s0  }
0x18: {  	s0 =	sld [smem:$0x3F9C];
	_ =	swait.ge [sflag:s4], $0x0  }
0x19: {  	s7 =	sld [smem:$0x3F9D]  }
0x1a: {  	s8 =	sadd.s32 $0xFFFFE003, lr  }
0x1b: {  	s9 =	sadd.s32 $0xFFFFFEF7, lr;
	s5 =	simm.s32 $0xFFFFFFFF;
	p2 =	slt.u32 s8, $0xFFFFF086  }
0x1c: {  	p1 =	slt.u32 s9, $0xF7A;
	s5 =	simm.s32 @!p2 $0x0  }
0x1d: {  	s5 =	simm.s32 @p1 $0x1;
	p0 =	seq.s32 s7, s2  }
0x1e: {  	s7 =	smul.u32 @!p0 $0xF7A, s2;
	p2 =	seq.s32 @!p0 s5, $0x0  }
0x1f: {  	s9 =	smul.u32 $0xF7A, s1;
	s8 =	simm.s32 @!p0 $0x1BF5;
	p2 =	por !p2, p0  }
0x20: {  	[sflag:s8] =	ssyncset.s32 @!p0 $0xFFFFF086;
	s6 =	sadd.s32 @!p0 s3, s7;
	s7 =	simm.s32 @!p0 $0x108  }
0x21: {  	s3 =	sadd.s32 s3, s9;
	s6 =	sadd.s32 @!p0 $0x88, s6;
	s7 =	simm.s32 @p2 $0x1082  }
0x22: {  	[simem:s7], [sflag:s8] =	dma.local @!p0 [hbm:s6], $0xF7A  }
0x23: {  	s9 =	sor.u32 $0xD0000000, s2;
	s6 =	simm.s32 $0x108;
	_ =	swait.ge @!p0 [sflag:s8], $0x0  }
0x24: {  	s3 =	sadd.s32 $0x88, s3;
	s6 =	simm.s32 @!p1 $0x1082;
	[sflag:s4] =	ssyncset.s32 $0xFFFFF086  }
0x25: {  	[simem:s6], [sflag:s4] =	dma.local [hbm:s3], $0xF7A  }
0x26: {  	[smem:$0x3F9D] =	sst s1;
	(tag) =	ssettag s2;
	_ =	strace s9  }
0x27: {  	s1 =	sld [smem:$0x3FAD]  }
0x28: {  	s2 =	sld [smem:$0x3FAE]  }
0x29: {  	s4 =	sld [smem:$0x3FB0]  }
0x2a: {  	p0 =	seq.s32 s5, $0x0;
	s5 =	sld [smem:$0x3FB1]  }
0x2b: {  	s6 =	sld [smem:$0x3FB2]  }
0x2c: {  	s7 =	sld [smem:$0x3FB3]  }
0x2d: {  	s3 =	simm.s32 $0x108;
	s8 =	sld [smem:$0x3FB4]  }
0x2e: {  	s3 =	simm.s32 @!p0 $0x1082;
	s9 =	sld [smem:$0x3FB5]  }
0x2f: {  	lr =	sadd.s32 s0, s3;
	s0 =	sld [smem:$0x3FAC]  }
0x30: {  	s3 =	sld [smem:$0x3FAF]  }
0x31: {  	[smem:$0x3FB8] =	sst s10  }
0x32: {  	s10 =	sld [smem:$0x3FB6];
	_ =	sdelay $0x3  }
0x33: {  	p0 =	seq.s32 s10, $0x1;
	s10 =	sld [smem:$0x3FB8];
	_ =	sdelay $0x3  }
0x34: {  	[smem:$0x3FB8] =	sst s10  }
0x35: {  	s10 =	sld [smem:$0x3FB7];
	_ =	sdelay $0x3  }
0x36: {  	p1 =	seq.s32 s10, $0x1;
	s10 =	sld [smem:$0x3FB8];
	_ =	sdelay $0x3  }
0x37: {  	[smem:$0x3FB8] =	sst s10  }
0x38: {  	s10 =	sld [smem:$0x3FB9]  }
0x39: {  	_ = 	snop;
	(pc) =	sbr.ind lr, $3  }
0x3a: {  	_ = 	snop  }
0x3b: {  	_ = 	snop  }
0x3c: {  	p2 =	seq.s32 s10, $0x1;
	s10 =	sld [smem:$0x3FB8]  }
0x3d: {  	_ =	shalt  }
0x3e: {  	_ =	shalt  }
0x3f: {  	_ =	shalt  }
0x40: {  	_ =	shalt  }
0x41: {  	_ =	shalt  }
0x42: {  	_ =	shalt  }
0x43: {  	_ =	shalt  }
0x44: {  	_ =	shalt  }
0x45: {  	_ =	shalt  }
0x46: {  	_ =	shalt  }
0x47: {  	_ =	shalt  }
0x48: {  	_ =	shalt  }
0x49: {  	_ =	shalt  }
0x4a: {  	_ =	shalt  }
0x4b: {  	_ =	shalt  }
0x4c: {  	_ =	shalt  }
0x4d: {  	_ =	shalt  }
0x4e: {  	_ =	shalt  }
0x4f: {  	_ =	shalt  }
0x50: {  	_ =	shalt  }
0x51: {  	_ =	shalt  }
0x52: {  	_ =	shalt  }
0x53: {  	_ =	shalt  }
0x54: {  	_ =	shalt  }
0x55: {  	_ =	shalt  }
0x56: {  	_ =	shalt  }
0x57: {  	_ =	shalt  }
0x58: {  	_ =	shalt  }
0x59: {  	_ =	shalt  }
0x5a: {  	_ =	shalt  }
0x5b: {  	_ =	shalt  }
0x5c: {  	_ =	shalt  }
0x5d: {  	_ =	shalt  }
0x5e: {  	_ =	shalt  }
0x5f: {  	_ =	shalt  }
0x60: {  	_ =	shalt  }
0x61: {  	_ =	shalt  }
0x62: {  	_ =	shalt  }
0x63: {  	_ =	shalt  }
0x64: {  	_ =	shalt  }
0x65: {  	_ =	shalt  }
0x66: {  	_ =	shalt  }
0x67: {  	_ =	shalt  }
0x68: {  	_ =	shalt  }
0x69: {  	_ =	shalt  }
0x6a: {  	_ =	shalt  }
0x6b: {  	_ =	shalt  }
0x6c: {  	_ =	shalt  }
0x6d: {  	_ =	shalt  }
0x6e: {  	_ =	shalt  }
0x6f: {  	_ =	shalt  }
0x70: {  	_ =	shalt  }
0x71: {  	_ =	shalt  }
0x72: {  	_ =	shalt  }
0x73: {  	_ =	shalt  }
0x74: {  	_ =	shalt  }
0x75: {  	_ =	shalt  }
0x76: {  	_ =	shalt  }
0x77: {  	_ =	shalt  }
0x78: {  	_ =	shalt  }
0x79: {  	_ =	shalt  }
0x7a: {  	_ =	shalt  }
0x7b: {  	_ =	shalt  }
0x7c: {  	_ =	shalt  }
0x7d: {  	_ =	shalt  }
0x7e: {  	_ =	shalt  }
0x7f: {  	_ =	shalt  }
0x80: {  	_ =	shalt  }
0x81: {  	_ =	shalt  }
0x82: {  	_ =	shalt  }
0x83: {  	_ =	shalt  }
0x84: {  	_ =	shalt  }
0x85: {  	_ =	shalt  }
0x86: {  	_ =	shalt  }
0x87: {  	_ =	shalt  }
.Lfunc_end0:
.L_simem_size_0:
called_computation.1_lowered:
.L_overlay_start_0:
0x88: {  	s2 =	sld [smem:$0x3FD9]  }
0x89: {  	s3 =	sld [smem:$0x3FFE];
	_ =	sdelay $0x1  }
0x8a: {  	s1 =	srdreg.scid  }
0x8b: {  	s0 =	sand.u32 $0x1, s1  }
0x8c: {  	s17 =	sshll.u32 s0, $0xA;
	s2 =	sadd.s32 s3, s2  }
0x8d: {  	s2 =	sadd.s32 s2, s17  }
0x8e: {  	[smem:$0x3FC4] =	sst s2  }
0x8f: {  	_ = 	snop  }
0x90: {  	s2 =	sld [smem:$0x3FD0];
	(tm) =	ssettm $0x1  }
0x91: {  	s18 =	sld [smem:$0x3FFB];
	_ =	sdelay $0x3  }
0x92: {  	_ =	strace s18  }
0x93: {  	s3 =	sld [smem:$0x3FFC];
	_ =	sdelay $0x3  }
0x94: {  	_ =	strace s3  }
0x95: {  	s3 =	sld [smem:$0x3FFD];
	_ =	sdelay $0x3  }
0x96: {  	_ =	strace s3  }
0x97: {  	_ =	strace $0x8FFFFFFF  }
0x98: {  	s19 =	sld [smem:$0x3FDB];
	_ =	sdelay $0x1  }
0x99: {  	s4 =	simm.s32 $_scs_section_size  }
0x9a: {  	s5 =	simm.s32 $_size__tile_overlayer_lowered;
	s6 =	simm.s32 $_tile_overlayer_lowered  }
0x9b: {  	s22 =	simm.s32 $0x1BFF;
	s21 =	sshll.u32 s6, $0x1;
	s3 =	sadd.s32 s4, s19  }
0x9c: {  	s7 =	simm.s32 $0x0;
	s20 =	sshll.u32 s5, $0x1;
	s5 =	sadd.s32 s21, s3  }
0x9d: {  	[timem:s7], [sflag:s22] =	dma.local [hbm:s5], s20  }
0x9e: {  	_ =	swait.ge [sflag:s22], s20  }
0x9f: {  	s4 =	ssub.s32 $0x0, s20;
	[sflag:s22] =	ssyncset.done $0x0  }
0xa0: {  	[sflag:s22] =	ssyncadd.s32 s4;
	_ =	sdelay $0x1  }
0xa1: {  	s23 =	simm.s32 $0x1B8B  }
0xa2: {  	_ =	swait.ge [sflag:s23], $0x1  }
0xa3: {  	[sflag:s23] =	ssyncset.done $0x0  }
0xa4: {  	s25 =	simm.s32 $0x1B8E;
	s24 =	sld [smem:$0x3FFE];
	[sflag:s23] =	ssyncadd.s32 $0xFFFFFFFF  }
0xa5: {  	s26 =	simm.s32 $execute0_lowered;
	[smem:$0x3FD2] =	sst s25  }
0xa6: {  	s5 =	sshll.u32 s26, $0x1;
	_ =	strace $0x80000049;
	[dreg:$0x1] =	wrdreg $0xFFFFFFFF  }
0xa7: {  	s28 =	simm.s32 $_size_execute0_lowered;
	s3 =	sadd.s32 s3, s5;
	[dreg:$0x0] =	wrdreg $0x0  }
0xa8: {  	s5 =	sshll.u32 s28, $0x1;
	[dreg:$0x2] =	wrdreg s3  }
0xa9: {  	[dreg:$0x3] =	wrdreg s5  }
0xaa: {  	[dreg:$0x4] =	wrdreg $0xC0  }
0xab: {  	_ =	task [dreg:s7], $0x5FFFF  }
0xac: {  	[dreg:$0x1] =	wrdreg $0xFFFFFFFF  }
0xad: {  	[dreg:$0x0] =	wrdreg $0x60  }
0xae: {  	[dreg:$0x2] =	wrdreg s2  }
0xaf: {  	[dreg:$0x3] =	wrdreg s24  }
0xb0: {  	[dreg:$0x4] =	wrdreg $0xBA800  }
0xb1: {  	[dreg:$0x5] =	wrdreg $0x9  }
0xb2: {  	_ =	task.clear_ibuf [dreg:s7], $0x6FFFF;
	_ =	strace $0x90000049  }
0xb3: {  	s29 =	simm.s32 $0x9;
	_ =	strace $0x8000004B  }
0xb4: {  	_ =	swait.ge [sflag:s29], $0x1  }
0xb5: {  	[sflag:s29] =	ssyncadd.s32 $0xFFFFFFFF  }
0xb6: {  	_ =	strace $0x9000004B  }
0xb7: {  	_ =	sfence  }
0xb8: {  	s30 =	sld [smem:$0x0];
	_ =	sdelay $0x2  }
0xb9: {  	s31 =	sshll.u32 s1, $0xD;
	s1 =	sshrl.u32 s1, $0x2  }
0xba: {  	s3 =	sand.u32 $0x4000, s31;
	s1 =	sadd.s32 s1, s30  }
0xbb: {  	s0 =	sor.u32 s3, s0;
	s1 =	sshll.u32 s1, $0x11  }
0xbc: {  	s0 =	sor.u32 s1, s0  }
0xbd: {  	s0 =	sadd.s32 $0x8F2B, s0  }
0xbe: {  	[sflag:s0] =	ssyncadd.remote.s32 $0x1  }
0xbf: {  	_ =	sfence.sel $0xFFFF  }
0xc0: {  	[dreg:$0x0] =	wrdreg $0xFFFFFFFF;
	(pc) =	sbr.abs _section_cstart, $3  }
0xc1: {  	[dreg:$0x1] =	wrdreg $0xFFFFFFFF  }
0xc2: {  	_ =	task.clear_ibuf [dreg:s7], $0x2FFFF;
	_ =	strace $0x9FFFFFFF  }
0xc3: {  	(tm) =	ssettm $0x7FFFFFFF  }
tec
execute0_lowered:
.L_overlay_start_1:
0x0: {  	(tag) =	ssettag $0x1  }
0x1: {  	s1 =	rddreg [dreg:$0x0]  }
0x2: {  	s0 =	rddreg [dreg:$0x1];
	s2 =	srdreg.scid  }
0x3: {  	s11 =	stileid.u32;
	s3 =	rddreg [dreg:$0x2]  }
0x4: {  	s28 =	simm.s32 $0xB900;
	s29 =	simm.s32 $0x1;
	s30 =	simm.s32 $0x4  }
0x5: {  	s31 =	simm.s32 $0x5780;
	s13 =	simm.s32 $0x6;
	s14 =	simm.s32 $0x7  }
0x6: {  	s15 =	simm.s32 $0x0;
	s2 =	sand.u32 $0x1, s2;
	s9 =	smul.u32 $0x13C00, s11  }
0x7: {  	s4 =	sshll.u32 s11, $0x1;
	s5 =	sshrl.u32 s11, $0x2;
	s11 =	smul.u32 $0x4E200, s11  }
0x8: {  	s12 =	sadd.s32 $0x15800, s0;
	s7 =	sor.u32 s2, s4;
	s5 =	smul.u32 $0x13C00, s5  }
0x9: {  	s4 =	simm.s32 $0x0;
	s8 =	smul.u32 $0x13C000, s2;
	s2 =	ssub.s32 $0x2, s2  }
0xa: {  	s6 =	sshll.u32 s7, $0x7;
	[smem:$0x7FF] =	sst s4;
	s16 =	sshrl.u32 s2, $0x1  }
0xb: {  	s11 =	sshrl.u32 s11, $0x2;
	s6 =	sand.u32 $0x380, s6;
	_ =	strace $0x8000004A  }
0xc: {  	[dreg:$0x4] =	wrdreg s12;
	s8 =	sadd.s32 s9, s8;
	s2 =	ssub.s32 s2, s16  }
0xd: {  	s16 =	sadd.s32 s11, s3;
	s11 =	smul.u32 $0x3800, s7;
	s9 =	simm.s32 $0xB880  }
0xe: {  	s12 =	simm.s32 $0x3;
	s18 =	sadd.s32 $0x3000, s16;
	[dreg:$0x5] =	wrdreg s16  }
0xf: {  	s6 =	sor.u32 s5, s6;
	s19 =	sadd.s32 $0x6000, s16;
	[dreg:$0x7] =	wrdreg s18  }
0x10: {  	s5 =	sadd.s32 $0x38600, s0;
	s20 =	sadd.s32 $0x9000, s16;
	[dreg:$0x8] =	wrdreg s19  }
0x11: {  	s8 =	sshrl.u32 s8, $0x3;
	s21 =	sadd.s32 $0xC000, s16;
	[dreg:$0x9] =	wrdreg s20  }
0x12: {  	s22 =	sadd.s32 $0xF000, s16;
	s23 =	sadd.s32 $0x12000, s16;
	[dreg:$0xa] =	wrdreg s21  }
0x13: {  	s26 =	smax.u32 s2, $0x1;
	s2 =	simm.s32 $0xB800;
	[dreg:$0xb] =	wrdreg s22  }
0x14: {  	s6 =	sshrl.u32 s6, $0x3;
	[dreg:$0xc] =	wrdreg s23;
	s24 =	sshrl.u32 s11, $0x3  }
0x15: {  	[dreg:$0x10] =	wrdreg s26;
	s18 =	simm.s32 $0xA;
	s26 =	simm.s32 $0xB780  }
0x16: {  	s21 =	simm.s32 $0xB980;
	s22 =	simm.s32 $0x2;
	s10 =	sadd.s32 s6, s0  }
0x17: {  	s6 =	sadd.s32 $0x2A600, s0;
	s0 =	sadd.s32 s8, s0;
	s7 =	sadd.s32 s5, s24  }
0x18: {  	s17 =	sadd.s32 $0x1C00, s10;
	s25 =	sadd.s32 s6, s24;
	[dreg:$0xe] =	wrdreg s7  }
0x19: {  	s0 =	sadd.s32 $0x46600, s0;
	s24 =	simm.s32 $0x2780;
	[dreg:$0x6] =	wrdreg s17  }
0x1a: {  	s7 =	simm.s32 $0x8780;
	s10 =	simm.s32 $0xBA00;
	[dreg:$0xd] =	wrdreg s25  }
0x1b: {  	[dreg:$0xf] =	wrdreg s0;
	s25 =	simm.s32 $0x60;
	s0 =	simm.s32 $0x5  }
.LBB2_1:
0x1c: {  	[dreg:$0x11] =	wrdreg s15  }
0x1d: {  	s8 =	rddreg [dreg:$0x6];
	s23 =	simm.s32 $0x80;
	s17 =	simm.s32 $0x400  }
0x1e: {  	[tilespmem:s4], [sflag:$0xA] =	stream.strided.gather [hbm4b:s8+s23], $0x2780, s17, s23, $0x38;
	[tilespmem:$0x1F300] =	vst v63  }
0x1f: {  	_ =	swait.ge [sflag:s18], $0x2780  }
0x20: {  	[sflag:s18] =	ssyncset.done $0x0  }
0x21: {  	s19 =	rddreg [dreg:$0x4];
	[sflag:s18] =	ssyncadd.s32 $0xFFFFD880  }
0x22: {  	[tilespmem:s24], [sflag:$0xA] =	stream.linear.gather [hbm4b:s19+s4], $0x3000, $0x38;
	[tilespmem:$0x1F300] =	vst v63  }
0x23: {  	_ =	swait.ge [sflag:s18], $0x3000  }
0x24: {  	[sflag:s18] =	ssyncset.done $0x0  }
0x25: {  	[sflag:s18] =	ssyncadd.s32 $0xFFFFD000  }
0x26: {  	[spmem:s16] =	stream.linear.scatter [tilespmem:s24], [sflag:$0xA], $0x3000, $0x38;
	[tilespmem:$0x1F300] =	vst v63  }
0x27: {  	_ =	swait.ge [sflag:s18], $0x3000  }
0x28: {  	[sflag:s18] =	ssyncset.done $0x0  }
0x29: {  	s20 =	rddreg [dreg:$0x7];
	[sflag:s18] =	ssyncadd.s32 $0xFFFFD000  }
0x2a: {  	[spmem:s20] =	stream.linear.scatter [tilespmem:s24], [sflag:$0xA], $0x3000, $0x38;
	[tilespmem:$0x1F300] =	vst v63  }
0x2b: {  	_ =	swait.ge [sflag:s18], $0x3000  }
0x2c: {  	[sflag:s18] =	ssyncset.done $0x0  }
0x2d: {  	s23 =	rddreg [dreg:$0x8];
	[sflag:s18] =	ssyncadd.s32 $0xFFFFD000  }
0x2e: {  	[spmem:s23] =	stream.linear.scatter [tilespmem:s24], [sflag:$0xA], $0x3000, $0x38;
	[tilespmem:$0x1F300] =	vst v63  }
0x2f: {  	_ =	swait.ge [sflag:s18], $0x3000  }
0x30: {  	[sflag:s18] =	ssyncset.done $0x0  }
0x31: {  	s15 =	rddreg [dreg:$0x9];
	[sflag:s18] =	ssyncadd.s32 $0xFFFFD000  }
0x32: {  	[spmem:s15] =	stream.linear.scatter [tilespmem:s24], [sflag:$0xA], $0x3000, $0x38;
	[tilespmem:$0x1F300] =	vst v63  }
0x33: {  	_ =	swait.ge [sflag:s18], $0x3000  }
0x34: {  	[sflag:s18] =	ssyncset.done $0x0  }
0x35: {  	s16 =	rddreg [dreg:$0xa];
	[sflag:s18] =	ssyncadd.s32 $0xFFFFD000  }
0x36: {  	[spmem:s16] =	stream.linear.scatter [tilespmem:s24], [sflag:$0xA], $0x3000, $0x38;
	[tilespmem:$0x1F300] =	vst v63  }
0x37: {  	_ =	swait.ge [sflag:s18], $0x3000  }
0x38: {  	[sflag:s18] =	ssyncset.done $0x0  }
0x39: {  	s17 =	rddreg [dreg:$0xb];
	[sflag:s18] =	ssyncadd.s32 $0xFFFFD000  }
0x3a: {  	[spmem:s17] =	stream.linear.scatter [tilespmem:s24], [sflag:$0xA], $0x3000, $0x38;
	[tilespmem:$0x1F300] =	vst v63  }
0x3b: {  	_ =	swait.ge [sflag:s18], $0x3000  }
0x3c: {  	[sflag:s18] =	ssyncset.done $0x0  }
0x3d: {  	s19 =	rddreg [dreg:$0xc];
	[sflag:s18] =	ssyncadd.s32 $0xFFFFD000  }
0x3e: {  	[spmem:s19] =	stream.linear.scatter [tilespmem:s24], [sflag:$0xA], $0x1880, $0x38;
	[tilespmem:$0x1F300] =	vst v63  }
0x3f: {  	_ =	swait.ge [sflag:s18], $0x1880  }
0x40: {  	[sflag:s18] =	ssyncset.done $0x0  }
0x41: {  	[sflag:s18] =	ssyncadd.s32 $0xFFFFE780  }
0x42: {  	[bflag:$0x0] =	sbarrier.arrive $0xFFFF  }
0x43: {  	[tilespmem:s24], [sflag:$0x1] =	stream.indirect.gather [hbm4b:s1+s25], $0x80, s4, s25, $0xb8;
	[tilespmem:$0x1F300] =	vst v63  }
0x44: {  	s20 =	rddreg [dreg:$0xd]  }
0x45: {  	[tilespmem:s26], [sflag:$0x4] =	stream.linear.gather [hbm4b:s20+s4], $0x80, $0x38;
	[tilespmem:$0x1F300] =	vst v63  }
0x46: {  	s18 =	simm.s32 $0x0;
	s23 =	rddreg [dreg:$0xe]  }
0x47: {  	[tilespmem:s28], [sflag:$0x4] =	stream.linear.gather [hbm4b:s23+s4], $0x80, $0x38;
	[tilespmem:$0x1F300] =	vst v63  }
.LBB2_2:
0x48: {  	_ =	swait.ge [sflag:s29], $0x3000  }
0x49: {  	[sflag:s29] =	ssyncset.done $0x0  }
0x4a: {  	[sflag:s29] =	ssyncadd.s32 $0xFFFFD000  }
0x4b: {  	_ =	swait.ge [sflag:s30], $0x80  }
0x4c: {  	[sflag:s30] =	ssyncset.done $0x0  }
0x4d: {  	s19 =	smul.u32 $0x3, s18;
	[sflag:s30] =	ssyncadd.s32 $0xFFFFFF80  }
0x4e: {  	_ =	swait.ge [sflag:s30], $0x80  }
0x4f: {  	p0 =	seq.s32 s18, $0x0;
	s15 =	sadd.s32 $0x1, s19;
	[sflag:s30] =	ssyncset.done $0x0  }
0x50: {  	s8 =	simm.s32 @!p0 $0x8;
	s16 =	smul.u32 $0x180, s15;
	[sflag:s30] =	ssyncadd.s32 $0xFFFFFF80  }
0x51: {  	s20 =	simm.s32 $0x0;
	s17 =	sshll.u32 s15, $0x7;
	_ =	swait.ge @!p0 [sflag:s8], $0x3000  }
0x52: {  	s15 =	sand.u32 $0xFC00, s17;
	s16 =	sshra.s32 s16, $0x2;
	[sflag:s8] =	ssyncset.done @!p0 $0x0  }
0x53: {  	s15 =	sadd.s32 s11, s15;
	[sflag:s8] =	ssyncadd.s32 @!p0 $0xFFFFD000;
	s8 =	sand.u32 $0x380, s17  }
0x54: {  	v0 =	vmov s20;
	[tilespmem:s31], [sflag:$0x2] =	stream.indirect.gather [hbm4b:s1+s25], $0x80, s16, s25, $0xb8;
	[tilespmem:$0x1F300] =	vst v63  }
0x55: {  	v0 =	vand.u32 $0xFFFFFFF8, v0;
	s8 =	sor.u32 s8, s15  }
0x56: {  	v0 =	vbroadcast v0, $0x0;
	s8 =	sshrl.u32 s8, $0x3  }
0x57: {  	s23 =	sadd.s32 s6, s8  }
0x58: {  	[tilespmem:s2], [sflag:$0x5] =	stream.linear.gather [hbm4b:s23+s4], $0x80, $0x38;
	[tilespmem:$0x1F300] =	vst v63  }
0x59: {  	s20 =	simm.s32 $0x2980;
	s8 =	sadd.s32 s5, s8  }
0x5a: {  	[tilespmem:s21], [sflag:$0x5] =	stream.linear.gather [hbm4b:s8+s4], $0x80, $0x38;
	[tilespmem:$0x1F300] =	vst v63  }
0x5b: {  	v2 =	vld [tilespmem:s20+$0xFFFFFE70]  }
0x5c: {  	v0 =	vld.idx.msk [tilespmem:v0+s28+$0x0], $0xffff  }
0x5d: {  	v3 =	vld [tilespmem:s20+$0xFFFFFE00]  }
0x5e: {  	v4 =	vld [tilespmem:s20+$0xFFFFFE20]  }
0x5f: {  	v5 =	vld [tilespmem:s20+$0xFFFFFE30]  }
0x60: {  	v1 =	vld [tilespmem:s20+$0xFFFFFE50]  }
0x61: {  	v7 =	vld [tilespmem:s20+$0xFFFFFE10];
	v2 =	vmul.f32 v2, v0  }
0x62: {  	s15 =	simm.s32 $0x1;
	v6 =	vld [tilespmem:s20+$0xFFFFFE60];
	v3 =	vmul.f32 v3, v0  }
0x63: {  	v8 =	vld [tilespmem:s20+$0xFFFFFE40];
	v4 =	vmul.f32 v4, v0;
	[tilespmem:s20+$0xFFFFFE70] =	vst v2;
	v2 =	vmov s15  }
0x64: {  	v5 =	vmul.f32 v5, v0;
	[tilespmem:s20+$0xFFFFFE00] =	vst v3;
	v2 =	vand.u32 $0xFFFFFFF9, v2  }
0x65: {  	v1 =	vmul.f32 v1, v0;
	[tilespmem:s20+$0xFFFFFE20] =	vst v4;
	v2 =	vbroadcast v2, $0x0  }
0x66: {  	v3 =	vmul.f32 v7, v0;
	[tilespmem:s20+$0xFFFFFE30] =	vst v5  }
0x67: {  	v4 =	vmul.f32 v6, v0;
	[tilespmem:s20+$0xFFFFFE50] =	vst v1  }
0x68: {  	v0 =	vmul.f32 v8, v0;
	[tilespmem:s20+$0xFFFFFE10] =	vst v3  }
0x69: {  	[tilespmem:s20+$0xFFFFFE60] =	vst v4  }
0x6a: {  	[tilespmem:s20+$0xFFFFFE40] =	vst v0  }
0x6b: {  	v0 =	vld.idx.msk [tilespmem:v2+s28+$0x0], $0xffff  }
0x6c: {  	v2 =	vld [tilespmem:s20+$0xFFFFFE90]  }
0x6d: {  	v3 =	vld [tilespmem:s20+$0xFFFFFEC0]  }
0x6e: {  	v4 =	vld [tilespmem:s20+$0xFFFFFE80]  }
0x6f: {  	v5 =	vld [tilespmem:s20+$0xFFFFFED0]  }
0x70: {  	v1 =	vld [tilespmem:s20+$0xFFFFFEF0]  }
0x71: {  	v6 =	vld [tilespmem:s20+$0xFFFFFEE0];
	v2 =	vmul.f32 v2, v0  }
0x72: {  	s16 =	simm.s32 $0x2;
	v7 =	vld [tilespmem:s20+$0xFFFFFEB0];
	v3 =	vmul.f32 v3, v0  }
0x73: {  	v8 =	vld [tilespmem:s20+$0xFFFFFEA0];
	v4 =	vmul.f32 v4, v0;
	[tilespmem:s20+$0xFFFFFE90] =	vst v2;
	v2 =	vmov s16  }
0x74: {  	v5 =	vmul.f32 v5, v0;
	[tilespmem:s20+$0xFFFFFEC0] =	vst v3;
	v2 =	vand.u32 $0xFFFFFFFA, v2  }
0x75: {  	v1 =	vmul.f32 v1, v0;
	[tilespmem:s20+$0xFFFFFE80] =	vst v4;
	v2 =	vbroadcast v2, $0x0  }
0x76: {  	v3 =	vmul.f32 v6, v0;
	[tilespmem:s20+$0xFFFFFED0] =	vst v5  }
0x77: {  	v4 =	vmul.f32 v7, v0;
	[tilespmem:s20+$0xFFFFFEF0] =	vst v1  }
0x78: {  	v0 =	vmul.f32 v8, v0;
	[tilespmem:s20+$0xFFFFFEE0] =	vst v3  }
0x79: {  	[tilespmem:s20+$0xFFFFFEB0] =	vst v4  }
0x7a: {  	v1 =	vld [tilespmem:s20+$0xFFFFFF00];
	[tilespmem:s20+$0xFFFFFEA0] =	vst v0  }
0x7b: {  	v0 =	vld.idx.msk [tilespmem:v2+s28+$0x0], $0xffff  }
0x7c: {  	v2 =	vld [tilespmem:s20+$0xFFFFFF60]  }
0x7d: {  	v3 =	vld [tilespmem:s20+$0xFFFFFF10]  }
0x7e: {  	v4 =	vld [tilespmem:s20+$0xFFFFFF50]  }
0x7f: {  	v5 =	vld [tilespmem:s20+$0xFFFFFF70]  }
0x80: {  	v6 =	vld [tilespmem:s20+$0xFFFFFF20];
	v1 =	vmul.f32 v1, v0  }
0x81: {  	s17 =	simm.s32 $0x3;
	v7 =	vld [tilespmem:s20+$0xFFFFFF30];
	v2 =	vmul.f32 v2, v0  }
0x82: {  	v8 =	vld [tilespmem:s20+$0xFFFFFF40];
	v3 =	vmul.f32 v3, v0;
	[tilespmem:s20+$0xFFFFFF00] =	vst v1;
	v1 =	vmov s17  }
0x83: {  	v4 =	vmul.f32 v4, v0;
	[tilespmem:s20+$0xFFFFFF60] =	vst v2;
	v1 =	vand.u32 $0xFFFFFFFB, v1  }
0x84: {  	v2 =	vmul.f32 v5, v0;
	[tilespmem:s20+$0xFFFFFF10] =	vst v3;
	v1 =	vbroadcast v1, $0x0  }
0x85: {  	v3 =	vmul.f32 v6, v0;
	[tilespmem:s20+$0xFFFFFF50] =	vst v4  }
0x86: {  	v4 =	vmul.f32 v7, v0;
	[tilespmem:s20+$0xFFFFFF70] =	vst v2  }
0x87: {  	v0 =	vmul.f32 v8, v0;
	[tilespmem:s20+$0xFFFFFF20] =	vst v3  }
0x88: {  	[tilespmem:s20+$0xFFFFFF30] =	vst v4  }
0x89: {  	[tilespmem:s20+$0xFFFFFF40] =	vst v0  }
0x8a: {  	v0 =	vld.idx.msk [tilespmem:v1+s28+$0x0], $0xffff  }
0x8b: {  	v1 =	vld [tilespmem:s20+$0xFFFFFFB0]  }
0x8c: {  	v3 =	vld [tilespmem:s20+$0xFFFFFFE0]  }
0x8d: {  	v4 =	vld [tilespmem:s20+$0xFFFFFF80]  }
0x8e: {  	v5 =	vld [tilespmem:s20+$0xFFFFFFD0]  }
0x8f: {  	v2 =	vld [tilespmem:s20+$0xFFFFFFF0]  }
0x90: {  	v7 =	vld [tilespmem:s20+$0xFFFFFFA0];
	v1 =	vmul.f32 v1, v0  }
0x91: {  	s23 =	simm.s32 $0x4;
	v6 =	vld [tilespmem:s20+$0xFFFFFF90];
	v3 =	vmul.f32 v3, v0  }
0x92: {  	v8 =	vld [tilespmem:s20+$0xFFFFFFC0];
	v4 =	vmul.f32 v4, v0;
	[tilespmem:s20+$0xFFFFFFB0] =	vst v1;
	v1 =	vmov s23  }
0x93: {  	v5 =	vmul.f32 v5, v0;
	[tilespmem:s20+$0xFFFFFFE0] =	vst v3;
	v1 =	vand.u32 $0xFFFFFFFC, v1  }
0x94: {  	v2 =	vmul.f32 v2, v0;
	[tilespmem:s20+$0xFFFFFF80] =	vst v4;
	v1 =	vbroadcast v1, $0x0  }
0x95: {  	v9 =	vld [tilespmem:s20+$0x40];
	v3 =	vmul.f32 v7, v0;
	[tilespmem:s20+$0xFFFFFFD0] =	vst v5  }
0x96: {  	v4 =	vmul.f32 v6, v0;
	[tilespmem:s20+$0xFFFFFFF0] =	vst v2;
	v7 =	vld [tilespmem:s20+$0x0]  }
0x97: {  	v2 =	vmul.f32 v8, v0;
	v0 =	vld [tilespmem:s20+$0x70];
	[tilespmem:s20+$0xFFFFFFA0] =	vst v3  }
0x98: {  	v6 =	vld [tilespmem:s20+$0x20];
	[tilespmem:s20+$0xFFFFFF90] =	vst v4  }
0x99: {  	v5 =	vld [tilespmem:s20+$0x30];
	[tilespmem:s20+$0xFFFFFFC0] =	vst v2  }
0x9a: {  	v1 =	vld.idx.msk [tilespmem:v1+s28+$0x0], $0xffff  }
0x9b: {  	v2 =	vld [tilespmem:s20+$0x50]  }
0x9c: {  	v3 =	vld [tilespmem:s20+$0x10]  }
0x9d: {  	v4 =	vld [tilespmem:s20+$0x60];
	_ =	sdelay $0x1  }
0x9e: {  	s8 =	simm.s32 $0xF;
	s15 =	simm.s32 $0x2980;
	s16 =	simm.s32 $0x7;
	v8 =	vmul.f32 v7, v1;
	v7 =	vmul.f32 v9, v1  }
.LBB2_3:
0x9f: {  	p1 =	sne.s32 s8, $0x5F;
	v6 =	vmul.f32 v6, v1;
	v5 =	vmul.f32 v5, v1;
	s17 =	sadd.s32 $0xFFFFFFFE, s16;
	s20 =	sadd.s32 $0x400, s20  }
0xa0: {  	v2 =	vmul.f32 v2, v1;
	[tilespmem:s15+$0x0] =	vst v8;
	v3 =	vmul.f32 v3, v1;
	v8 =	vmov s17;
	s17 =	smov.u32 s8;
	s8 =	sadd.s32 $0x8, s8  }
0xa1: {  	v0 =	vmul.f32 v0, v1;
	[tilespmem:s15+$0x40] =	vst v7;
	v4 =	vmul.f32 v4, v1;
	v1 =	vand.u32 $0xFFFFFFFD, v8  }
0xa2: {  	[tilespmem:s15+$0x20] =	vst v6;
	v1 =	vbroadcast v1, $0x0  }
0xa3: {  	[tilespmem:s15+$0x50] =	vst v2  }
0xa4: {  	[tilespmem:s15+$0x70] =	vst v0;
	v0 =	vld [tilespmem:s15+$0xA0]  }
0xa5: {  	[tilespmem:s15+$0x30] =	vst v5;
	v2 =	vld [tilespmem:s15+$0x80]  }
0xa6: {  	[tilespmem:s15+$0x60] =	vst v4;
	v4 =	vld [tilespmem:s15+$0xD0]  }
0xa7: {  	[tilespmem:s15+$0x10] =	vst v3;
	v3 =	vld [tilespmem:s15+$0xF0]  }
0xa8: {  	v1 =	vld.idx.msk [tilespmem:v1+s28+$0x0], $0xffff  }
0xa9: {  	v5 =	vld [tilespmem:s15+$0xC0]  }
0xaa: {  	v6 =	vld [tilespmem:s15+$0xB0]  }
0xab: {  	v7 =	vld [tilespmem:s15+$0x90]  }
0xac: {  	v8 =	vld [tilespmem:s15+$0xE0];
	_ =	sdelay $0x1  }
0xad: {  	v2 =	vmul.f32 v2, v1;
	v5 =	vmul.f32 v5, v1  }
0xae: {  	s23 =	sadd.s32 $0xFFFFFFFF, s16;
	v0 =	vmul.f32 v0, v1;
	v6 =	vmul.f32 v6, v1  }
0xaf: {  	v4 =	vmul.f32 v4, v1;
	[tilespmem:s15+$0x80] =	vst v2;
	v2 =	vmul.f32 v7, v1;
	v7 =	vmov s23  }
0xb0: {  	[tilespmem:s15+$0xA0] =	vst v0;
	v0 =	vmul.f32 v8, v1;
	v1 =	vmul.f32 v3, v1;
	v3 =	vand.u32 $0xFFFFFFFE, v7  }
0xb1: {  	[tilespmem:s15+$0xD0] =	vst v4;
	v3 =	vbroadcast v3, $0x0  }
0xb2: {  	[tilespmem:s15+$0xC0] =	vst v5  }
0xb3: {  	[tilespmem:s15+$0xF0] =	vst v1;
	v1 =	vld [tilespmem:s15+$0x120]  }
0xb4: {  	[tilespmem:s15+$0xB0] =	vst v6;
	v4 =	vld [tilespmem:s15+$0x100]  }
0xb5: {  	[tilespmem:s15+$0x90] =	vst v2;
	v2 =	vld [tilespmem:s15+$0x140]  }
0xb6: {  	[tilespmem:s15+$0xE0] =	vst v0;
	v0 =	vld [tilespmem:s15+$0x130]  }
0xb7: {  	v3 =	vld.idx.msk [tilespmem:v3+s28+$0x0], $0xffff  }
0xb8: {  	v5 =	vld [tilespmem:s15+$0x110]  }
0xb9: {  	v6 =	vld [tilespmem:s15+$0x160]  }
0xba: {  	v7 =	vld [tilespmem:s15+$0x150]  }
0xbb: {  	v8 =	vld [tilespmem:s15+$0x170];
	_ =	sdelay $0x1  }
0xbc: {  	v4 =	vmul.f32 v4, v3;
	v5 =	vmul.f32 v5, v3  }
0xbd: {  	v1 =	vmul.f32 v1, v3;
	v0 =	vmul.f32 v0, v3  }
0xbe: {  	v2 =	vmul.f32 v2, v3;
	[tilespmem:s15+$0x100] =	vst v4;
	v4 =	vmul.f32 v7, v3  }
0xbf: {  	[tilespmem:s15+$0x120] =	vst v1;
	v1 =	vmul.f32 v6, v3;
	v3 =	vmul.f32 v8, v3  }
0xc0: {  	[tilespmem:s15+$0x130] =	vst v0  }
0xc1: {  	v0 =	vmov s16;
	s16 =	smov.u32 s17;
	[tilespmem:s15+$0x140] =	vst v2  }
0xc2: {  	[tilespmem:s15+$0x160] =	vst v1;
	v1 =	vld [tilespmem:s15+$0x180]  }
0xc3: {  	[tilespmem:s15+$0x110] =	vst v5;
	v2 =	vld [tilespmem:s15+$0x1A0]  }
0xc4: {  	[tilespmem:s15+$0x150] =	vst v4;
	v4 =	vld [tilespmem:s15+$0x1F0]  }
0xc5: {  	[tilespmem:s15+$0x170] =	vst v3;
	v3 =	vld [tilespmem:s15+$0x1D0]  }
0xc6: {  	v0 =	vld.idx.msk [tilespmem:v0+s28+$0x0], $0xffff  }
0xc7: {  	v5 =	vld [tilespmem:s15+$0x190]  }
0xc8: {  	v6 =	vld [tilespmem:s15+$0x1B0]  }
0xc9: {  	v7 =	vld [tilespmem:s15+$0x1C0]  }
0xca: {  	v8 =	vld [tilespmem:s15+$0x1E0];
	_ =	sdelay $0x1  }
0xcb: {  	v1 =	vmul.f32 v1, v0;
	v5 =	vmul.f32 v5, v0  }
0xcc: {  	s17 =	sadd.s32 $0xFFFFFFF9, s16;
	v2 =	vmul.f32 v2, v0;
	v6 =	vmul.f32 v6, v0  }
0xcd: {  	v9 =	vmov s17;
	v3 =	vmul.f32 v3, v0;
	[tilespmem:s15+$0x180] =	vst v1;
	v1 =	vmul.f32 v7, v0  }
0xce: {  	v7 =	vand.u32 $0xFFFFFFF8, v9;
	[tilespmem:s15+$0x190] =	vst v5;
	v5 =	vmul.f32 v8, v0;
	v0 =	vmul.f32 v4, v0  }
0xcf: {  	v4 =	vbroadcast v7, $0x0;
	[tilespmem:s15+$0x1A0] =	vst v2  }
0xd0: {  	[tilespmem:s15+$0x1F0] =	vst v0  }
0xd1: {  	v0 =	vld [tilespmem:s20+$0xFFFFFE50];
	[tilespmem:s15+$0x1D0] =	vst v3  }
0xd2: {  	v2 =	vld [tilespmem:s20+$0xFFFFFE30];
	[tilespmem:s15+$0x1B0] =	vst v6  }
0xd3: {  	v3 =	vld [tilespmem:s20+$0xFFFFFE60];
	[tilespmem:s15+$0x1E0] =	vst v5  }
0xd4: {  	v5 =	vld [tilespmem:s20+$0xFFFFFE70];
	[tilespmem:s15+$0x1C0] =	vst v1;
	s15 =	smov.u32 s20  }
0xd5: {  	v1 =	vld.idx.msk [tilespmem:v4+s28+$0x0], $0xffff  }
0xd6: {  	v4 =	vld [tilespmem:s20+$0xFFFFFE00]  }
0xd7: {  	v6 =	vld [tilespmem:s20+$0xFFFFFE20]  }
0xd8: {  	v7 =	vld [tilespmem:s20+$0xFFFFFE10]  }
0xd9: {  	v8 =	vld [tilespmem:s20+$0xFFFFFE40];
	_ =	sdelay $0x1  }
0xda: {  	v5 =	vmul.f32 v5, v1;
	v4 =	vmul.f32 v4, v1  }
0xdb: {  	s17 =	sadd.s32 $0xFFFFFFFA, s16;
	v3 =	vmul.f32 v3, v1;
	v6 =	vmul.f32 v6, v1  }
0xdc: {  	v2 =	vmul.f32 v2, v1;
	v7 =	vmul.f32 v7, v1;
	[tilespmem:s20+$0xFFFFFE70] =	vst v5;
	v5 =	vmov s17  }
0xdd: {  	v0 =	vmul.f32 v0, v1;
	[tilespmem:s20+$0xFFFFFE00] =	vst v4;
	v4 =	vmul.f32 v8, v1;
	v1 =	vand.u32 $0xFFFFFFF9, v5  }
0xde: {  	[tilespmem:s20+$0xFFFFFE20] =	vst v6;
	v1 =	vbroadcast v1, $0x0  }
0xdf: {  	[tilespmem:s20+$0xFFFFFE30] =	vst v2  }
0xe0: {  	[tilespmem:s20+$0xFFFFFE50] =	vst v0;
	v0 =	vld [tilespmem:s20+$0xFFFFFEF0]  }
0xe1: {  	[tilespmem:s20+$0xFFFFFE10] =	vst v7;
	v2 =	vld [tilespmem:s20+$0xFFFFFED0]  }
0xe2: {  	[tilespmem:s20+$0xFFFFFE60] =	vst v3;
	v3 =	vld [tilespmem:s20+$0xFFFFFEB0]  }
0xe3: {  	[tilespmem:s20+$0xFFFFFE40] =	vst v4;
	v4 =	vld [tilespmem:s20+$0xFFFFFEC0]  }
0xe4: {  	v1 =	vld.idx.msk [tilespmem:v1+s28+$0x0], $0xffff  }
0xe5: {  	v5 =	vld [tilespmem:s20+$0xFFFFFE90]  }
0xe6: {  	v6 =	vld [tilespmem:s20+$0xFFFFFE80]  }
0xe7: {  	v7 =	vld [tilespmem:s20+$0xFFFFFEA0]  }
0xe8: {  	v8 =	vld [tilespmem:s20+$0xFFFFFEE0];
	_ =	sdelay $0x1  }
0xe9: {  	v4 =	vmul.f32 v4, v1;
	v5 =	vmul.f32 v5, v1  }
0xea: {  	s17 =	sadd.s32 $0xFFFFFFFB, s16;
	v3 =	vmul.f32 v3, v1;
	v6 =	vmul.f32 v6, v1  }
0xeb: {  	v2 =	vmul.f32 v2, v1;
	[tilespmem:s20+$0xFFFFFE90] =	vst v5;
	v5 =	vmul.f32 v7, v1;
	v7 =	vmov s17  }
0xec: {  	v0 =	vmul.f32 v0, v1;
	[tilespmem:s20+$0xFFFFFEC0] =	vst v4;
	v4 =	vmul.f32 v8, v1;
	v1 =	vand.u32 $0xFFFFFFFA, v7  }
0xed: {  	[tilespmem:s20+$0xFFFFFE80] =	vst v6;
	v1 =	vbroadcast v1, $0x0  }
0xee: {  	[tilespmem:s20+$0xFFFFFED0] =	vst v2  }
0xef: {  	[tilespmem:s20+$0xFFFFFEE0] =	vst v4;
	v2 =	vld [tilespmem:s20+$0xFFFFFF70]  }
0xf0: {  	[tilespmem:s20+$0xFFFFFEB0] =	vst v3;
	v3 =	vld [tilespmem:s20+$0xFFFFFF50]  }
0xf1: {  	[tilespmem:s20+$0xFFFFFEF0] =	vst v0;
	v0 =	vld [tilespmem:s20+$0xFFFFFF20]  }
0xf2: {  	[tilespmem:s20+$0xFFFFFEA0] =	vst v5;
	v4 =	vld [tilespmem:s20+$0xFFFFFF60]  }
0xf3: {  	v1 =	vld.idx.msk [tilespmem:v1+s28+$0x0], $0xffff  }
0xf4: {  	v5 =	vld [tilespmem:s20+$0xFFFFFF00]  }
0xf5: {  	v6 =	vld [tilespmem:s20+$0xFFFFFF10]  }
0xf6: {  	v7 =	vld [tilespmem:s20+$0xFFFFFF40]  }
0xf7: {  	v8 =	vld [tilespmem:s20+$0xFFFFFF30];
	_ =	sdelay $0x1  }
0xf8: {  	v4 =	vmul.f32 v4, v1;
	v5 =	vmul.f32 v5, v1  }
0xf9: {  	s17 =	sadd.s32 $0xFFFFFFFC, s16;
	v0 =	vmul.f32 v0, v1;
	v6 =	vmul.f32 v6, v1  }
0xfa: {  	v3 =	vmul.f32 v3, v1;
	[tilespmem:s20+$0xFFFFFF00] =	vst v5;
	v5 =	vmul.f32 v7, v1;
	v7 =	vmov s17  }
0xfb: {  	v8 =	vmul.f32 v8, v1;
	[tilespmem:s20+$0xFFFFFF60] =	vst v4;
	v1 =	vmul.f32 v2, v1;
	v2 =	vand.u32 $0xFFFFFFFB, v7  }
0xfc: {  	[tilespmem:s20+$0xFFFFFF10] =	vst v6;
	v2 =	vbroadcast v2, $0x0  }
0xfd: {  	[tilespmem:s20+$0xFFFFFF50] =	vst v3  }
0xfe: {  	[tilespmem:s20+$0xFFFFFF70] =	vst v1;
	v1 =	vld [tilespmem:s20+$0xFFFFFFF0]  }
0xff: {  	[tilespmem:s20+$0xFFFFFF20] =	vst v0;
	v0 =	vld [tilespmem:s20+$0xFFFFFFD0]  }
0x100: {  	[tilespmem:s20+$0xFFFFFF30] =	vst v8;
	v3 =	vld [tilespmem:s20+$0xFFFFFF90]  }
0x101: {  	[tilespmem:s20+$0xFFFFFF40] =	vst v5;
	v4 =	vld [tilespmem:s20+$0xFFFFFFE0]  }
0x102: {  	v2 =	vld.idx.msk [tilespmem:v2+s28+$0x0], $0xffff  }
0x103: {  	v5 =	vld [tilespmem:s20+$0xFFFFFFB0]  }
0x104: {  	v6 =	vld [tilespmem:s20+$0xFFFFFF80]  }
0x105: {  	v7 =	vld [tilespmem:s20+$0xFFFFFFC0]  }
0x106: {  	v8 =	vld [tilespmem:s20+$0xFFFFFFA0];
	_ =	sdelay $0x1  }
0x107: {  	v4 =	vmul.f32 v4, v2;
	v5 =	vmul.f32 v5, v2  }
0x108: {  	s17 =	sadd.s32 $0xFFFFFFFD, s16;
	v3 =	vmul.f32 v3, v2;
	v6 =	vmul.f32 v6, v2  }
0x109: {  	v0 =	vmul.f32 v0, v2;
	[tilespmem:s20+$0xFFFFFFB0] =	vst v5;
	v5 =	vmul.f32 v7, v2;
	v7 =	vmov s17  }
0x10a: {  	v1 =	vmul.f32 v1, v2;
	v8 =	vmul.f32 v8, v2;
	[tilespmem:s20+$0xFFFFFFE0] =	vst v4;
	v2 =	vand.u32 $0xFFFFFFFC, v7  }
0x10b: {  	[tilespmem:s20+$0xFFFFFF80] =	vst v6;
	v4 =	vbroadcast v2, $0x0  }
0x10c: {  	[tilespmem:s20+$0xFFFFFFD0] =	vst v0  }
0x10d: {  	[tilespmem:s20+$0xFFFFFFF0] =	vst v1;
	v7 =	vld [tilespmem:s20+$0x0]  }
0x10e: {  	[tilespmem:s20+$0xFFFFFFA0] =	vst v8;
	v0 =	vld [tilespmem:s20+$0x70]  }
0x10f: {  	[tilespmem:s20+$0xFFFFFF90] =	vst v3;
	v2 =	vld [tilespmem:s20+$0x50]  }
0x110: {  	[tilespmem:s20+$0xFFFFFFC0] =	vst v5;
	v6 =	vld [tilespmem:s20+$0x20]  }
0x111: {  	v1 =	vld.idx.msk [tilespmem:v4+s28+$0x0], $0xffff  }
0x112: {  	v9 =	vld [tilespmem:s20+$0x40]  }
.Ltmp0:
0x113: {  	v5 =	vld [tilespmem:s20+$0x30];
	(pc) =	sbr.rel @p1 .LBB2_3-.Ltmp0, $3  }
0x114: {  	v3 =	vld [tilespmem:s20+$0x10]  }
0x115: {  	v4 =	vld [tilespmem:s20+$0x60];
	_ =	sdelay $0x1  }
0x116: {  	v8 =	vmul.f32 v7, v1;
	v7 =	vmul.f32 v9, v1  }
0x117: {  	s8 =	sadd.s32 $0xFFFFFFFE, s16  }
0x118: {  	v6 =	vmul.f32 v6, v1;
	[tilespmem:s15+$0x0] =	vst v8;
	v8 =	vmov s8  }
0x119: {  	v2 =	vmul.f32 v2, v1;
	[tilespmem:s15+$0x40] =	vst v7;
	v7 =	vand.u32 $0xFFFFFFFD, v8  }
0x11a: {  	v0 =	vmul.f32 v0, v1;
	[tilespmem:s15+$0x20] =	vst v6;
	v6 =	vbroadcast v7, $0x0  }
0x11b: {  	v5 =	vmul.f32 v5, v1;
	[tilespmem:s15+$0x50] =	vst v2  }
0x11c: {  	v2 =	vmul.f32 v4, v1;
	[tilespmem:s15+$0x70] =	vst v0  }
0x11d: {  	v0 =	vmul.f32 v3, v1;
	[tilespmem:s15+$0x30] =	vst v5  }
0x11e: {  	[tilespmem:s15+$0x60] =	vst v2  }
0x11f: {  	v1 =	vld [tilespmem:s15+$0x80];
	[tilespmem:s15+$0x10] =	vst v0  }
0x120: {  	v0 =	vld.idx.msk [tilespmem:v6+s28+$0x0], $0xffff  }
0x121: {  	v2 =	vld [tilespmem:s15+$0xA0]  }
0x122: {  	v4 =	vld [tilespmem:s15+$0xC0]  }
0x123: {  	v3 =	vld [tilespmem:s15+$0xD0];
	_ =	sdelay $0x1  }
0x124: {  	v7 =	vld [tilespmem:s15+$0x90];
	v1 =	vmul.f32 v1, v0  }
0x125: {  	v5 =	vld [tilespmem:s15+$0xF0];
	v2 =	vmul.f32 v2, v0  }
0x126: {  	s17 =	sadd.s32 $0xFFFFFFFF, s16;
	v6 =	vld [tilespmem:s15+$0xB0];
	v4 =	vmul.f32 v4, v0;
	[tilespmem:s15+$0x80] =	vst v1  }
0x127: {  	v8 =	vld [tilespmem:s15+$0xE0];
	v1 =	vmul.f32 v3, v0;
	v3 =	vmov s17;
	[tilespmem:s15+$0xA0] =	vst v2  }
0x128: {  	[tilespmem:s15+$0xC0] =	vst v4;
	v2 =	vand.u32 $0xFFFFFFFE, v3  }
0x129: {  	v4 =	vmul.f32 v7, v0;
	[tilespmem:s15+$0xD0] =	vst v1;
	v1 =	vbroadcast v2, $0x0  }
0x12a: {  	v3 =	vmul.f32 v5, v0  }
0x12b: {  	v2 =	vmul.f32 v6, v0;
	[tilespmem:s15+$0x90] =	vst v4  }
0x12c: {  	v0 =	vmul.f32 v8, v0;
	[tilespmem:s15+$0xF0] =	vst v3  }
0x12d: {  	[tilespmem:s15+$0xB0] =	vst v2  }
0x12e: {  	v2 =	vld [tilespmem:s15+$0x100];
	[tilespmem:s15+$0xE0] =	vst v0  }
0x12f: {  	v0 =	vld.idx.msk [tilespmem:v1+s28+$0x0], $0xffff  }
0x130: {  	v1 =	vld [tilespmem:s15+$0x120]  }
0x131: {  	v3 =	vld [tilespmem:s15+$0x130]  }
0x132: {  	v4 =	vld [tilespmem:s15+$0x140]  }
0x133: {  	v5 =	vld [tilespmem:s15+$0x160]  }
0x134: {  	v6 =	vld [tilespmem:s15+$0x110];
	v2 =	vmul.f32 v2, v0  }
0x135: {  	v7 =	vld [tilespmem:s15+$0x150];
	v1 =	vmul.f32 v1, v0  }
0x136: {  	v8 =	vld [tilespmem:s15+$0x170];
	v3 =	vmul.f32 v3, v0;
	[tilespmem:s15+$0x100] =	vst v2  }
0x137: {  	v2 =	vmul.f32 v4, v0;
	[tilespmem:s15+$0x120] =	vst v1  }
0x138: {  	v1 =	vmul.f32 v5, v0;
	[tilespmem:s15+$0x130] =	vst v3  }
0x139: {  	v3 =	vmul.f32 v6, v0;
	[tilespmem:s15+$0x140] =	vst v2;
	v2 =	vmov s16  }
0x13a: {  	v4 =	vmul.f32 v7, v0;
	[tilespmem:s15+$0x160] =	vst v1  }
0x13b: {  	v0 =	vmul.f32 v8, v0;
	[tilespmem:s15+$0x110] =	vst v3  }
0x13c: {  	[tilespmem:s15+$0x150] =	vst v4  }
0x13d: {  	v1 =	vld [tilespmem:s15+$0x180];
	[tilespmem:s15+$0x170] =	vst v0  }
0x13e: {  	v0 =	vld.idx.msk [tilespmem:v2+s28+$0x0], $0xffff  }
0x13f: {  	v2 =	vld [tilespmem:s15+$0x190]  }
0x140: {  	v3 =	vld [tilespmem:s15+$0x1A0]  }
0x141: {  	v4 =	vld [tilespmem:s15+$0x1F0]  }
0x142: {  	v5 =	vld [tilespmem:s15+$0x1D0]  }
0x143: {  	v6 =	vld [tilespmem:s15+$0x1B0];
	v1 =	vmul.f32 v1, v0  }
0x144: {  	v7 =	vld [tilespmem:s15+$0x1E0];
	v2 =	vmul.f32 v2, v0  }
0x145: {  	v8 =	vld [tilespmem:s15+$0x1C0];
	v3 =	vmul.f32 v3, v0;
	[tilespmem:s15+$0x180] =	vst v1  }
0x146: {  	[tilespmem:s15+$0x190] =	vst v2;
	v1 =	vmul.f32 v4, v0  }
0x147: {  	v2 =	vmul.f32 v5, v0;
	[tilespmem:s15+$0x1A0] =	vst v3  }
0x148: {  	v3 =	vmul.f32 v6, v0;
	[tilespmem:s15+$0x1F0] =	vst v1  }
0x149: {  	v1 =	vmul.f32 v7, v0;
	[tilespmem:s15+$0x1D0] =	vst v2  }
0x14a: {  	v0 =	vmul.f32 v8, v0;
	[tilespmem:s15+$0x1B0] =	vst v3  }
0x14b: {  	[tilespmem:s15+$0x1E0] =	vst v1  }
0x14c: {  	[tilespmem:s15+$0x1C0] =	vst v0  }
0x14d: {  	[spmem:s3] =	stream.indirect.scatter.add.f32 [tilespmem:s24], [sflag:$0x7], $0x80, s26, s25, $0xb8;
	[tilespmem:$0x1F300] =	vst v63  }
0x14e: {  	_ =	swait.ge [sflag:s22], $0x3000  }
0x14f: {  	[sflag:s22] =	ssyncset.done $0x0  }
0x150: {  	[sflag:s22] =	ssyncadd.s32 $0xFFFFD000  }
0x151: {  	_ =	swait.ge [sflag:s0], $0x80  }
0x152: {  	[sflag:s0] =	ssyncset.done $0x0  }
0x153: {  	[sflag:s0] =	ssyncadd.s32 $0xFFFFFF80  }
0x154: {  	_ =	swait.ge [sflag:s0], $0x80  }
0x155: {  	s20 =	sadd.s32 $0x2, s19;
	[sflag:s0] =	ssyncset.done $0x0  }
0x156: {  	s8 =	simm.s32 @!p0 $0x9;
	s23 =	smul.u32 $0x180, s20;
	[sflag:s0] =	ssyncadd.s32 $0xFFFFFF80  }
0x157: {  	s17 =	sshll.u32 s20, $0x7;
	s20 =	simm.s32 $0x0;
	_ =	swait.ge @!p0 [sflag:s8], $0x3000  }
0x158: {  	s16 =	sshra.s32 s23, $0x2;
	s15 =	sand.u32 $0xFC00, s17;
	[sflag:s8] =	ssyncset.done @!p0 $0x0  }
0x159: {  	s15 =	sadd.s32 s11, s15;
	[sflag:s8] =	ssyncadd.s32 @!p0 $0xFFFFD000;
	s8 =	sand.u32 $0x380, s17  }
0x15a: {  	v0 =	vmov s20;
	[tilespmem:s7], [sflag:$0x3] =	stream.indirect.gather [hbm4b:s1+s25], $0x80, s16, s25, $0xb8;
	[tilespmem:$0x1F300] =	vst v63  }
0x15b: {  	v0 =	vand.u32 $0xFFFFFFF8, v0;
	s8 =	sor.u32 s8, s15  }
0x15c: {  	v0 =	vbroadcast v0, $0x0;
	s8 =	sshrl.u32 s8, $0x3  }
0x15d: {  	s23 =	sadd.s32 s6, s8  }
0x15e: {  	[tilespmem:s9], [sflag:$0x6] =	stream.linear.gather [hbm4b:s23+s4], $0x80, $0x38;
	[tilespmem:$0x1F300] =	vst v63  }
0x15f: {  	s20 =	simm.s32 $0x5980;
	s8 =	sadd.s32 s5, s8  }
0x160: {  	[tilespmem:s10], [sflag:$0x6] =	stream.linear.gather [hbm4b:s8+s4], $0x80, $0x38;
	[tilespmem:$0x1F300] =	vst v63  }
0x161: {  	v2 =	vld [tilespmem:s20+$0xFFFFFE70]  }
0x162: {  	v0 =	vld.idx.msk [tilespmem:v0+s21+$0x0], $0xffff  }
0x163: {  	v3 =	vld [tilespmem:s20+$0xFFFFFE00]  }
0x164: {  	v4 =	vld [tilespmem:s20+$0xFFFFFE20]  }
0x165: {  	v5 =	vld [tilespmem:s20+$0xFFFFFE30]  }
0x166: {  	v1 =	vld [tilespmem:s20+$0xFFFFFE50]  }
0x167: {  	v7 =	vld [tilespmem:s20+$0xFFFFFE10];
	v2 =	vmul.f32 v2, v0  }
0x168: {  	s15 =	simm.s32 $0x1;
	v6 =	vld [tilespmem:s20+$0xFFFFFE60];
	v3 =	vmul.f32 v3, v0  }
0x169: {  	v8 =	vld [tilespmem:s20+$0xFFFFFE40];
	v4 =	vmul.f32 v4, v0;
	[tilespmem:s20+$0xFFFFFE70] =	vst v2;
	v2 =	vmov s15  }
0x16a: {  	v5 =	vmul.f32 v5, v0;
	[tilespmem:s20+$0xFFFFFE00] =	vst v3;
	v2 =	vand.u32 $0xFFFFFFF9, v2  }
0x16b: {  	v1 =	vmul.f32 v1, v0;
	[tilespmem:s20+$0xFFFFFE20] =	vst v4;
	v2 =	vbroadcast v2, $0x0  }
0x16c: {  	v3 =	vmul.f32 v7, v0;
	[tilespmem:s20+$0xFFFFFE30] =	vst v5  }
0x16d: {  	v4 =	vmul.f32 v6, v0;
	[tilespmem:s20+$0xFFFFFE50] =	vst v1  }
0x16e: {  	v0 =	vmul.f32 v8, v0;
	[tilespmem:s20+$0xFFFFFE10] =	vst v3  }
0x16f: {  	[tilespmem:s20+$0xFFFFFE60] =	vst v4  }
0x170: {  	[tilespmem:s20+$0xFFFFFE40] =	vst v0  }
0x171: {  	v0 =	vld.idx.msk [tilespmem:v2+s21+$0x0], $0xffff  }
0x172: {  	v2 =	vld [tilespmem:s20+$0xFFFFFE90]  }
0x173: {  	v3 =	vld [tilespmem:s20+$0xFFFFFEC0]  }
0x174: {  	v4 =	vld [tilespmem:s20+$0xFFFFFE80]  }
0x175: {  	v5 =	vld [tilespmem:s20+$0xFFFFFED0]  }
0x176: {  	v1 =	vld [tilespmem:s20+$0xFFFFFEF0]  }
0x177: {  	v6 =	vld [tilespmem:s20+$0xFFFFFEE0];
	v2 =	vmul.f32 v2, v0  }
0x178: {  	s16 =	simm.s32 $0x2;
	v7 =	vld [tilespmem:s20+$0xFFFFFEB0];
	v3 =	vmul.f32 v3, v0  }
0x179: {  	v8 =	vld [tilespmem:s20+$0xFFFFFEA0];
	v4 =	vmul.f32 v4, v0;
	[tilespmem:s20+$0xFFFFFE90] =	vst v2;
	v2 =	vmov s16  }
0x17a: {  	v5 =	vmul.f32 v5, v0;
	[tilespmem:s20+$0xFFFFFEC0] =	vst v3;
	v2 =	vand.u32 $0xFFFFFFFA, v2  }
0x17b: {  	v1 =	vmul.f32 v1, v0;
	[tilespmem:s20+$0xFFFFFE80] =	vst v4;
	v2 =	vbroadcast v2, $0x0  }
0x17c: {  	v3 =	vmul.f32 v6, v0;
	[tilespmem:s20+$0xFFFFFED0] =	vst v5  }
0x17d: {  	v4 =	vmul.f32 v7, v0;
	[tilespmem:s20+$0xFFFFFEF0] =	vst v1  }
0x17e: {  	v0 =	vmul.f32 v8, v0;
	[tilespmem:s20+$0xFFFFFEE0] =	vst v3  }
0x17f: {  	[tilespmem:s20+$0xFFFFFEB0] =	vst v4  }
0x180: {  	v1 =	vld [tilespmem:s20+$0xFFFFFF00];
	[tilespmem:s20+$0xFFFFFEA0] =	vst v0  }
0x181: {  	v0 =	vld.idx.msk [tilespmem:v2+s21+$0x0], $0xffff  }
0x182: {  	v2 =	vld [tilespmem:s20+$0xFFFFFF60]  }
0x183: {  	v3 =	vld [tilespmem:s20+$0xFFFFFF10]  }
0x184: {  	v4 =	vld [tilespmem:s20+$0xFFFFFF50]  }
0x185: {  	v5 =	vld [tilespmem:s20+$0xFFFFFF70]  }
0x186: {  	v6 =	vld [tilespmem:s20+$0xFFFFFF20];
	v1 =	vmul.f32 v1, v0  }
0x187: {  	s17 =	simm.s32 $0x3;
	v7 =	vld [tilespmem:s20+$0xFFFFFF30];
	v2 =	vmul.f32 v2, v0  }
0x188: {  	v8 =	vld [tilespmem:s20+$0xFFFFFF40];
	v3 =	vmul.f32 v3, v0;
	[tilespmem:s20+$0xFFFFFF00] =	vst v1;
	v1 =	vmov s17  }
0x189: {  	v4 =	vmul.f32 v4, v0;
	[tilespmem:s20+$0xFFFFFF60] =	vst v2;
	v1 =	vand.u32 $0xFFFFFFFB, v1  }
0x18a: {  	v2 =	vmul.f32 v5, v0;
	[tilespmem:s20+$0xFFFFFF10] =	vst v3;
	v1 =	vbroadcast v1, $0x0  }
0x18b: {  	v3 =	vmul.f32 v6, v0;
	[tilespmem:s20+$0xFFFFFF50] =	vst v4  }
0x18c: {  	v4 =	vmul.f32 v7, v0;
	[tilespmem:s20+$0xFFFFFF70] =	vst v2  }
0x18d: {  	v0 =	vmul.f32 v8, v0;
	[tilespmem:s20+$0xFFFFFF20] =	vst v3  }
0x18e: {  	[tilespmem:s20+$0xFFFFFF30] =	vst v4  }
0x18f: {  	[tilespmem:s20+$0xFFFFFF40] =	vst v0  }
0x190: {  	v0 =	vld.idx.msk [tilespmem:v1+s21+$0x0], $0xffff  }
0x191: {  	v1 =	vld [tilespmem:s20+$0xFFFFFFB0]  }
0x192: {  	v3 =	vld [tilespmem:s20+$0xFFFFFFE0]  }
0x193: {  	v4 =	vld [tilespmem:s20+$0xFFFFFF80]  }
0x194: {  	v5 =	vld [tilespmem:s20+$0xFFFFFFD0]  }
0x195: {  	v2 =	vld [tilespmem:s20+$0xFFFFFFF0]  }
0x196: {  	v7 =	vld [tilespmem:s20+$0xFFFFFFA0];
	v1 =	vmul.f32 v1, v0  }
0x197: {  	s23 =	simm.s32 $0x4;
	v6 =	vld [tilespmem:s20+$0xFFFFFF90];
	v3 =	vmul.f32 v3, v0  }
0x198: {  	v8 =	vld [tilespmem:s20+$0xFFFFFFC0];
	v4 =	vmul.f32 v4, v0;
	[tilespmem:s20+$0xFFFFFFB0] =	vst v1;
	v1 =	vmov s23  }
0x199: {  	v5 =	vmul.f32 v5, v0;
	[tilespmem:s20+$0xFFFFFFE0] =	vst v3;
	v1 =	vand.u32 $0xFFFFFFFC, v1  }
0x19a: {  	v2 =	vmul.f32 v2, v0;
	[tilespmem:s20+$0xFFFFFF80] =	vst v4;
	v1 =	vbroadcast v1, $0x0  }
0x19b: {  	v9 =	vld [tilespmem:s20+$0x40];
	v3 =	vmul.f32 v7, v0;
	[tilespmem:s20+$0xFFFFFFD0] =	vst v5  }
0x19c: {  	v4 =	vmul.f32 v6, v0;
	[tilespmem:s20+$0xFFFFFFF0] =	vst v2;
	v7 =	vld [tilespmem:s20+$0x0]  }
0x19d: {  	v2 =	vmul.f32 v8, v0;
	v0 =	vld [tilespmem:s20+$0x70];
	[tilespmem:s20+$0xFFFFFFA0] =	vst v3  }
0x19e: {  	v6 =	vld [tilespmem:s20+$0x20];
	[tilespmem:s20+$0xFFFFFF90] =	vst v4  }
0x19f: {  	v5 =	vld [tilespmem:s20+$0x30];
	[tilespmem:s20+$0xFFFFFFC0] =	vst v2  }
0x1a0: {  	v1 =	vld.idx.msk [tilespmem:v1+s21+$0x0], $0xffff  }
0x1a1: {  	v2 =	vld [tilespmem:s20+$0x50]  }
0x1a2: {  	v3 =	vld [tilespmem:s20+$0x10]  }
0x1a3: {  	v4 =	vld [tilespmem:s20+$0x60];
	_ =	sdelay $0x1  }
0x1a4: {  	s8 =	simm.s32 $0xF;
	s15 =	simm.s32 $0x5980;
	s16 =	simm.s32 $0x7;
	v8 =	vmul.f32 v7, v1;
	v7 =	vmul.f32 v9, v1  }
.LBB2_5:
0x1a5: {  	p0 =	sne.s32 s8, $0x5F;
	v6 =	vmul.f32 v6, v1;
	v5 =	vmul.f32 v5, v1;
	s17 =	sadd.s32 $0xFFFFFFFE, s16;
	s20 =	sadd.s32 $0x400, s20  }
0x1a6: {  	v2 =	vmul.f32 v2, v1;
	[tilespmem:s15+$0x0] =	vst v8;
	v3 =	vmul.f32 v3, v1;
	v8 =	vmov s17;
	s17 =	smov.u32 s8;
	s8 =	sadd.s32 $0x8, s8  }
0x1a7: {  	v0 =	vmul.f32 v0, v1;
	[tilespmem:s15+$0x40] =	vst v7;
	v4 =	vmul.f32 v4, v1;
	v1 =	vand.u32 $0xFFFFFFFD, v8  }
0x1a8: {  	[tilespmem:s15+$0x20] =	vst v6;
	v1 =	vbroadcast v1, $0x0  }
0x1a9: {  	[tilespmem:s15+$0x50] =	vst v2  }
0x1aa: {  	[tilespmem:s15+$0x70] =	vst v0;
	v0 =	vld [tilespmem:s15+$0xA0]  }
0x1ab: {  	[tilespmem:s15+$0x30] =	vst v5;
	v2 =	vld [tilespmem:s15+$0x80]  }
0x1ac: {  	[tilespmem:s15+$0x60] =	vst v4;
	v4 =	vld [tilespmem:s15+$0xD0]  }
0x1ad: {  	[tilespmem:s15+$0x10] =	vst v3;
	v3 =	vld [tilespmem:s15+$0xF0]  }
0x1ae: {  	v1 =	vld.idx.msk [tilespmem:v1+s21+$0x0], $0xffff  }
0x1af: {  	v5 =	vld [tilespmem:s15+$0xC0]  }
0x1b0: {  	v6 =	vld [tilespmem:s15+$0xB0]  }
0x1b1: {  	v7 =	vld [tilespmem:s15+$0x90]  }
0x1b2: {  	v8 =	vld [tilespmem:s15+$0xE0];
	_ =	sdelay $0x1  }
0x1b3: {  	v2 =	vmul.f32 v2, v1;
	v5 =	vmul.f32 v5, v1  }
0x1b4: {  	s23 =	sadd.s32 $0xFFFFFFFF, s16;
	v0 =	vmul.f32 v0, v1;
	v6 =	vmul.f32 v6, v1  }
0x1b5: {  	v4 =	vmul.f32 v4, v1;
	[tilespmem:s15+$0x80] =	vst v2;
	v2 =	vmul.f32 v7, v1;
	v7 =	vmov s23  }
0x1b6: {  	[tilespmem:s15+$0xA0] =	vst v0;
	v0 =	vmul.f32 v8, v1;
	v1 =	vmul.f32 v3, v1;
	v3 =	vand.u32 $0xFFFFFFFE, v7  }
0x1b7: {  	[tilespmem:s15+$0xD0] =	vst v4;
	v3 =	vbroadcast v3, $0x0  }
0x1b8: {  	[tilespmem:s15+$0xC0] =	vst v5  }
0x1b9: {  	[tilespmem:s15+$0xF0] =	vst v1;
	v1 =	vld [tilespmem:s15+$0x120]  }
0x1ba: {  	[tilespmem:s15+$0xB0] =	vst v6;
	v4 =	vld [tilespmem:s15+$0x100]  }
0x1bb: {  	[tilespmem:s15+$0x90] =	vst v2;
	v2 =	vld [tilespmem:s15+$0x140]  }
0x1bc: {  	[tilespmem:s15+$0xE0] =	vst v0;
	v0 =	vld [tilespmem:s15+$0x130]  }
0x1bd: {  	v3 =	vld.idx.msk [tilespmem:v3+s21+$0x0], $0xffff  }
0x1be: {  	v5 =	vld [tilespmem:s15+$0x110]  }
0x1bf: {  	v6 =	vld [tilespmem:s15+$0x160]  }
0x1c0: {  	v7 =	vld [tilespmem:s15+$0x150]  }
0x1c1: {  	v8 =	vld [tilespmem:s15+$0x170];
	_ =	sdelay $0x1  }
0x1c2: {  	v4 =	vmul.f32 v4, v3;
	v5 =	vmul.f32 v5, v3  }
0x1c3: {  	v1 =	vmul.f32 v1, v3;
	v0 =	vmul.f32 v0, v3  }
0x1c4: {  	v2 =	vmul.f32 v2, v3;
	[tilespmem:s15+$0x100] =	vst v4;
	v4 =	vmul.f32 v7, v3  }
0x1c5: {  	[tilespmem:s15+$0x120] =	vst v1;
	v1 =	vmul.f32 v6, v3;
	v3 =	vmul.f32 v8, v3  }
0x1c6: {  	[tilespmem:s15+$0x130] =	vst v0  }
0x1c7: {  	v0 =	vmov s16;
	s16 =	smov.u32 s17;
	[tilespmem:s15+$0x140] =	vst v2  }
0x1c8: {  	[tilespmem:s15+$0x160] =	vst v1;
	v1 =	vld [tilespmem:s15+$0x180]  }
0x1c9: {  	[tilespmem:s15+$0x110] =	vst v5;
	v2 =	vld [tilespmem:s15+$0x1A0]  }
0x1ca: {  	[tilespmem:s15+$0x150] =	vst v4;
	v4 =	vld [tilespmem:s15+$0x1F0]  }
0x1cb: {  	[tilespmem:s15+$0x170] =	vst v3;
	v3 =	vld [tilespmem:s15+$0x1D0]  }
0x1cc: {  	v0 =	vld.idx.msk [tilespmem:v0+s21+$0x0], $0xffff  }
0x1cd: {  	v5 =	vld [tilespmem:s15+$0x190]  }
0x1ce: {  	v6 =	vld [tilespmem:s15+$0x1B0]  }
0x1cf: {  	v7 =	vld [tilespmem:s15+$0x1C0]  }
0x1d0: {  	v8 =	vld [tilespmem:s15+$0x1E0];
	_ =	sdelay $0x1  }
0x1d1: {  	v1 =	vmul.f32 v1, v0;
	v5 =	vmul.f32 v5, v0  }
0x1d2: {  	s17 =	sadd.s32 $0xFFFFFFF9, s16;
	v2 =	vmul.f32 v2, v0;
	v6 =	vmul.f32 v6, v0  }
0x1d3: {  	v9 =	vmov s17;
	v3 =	vmul.f32 v3, v0;
	[tilespmem:s15+$0x180] =	vst v1;
	v1 =	vmul.f32 v7, v0  }
0x1d4: {  	v7 =	vand.u32 $0xFFFFFFF8, v9;
	[tilespmem:s15+$0x190] =	vst v5;
	v5 =	vmul.f32 v8, v0;
	v0 =	vmul.f32 v4, v0  }
0x1d5: {  	v4 =	vbroadcast v7, $0x0;
	[tilespmem:s15+$0x1A0] =	vst v2  }
0x1d6: {  	[tilespmem:s15+$0x1F0] =	vst v0  }
0x1d7: {  	v0 =	vld [tilespmem:s20+$0xFFFFFE50];
	[tilespmem:s15+$0x1D0] =	vst v3  }
0x1d8: {  	v2 =	vld [tilespmem:s20+$0xFFFFFE30];
	[tilespmem:s15+$0x1B0] =	vst v6  }
0x1d9: {  	v3 =	vld [tilespmem:s20+$0xFFFFFE60];
	[tilespmem:s15+$0x1E0] =	vst v5  }
0x1da: {  	v5 =	vld [tilespmem:s20+$0xFFFFFE70];
	[tilespmem:s15+$0x1C0] =	vst v1;
	s15 =	smov.u32 s20  }
0x1db: {  	v1 =	vld.idx.msk [tilespmem:v4+s21+$0x0], $0xffff  }
0x1dc: {  	v4 =	vld [tilespmem:s20+$0xFFFFFE00]  }
0x1dd: {  	v6 =	vld [tilespmem:s20+$0xFFFFFE20]  }
0x1de: {  	v7 =	vld [tilespmem:s20+$0xFFFFFE10]  }
0x1df: {  	v8 =	vld [tilespmem:s20+$0xFFFFFE40];
	_ =	sdelay $0x1  }
0x1e0: {  	v5 =	vmul.f32 v5, v1;
	v4 =	vmul.f32 v4, v1  }
0x1e1: {  	s17 =	sadd.s32 $0xFFFFFFFA, s16;
	v3 =	vmul.f32 v3, v1;
	v6 =	vmul.f32 v6, v1  }
0x1e2: {  	v2 =	vmul.f32 v2, v1;
	v7 =	vmul.f32 v7, v1;
	[tilespmem:s20+$0xFFFFFE70] =	vst v5;
	v5 =	vmov s17  }
0x1e3: {  	v0 =	vmul.f32 v0, v1;
	[tilespmem:s20+$0xFFFFFE00] =	vst v4;
	v4 =	vmul.f32 v8, v1;
	v1 =	vand.u32 $0xFFFFFFF9, v5  }
0x1e4: {  	[tilespmem:s20+$0xFFFFFE20] =	vst v6;
	v1 =	vbroadcast v1, $0x0  }
0x1e5: {  	[tilespmem:s20+$0xFFFFFE30] =	vst v2  }
0x1e6: {  	[tilespmem:s20+$0xFFFFFE50] =	vst v0;
	v0 =	vld [tilespmem:s20+$0xFFFFFEF0]  }
0x1e7: {  	[tilespmem:s20+$0xFFFFFE10] =	vst v7;
	v2 =	vld [tilespmem:s20+$0xFFFFFED0]  }
0x1e8: {  	[tilespmem:s20+$0xFFFFFE60] =	vst v3;
	v3 =	vld [tilespmem:s20+$0xFFFFFEB0]  }
0x1e9: {  	[tilespmem:s20+$0xFFFFFE40] =	vst v4;
	v4 =	vld [tilespmem:s20+$0xFFFFFEC0]  }
0x1ea: {  	v1 =	vld.idx.msk [tilespmem:v1+s21+$0x0], $0xffff  }
0x1eb: {  	v5 =	vld [tilespmem:s20+$0xFFFFFE90]  }
0x1ec: {  	v6 =	vld [tilespmem:s20+$0xFFFFFE80]  }
0x1ed: {  	v7 =	vld [tilespmem:s20+$0xFFFFFEA0]  }
0x1ee: {  	v8 =	vld [tilespmem:s20+$0xFFFFFEE0];
	_ =	sdelay $0x1  }
0x1ef: {  	v4 =	vmul.f32 v4, v1;
	v5 =	vmul.f32 v5, v1  }
0x1f0: {  	s17 =	sadd.s32 $0xFFFFFFFB, s16;
	v3 =	vmul.f32 v3, v1;
	v6 =	vmul.f32 v6, v1  }
0x1f1: {  	v2 =	vmul.f32 v2, v1;
	[tilespmem:s20+$0xFFFFFE90] =	vst v5;
	v5 =	vmul.f32 v7, v1;
	v7 =	vmov s17  }
0x1f2: {  	v0 =	vmul.f32 v0, v1;
	[tilespmem:s20+$0xFFFFFEC0] =	vst v4;
	v4 =	vmul.f32 v8, v1;
	v1 =	vand.u32 $0xFFFFFFFA, v7  }
0x1f3: {  	[tilespmem:s20+$0xFFFFFE80] =	vst v6;
	v1 =	vbroadcast v1, $0x0  }
0x1f4: {  	[tilespmem:s20+$0xFFFFFED0] =	vst v2  }
0x1f5: {  	[tilespmem:s20+$0xFFFFFEE0] =	vst v4;
	v2 =	vld [tilespmem:s20+$0xFFFFFF70]  }
0x1f6: {  	[tilespmem:s20+$0xFFFFFEB0] =	vst v3;
	v3 =	vld [tilespmem:s20+$0xFFFFFF50]  }
0x1f7: {  	[tilespmem:s20+$0xFFFFFEF0] =	vst v0;
	v0 =	vld [tilespmem:s20+$0xFFFFFF20]  }
0x1f8: {  	[tilespmem:s20+$0xFFFFFEA0] =	vst v5;
	v4 =	vld [tilespmem:s20+$0xFFFFFF60]  }
0x1f9: {  	v1 =	vld.idx.msk [tilespmem:v1+s21+$0x0], $0xffff  }
0x1fa: {  	v5 =	vld [tilespmem:s20+$0xFFFFFF00]  }
0x1fb: {  	v6 =	vld [tilespmem:s20+$0xFFFFFF10]  }
0x1fc: {  	v7 =	vld [tilespmem:s20+$0xFFFFFF40]  }
0x1fd: {  	v8 =	vld [tilespmem:s20+$0xFFFFFF30];
	_ =	sdelay $0x1  }
0x1fe: {  	v4 =	vmul.f32 v4, v1;
	v5 =	vmul.f32 v5, v1  }
0x1ff: {  	s17 =	sadd.s32 $0xFFFFFFFC, s16;
	v0 =	vmul.f32 v0, v1;
	v6 =	vmul.f32 v6, v1  }
0x200: {  	v3 =	vmul.f32 v3, v1;
	[tilespmem:s20+$0xFFFFFF00] =	vst v5;
	v5 =	vmul.f32 v7, v1;
	v7 =	vmov s17  }
0x201: {  	v8 =	vmul.f32 v8, v1;
	[tilespmem:s20+$0xFFFFFF60] =	vst v4;
	v1 =	vmul.f32 v2, v1;
	v2 =	vand.u32 $0xFFFFFFFB, v7  }
0x202: {  	[tilespmem:s20+$0xFFFFFF10] =	vst v6;
	v2 =	vbroadcast v2, $0x0  }
0x203: {  	[tilespmem:s20+$0xFFFFFF50] =	vst v3  }
0x204: {  	[tilespmem:s20+$0xFFFFFF70] =	vst v1;
	v1 =	vld [tilespmem:s20+$0xFFFFFFF0]  }
0x205: {  	[tilespmem:s20+$0xFFFFFF20] =	vst v0;
	v0 =	vld [tilespmem:s20+$0xFFFFFFD0]  }
0x206: {  	[tilespmem:s20+$0xFFFFFF30] =	vst v8;
	v3 =	vld [tilespmem:s20+$0xFFFFFF90]  }
0x207: {  	[tilespmem:s20+$0xFFFFFF40] =	vst v5;
	v4 =	vld [tilespmem:s20+$0xFFFFFFE0]  }
0x208: {  	v2 =	vld.idx.msk [tilespmem:v2+s21+$0x0], $0xffff  }
0x209: {  	v5 =	vld [tilespmem:s20+$0xFFFFFFB0]  }
0x20a: {  	v6 =	vld [tilespmem:s20+$0xFFFFFF80]  }
0x20b: {  	v7 =	vld [tilespmem:s20+$0xFFFFFFC0]  }
0x20c: {  	v8 =	vld [tilespmem:s20+$0xFFFFFFA0];
	_ =	sdelay $0x1  }
0x20d: {  	v4 =	vmul.f32 v4, v2;
	v5 =	vmul.f32 v5, v2  }
0x20e: {  	s17 =	sadd.s32 $0xFFFFFFFD, s16;
	v3 =	vmul.f32 v3, v2;
	v6 =	vmul.f32 v6, v2  }
0x20f: {  	v0 =	vmul.f32 v0, v2;
	[tilespmem:s20+$0xFFFFFFB0] =	vst v5;
	v5 =	vmul.f32 v7, v2;
	v7 =	vmov s17  }
0x210: {  	v1 =	vmul.f32 v1, v2;
	v8 =	vmul.f32 v8, v2;
	[tilespmem:s20+$0xFFFFFFE0] =	vst v4;
	v2 =	vand.u32 $0xFFFFFFFC, v7  }
0x211: {  	[tilespmem:s20+$0xFFFFFF80] =	vst v6;
	v4 =	vbroadcast v2, $0x0  }
0x212: {  	[tilespmem:s20+$0xFFFFFFD0] =	vst v0  }
0x213: {  	[tilespmem:s20+$0xFFFFFFF0] =	vst v1;
	v7 =	vld [tilespmem:s20+$0x0]  }
0x214: {  	[tilespmem:s20+$0xFFFFFFA0] =	vst v8;
	v0 =	vld [tilespmem:s20+$0x70]  }
0x215: {  	[tilespmem:s20+$0xFFFFFF90] =	vst v3;
	v2 =	vld [tilespmem:s20+$0x50]  }
0x216: {  	[tilespmem:s20+$0xFFFFFFC0] =	vst v5;
	v6 =	vld [tilespmem:s20+$0x20]  }
0x217: {  	v1 =	vld.idx.msk [tilespmem:v4+s21+$0x0], $0xffff  }
0x218: {  	v9 =	vld [tilespmem:s20+$0x40]  }
.Ltmp1:
0x219: {  	v5 =	vld [tilespmem:s20+$0x30];
	(pc) =	sbr.rel @p0 .LBB2_5-.Ltmp1, $3  }
0x21a: {  	v3 =	vld [tilespmem:s20+$0x10]  }
0x21b: {  	v4 =	vld [tilespmem:s20+$0x60];
	_ =	sdelay $0x1  }
0x21c: {  	v8 =	vmul.f32 v7, v1;
	v7 =	vmul.f32 v9, v1  }
0x21d: {  	s8 =	sadd.s32 $0xFFFFFFFE, s16  }
0x21e: {  	v6 =	vmul.f32 v6, v1;
	[tilespmem:s15+$0x0] =	vst v8;
	v8 =	vmov s8  }
0x21f: {  	v2 =	vmul.f32 v2, v1;
	[tilespmem:s15+$0x40] =	vst v7;
	v7 =	vand.u32 $0xFFFFFFFD, v8  }
0x220: {  	v0 =	vmul.f32 v0, v1;
	[tilespmem:s15+$0x20] =	vst v6;
	v6 =	vbroadcast v7, $0x0  }
0x221: {  	v5 =	vmul.f32 v5, v1;
	[tilespmem:s15+$0x50] =	vst v2  }
0x222: {  	v2 =	vmul.f32 v4, v1;
	[tilespmem:s15+$0x70] =	vst v0  }
0x223: {  	v0 =	vmul.f32 v3, v1;
	[tilespmem:s15+$0x30] =	vst v5  }
0x224: {  	[tilespmem:s15+$0x60] =	vst v2  }
0x225: {  	v1 =	vld [tilespmem:s15+$0x80];
	[tilespmem:s15+$0x10] =	vst v0  }
0x226: {  	v0 =	vld.idx.msk [tilespmem:v6+s21+$0x0], $0xffff  }
0x227: {  	v2 =	vld [tilespmem:s15+$0xA0]  }
0x228: {  	v4 =	vld [tilespmem:s15+$0xC0]  }
0x229: {  	v3 =	vld [tilespmem:s15+$0xD0];
	_ =	sdelay $0x1  }
0x22a: {  	v7 =	vld [tilespmem:s15+$0x90];
	v1 =	vmul.f32 v1, v0  }
0x22b: {  	v5 =	vld [tilespmem:s15+$0xF0];
	v2 =	vmul.f32 v2, v0  }
0x22c: {  	s20 =	sadd.s32 $0xFFFFFFFF, s16;
	v6 =	vld [tilespmem:s15+$0xB0];
	v4 =	vmul.f32 v4, v0;
	[tilespmem:s15+$0x80] =	vst v1  }
0x22d: {  	v8 =	vld [tilespmem:s15+$0xE0];
	v1 =	vmul.f32 v3, v0;
	v3 =	vmov s20;
	[tilespmem:s15+$0xA0] =	vst v2  }
0x22e: {  	[tilespmem:s15+$0xC0] =	vst v4;
	v2 =	vand.u32 $0xFFFFFFFE, v3  }
0x22f: {  	v4 =	vmul.f32 v7, v0;
	[tilespmem:s15+$0xD0] =	vst v1;
	v1 =	vbroadcast v2, $0x0  }
0x230: {  	v3 =	vmul.f32 v5, v0  }
0x231: {  	v2 =	vmul.f32 v6, v0;
	[tilespmem:s15+$0x90] =	vst v4  }
0x232: {  	v0 =	vmul.f32 v8, v0;
	[tilespmem:s15+$0xF0] =	vst v3  }
0x233: {  	[tilespmem:s15+$0xB0] =	vst v2  }
0x234: {  	v2 =	vld [tilespmem:s15+$0x100];
	[tilespmem:s15+$0xE0] =	vst v0  }
0x235: {  	v0 =	vld.idx.msk [tilespmem:v1+s21+$0x0], $0xffff  }
0x236: {  	v1 =	vld [tilespmem:s15+$0x120]  }
0x237: {  	v3 =	vld [tilespmem:s15+$0x130]  }
0x238: {  	v4 =	vld [tilespmem:s15+$0x140]  }
0x239: {  	v5 =	vld [tilespmem:s15+$0x160]  }
0x23a: {  	v6 =	vld [tilespmem:s15+$0x110];
	v2 =	vmul.f32 v2, v0  }
0x23b: {  	v7 =	vld [tilespmem:s15+$0x150];
	v1 =	vmul.f32 v1, v0  }
0x23c: {  	v8 =	vld [tilespmem:s15+$0x170];
	v3 =	vmul.f32 v3, v0;
	[tilespmem:s15+$0x100] =	vst v2  }
0x23d: {  	v2 =	vmul.f32 v4, v0;
	[tilespmem:s15+$0x120] =	vst v1  }
0x23e: {  	v1 =	vmul.f32 v5, v0;
	[tilespmem:s15+$0x130] =	vst v3  }
0x23f: {  	v3 =	vmul.f32 v6, v0;
	[tilespmem:s15+$0x140] =	vst v2;
	v2 =	vmov s16  }
0x240: {  	v4 =	vmul.f32 v7, v0;
	[tilespmem:s15+$0x160] =	vst v1  }
0x241: {  	v0 =	vmul.f32 v8, v0;
	[tilespmem:s15+$0x110] =	vst v3  }
0x242: {  	[tilespmem:s15+$0x150] =	vst v4  }
0x243: {  	v1 =	vld [tilespmem:s15+$0x180];
	[tilespmem:s15+$0x170] =	vst v0  }
0x244: {  	v0 =	vld.idx.msk [tilespmem:v2+s21+$0x0], $0xffff  }
0x245: {  	v2 =	vld [tilespmem:s15+$0x190]  }
0x246: {  	v3 =	vld [tilespmem:s15+$0x1A0]  }
0x247: {  	v4 =	vld [tilespmem:s15+$0x1F0]  }
0x248: {  	v5 =	vld [tilespmem:s15+$0x1D0]  }
0x249: {  	v6 =	vld [tilespmem:s15+$0x1B0];
	v1 =	vmul.f32 v1, v0  }
0x24a: {  	v7 =	vld [tilespmem:s15+$0x1E0];
	v2 =	vmul.f32 v2, v0  }
0x24b: {  	v8 =	vld [tilespmem:s15+$0x1C0];
	v3 =	vmul.f32 v3, v0;
	[tilespmem:s15+$0x180] =	vst v1  }
0x24c: {  	[tilespmem:s15+$0x190] =	vst v2;
	v1 =	vmul.f32 v4, v0  }
0x24d: {  	v2 =	vmul.f32 v5, v0;
	[tilespmem:s15+$0x1A0] =	vst v3  }
0x24e: {  	v3 =	vmul.f32 v6, v0;
	[tilespmem:s15+$0x1F0] =	vst v1  }
0x24f: {  	v1 =	vmul.f32 v7, v0;
	[tilespmem:s15+$0x1D0] =	vst v2  }
0x250: {  	v0 =	vmul.f32 v8, v0;
	[tilespmem:s15+$0x1B0] =	vst v3  }
0x251: {  	[tilespmem:s15+$0x1E0] =	vst v1  }
0x252: {  	[tilespmem:s15+$0x1C0] =	vst v0  }
0x253: {  	[spmem:s3] =	stream.indirect.scatter.add.f32 [tilespmem:s31], [sflag:$0x8], $0x80, s2, s25, $0xb8;
	[tilespmem:$0x1F300] =	vst v63  }
0x254: {  	_ =	swait.ge [sflag:s12], $0x3000  }
0x255: {  	[sflag:s12] =	ssyncset.done $0x0  }
0x256: {  	[sflag:s12] =	ssyncadd.s32 $0xFFFFD000  }
0x257: {  	_ =	swait.ge [sflag:s13], $0x80  }
0x258: {  	[sflag:s13] =	ssyncset.done $0x0  }
0x259: {  	[sflag:s13] =	ssyncadd.s32 $0xFFFFFF80  }
0x25a: {  	_ =	swait.ge [sflag:s13], $0x80  }
0x25b: {  	p0 =	seq.s32 s18, $0x22;
	[sflag:s13] =	ssyncset.done $0x0  }
0x25c: {  	s8 =	sadd.s32 @!p0 $0x3, s19;
	[sflag:s13] =	ssyncadd.s32 $0xFFFFFF80  }
0x25d: {  	s15 =	smul.u32 @!p0 $0x180, s8;
	_ =	swait.ge [sflag:s14], $0x3000  }
0x25e: {  	s17 =	simm.s32 @!p0 $0x2780;
	s16 =	simm.s32 @!p0 $0x60;
	[sflag:s14] =	ssyncset.done $0x0  }
0x25f: {  	s8 =	sshll.u32 @!p0 s8, $0x7;
	s15 =	sshra.s32 @!p0 s15, $0x2;
	[sflag:s14] =	ssyncadd.s32 $0xFFFFD000  }
0x260: {  	[tilespmem:s17], [sflag:$0x1] =	stream.indirect.gather @!p0 [hbm4b:s1+s16], $0x80, s15, s16, $0xb8;
	[tilespmem:$0x1F300] =	vst v63  }
0x261: {  	s23 =	simm.s32 $0x0;
	s15 =	sand.u32 @!p0 $0xFC00, s8  }
0x262: {  	v0 =	vmov s23;
	s8 =	sand.u32 @!p0 $0x380, s8;
	s15 =	sadd.s32 @!p0 s11, s15  }
0x263: {  	v0 =	vand.u32 $0xFFFFFFF8, v0;
	s8 =	sor.u32 @!p0 s8, s15  }
0x264: {  	v0 =	vbroadcast v0, $0x0;
	s8 =	sshrl.u32 @!p0 s8, $0x3  }
0x265: {  	s16 =	simm.s32 @!p0 $0x0;
	s17 =	simm.s32 @!p0 $0xB780;
	s15 =	sadd.s32 @!p0 s6, s8  }
0x266: {  	[tilespmem:s17], [sflag:$0x4] =	stream.linear.gather @!p0 [hbm4b:s15+s16], $0x80, $0x38;
	[tilespmem:$0x1F300] =	vst v63  }
0x267: {  	s19 =	simm.s32 $0x8980;
	s8 =	sadd.s32 @!p0 s5, s8;
	s15 =	simm.s32 @!p0 $0xB900  }
0x268: {  	[tilespmem:s15], [sflag:$0x4] =	stream.linear.gather @!p0 [hbm4b:s8+s16], $0x80, $0x38;
	[tilespmem:$0x1F300] =	vst v63  }
0x269: {  	v2 =	vld [tilespmem:s19+$0xFFFFFE70]  }
0x26a: {  	v0 =	vld.idx.msk [tilespmem:v0+s10+$0x0], $0xffff  }
0x26b: {  	v3 =	vld [tilespmem:s19+$0xFFFFFE00]  }
0x26c: {  	v4 =	vld [tilespmem:s19+$0xFFFFFE20]  }
0x26d: {  	v5 =	vld [tilespmem:s19+$0xFFFFFE30]  }
0x26e: {  	v1 =	vld [tilespmem:s19+$0xFFFFFE50]  }
0x26f: {  	v7 =	vld [tilespmem:s19+$0xFFFFFE10];
	v2 =	vmul.f32 v2, v0  }
0x270: {  	s16 =	simm.s32 $0x1;
	v6 =	vld [tilespmem:s19+$0xFFFFFE60];
	v3 =	vmul.f32 v3, v0  }
0x271: {  	v8 =	vld [tilespmem:s19+$0xFFFFFE40];
	v4 =	vmul.f32 v4, v0;
	[tilespmem:s19+$0xFFFFFE70] =	vst v2;
	v2 =	vmov s16  }
0x272: {  	v5 =	vmul.f32 v5, v0;
	[tilespmem:s19+$0xFFFFFE00] =	vst v3;
	v2 =	vand.u32 $0xFFFFFFF9, v2  }
0x273: {  	v1 =	vmul.f32 v1, v0;
	[tilespmem:s19+$0xFFFFFE20] =	vst v4;
	v2 =	vbroadcast v2, $0x0  }
0x274: {  	v3 =	vmul.f32 v7, v0;
	[tilespmem:s19+$0xFFFFFE30] =	vst v5  }
0x275: {  	v4 =	vmul.f32 v6, v0;
	[tilespmem:s19+$0xFFFFFE50] =	vst v1  }
0x276: {  	v0 =	vmul.f32 v8, v0;
	[tilespmem:s19+$0xFFFFFE10] =	vst v3  }
0x277: {  	[tilespmem:s19+$0xFFFFFE60] =	vst v4  }
0x278: {  	[tilespmem:s19+$0xFFFFFE40] =	vst v0  }
0x279: {  	v0 =	vld.idx.msk [tilespmem:v2+s10+$0x0], $0xffff  }
0x27a: {  	v2 =	vld [tilespmem:s19+$0xFFFFFE90]  }
0x27b: {  	v3 =	vld [tilespmem:s19+$0xFFFFFEC0]  }
0x27c: {  	v4 =	vld [tilespmem:s19+$0xFFFFFE80]  }
0x27d: {  	v5 =	vld [tilespmem:s19+$0xFFFFFED0]  }
0x27e: {  	v1 =	vld [tilespmem:s19+$0xFFFFFEF0]  }
0x27f: {  	v6 =	vld [tilespmem:s19+$0xFFFFFEE0];
	v2 =	vmul.f32 v2, v0  }
0x280: {  	s17 =	simm.s32 $0x2;
	v7 =	vld [tilespmem:s19+$0xFFFFFEB0];
	v3 =	vmul.f32 v3, v0  }
0x281: {  	v8 =	vld [tilespmem:s19+$0xFFFFFEA0];
	v4 =	vmul.f32 v4, v0;
	[tilespmem:s19+$0xFFFFFE90] =	vst v2;
	v2 =	vmov s17  }
0x282: {  	v5 =	vmul.f32 v5, v0;
	[tilespmem:s19+$0xFFFFFEC0] =	vst v3;
	v2 =	vand.u32 $0xFFFFFFFA, v2  }
0x283: {  	v1 =	vmul.f32 v1, v0;
	[tilespmem:s19+$0xFFFFFE80] =	vst v4;
	v2 =	vbroadcast v2, $0x0  }
0x284: {  	v3 =	vmul.f32 v6, v0;
	[tilespmem:s19+$0xFFFFFED0] =	vst v5  }
0x285: {  	v4 =	vmul.f32 v7, v0;
	[tilespmem:s19+$0xFFFFFEF0] =	vst v1  }
0x286: {  	v0 =	vmul.f32 v8, v0;
	[tilespmem:s19+$0xFFFFFEE0] =	vst v3  }
0x287: {  	[tilespmem:s19+$0xFFFFFEB0] =	vst v4  }
0x288: {  	v1 =	vld [tilespmem:s19+$0xFFFFFF00];
	[tilespmem:s19+$0xFFFFFEA0] =	vst v0  }
0x289: {  	v0 =	vld.idx.msk [tilespmem:v2+s10+$0x0], $0xffff  }
0x28a: {  	v2 =	vld [tilespmem:s19+$0xFFFFFF60]  }
0x28b: {  	v3 =	vld [tilespmem:s19+$0xFFFFFF10]  }
0x28c: {  	v4 =	vld [tilespmem:s19+$0xFFFFFF50]  }
0x28d: {  	v5 =	vld [tilespmem:s19+$0xFFFFFF70]  }
0x28e: {  	v6 =	vld [tilespmem:s19+$0xFFFFFF20];
	v1 =	vmul.f32 v1, v0  }
0x28f: {  	s20 =	simm.s32 $0x3;
	v7 =	vld [tilespmem:s19+$0xFFFFFF30];
	v2 =	vmul.f32 v2, v0  }
0x290: {  	v8 =	vld [tilespmem:s19+$0xFFFFFF40];
	v3 =	vmul.f32 v3, v0;
	[tilespmem:s19+$0xFFFFFF00] =	vst v1;
	v1 =	vmov s20  }
0x291: {  	v4 =	vmul.f32 v4, v0;
	[tilespmem:s19+$0xFFFFFF60] =	vst v2;
	v1 =	vand.u32 $0xFFFFFFFB, v1  }
0x292: {  	v2 =	vmul.f32 v5, v0;
	[tilespmem:s19+$0xFFFFFF10] =	vst v3;
	v1 =	vbroadcast v1, $0x0  }
0x293: {  	v3 =	vmul.f32 v6, v0;
	[tilespmem:s19+$0xFFFFFF50] =	vst v4  }
0x294: {  	v4 =	vmul.f32 v7, v0;
	[tilespmem:s19+$0xFFFFFF70] =	vst v2  }
0x295: {  	v0 =	vmul.f32 v8, v0;
	[tilespmem:s19+$0xFFFFFF20] =	vst v3  }
0x296: {  	[tilespmem:s19+$0xFFFFFF30] =	vst v4  }
0x297: {  	[tilespmem:s19+$0xFFFFFF40] =	vst v0  }
0x298: {  	v0 =	vld.idx.msk [tilespmem:v1+s10+$0x0], $0xffff  }
0x299: {  	v1 =	vld [tilespmem:s19+$0xFFFFFFB0]  }
0x29a: {  	v3 =	vld [tilespmem:s19+$0xFFFFFFE0]  }
0x29b: {  	v4 =	vld [tilespmem:s19+$0xFFFFFF80]  }
0x29c: {  	v5 =	vld [tilespmem:s19+$0xFFFFFFD0]  }
0x29d: {  	v2 =	vld [tilespmem:s19+$0xFFFFFFF0]  }
0x29e: {  	v7 =	vld [tilespmem:s19+$0xFFFFFFA0];
	v1 =	vmul.f32 v1, v0  }
0x29f: {  	s23 =	simm.s32 $0x4;
	v6 =	vld [tilespmem:s19+$0xFFFFFF90];
	v3 =	vmul.f32 v3, v0  }
0x2a0: {  	v8 =	vld [tilespmem:s19+$0xFFFFFFC0];
	v4 =	vmul.f32 v4, v0;
	[tilespmem:s19+$0xFFFFFFB0] =	vst v1;
	v1 =	vmov s23  }
0x2a1: {  	v5 =	vmul.f32 v5, v0;
	[tilespmem:s19+$0xFFFFFFE0] =	vst v3;
	v1 =	vand.u32 $0xFFFFFFFC, v1  }
0x2a2: {  	v2 =	vmul.f32 v2, v0;
	[tilespmem:s19+$0xFFFFFF80] =	vst v4;
	v1 =	vbroadcast v1, $0x0  }
0x2a3: {  	v9 =	vld [tilespmem:s19+$0x40];
	v3 =	vmul.f32 v7, v0;
	[tilespmem:s19+$0xFFFFFFD0] =	vst v5  }
0x2a4: {  	v4 =	vmul.f32 v6, v0;
	[tilespmem:s19+$0xFFFFFFF0] =	vst v2;
	v7 =	vld [tilespmem:s19+$0x0]  }
0x2a5: {  	v2 =	vmul.f32 v8, v0;
	v0 =	vld [tilespmem:s19+$0x70];
	[tilespmem:s19+$0xFFFFFFA0] =	vst v3  }
0x2a6: {  	v6 =	vld [tilespmem:s19+$0x20];
	[tilespmem:s19+$0xFFFFFF90] =	vst v4  }
0x2a7: {  	v5 =	vld [tilespmem:s19+$0x30];
	[tilespmem:s19+$0xFFFFFFC0] =	vst v2  }
0x2a8: {  	v1 =	vld.idx.msk [tilespmem:v1+s10+$0x0], $0xffff  }
0x2a9: {  	v2 =	vld [tilespmem:s19+$0x50]  }
0x2aa: {  	v3 =	vld [tilespmem:s19+$0x10]  }
0x2ab: {  	v4 =	vld [tilespmem:s19+$0x60];
	_ =	sdelay $0x1  }
0x2ac: {  	s8 =	simm.s32 $0xF;
	s15 =	simm.s32 $0x8980;
	s16 =	simm.s32 $0x7;
	v8 =	vmul.f32 v7, v1;
	v7 =	vmul.f32 v9, v1  }
.LBB2_7:
0x2ad: {  	p0 =	sne.s32 s8, $0x5F;
	v6 =	vmul.f32 v6, v1;
	v5 =	vmul.f32 v5, v1;
	s17 =	sadd.s32 $0xFFFFFFFE, s16;
	s19 =	sadd.s32 $0x400, s19  }
0x2ae: {  	v2 =	vmul.f32 v2, v1;
	[tilespmem:s15+$0x0] =	vst v8;
	v3 =	vmul.f32 v3, v1;
	v8 =	vmov s17;
	s17 =	smov.u32 s8;
	s8 =	sadd.s32 $0x8, s8  }
0x2af: {  	v0 =	vmul.f32 v0, v1;
	[tilespmem:s15+$0x40] =	vst v7;
	v4 =	vmul.f32 v4, v1;
	v1 =	vand.u32 $0xFFFFFFFD, v8  }
0x2b0: {  	[tilespmem:s15+$0x20] =	vst v6;
	v1 =	vbroadcast v1, $0x0  }
0x2b1: {  	[tilespmem:s15+$0x50] =	vst v2  }
0x2b2: {  	[tilespmem:s15+$0x70] =	vst v0;
	v0 =	vld [tilespmem:s15+$0xA0]  }
0x2b3: {  	[tilespmem:s15+$0x30] =	vst v5;
	v2 =	vld [tilespmem:s15+$0x80]  }
0x2b4: {  	[tilespmem:s15+$0x60] =	vst v4;
	v4 =	vld [tilespmem:s15+$0xD0]  }
0x2b5: {  	[tilespmem:s15+$0x10] =	vst v3;
	v3 =	vld [tilespmem:s15+$0xF0]  }
0x2b6: {  	v1 =	vld.idx.msk [tilespmem:v1+s10+$0x0], $0xffff  }
0x2b7: {  	v5 =	vld [tilespmem:s15+$0xC0]  }
0x2b8: {  	v6 =	vld [tilespmem:s15+$0xB0]  }
0x2b9: {  	v7 =	vld [tilespmem:s15+$0x90]  }
0x2ba: {  	v8 =	vld [tilespmem:s15+$0xE0];
	_ =	sdelay $0x1  }
0x2bb: {  	v2 =	vmul.f32 v2, v1;
	v5 =	vmul.f32 v5, v1  }
0x2bc: {  	s20 =	sadd.s32 $0xFFFFFFFF, s16;
	v0 =	vmul.f32 v0, v1;
	v6 =	vmul.f32 v6, v1  }
0x2bd: {  	v4 =	vmul.f32 v4, v1;
	[tilespmem:s15+$0x80] =	vst v2;
	v2 =	vmul.f32 v7, v1;
	v7 =	vmov s20  }
0x2be: {  	[tilespmem:s15+$0xA0] =	vst v0;
	v0 =	vmul.f32 v8, v1;
	v1 =	vmul.f32 v3, v1;
	v3 =	vand.u32 $0xFFFFFFFE, v7  }
0x2bf: {  	[tilespmem:s15+$0xD0] =	vst v4;
	v3 =	vbroadcast v3, $0x0  }
0x2c0: {  	[tilespmem:s15+$0xC0] =	vst v5  }
0x2c1: {  	[tilespmem:s15+$0xF0] =	vst v1;
	v1 =	vld [tilespmem:s15+$0x120]  }
0x2c2: {  	[tilespmem:s15+$0xB0] =	vst v6;
	v4 =	vld [tilespmem:s15+$0x100]  }
0x2c3: {  	[tilespmem:s15+$0x90] =	vst v2;
	v2 =	vld [tilespmem:s15+$0x140]  }
0x2c4: {  	[tilespmem:s15+$0xE0] =	vst v0;
	v0 =	vld [tilespmem:s15+$0x130]  }
0x2c5: {  	v3 =	vld.idx.msk [tilespmem:v3+s10+$0x0], $0xffff  }
0x2c6: {  	v5 =	vld [tilespmem:s15+$0x110]  }
0x2c7: {  	v6 =	vld [tilespmem:s15+$0x160]  }
0x2c8: {  	v7 =	vld [tilespmem:s15+$0x150]  }
0x2c9: {  	v8 =	vld [tilespmem:s15+$0x170];
	_ =	sdelay $0x1  }
0x2ca: {  	v4 =	vmul.f32 v4, v3;
	v5 =	vmul.f32 v5, v3  }
0x2cb: {  	v1 =	vmul.f32 v1, v3;
	v0 =	vmul.f32 v0, v3  }
0x2cc: {  	v2 =	vmul.f32 v2, v3;
	[tilespmem:s15+$0x100] =	vst v4;
	v4 =	vmul.f32 v7, v3  }
0x2cd: {  	[tilespmem:s15+$0x120] =	vst v1;
	v1 =	vmul.f32 v6, v3;
	v3 =	vmul.f32 v8, v3  }
0x2ce: {  	[tilespmem:s15+$0x130] =	vst v0  }
0x2cf: {  	v0 =	vmov s16;
	s16 =	smov.u32 s17;
	[tilespmem:s15+$0x140] =	vst v2  }
0x2d0: {  	[tilespmem:s15+$0x160] =	vst v1;
	v1 =	vld [tilespmem:s15+$0x180]  }
0x2d1: {  	[tilespmem:s15+$0x110] =	vst v5;
	v2 =	vld [tilespmem:s15+$0x1A0]  }
0x2d2: {  	[tilespmem:s15+$0x150] =	vst v4;
	v4 =	vld [tilespmem:s15+$0x1F0]  }
0x2d3: {  	[tilespmem:s15+$0x170] =	vst v3;
	v3 =	vld [tilespmem:s15+$0x1D0]  }
0x2d4: {  	v0 =	vld.idx.msk [tilespmem:v0+s10+$0x0], $0xffff  }
0x2d5: {  	v5 =	vld [tilespmem:s15+$0x190]  }
0x2d6: {  	v6 =	vld [tilespmem:s15+$0x1B0]  }
0x2d7: {  	v7 =	vld [tilespmem:s15+$0x1C0]  }
0x2d8: {  	v8 =	vld [tilespmem:s15+$0x1E0];
	_ =	sdelay $0x1  }
0x2d9: {  	v1 =	vmul.f32 v1, v0;
	v5 =	vmul.f32 v5, v0  }
0x2da: {  	s17 =	sadd.s32 $0xFFFFFFF9, s16;
	v2 =	vmul.f32 v2, v0;
	v6 =	vmul.f32 v6, v0  }
0x2db: {  	v9 =	vmov s17;
	v3 =	vmul.f32 v3, v0;
	[tilespmem:s15+$0x180] =	vst v1;
	v1 =	vmul.f32 v7, v0  }
0x2dc: {  	v7 =	vand.u32 $0xFFFFFFF8, v9;
	[tilespmem:s15+$0x190] =	vst v5;
	v5 =	vmul.f32 v8, v0;
	v0 =	vmul.f32 v4, v0  }
0x2dd: {  	v4 =	vbroadcast v7, $0x0;
	[tilespmem:s15+$0x1A0] =	vst v2  }
0x2de: {  	[tilespmem:s15+$0x1F0] =	vst v0  }
0x2df: {  	v0 =	vld [tilespmem:s19+$0xFFFFFE50];
	[tilespmem:s15+$0x1D0] =	vst v3  }
0x2e0: {  	v2 =	vld [tilespmem:s19+$0xFFFFFE30];
	[tilespmem:s15+$0x1B0] =	vst v6  }
0x2e1: {  	v3 =	vld [tilespmem:s19+$0xFFFFFE60];
	[tilespmem:s15+$0x1E0] =	vst v5  }
0x2e2: {  	v5 =	vld [tilespmem:s19+$0xFFFFFE70];
	[tilespmem:s15+$0x1C0] =	vst v1;
	s15 =	smov.u32 s19  }
0x2e3: {  	v1 =	vld.idx.msk [tilespmem:v4+s10+$0x0], $0xffff  }
0x2e4: {  	v4 =	vld [tilespmem:s19+$0xFFFFFE00]  }
0x2e5: {  	v6 =	vld [tilespmem:s19+$0xFFFFFE20]  }
0x2e6: {  	v7 =	vld [tilespmem:s19+$0xFFFFFE10]  }
0x2e7: {  	v8 =	vld [tilespmem:s19+$0xFFFFFE40];
	_ =	sdelay $0x1  }
0x2e8: {  	v5 =	vmul.f32 v5, v1;
	v4 =	vmul.f32 v4, v1  }
0x2e9: {  	s17 =	sadd.s32 $0xFFFFFFFA, s16;
	v3 =	vmul.f32 v3, v1;
	v6 =	vmul.f32 v6, v1  }
0x2ea: {  	v2 =	vmul.f32 v2, v1;
	v7 =	vmul.f32 v7, v1;
	[tilespmem:s19+$0xFFFFFE70] =	vst v5;
	v5 =	vmov s17  }
0x2eb: {  	v0 =	vmul.f32 v0, v1;
	[tilespmem:s19+$0xFFFFFE00] =	vst v4;
	v4 =	vmul.f32 v8, v1;
	v1 =	vand.u32 $0xFFFFFFF9, v5  }
0x2ec: {  	[tilespmem:s19+$0xFFFFFE20] =	vst v6;
	v1 =	vbroadcast v1, $0x0  }
0x2ed: {  	[tilespmem:s19+$0xFFFFFE30] =	vst v2  }
0x2ee: {  	[tilespmem:s19+$0xFFFFFE50] =	vst v0;
	v0 =	vld [tilespmem:s19+$0xFFFFFEF0]  }
0x2ef: {  	[tilespmem:s19+$0xFFFFFE10] =	vst v7;
	v2 =	vld [tilespmem:s19+$0xFFFFFED0]  }
0x2f0: {  	[tilespmem:s19+$0xFFFFFE60] =	vst v3;
	v3 =	vld [tilespmem:s19+$0xFFFFFEB0]  }
0x2f1: {  	[tilespmem:s19+$0xFFFFFE40] =	vst v4;
	v4 =	vld [tilespmem:s19+$0xFFFFFEC0]  }
0x2f2: {  	v1 =	vld.idx.msk [tilespmem:v1+s10+$0x0], $0xffff  }
0x2f3: {  	v5 =	vld [tilespmem:s19+$0xFFFFFE90]  }
0x2f4: {  	v6 =	vld [tilespmem:s19+$0xFFFFFE80]  }
0x2f5: {  	v7 =	vld [tilespmem:s19+$0xFFFFFEA0]  }
0x2f6: {  	v8 =	vld [tilespmem:s19+$0xFFFFFEE0];
	_ =	sdelay $0x1  }
0x2f7: {  	v4 =	vmul.f32 v4, v1;
	v5 =	vmul.f32 v5, v1  }
0x2f8: {  	s17 =	sadd.s32 $0xFFFFFFFB, s16;
	v3 =	vmul.f32 v3, v1;
	v6 =	vmul.f32 v6, v1  }
0x2f9: {  	v2 =	vmul.f32 v2, v1;
	[tilespmem:s19+$0xFFFFFE90] =	vst v5;
	v5 =	vmul.f32 v7, v1;
	v7 =	vmov s17  }
0x2fa: {  	v0 =	vmul.f32 v0, v1;
	[tilespmem:s19+$0xFFFFFEC0] =	vst v4;
	v4 =	vmul.f32 v8, v1;
	v1 =	vand.u32 $0xFFFFFFFA, v7  }
0x2fb: {  	[tilespmem:s19+$0xFFFFFE80] =	vst v6;
	v1 =	vbroadcast v1, $0x0  }
0x2fc: {  	[tilespmem:s19+$0xFFFFFED0] =	vst v2  }
0x2fd: {  	[tilespmem:s19+$0xFFFFFEE0] =	vst v4;
	v2 =	vld [tilespmem:s19+$0xFFFFFF70]  }
0x2fe: {  	[tilespmem:s19+$0xFFFFFEB0] =	vst v3;
	v3 =	vld [tilespmem:s19+$0xFFFFFF50]  }
0x2ff: {  	[tilespmem:s19+$0xFFFFFEF0] =	vst v0;
	v0 =	vld [tilespmem:s19+$0xFFFFFF20]  }
0x300: {  	[tilespmem:s19+$0xFFFFFEA0] =	vst v5;
	v4 =	vld [tilespmem:s19+$0xFFFFFF60]  }
0x301: {  	v1 =	vld.idx.msk [tilespmem:v1+s10+$0x0], $0xffff  }
0x302: {  	v5 =	vld [tilespmem:s19+$0xFFFFFF00]  }
0x303: {  	v6 =	vld [tilespmem:s19+$0xFFFFFF10]  }
0x304: {  	v7 =	vld [tilespmem:s19+$0xFFFFFF40]  }
0x305: {  	v8 =	vld [tilespmem:s19+$0xFFFFFF30];
	_ =	sdelay $0x1  }
0x306: {  	v4 =	vmul.f32 v4, v1;
	v5 =	vmul.f32 v5, v1  }
0x307: {  	s17 =	sadd.s32 $0xFFFFFFFC, s16;
	v0 =	vmul.f32 v0, v1;
	v6 =	vmul.f32 v6, v1  }
0x308: {  	v3 =	vmul.f32 v3, v1;
	[tilespmem:s19+$0xFFFFFF00] =	vst v5;
	v5 =	vmul.f32 v7, v1;
	v7 =	vmov s17  }
0x309: {  	v8 =	vmul.f32 v8, v1;
	[tilespmem:s19+$0xFFFFFF60] =	vst v4;
	v1 =	vmul.f32 v2, v1;
	v2 =	vand.u32 $0xFFFFFFFB, v7  }
0x30a: {  	[tilespmem:s19+$0xFFFFFF10] =	vst v6;
	v2 =	vbroadcast v2, $0x0  }
0x30b: {  	[tilespmem:s19+$0xFFFFFF50] =	vst v3  }
0x30c: {  	[tilespmem:s19+$0xFFFFFF70] =	vst v1;
	v1 =	vld [tilespmem:s19+$0xFFFFFFF0]  }
0x30d: {  	[tilespmem:s19+$0xFFFFFF20] =	vst v0;
	v0 =	vld [tilespmem:s19+$0xFFFFFFD0]  }
0x30e: {  	[tilespmem:s19+$0xFFFFFF30] =	vst v8;
	v3 =	vld [tilespmem:s19+$0xFFFFFF90]  }
0x30f: {  	[tilespmem:s19+$0xFFFFFF40] =	vst v5;
	v4 =	vld [tilespmem:s19+$0xFFFFFFE0]  }
0x310: {  	v2 =	vld.idx.msk [tilespmem:v2+s10+$0x0], $0xffff  }
0x311: {  	v5 =	vld [tilespmem:s19+$0xFFFFFFB0]  }
0x312: {  	v6 =	vld [tilespmem:s19+$0xFFFFFF80]  }
0x313: {  	v7 =	vld [tilespmem:s19+$0xFFFFFFC0]  }
0x314: {  	v8 =	vld [tilespmem:s19+$0xFFFFFFA0];
	_ =	sdelay $0x1  }
0x315: {  	v4 =	vmul.f32 v4, v2;
	v5 =	vmul.f32 v5, v2  }
0x316: {  	s17 =	sadd.s32 $0xFFFFFFFD, s16;
	v3 =	vmul.f32 v3, v2;
	v6 =	vmul.f32 v6, v2  }
0x317: {  	v0 =	vmul.f32 v0, v2;
	[tilespmem:s19+$0xFFFFFFB0] =	vst v5;
	v5 =	vmul.f32 v7, v2;
	v7 =	vmov s17  }
0x318: {  	v1 =	vmul.f32 v1, v2;
	v8 =	vmul.f32 v8, v2;
	[tilespmem:s19+$0xFFFFFFE0] =	vst v4;
	v2 =	vand.u32 $0xFFFFFFFC, v7  }
0x319: {  	[tilespmem:s19+$0xFFFFFF80] =	vst v6;
	v4 =	vbroadcast v2, $0x0  }
0x31a: {  	[tilespmem:s19+$0xFFFFFFD0] =	vst v0  }
0x31b: {  	[tilespmem:s19+$0xFFFFFFF0] =	vst v1;
	v7 =	vld [tilespmem:s19+$0x0]  }
0x31c: {  	[tilespmem:s19+$0xFFFFFFA0] =	vst v8;
	v0 =	vld [tilespmem:s19+$0x70]  }
0x31d: {  	[tilespmem:s19+$0xFFFFFF90] =	vst v3;
	v2 =	vld [tilespmem:s19+$0x50]  }
0x31e: {  	[tilespmem:s19+$0xFFFFFFC0] =	vst v5;
	v6 =	vld [tilespmem:s19+$0x20]  }
0x31f: {  	v1 =	vld.idx.msk [tilespmem:v4+s10+$0x0], $0xffff  }
0x320: {  	v9 =	vld [tilespmem:s19+$0x40]  }
.Ltmp2:
0x321: {  	v5 =	vld [tilespmem:s19+$0x30];
	(pc) =	sbr.rel @p0 .LBB2_7-.Ltmp2, $3  }
0x322: {  	v3 =	vld [tilespmem:s19+$0x10]  }
0x323: {  	v4 =	vld [tilespmem:s19+$0x60];
	_ =	sdelay $0x1  }
0x324: {  	v8 =	vmul.f32 v7, v1;
	v7 =	vmul.f32 v9, v1  }
0x325: {  	s8 =	sadd.s32 $0xFFFFFFFE, s16  }
0x326: {  	v6 =	vmul.f32 v6, v1;
	[tilespmem:s15+$0x0] =	vst v8;
	v19 =	vmov s8  }
0x327: {  	v2 =	vmul.f32 v2, v1;
	[tilespmem:s15+$0x40] =	vst v7;
	v20 =	vand.u32 $0xFFFFFFFD, v19  }
0x328: {  	v0 =	vmul.f32 v0, v1;
	[tilespmem:s15+$0x20] =	vst v6;
	v21 =	vbroadcast v20, $0x0  }
0x329: {  	v5 =	vmul.f32 v5, v1;
	[tilespmem:s15+$0x50] =	vst v2  }
0x32a: {  	v23 =	vmul.f32 v3, v1;
	[tilespmem:s15+$0x70] =	vst v0  }
0x32b: {  	v22 =	vmul.f32 v4, v1;
	[tilespmem:s15+$0x30] =	vst v5  }
0x32c: {  	[tilespmem:s15+$0x10] =	vst v23  }
0x32d: {  	v24 =	vld [tilespmem:s15+$0x80];
	[tilespmem:s15+$0x60] =	vst v22  }
0x32e: {  	v0 =	vld.idx.msk [tilespmem:v21+s10+$0x0], $0xffff  }
0x32f: {  	v25 =	vld [tilespmem:s15+$0xA0]  }
0x330: {  	v26 =	vld [tilespmem:s15+$0xD0]  }
0x331: {  	v27 =	vld [tilespmem:s15+$0xC0]  }
0x332: {  	v28 =	vld [tilespmem:s15+$0xF0]  }
0x333: {  	v29 =	vld [tilespmem:s15+$0xB0];
	v1 =	vmul.f32 v24, v0  }
0x334: {  	v30 =	vld [tilespmem:s15+$0x90];
	s23 =	sadd.s32 $0xFFFFFFFF, s16;
	v2 =	vmul.f32 v25, v0  }
0x335: {  	v31 =	vld [tilespmem:s15+$0xE0];
	v33 =	vmov s23;
	v32 =	vmul.f32 v26, v0;
	[tilespmem:s15+$0x80] =	vst v1  }
0x336: {  	v34 =	vand.u32 $0xFFFFFFFE, v33;
	v4 =	vmul.f32 v27, v0;
	[tilespmem:s15+$0xA0] =	vst v2  }
0x337: {  	v36 =	vbroadcast v34, $0x0;
	v35 =	vmul.f32 v28, v0;
	[tilespmem:s15+$0xD0] =	vst v32  }
0x338: {  	v37 =	vmul.f32 v29, v0;
	[tilespmem:s15+$0xC0] =	vst v4  }
0x339: {  	v38 =	vmul.f32 v30, v0;
	[tilespmem:s15+$0xF0] =	vst v35  }
0x33a: {  	v0 =	vmul.f32 v31, v0;
	[tilespmem:s15+$0xB0] =	vst v37  }
0x33b: {  	[tilespmem:s15+$0x90] =	vst v38  }
0x33c: {  	v39 =	vld [tilespmem:s15+$0x100];
	[tilespmem:s15+$0xE0] =	vst v0  }
0x33d: {  	v0 =	vld.idx.msk [tilespmem:v36+s10+$0x0], $0xffff  }
0x33e: {  	v40 =	vld [tilespmem:s15+$0x120]  }
0x33f: {  	v41 =	vld [tilespmem:s15+$0x130]  }
0x340: {  	v42 =	vld [tilespmem:s15+$0x140]  }
0x341: {  	v43 =	vld [tilespmem:s15+$0x160]  }
0x342: {  	v44 =	vld [tilespmem:s15+$0x110];
	v2 =	vmul.f32 v39, v0  }
0x343: {  	v45 =	vld [tilespmem:s15+$0x150];
	v1 =	vmul.f32 v40, v0  }
0x344: {  	v46 =	vld [tilespmem:s15+$0x170];
	v3 =	vmul.f32 v41, v0;
	[tilespmem:s15+$0x100] =	vst v2  }
0x345: {  	v47 =	vmul.f32 v42, v0;
	[tilespmem:s15+$0x120] =	vst v1  }
0x346: {  	v48 =	vmul.f32 v43, v0;
	[tilespmem:s15+$0x130] =	vst v3  }
0x347: {  	v50 =	vmov s16;
	v49 =	vmul.f32 v44, v0;
	[tilespmem:s15+$0x140] =	vst v47  }
0x348: {  	v51 =	vmul.f32 v45, v0;
	[tilespmem:s15+$0x160] =	vst v48  }
0x349: {  	v0 =	vmul.f32 v46, v0;
	[tilespmem:s15+$0x110] =	vst v49  }
0x34a: {  	[tilespmem:s15+$0x150] =	vst v51  }
0x34b: {  	v52 =	vld [tilespmem:s15+$0x180];
	[tilespmem:s15+$0x170] =	vst v0  }
0x34c: {  	v0 =	vld.idx.msk [tilespmem:v50+s10+$0x0], $0xffff  }
0x34d: {  	v54 =	vld [tilespmem:s15+$0x190]  }
0x34e: {  	v53 =	vld [tilespmem:s15+$0x1A0]  }
0x34f: {  	v55 =	vld [tilespmem:s15+$0x1F0]  }
0x350: {  	v56 =	vld [tilespmem:s15+$0x1D0]  }
0x351: {  	v57 =	vld [tilespmem:s15+$0x1B0];
	v1 =	vmul.f32 v52, v0  }
0x352: {  	v58 =	vld [tilespmem:s15+$0x1E0];
	v2 =	vmul.f32 v54, v0  }
0x353: {  	v59 =	vld [tilespmem:s15+$0x1C0];
	v3 =	vmul.f32 v53, v0;
	[tilespmem:s15+$0x180] =	vst v1  }
0x354: {  	v60 =	vmul.f32 v55, v0;
	[tilespmem:s15+$0x190] =	vst v2  }
0x355: {  	s18 =	sadd.s32 $0x1, s18;
	v61 =	vmul.f32 v56, v0;
	[tilespmem:s15+$0x1A0] =	vst v3  }
0x356: {  	p0 =	sne.s32 s18, $0x23;
	v62 =	vmul.f32 v57, v0;
	[tilespmem:s15+$0x1F0] =	vst v60  }
.Ltmp3:
0x357: {  	v63 =	vmul.f32 v58, v0;
	[tilespmem:s15+$0x1D0] =	vst v61;
	(pc) =	sbr.rel @p0 .LBB2_2-.Ltmp3, $4  }
0x358: {  	v0 =	vmul.f32 v59, v0;
	[tilespmem:s15+$0x1B0] =	vst v62  }
0x359: {  	[tilespmem:s15+$0x1E0] =	vst v63  }
0x35a: {  	[tilespmem:s15+$0x1C0] =	vst v0  }
0x35b: {  	[spmem:s3] =	stream.indirect.scatter.add.f32 [tilespmem:s7], [sflag:$0x9], $0x80, s9, s25, $0xb8;
	[tilespmem:$0x1F300] =	vst v63  }
0x35c: {  	s8 =	simm.s32 $0x8  }
0x35d: {  	_ =	swait.ge [sflag:s8], $0x3000  }
0x35e: {  	[sflag:s8] =	ssyncset.done $0x0  }
0x35f: {  	s18 =	simm.s32 $0x9;
	[sflag:s8] =	ssyncadd.s32 $0xFFFFD000  }
0x360: {  	_ =	swait.ge [sflag:s18], $0x3000  }
0x361: {  	[sflag:s18] =	ssyncset.done $0x0  }
0x362: {  	s19 =	stileid.u32;
	[sflag:s18] =	ssyncadd.s32 $0xFFFFD000  }
0x363: {  	s8 =	sshll.u32 s19, $0x6;
	[bflag:$0x0] =	sbarrier.arrive $0xFFFF  }
0x364: {  	s8 =	sor.u32 $0x1C0A, s8;
	s16 =	rddreg [dreg:$0x5]  }
0x365: {  	s18 =	simm.s32 $0xA;
	s17 =	rddreg [dreg:$0xf];
	s15 =	sshrl.u32 s16, $0x3  }
0x366: {  	[hbm:s17], [sflag:s8] =	dma.local [spmem:s15], $0x2710  }
0x367: {  	_ =	swait.ge [sflag:s18], $0x2710  }
0x368: {  	s20 =	rddreg [dreg:$0x11]  }
0x369: {  	s23 =	rddreg [dreg:$0x10];
	s15 =	sadd.s32 $0x1, s20  }
0x36a: {  	p0 =	sne.s32 s15, s23  }
.Ltmp4:
0x36b: {  	_ = 	snop;
	(pc) =	sbr.rel @p0 .LBB2_1-.Ltmp4, $3  }
0x36c: {  	_ =	sdelay $0x1  }
0x36d: {  	[sflag:s18] =	ssyncset.done $0x0  }
0x36e: {  	[sflag:s18] =	ssyncadd.s32 $0xFFFFD8F0  }
0x36f: {  	_ =	sfence.sel $0x180000  }
0x370: {  	[bflag:$0x0] =	sbarrier.arrive $0xFFFF  }
0x371: {  	_ =	strace $0x9000004A  }
0x372: {  	s0 =	stileid.u32;
	[bflag:$0x2] =	sbarrier.arrive $0xFFFF  }
0x373: {  	p0 =	sne.s32 s0, $0x0;
	s0 =	rddreg [dreg:$0x3]  }
0x374: {  	s0 =	sadd.s32 @!p0 $0x100000, s0  }
0x375: {  	[sflag:s0] =	ssyncadd.tile.s32 @!p0 $0x1;
	_ =	shalt  }
.Lfunc_end2:
_tile_overlayer_lowered:
.L_overlay_start_2:
0x376: {  	(tag) =	ssettag $0x2  }
0x377: {  	s0 =	rddreg [dreg:$0x0];
	s2 =	stileid.u32  }
0x378: {  	s1 =	rddreg [dreg:$0x1];
	p0 =	sne.s32 s2, $0x0  }
0x379: {  	s3 =	rddreg [dreg:$0x2];
	[bflag:$0x3] =	sbarrier.arrive $0xFFFF;
	s2 =	simm.s32 @!p0 $0x1C0A  }
0x37a: {  	[timem:s3], [sflag:s2] =	dma.local @!p0 [hbm:s0], s1  }
0x37b: {  	s0 =	simm.s32 @!p0 $0xA  }
0x37c: {  	_ =	swait.ge @!p0 [sflag:s0], s1  }
0x37d: {  	s1 =	ssub.s32 @!p0 $0x0, s1;
	[sflag:s0] =	ssyncset.done @!p0 $0x0  }
0x37e: {  	[sflag:s0] =	ssyncadd.s32 @!p0 s1  }
0x37f: {  	[bflag:$0x3] =	sbarrier.arrive $0xFFFF  }
0x380: {  	_ =	shalt  }

</sc_bundles>
